<compile_context>
chip_gen: v7x
topology: tpu7x:2x2x1
jax: 0.10.2.dev20260603
libtpu: 0.0.44.dev20260713+nightly
codegen_flags: <defaults>
</compile_context>

<pallas_src>
import functools

import jax
import jax.numpy as jnp
from jax import lax
from jax.experimental import pallas as pl
from jax.experimental.pallas import tpu as pltpu
from jax.experimental.pallas import tpu_sc as plsc

B, C, H, W = 4, 19, 512, 512
P = B * H * W
KK = 512
PK = 2 * KK
NKEY = 4
SLOTS = NKEY * PK
L = 16
HB = 64
HSIZE = SLOTS * L
NPAIR = 10

_NC = 2
_NS = 16
NW = _NC * _NS

NG = 2
PG = P // NG
BHG = (B * H) // NG
CROWS = 16
CHUNK = CROWS * W
CPC = PG // CHUNK
NCHUNK = NPAIR * CPC
CPW = NCHUNK // NW
E = CPW * CHUNK
NBUF = 4


def _key2(c):
    return ((c // 2) & 1) * 2 + (c & 1)


_CONTRIB = [[] for _ in range(C)]
for _w in range(NW):
    _p0 = (_w * CPW) // CPC
    _p1 = ((_w + 1) * CPW - 1) // CPC
    for _p in range(_p0, _p1 + 1):
        for _c in (2 * _p, 2 * _p + 1):
            if _c < C:
                _CONTRIB[_c].append((_w, _key2(_c)))


def _bin_body(out_ref, gt_ref, bins_ref):
    x = out_ref[...][0]
    e = jnp.exp(x)
    s = jnp.sum(e, axis=0)
    krinv = KK / s
    gt = gt_ref[...][0]
    lane = lax.broadcasted_iota(jnp.int32, (HB, W), 1) & (L - 1)
    addrs = []
    for c in range(C):
        q = e[c] * krinv
        fg = gt == c
        t = jnp.where(fg, float(PK) - q, q)
        b = t.astype(jnp.int32) + _key2(c) * PK
        addrs.append((b << 4) | lane)
    words = []
    for p in range(NPAIR):
        hi = addrs[2 * p + 1] if 2 * p + 1 < C else addrs[2 * p]
        words.append(addrs[2 * p] | (hi << 16))
    bins_ref[...] = jnp.stack(words)


def _binning(out, gt, g):
    grid = (B // NG, H // HB)
    return pl.pallas_call(
        _bin_body,
        grid=grid,
        in_specs=[
            pl.BlockSpec((1, C, HB, W), lambda b, h: (g * (B // NG) + b, 0, h, 0)),
            pl.BlockSpec((1, HB, W), lambda b, h: (g * (B // NG) + b, h, 0)),
        ],
        out_specs=pl.BlockSpec((NPAIR, HB, W), lambda b, h: (0, b * (H // HB) + h, 0)),
        out_shape=jax.ShapeDtypeStruct((NPAIR, BHG, W), jnp.int32),
    )(out, gt)


def _sc_hist_body(bins_hbm, hist_hbm, bufs, hist_v, work_v, fold_v,
                  sem0, sem1, sem2, sem3):
    wid = lax.axis_index("s") * _NC + lax.axis_index("c")
    zeros = jnp.zeros((L,), jnp.float32)
    ones = jnp.ones((L,), jnp.float32)
    sems = (sem0, sem1, sem2, sem3)

    def _start(i, b):
        gc = wid * CPW + i
        cid = lax.div(gc, CPC)
        row = lax.rem(gc, CPC) * CROWS
        pltpu.make_async_copy(
            bins_hbm.at[cid, pl.ds(row, CROWS), :], bufs.at[b], sems[b]).start()

    def _wait(b):
        pltpu.make_async_copy(
            bins_hbm.at[0, pl.ds(0, CROWS), :], bufs.at[b], sems[b]).wait()

    def _consume(b):
        @pl.loop(0, CROWS)
        def _row(r):
            @plsc.parallel_loop(0, W // L, unroll=16)
            def _upd(j):
                v = bufs[b, r, pl.ds(j * L, L)]
                lo = v & jnp.int32(0xFFFF)
                hi = lax.shift_right_logical(v, 16)
                plsc.addupdate_scatter(hist_v, [lo], ones)
                plsc.addupdate_scatter(hist_v, [hi], ones)

    for b in range(NBUF):
        _start(b, b)

    @pl.loop(0, HSIZE // L)
    def _zero(i):
        hist_v[pl.ds(i * L, L)] = zeros

    @pl.loop(0, CPW, step=NBUF)
    def _g(g):
        for b in range(NBUF):
            _wait(b)
            _consume(b)

            @pl.when(g + NBUF + b < CPW)
            def _():
                _start(g + NBUF + b, b)

    lanes4 = lax.iota(jnp.int32, L) * 4

    @plsc.parallel_loop(0, HSIZE // (4 * L), unroll=4)
    def _fold_a(j):
        base = lanes4 + j * (4 * L)
        acc = plsc.load_gather(hist_v, [base])
        for r in range(1, 4):
            acc = acc + plsc.load_gather(hist_v, [base + r])
        work_v[pl.ds(j * L, L)] = acc

    @plsc.parallel_loop(0, HSIZE // (16 * L), unroll=4)
    def _fold_b(j):
        base = lanes4 + j * (4 * L)
        acc = plsc.load_gather(work_v, [base])
        for r in range(1, 4):
            acc = acc + plsc.load_gather(work_v, [base + r])
        fold_v[pl.ds(j * L, L)] = acc

    pltpu.sync_copy(fold_v, hist_hbm.at[wid])


@functools.cache
def _sc_hist():
    mesh = plsc.VectorSubcoreMesh(
        core_axis_name="c", subcore_axis_name="s",
        num_cores=_NC, num_subcores=_NS)
    return pl.kernel(
        _sc_hist_body,
        out_type=jax.ShapeDtypeStruct((NW, SLOTS), jnp.float32),
        mesh=mesh,
        compiler_params=pltpu.CompilerParams(needs_layout_passes=False),
        scratch_types=[
            pltpu.VMEM((NBUF, CROWS, W), jnp.int32),
            pltpu.VMEM((HSIZE,), jnp.float32),
            pltpu.VMEM((HSIZE // 4,), jnp.float32),
            pltpu.VMEM((HSIZE // 16,), jnp.float32),
            pltpu.SemaphoreType.DMA,
            pltpu.SemaphoreType.DMA,
            pltpu.SemaphoreType.DMA,
            pltpu.SemaphoreType.DMA,
        ],
    )


def _finish_body(h1_ref, h2_ref, out_ref):
    hs = h1_ref[...] + h2_ref[...]
    rows = []
    for c in range(C):
        acc = None
        for (w, key) in _CONTRIB[c]:
            part = hs[w, key * PK:(key + 1) * PK]
            acc = part if acc is None else acc + part
        rows.append(acc)
    h = jnp.stack(rows)
    f = h[:, KK:]
    n = h[:, :KK] + f
    r = lax.broadcasted_iota(jnp.int32, (KK, KK), 0)
    col = lax.broadcasted_iota(jnp.int32, (KK, KK), 1)
    tri = jnp.where(r >= col, 1.0, 0.0)
    cum_n = lax.dot_general(n, tri, (((1,), (0,)), ((), ())),
                            preferred_element_type=jnp.float32)
    cum_f = lax.dot_general(f, tri, (((1,), (0,)), ((), ())),
                            preferred_element_type=jnp.float32)
    g_tot = jnp.sum(f, axis=1, keepdims=True)
    n_hat = cum_n - 0.5 * n
    f_hat = cum_f - 0.5 * f
    den = g_tot + n_hat - f_hat
    jac = jnp.where(den > 0, n_hat / jnp.maximum(den, 1e-30), 0.0)
    loss_c = jnp.sum(jac, axis=1) * (1.0 / KK)
    pres = (g_tot[:, 0] > 0).astype(jnp.float32)
    num = jnp.sum(loss_c * pres)
    res = num / jnp.maximum(jnp.sum(pres), 1.0)
    out_ref[...] = jnp.reshape(res, (1, 1))


def _finish(h1, h2):
    return pl.pallas_call(
        _finish_body,
        out_shape=jax.ShapeDtypeStruct((1, 1), jnp.float32),
    )(h1, h2)


def kernel(out, gt):
    sc = _sc_hist()
    b1 = _binning(out, gt, 0)
    h1 = sc(b1)
    b2 = _binning(out, gt, 1)
    h2 = sc(b2)
    res = _finish(h1, h2)
    return res[0, 0]

# --- scband reference (transcript-rebuilt; emitter-appended) ---
"""Pipeline reference for scband-lovasz-softmax-loss-63359357551237 (READ-ONLY COPY).

The authoritative reference and input builder live on the scoring server;
editing this copy changes nothing except your own understanding.
"""

import jax, jax.numpy as jnp
import numpy as np

IGNORE = 255


def lovasz_grad(fg_sorted):
    # fg_sorted: float32 [P], sorted by descending error
    gts = jnp.sum(fg_sorted)
    intersection = gts - jnp.cumsum(fg_sorted)
    union = gts + jnp.cumsum(1.0 - fg_sorted)
    jaccard = 1.0 - intersection / union
    # jaccard[1:] = jaccard[1:] - jaccard[:-1]
    jaccard = jnp.concatenate([jaccard[:1], jaccard[1:] - jaccard[:-1]], axis=0)
    return jaccard


def lovasz_softmax(probas, labels):
    # probas: [B, C, H, W] softmax probabilities, labels: int [B, H, W]
    B, C, H, W = probas.shape
    probas_flat = jnp.transpose(probas, (0, 2, 3, 1)).reshape(-1, C)  # [P, C]
    labels_flat = labels.reshape(-1)  # [P]
    valid = (labels_flat != IGNORE)
    validf = valid.astype(jnp.float32)
    losses = []
    presents = []
    for c in range(C):
        fg = (jnp.logical_and(labels_flat == c, valid)).astype(jnp.float32)
        # masked errors: ignored pixels get error 0 (sort to the tail, zero contribution)
        errors = jnp.abs(fg - probas_flat[:, c]) * validf
        perm = jnp.argsort(-errors)  # descending
        errors_sorted = jnp.take(errors, perm)
        fg_sorted = jnp.take(fg, perm)
        grad = jax.lax.stop_gradient(lovasz_grad(fg_sorted))
        losses.append(jnp.dot(errors_sorted, grad))
        presents.append((jnp.sum(fg) > 0).astype(jnp.float32))
    losses = jnp.stack(losses)
    presents = jnp.stack(presents)
    # classes='present': average only over classes present among valid pixels
    denom = jnp.maximum(jnp.sum(presents), 1.0)
    return jnp.sum(losses * presents) / denom


def setup_inputs(seed: int = 0) -> dict:
    key = jax.random.key(seed)
    k1, k2 = jax.random.split(key)
    out = jax.random.normal(k1, (4, 19, 512, 512), dtype=jnp.float32)
    gt = jax.random.randint(k2, (4, 512, 512), 0, 19, dtype=jnp.int32)
    return {"out": out, "gt": gt}


def reference(out, gt):
    probas = jax.nn.softmax(out, axis=1)
    return lovasz_softmax(probas, gt)

if __name__ == "__main__":
    import jax
    _d = setup_inputs()
    print(jax.jit(kernel)(*tuple(_d.values())))

</pallas_src>

<mosaic_0001>
#map = affine_map<(d0, d1) -> (0, 0, 0)>
#map1 = affine_map<(d0, d1) -> (0, 0)>
module attributes {stable_mosaic.version = 14 : i64} {
  func.func @_sc_hist_body(%arg0: i32, %arg1: i32, %arg2: memref<10x1024x512xi32, #tpu.memory_space<hbm>>, %arg3: memref<32x4096xf32, #tpu.memory_space<hbm>>, %arg4: memref<4x16x512xi32, #tpu.memory_space<vmem>>, %arg5: memref<65536xf32, #tpu.memory_space<vmem>>, %arg6: memref<16384xf32, #tpu.memory_space<vmem>>, %arg7: memref<4096xf32, #tpu.memory_space<vmem>>, %arg8: memref<!tpu.dma_semaphore, #tpu.memory_space<semaphore_mem>>, %arg9: memref<!tpu.dma_semaphore, #tpu.memory_space<semaphore_mem>>, %arg10: memref<!tpu.dma_semaphore, #tpu.memory_space<semaphore_mem>>, %arg11: memref<!tpu.dma_semaphore, #tpu.memory_space<semaphore_mem>>) attributes {dimension_semantics = [#tpu.dimension_semantics<core_parallel>, #tpu.dimension_semantics<subcore_parallel>], iteration_bounds = array<i64: 2, 16>, scalar_prefetch = 0 : i64, scratch_operands = 8 : i64, tpu.core_type = #tpu.core_type<sc_vector_subcore>, window_params = [{transform_indices = #map}, {transform_indices = #map1}]} {
    %mul3A = arith.constant 2 : i32
    %mul3A_0 = arith.muli %arg1, %mul3A : i32
    %add3A = arith.addi %mul3A_0, %arg0 : i32
    %broadcast_in_dim3A = arith.constant 0.000000e+00 : f32
    %broadcast_in_dim3A_1 = vector.broadcast %broadcast_in_dim3A : f32 to vector<16xf32>
    %broadcast_in_dim3A_2 = arith.constant 1.000000e+00 : f32
    %broadcast_in_dim3A_3 = vector.broadcast %broadcast_in_dim3A_2 : f32 to vector<16xf32>
    %mul3A_4 = arith.constant 20 : i32
    %mul3A_5 = arith.muli %add3A, %mul3A_4 : i32
    %add3A_6 = arith.constant 0 : i32
    %add3A_7 = arith.addi %mul3A_5, %add3A_6 : i32
    %div3A = arith.constant 64 : i32
    %div3A_8 = arith.divsi %add3A_7, %div3A : i32
    %rem3A = arith.constant 64 : i32
    %rem3A_9 = arith.remsi %add3A_7, %rem3A : i32
    %mul3A_10 = arith.constant 16 : i32
    %mul3A_11 = arith.muli %rem3A_9, %mul3A_10 : i32
    %dma_start3A = arith.constant 0 : i32
    %dma_start3A_12 = arith.constant 0 : i32
    %dma_start3A_13 = arith.constant 0 : i32
    %dma_start3A_14 = tpu.memref_slice %arg4[%dma_start3A, %dma_start3A_12, %dma_start3A_13] : memref<4x16x512xi32, #tpu.memory_space<vmem>> -> memref<1x16x512xi32, #tpu.memory_space<vmem>>
    %dma_start3A_15 = tpu.memref_squeeze %dma_start3A_14 : memref<1x16x512xi32, #tpu.memory_space<vmem>> -> memref<16x512xi32, #tpu.memory_space<vmem>>
    %dma_start3A_16 = arith.constant 0 : i32
    %dma_start3A_17 = tpu.memref_slice %arg2[%div3A_8, %mul3A_11, %dma_start3A_16] : memref<10x1024x512xi32, #tpu.memory_space<hbm>> -> memref<1x16x512xi32, #tpu.memory_space<hbm>>
    %dma_start3A_18 = tpu.memref_squeeze %dma_start3A_17 : memref<1x16x512xi32, #tpu.memory_space<hbm>> -> memref<16x512xi32, #tpu.memory_space<hbm>>
    %dma_start3A_19 = arith.constant 0 : i32
    %dma_start3A_20 = arith.constant 0 : i32
    %dma_start3A_21 = tpu.memref_slice %arg4[%dma_start3A, %dma_start3A_19, %dma_start3A_20] : memref<4x16x512xi32, #tpu.memory_space<vmem>> -> memref<1x16x512xi32, #tpu.memory_space<vmem>>
    %dma_start3A_22 = tpu.memref_squeeze %dma_start3A_21 : memref<1x16x512xi32, #tpu.memory_space<vmem>> -> memref<16x512xi32, #tpu.memory_space<vmem>>
    %dma_start3A_23 = arith.constant 0 : i32
    %dma_start3A_24 = tpu.memref_slice %arg2[%div3A_8, %mul3A_11, %dma_start3A_23] : memref<10x1024x512xi32, #tpu.memory_space<hbm>> -> memref<1x16x512xi32, #tpu.memory_space<hbm>>
    %dma_start3A_25 = tpu.memref_squeeze %dma_start3A_24 : memref<1x16x512xi32, #tpu.memory_space<hbm>> -> memref<16x512xi32, #tpu.memory_space<hbm>>
    tpu.enqueue_dma source(%dma_start3A_25 : memref<16x512xi32, #tpu.memory_space<hbm>>) target(%dma_start3A_22 : memref<16x512xi32, #tpu.memory_space<vmem>>) target_semaphore(%arg8 : memref<!tpu.dma_semaphore, #tpu.memory_space<semaphore_mem>>)
    %mul3A_26 = arith.constant 20 : i32
    %mul3A_27 = arith.muli %add3A, %mul3A_26 : i32
    %add3A_28 = arith.constant 1 : i32
    %add3A_29 = arith.addi %mul3A_27, %add3A_28 : i32
    %div3A_30 = arith.constant 64 : i32
    %div3A_31 = arith.divsi %add3A_29, %div3A_30 : i32
    %rem3A_32 = arith.constant 64 : i32
    %rem3A_33 = arith.remsi %add3A_29, %rem3A_32 : i32
    %mul3A_34 = arith.constant 16 : i32
    %mul3A_35 = arith.muli %rem3A_33, %mul3A_34 : i32
    %dma_start3A_36 = arith.constant 1 : i32
    %dma_start3A_37 = arith.constant 0 : i32
    %dma_start3A_38 = arith.constant 0 : i32
    %dma_start3A_39 = tpu.memref_slice %arg4[%dma_start3A_36, %dma_start3A_37, %dma_start3A_38] : memref<4x16x512xi32, #tpu.memory_space<vmem>> -> memref<1x16x512xi32, #tpu.memory_space<vmem>>
    %dma_start3A_40 = tpu.memref_squeeze %dma_start3A_39 : memref<1x16x512xi32, #tpu.memory_space<vmem>> -> memref<16x512xi32, #tpu.memory_space<vmem>>
    %dma_start3A_41 = arith.constant 0 : i32
    %dma_start3A_42 = tpu.memref_slice %arg2[%div3A_31, %mul3A_35, %dma_start3A_41] : memref<10x1024x512xi32, #tpu.memory_space<hbm>> -> memref<1x16x512xi32, #tpu.memory_space<hbm>>
    %dma_start3A_43 = tpu.memref_squeeze %dma_start3A_42 : memref<1x16x512xi32, #tpu.memory_space<hbm>> -> memref<16x512xi32, #tpu.memory_space<hbm>>
    %dma_start3A_44 = arith.constant 0 : i32
    %dma_start3A_45 = arith.constant 0 : i32
    %dma_start3A_46 = tpu.memref_slice %arg4[%dma_start3A_36, %dma_start3A_44, %dma_start3A_45] : memref<4x16x512xi32, #tpu.memory_space<vmem>> -> memref<1x16x512xi32, #tpu.memory_space<vmem>>
    %dma_start3A_47 = tpu.memref_squeeze %dma_start3A_46 : memref<1x16x512xi32, #tpu.memory_space<vmem>> -> memref<16x512xi32, #tpu.memory_space<vmem>>
    %dma_start3A_48 = arith.constant 0 : i32
    %dma_start3A_49 = tpu.memref_slice %arg2[%div3A_31, %mul3A_35, %dma_start3A_48] : memref<10x1024x512xi32, #tpu.memory_space<hbm>> -> memref<1x16x512xi32, #tpu.memory_space<hbm>>
    %dma_start3A_50 = tpu.memref_squeeze %dma_start3A_49 : memref<1x16x512xi32, #tpu.memory_space<hbm>> -> memref<16x512xi32, #tpu.memory_space<hbm>>
    tpu.enqueue_dma source(%dma_start3A_50 : memref<16x512xi32, #tpu.memory_space<hbm>>) target(%dma_start3A_47 : memref<16x512xi32, #tpu.memory_space<vmem>>) target_semaphore(%arg9 : memref<!tpu.dma_semaphore, #tpu.memory_space<semaphore_mem>>)
    %mul3A_51 = arith.constant 20 : i32
    %mul3A_52 = arith.muli %add3A, %mul3A_51 : i32
    %add3A_53 = arith.constant 2 : i32
    %add3A_54 = arith.addi %mul3A_52, %add3A_53 : i32
    %div3A_55 = arith.constant 64 : i32
    %div3A_56 = arith.divsi %add3A_54, %div3A_55 : i32
    %rem3A_57 = arith.constant 64 : i32
    %rem3A_58 = arith.remsi %add3A_54, %rem3A_57 : i32
    %mul3A_59 = arith.constant 16 : i32
    %mul3A_60 = arith.muli %rem3A_58, %mul3A_59 : i32
    %dma_start3A_61 = arith.constant 2 : i32
    %dma_start3A_62 = arith.constant 0 : i32
    %dma_start3A_63 = arith.constant 0 : i32
    %dma_start3A_64 = tpu.memref_slice %arg4[%dma_start3A_61, %dma_start3A_62, %dma_start3A_63] : memref<4x16x512xi32, #tpu.memory_space<vmem>> -> memref<1x16x512xi32, #tpu.memory_space<vmem>>
    %dma_start3A_65 = tpu.memref_squeeze %dma_start3A_64 : memref<1x16x512xi32, #tpu.memory_space<vmem>> -> memref<16x512xi32, #tpu.memory_space<vmem>>
    %dma_start3A_66 = arith.constant 0 : i32
    %dma_start3A_67 = tpu.memref_slice %arg2[%div3A_56, %mul3A_60, %dma_start3A_66] : memref<10x1024x512xi32, #tpu.memory_space<hbm>> -> memref<1x16x512xi32, #tpu.memory_space<hbm>>
    %dma_start3A_68 = tpu.memref_squeeze %dma_start3A_67 : memref<1x16x512xi32, #tpu.memory_space<hbm>> -> memref<16x512xi32, #tpu.memory_space<hbm>>
    %dma_start3A_69 = arith.constant 0 : i32
    %dma_start3A_70 = arith.constant 0 : i32
    %dma_start3A_71 = tpu.memref_slice %arg4[%dma_start3A_61, %dma_start3A_69, %dma_start3A_70] : memref<4x16x512xi32, #tpu.memory_space<vmem>> -> memref<1x16x512xi32, #tpu.memory_space<vmem>>
    %dma_start3A_72 = tpu.memref_squeeze %dma_start3A_71 : memref<1x16x512xi32, #tpu.memory_space<vmem>> -> memref<16x512xi32, #tpu.memory_space<vmem>>
    %dma_start3A_73 = arith.constant 0 : i32
    %dma_start3A_74 = tpu.memref_slice %arg2[%div3A_56, %mul3A_60, %dma_start3A_73] : memref<10x1024x512xi32, #tpu.memory_space<hbm>> -> memref<1x16x512xi32, #tpu.memory_space<hbm>>
    %dma_start3A_75 = tpu.memref_squeeze %dma_start3A_74 : memref<1x16x512xi32, #tpu.memory_space<hbm>> -> memref<16x512xi32, #tpu.memory_space<hbm>>
    tpu.enqueue_dma source(%dma_start3A_75 : memref<16x512xi32, #tpu.memory_space<hbm>>) target(%dma_start3A_72 : memref<16x512xi32, #tpu.memory_space<vmem>>) target_semaphore(%arg10 : memref<!tpu.dma_semaphore, #tpu.memory_space<semaphore_mem>>)
    %mul3A_76 = arith.constant 20 : i32
    %mul3A_77 = arith.muli %add3A, %mul3A_76 : i32
    %add3A_78 = arith.constant 3 : i32
    %add3A_79 = arith.addi %mul3A_77, %add3A_78 : i32
    %div3A_80 = arith.constant 64 : i32
    %div3A_81 = arith.divsi %add3A_79, %div3A_80 : i32
    %rem3A_82 = arith.constant 64 : i32
    %rem3A_83 = arith.remsi %add3A_79, %rem3A_82 : i32
    %mul3A_84 = arith.constant 16 : i32
    %mul3A_85 = arith.muli %rem3A_83, %mul3A_84 : i32
    %dma_start3A_86 = arith.constant 3 : i32
    %dma_start3A_87 = arith.constant 0 : i32
    %dma_start3A_88 = arith.constant 0 : i32
    %dma_start3A_89 = tpu.memref_slice %arg4[%dma_start3A_86, %dma_start3A_87, %dma_start3A_88] : memref<4x16x512xi32, #tpu.memory_space<vmem>> -> memref<1x16x512xi32, #tpu.memory_space<vmem>>
    %dma_start3A_90 = tpu.memref_squeeze %dma_start3A_89 : memref<1x16x512xi32, #tpu.memory_space<vmem>> -> memref<16x512xi32, #tpu.memory_space<vmem>>
    %dma_start3A_91 = arith.constant 0 : i32
    %dma_start3A_92 = tpu.memref_slice %arg2[%div3A_81, %mul3A_85, %dma_start3A_91] : memref<10x1024x512xi32, #tpu.memory_space<hbm>> -> memref<1x16x512xi32, #tpu.memory_space<hbm>>
    %dma_start3A_93 = tpu.memref_squeeze %dma_start3A_92 : memref<1x16x512xi32, #tpu.memory_space<hbm>> -> memref<16x512xi32, #tpu.memory_space<hbm>>
    %dma_start3A_94 = arith.constant 0 : i32
    %dma_start3A_95 = arith.constant 0 : i32
    %dma_start3A_96 = tpu.memref_slice %arg4[%dma_start3A_86, %dma_start3A_94, %dma_start3A_95] : memref<4x16x512xi32, #tpu.memory_space<vmem>> -> memref<1x16x512xi32, #tpu.memory_space<vmem>>
    %dma_start3A_97 = tpu.memref_squeeze %dma_start3A_96 : memref<1x16x512xi32, #tpu.memory_space<vmem>> -> memref<16x512xi32, #tpu.memory_space<vmem>>
    %dma_start3A_98 = arith.constant 0 : i32
    %dma_start3A_99 = tpu.memref_slice %arg2[%div3A_81, %mul3A_85, %dma_start3A_98] : memref<10x1024x512xi32, #tpu.memory_space<hbm>> -> memref<1x16x512xi32, #tpu.memory_space<hbm>>
    %dma_start3A_100 = tpu.memref_squeeze %dma_start3A_99 : memref<1x16x512xi32, #tpu.memory_space<hbm>> -> memref<16x512xi32, #tpu.memory_space<hbm>>
    tpu.enqueue_dma source(%dma_start3A_100 : memref<16x512xi32, #tpu.memory_space<hbm>>) target(%dma_start3A_97 : memref<16x512xi32, #tpu.memory_space<vmem>>) target_semaphore(%arg11 : memref<!tpu.dma_semaphore, #tpu.memory_space<semaphore_mem>>)
    %scan3A = arith.constant 0 : i32
    %scan3A_101 = arith.constant 4096 : i32
    %scan3A_102 = arith.addi %scan3A, %scan3A_101 : i32
    %scan3A_103 = arith.constant 1 : i32
    scf.for %scan3A_118 = %scan3A to %scan3A_102 step %scan3A_103  : i32 {
      %mul3A_119 = arith.constant 1 : i32
      %mul3A_120 = arith.muli %scan3A_118, %mul3A_119 : i32
      %add3A_121 = arith.constant 0 : i32
      %add3A_122 = arith.addi %add3A_121, %mul3A_120 : i32
      %mul3A_123 = arith.constant 16 : i32
      %mul3A_124 = arith.muli %add3A_122, %mul3A_123 : i32
      %swap3A = arith.index_cast %mul3A_124 : i32 to index
      %swap3A_125 = tpu.vector_load %arg5[%swap3A] {strides = array<i32>} : memref<65536xf32, #tpu.memory_space<vmem>>, vector<16xf32>,
      tpu.vector_store %arg5[%swap3A], %broadcast_in_dim3A_1 {strides = array<i32>} : memref<65536xf32, #tpu.memory_space<vmem>>, vector<16xf32>,
    }
    %scan3A_104 = arith.constant 4096 : i32
    %scan3A_105 = arith.constant 0 : i32
    %scan3A_106 = arith.constant 5 : i32
    %scan3A_107 = arith.addi %scan3A_105, %scan3A_106 : i32
    %scan3A_108 = arith.constant 1 : i32
    scf.for %scan3A_118 = %scan3A_105 to %scan3A_107 step %scan3A_108  : i32 {
      %mul3A_119 = arith.constant 4 : i32
      %mul3A_120 = arith.muli %scan3A_118, %mul3A_119 : i32
      %add3A_121 = arith.constant 0 : i32
      %add3A_122 = arith.addi %add3A_121, %mul3A_120 : i32
      %dma_wait3A = arith.constant 0 : i32
      %dma_wait3A_123 = arith.constant 0 : i32
      %dma_wait3A_124 = arith.constant 0 : i32
      %dma_wait3A_125 = arith.constant 0 : i32
      %dma_wait3A_126 = tpu.memref_slice %arg4[%dma_wait3A_123, %dma_wait3A_124, %dma_wait3A_125] : memref<4x16x512xi32, #tpu.memory_space<vmem>> -> memref<1x16x512xi32, #tpu.memory_space<vmem>>
      %dma_wait3A_127 = tpu.memref_squeeze %dma_wait3A_126 : memref<1x16x512xi32, #tpu.memory_space<vmem>> -> memref<16x512xi32, #tpu.memory_space<vmem>>
      %dma_wait3A_128 = arith.constant 0 : i32
      %dma_wait3A_129 = arith.constant 0 : i32
      %dma_wait3A_130 = tpu.memref_slice %arg2[%dma_wait3A, %dma_wait3A_128, %dma_wait3A_129] : memref<10x1024x512xi32, #tpu.memory_space<hbm>> -> memref<1x16x512xi32, #tpu.memory_space<hbm>>
      %dma_wait3A_131 = tpu.memref_squeeze %dma_wait3A_130 : memref<1x16x512xi32, #tpu.memory_space<hbm>> -> memref<16x512xi32, #tpu.memory_space<hbm>>
      %dma_wait3A_132 = arith.constant 0 : i32
      %dma_wait3A_133 = arith.constant 0 : i32
      %dma_wait3A_134 = tpu.memref_slice %arg4[%dma_wait3A_123, %dma_wait3A_132, %dma_wait3A_133] : memref<4x16x512xi32, #tpu.memory_space<vmem>> -> memref<1x16x512xi32, #tpu.memory_space<vmem>>
      %dma_wait3A_135 = tpu.memref_squeeze %dma_wait3A_134 : memref<1x16x512xi32, #tpu.memory_space<vmem>> -> memref<16x512xi32, #tpu.memory_space<vmem>>
      %dma_wait3A_136 = arith.constant 0 : i32
      %dma_wait3A_137 = arith.constant 0 : i32
      %dma_wait3A_138 = tpu.memref_slice %arg2[%dma_wait3A, %dma_wait3A_136, %dma_wait3A_137] : memref<10x1024x512xi32, #tpu.memory_space<hbm>> -> memref<1x16x512xi32, #tpu.memory_space<hbm>>
      %dma_wait3A_139 = tpu.memref_squeeze %dma_wait3A_138 : memref<1x16x512xi32, #tpu.memory_space<hbm>> -> memref<16x512xi32, #tpu.memory_space<hbm>>
      tpu.wait_dma2 semaphore(%arg8 : memref<!tpu.dma_semaphore, #tpu.memory_space<semaphore_mem>>) src(%dma_wait3A_139 : memref<16x512xi32, #tpu.memory_space<hbm>>) dst(%dma_wait3A_135 : memref<16x512xi32, #tpu.memory_space<vmem>>)
      %scan3A_140 = arith.constant 0 : i32
      %scan3A_141 = arith.constant 16 : i32
      %scan3A_142 = arith.addi %scan3A_140, %scan3A_141 : i32
      %scan3A_143 = arith.constant 1 : i32
      scf.for %scan3A_247 = %scan3A_140 to %scan3A_142 step %scan3A_143  : i32 {
        %mul3A_248 = arith.constant 1 : i32
        %mul3A_249 = arith.muli %scan3A_247, %mul3A_248 : i32
        %add3A_250 = arith.constant 0 : i32
        %add3A_251 = arith.addi %add3A_250, %mul3A_249 : i32
        %parallel_loop3A_252 = arith.constant 0 : i32
        %parallel_loop3A_253 = arith.constant 32 : i32
        %parallel_loop3A_254 = arith.constant 1 : i32
        scf.for %parallel_loop3A_255 = %parallel_loop3A_252 to %parallel_loop3A_253 step %parallel_loop3A_254  : i32 {
          %parallel_loop3A_256 = arith.constant 16 : i32
          %parallel_loop3A_257 = arith.muli %parallel_loop3A_255, %parallel_loop3A_256 : i32
          %parallel_loop3A_258 = arith.constant 0 : i32
          %parallel_loop3A_259 = arith.index_cast %parallel_loop3A_258 : i32 to index
          %parallel_loop3A_260 = arith.index_cast %add3A_251 : i32 to index
          %parallel_loop3A_261 = arith.index_cast %parallel_loop3A_257 : i32 to index
          %parallel_loop3A_262 = tpu.vector_load %arg4[%parallel_loop3A_259, %parallel_loop3A_260, %parallel_loop3A_261] {strides = array<i32>} : memref<4x16x512xi32, #tpu.memory_space<vmem>>, vector<16xi32>,
          %parallel_loop3A_263 = arith.constant 65535 : i32
          %parallel_loop3A_264 = vector.broadcast %parallel_loop3A_263 : i32 to vector<16xi32>
          %parallel_loop3A_265 = arith.andi %parallel_loop3A_262, %parallel_loop3A_264 : vector<16xi32>
          %parallel_loop3A_266 = arith.constant 16 : i32
          %parallel_loop3A_267 = vector.broadcast %parallel_loop3A_266 : i32 to vector<16xi32>
          %parallel_loop3A_268 = arith.shrui %parallel_loop3A_262, %parallel_loop3A_267 : vector<16xi32>
          tpu.vector_store_idx %arg5[%parallel_loop3A_265], %broadcast_in_dim3A_3 {add = true} : memref<65536xf32, #tpu.memory_space<vmem>>[vector<16xi32>], vector<16xf32>,
          tpu.vector_store_idx %arg5[%parallel_loop3A_268], %broadcast_in_dim3A_3 {add = true} : memref<65536xf32, #tpu.memory_space<vmem>>[vector<16xi32>], vector<16xf32>,
        } {sc.loop_unroll_factor = 16 : i64, sc.parallel_access}
      }
      %scan3A_144 = arith.constant 16 : i32
      %add3A_145 = arith.constant 4 : i32
      %add3A_146 = arith.addi %add3A_122, %add3A_145 : i32
      %add3A_147 = arith.constant 0 : i32
      %add3A_148 = arith.addi %add3A_146, %add3A_147 : i32
      %lt3A = arith.constant 20 : i32
      %lt3A_149 = arith.cmpi slt, %add3A_148, %lt3A : i32
      %convert_element_type3A = arith.extui %lt3A_149 : i1 to i32
      %cond3A = arith.constant 0 : i32
      %cond3A_150 = arith.cmpi ne, %convert_element_type3A, %cond3A : i32
      scf.if %cond3A_150 {
        %add3A_247 = arith.constant 4 : i32
        %add3A_248 = arith.addi %add3A_122, %add3A_247 : i32
        %add3A_249 = arith.constant 0 : i32
        %add3A_250 = arith.addi %add3A_248, %add3A_249 : i32
        %mul3A_251 = arith.constant 20 : i32
        %mul3A_252 = arith.muli %add3A, %mul3A_251 : i32
        %add3A_253 = arith.addi %mul3A_252, %add3A_250 : i32
        %div3A_254 = arith.constant 64 : i32
        %div3A_255 = arith.divsi %add3A_253, %div3A_254 : i32
        %rem3A_256 = arith.constant 64 : i32
        %rem3A_257 = arith.remsi %add3A_253, %rem3A_256 : i32
        %mul3A_258 = arith.constant 16 : i32
        %mul3A_259 = arith.muli %rem3A_257, %mul3A_258 : i32
        %dma_start3A_260 = arith.constant 0 : i32
        %dma_start3A_261 = arith.constant 0 : i32
        %dma_start3A_262 = arith.constant 0 : i32
        %dma_start3A_263 = tpu.memref_slice %arg4[%dma_start3A_260, %dma_start3A_261, %dma_start3A_262] : memref<4x16x512xi32, #tpu.memory_space<vmem>> -> memref<1x16x512xi32, #tpu.memory_space<vmem>>
        %dma_start3A_264 = tpu.memref_squeeze %dma_start3A_263 : memref<1x16x512xi32, #tpu.memory_space<vmem>> -> memref<16x512xi32, #tpu.memory_space<vmem>>
        %dma_start3A_265 = arith.constant 0 : i32
        %dma_start3A_266 = tpu.memref_slice %arg2[%div3A_255, %mul3A_259, %dma_start3A_265] : memref<10x1024x512xi32, #tpu.memory_space<hbm>> -> memref<1x16x512xi32, #tpu.memory_space<hbm>>
        %dma_start3A_267 = tpu.memref_squeeze %dma_start3A_266 : memref<1x16x512xi32, #tpu.memory_space<hbm>> -> memref<16x512xi32, #tpu.memory_space<hbm>>
        %dma_start3A_268 = arith.constant 0 : i32
        %dma_start3A_269 = arith.constant 0 : i32
        %dma_start3A_270 = tpu.memref_slice %arg4[%dma_start3A_260, %dma_start3A_268, %dma_start3A_269] : memref<4x16x512xi32, #tpu.memory_space<vmem>> -> memref<1x16x512xi32, #tpu.memory_space<vmem>>
        %dma_start3A_271 = tpu.memref_squeeze %dma_start3A_270 : memref<1x16x512xi32, #tpu.memory_space<vmem>> -> memref<16x512xi32, #tpu.memory_space<vmem>>
        %dma_start3A_272 = arith.constant 0 : i32
        %dma_start3A_273 = tpu.memref_slice %arg2[%div3A_255, %mul3A_259, %dma_start3A_272] : memref<10x1024x512xi32, #tpu.memory_space<hbm>> -> memref<1x16x512xi32, #tpu.memory_space<hbm>>
        %dma_start3A_274 = tpu.memref_squeeze %dma_start3A_273 : memref<1x16x512xi32, #tpu.memory_space<hbm>> -> memref<16x512xi32, #tpu.memory_space<hbm>>
        tpu.enqueue_dma source(%dma_start3A_274 : memref<16x512xi32, #tpu.memory_space<hbm>>) target(%dma_start3A_271 : memref<16x512xi32, #tpu.memory_space<vmem>>) target_semaphore(%arg8 : memref<!tpu.dma_semaphore, #tpu.memory_space<semaphore_mem>>)
      } else {
      }
      %dma_wait3A_151 = arith.constant 0 : i32
      %dma_wait3A_152 = arith.constant 1 : i32
      %dma_wait3A_153 = arith.constant 0 : i32
      %dma_wait3A_154 = arith.constant 0 : i32
      %dma_wait3A_155 = tpu.memref_slice %arg4[%dma_wait3A_152, %dma_wait3A_153, %dma_wait3A_154] : memref<4x16x512xi32, #tpu.memory_space<vmem>> -> memref<1x16x512xi32, #tpu.memory_space<vmem>>
      %dma_wait3A_156 = tpu.memref_squeeze %dma_wait3A_155 : memref<1x16x512xi32, #tpu.memory_space<vmem>> -> memref<16x512xi32, #tpu.memory_space<vmem>>
      %dma_wait3A_157 = arith.constant 0 : i32
      %dma_wait3A_158 = arith.constant 0 : i32
      %dma_wait3A_159 = tpu.memref_slice %arg2[%dma_wait3A_151, %dma_wait3A_157, %dma_wait3A_158] : memref<10x1024x512xi32, #tpu.memory_space<hbm>> -> memref<1x16x512xi32, #tpu.memory_space<hbm>>
      %dma_wait3A_160 = tpu.memref_squeeze %dma_wait3A_159 : memref<1x16x512xi32, #tpu.memory_space<hbm>> -> memref<16x512xi32, #tpu.memory_space<hbm>>
      %dma_wait3A_161 = arith.constant 0 : i32
      %dma_wait3A_162 = arith.constant 0 : i32
      %dma_wait3A_163 = tpu.memref_slice %arg4[%dma_wait3A_152, %dma_wait3A_161, %dma_wait3A_162] : memref<4x16x512xi32, #tpu.memory_space<vmem>> -> memref<1x16x512xi32, #tpu.memory_space<vmem>>
      %dma_wait3A_164 = tpu.memref_squeeze %dma_wait3A_163 : memref<1x16x512xi32, #tpu.memory_space<vmem>> -> memref<16x512xi32, #tpu.memory_space<vmem>>
      %dma_wait3A_165 = arith.constant 0 : i32
      %dma_wait3A_166 = arith.constant 0 : i32
      %dma_wait3A_167 = tpu.memref_slice %arg2[%dma_wait3A_151, %dma_wait3A_165, %dma_wait3A_166] : memref<10x1024x512xi32, #tpu.memory_space<hbm>> -> memref<1x16x512xi32, #tpu.memory_space<hbm>>
      %dma_wait3A_168 = tpu.memref_squeeze %dma_wait3A_167 : memref<1x16x512xi32, #tpu.memory_space<hbm>> -> memref<16x512xi32, #tpu.memory_space<hbm>>
      tpu.wait_dma2 semaphore(%arg9 : memref<!tpu.dma_semaphore, #tpu.memory_space<semaphore_mem>>) src(%dma_wait3A_168 : memref<16x512xi32, #tpu.memory_space<hbm>>) dst(%dma_wait3A_164 : memref<16x512xi32, #tpu.memory_space<vmem>>)
      %scan3A_169 = arith.constant 0 : i32
      %scan3A_170 = arith.constant 16 : i32
      %scan3A_171 = arith.addi %scan3A_169, %scan3A_170 : i32
      %scan3A_172 = arith.constant 1 : i32
      scf.for %scan3A_247 = %scan3A_169 to %scan3A_171 step %scan3A_172  : i32 {
        %mul3A_248 = arith.constant 1 : i32
        %mul3A_249 = arith.muli %scan3A_247, %mul3A_248 : i32
        %add3A_250 = arith.constant 0 : i32
        %add3A_251 = arith.addi %add3A_250, %mul3A_249 : i32
        %parallel_loop3A_252 = arith.constant 0 : i32
        %parallel_loop3A_253 = arith.constant 32 : i32
        %parallel_loop3A_254 = arith.constant 1 : i32
        scf.for %parallel_loop3A_255 = %parallel_loop3A_252 to %parallel_loop3A_253 step %parallel_loop3A_254  : i32 {
          %parallel_loop3A_256 = arith.constant 16 : i32
          %parallel_loop3A_257 = arith.muli %parallel_loop3A_255, %parallel_loop3A_256 : i32
          %parallel_loop3A_258 = arith.constant 1 : i32
          %parallel_loop3A_259 = arith.index_cast %parallel_loop3A_258 : i32 to index
          %parallel_loop3A_260 = arith.index_cast %add3A_251 : i32 to index
          %parallel_loop3A_261 = arith.index_cast %parallel_loop3A_257 : i32 to index
          %parallel_loop3A_262 = tpu.vector_load %arg4[%parallel_loop3A_259, %parallel_loop3A_260, %parallel_loop3A_261] {strides = array<i32>} : memref<4x16x512xi32, #tpu.memory_space<vmem>>, vector<16xi32>,
          %parallel_loop3A_263 = arith.constant 65535 : i32
          %parallel_loop3A_264 = vector.broadcast %parallel_loop3A_263 : i32 to vector<16xi32>
          %parallel_loop3A_265 = arith.andi %parallel_loop3A_262, %parallel_loop3A_264 : vector<16xi32>
          %parallel_loop3A_266 = arith.constant 16 : i32
          %parallel_loop3A_267 = vector.broadcast %parallel_loop3A_266 : i32 to vector<16xi32>
          %parallel_loop3A_268 = arith.shrui %parallel_loop3A_262, %parallel_loop3A_267 : vector<16xi32>
          tpu.vector_store_idx %arg5[%parallel_loop3A_265], %broadcast_in_dim3A_3 {add = true} : memref<65536xf32, #tpu.memory_space<vmem>>[vector<16xi32>], vector<16xf32>,
          tpu.vector_store_idx %arg5[%parallel_loop3A_268], %broadcast_in_dim3A_3 {add = true} : memref<65536xf32, #tpu.memory_space<vmem>>[vector<16xi32>], vector<16xf32>,
        } {sc.loop_unroll_factor = 16 : i64, sc.parallel_access}
      }
      %scan3A_173 = arith.constant 16 : i32
      %add3A_174 = arith.constant 4 : i32
      %add3A_175 = arith.addi %add3A_122, %add3A_174 : i32
      %add3A_176 = arith.constant 1 : i32
      %add3A_177 = arith.addi %add3A_175, %add3A_176 : i32
      %lt3A_178 = arith.constant 20 : i32
      %lt3A_179 = arith.cmpi slt, %add3A_177, %lt3A_178 : i32
      %convert_element_type3A_180 = arith.extui %lt3A_179 : i1 to i32
      %cond3A_181 = arith.constant 0 : i32
      %cond3A_182 = arith.cmpi ne, %convert_element_type3A_180, %cond3A_181 : i32
      scf.if %cond3A_182 {
        %add3A_247 = arith.constant 4 : i32
        %add3A_248 = arith.addi %add3A_122, %add3A_247 : i32
        %add3A_249 = arith.constant 1 : i32
        %add3A_250 = arith.addi %add3A_248, %add3A_249 : i32
        %mul3A_251 = arith.constant 20 : i32
        %mul3A_252 = arith.muli %add3A, %mul3A_251 : i32
        %add3A_253 = arith.addi %mul3A_252, %add3A_250 : i32
        %div3A_254 = arith.constant 64 : i32
        %div3A_255 = arith.divsi %add3A_253, %div3A_254 : i32
        %rem3A_256 = arith.constant 64 : i32
        %rem3A_257 = arith.remsi %add3A_253, %rem3A_256 : i32
        %mul3A_258 = arith.constant 16 : i32
        %mul3A_259 = arith.muli %rem3A_257, %mul3A_258 : i32
        %dma_start3A_260 = arith.constant 1 : i32
        %dma_start3A_261 = arith.constant 0 : i32
        %dma_start3A_262 = arith.constant 0 : i32
        %dma_start3A_263 = tpu.memref_slice %arg4[%dma_start3A_260, %dma_start3A_261, %dma_start3A_262] : memref<4x16x512xi32, #tpu.memory_space<vmem>> -> memref<1x16x512xi32, #tpu.memory_space<vmem>>
        %dma_start3A_264 = tpu.memref_squeeze %dma_start3A_263 : memref<1x16x512xi32, #tpu.memory_space<vmem>> -> memref<16x512xi32, #tpu.memory_space<vmem>>
        %dma_start3A_265 = arith.constant 0 : i32
        %dma_start3A_266 = tpu.memref_slice %arg2[%div3A_255, %mul3A_259, %dma_start3A_265] : memref<10x1024x512xi32, #tpu.memory_space<hbm>> -> memref<1x16x512xi32, #tpu.memory_space<hbm>>
        %dma_start3A_267 = tpu.memref_squeeze %dma_start3A_266 : memref<1x16x512xi32, #tpu.memory_space<hbm>> -> memref<16x512xi32, #tpu.memory_space<hbm>>
        %dma_start3A_268 = arith.constant 0 : i32
        %dma_start3A_269 = arith.constant 0 : i32
        %dma_start3A_270 = tpu.memref_slice %arg4[%dma_start3A_260, %dma_start3A_268, %dma_start3A_269] : memref<4x16x512xi32, #tpu.memory_space<vmem>> -> memref<1x16x512xi32, #tpu.memory_space<vmem>>
        %dma_start3A_271 = tpu.memref_squeeze %dma_start3A_270 : memref<1x16x512xi32, #tpu.memory_space<vmem>> -> memref<16x512xi32, #tpu.memory_space<vmem>>
        %dma_start3A_272 = arith.constant 0 : i32
        %dma_start3A_273 = tpu.memref_slice %arg2[%div3A_255, %mul3A_259, %dma_start3A_272] : memref<10x1024x512xi32, #tpu.memory_space<hbm>> -> memref<1x16x512xi32, #tpu.memory_space<hbm>>
        %dma_start3A_274 = tpu.memref_squeeze %dma_start3A_273 : memref<1x16x512xi32, #tpu.memory_space<hbm>> -> memref<16x512xi32, #tpu.memory_space<hbm>>
        tpu.enqueue_dma source(%dma_start3A_274 : memref<16x512xi32, #tpu.memory_space<hbm>>) target(%dma_start3A_271 : memref<16x512xi32, #tpu.memory_space<vmem>>) target_semaphore(%arg9 : memref<!tpu.dma_semaphore, #tpu.memory_space<semaphore_mem>>)
      } else {
      }
      %dma_wait3A_183 = arith.constant 0 : i32
      %dma_wait3A_184 = arith.constant 2 : i32
      %dma_wait3A_185 = arith.constant 0 : i32
      %dma_wait3A_186 = arith.constant 0 : i32
      %dma_wait3A_187 = tpu.memref_slice %arg4[%dma_wait3A_184, %dma_wait3A_185, %dma_wait3A_186] : memref<4x16x512xi32, #tpu.memory_space<vmem>> -> memref<1x16x512xi32, #tpu.memory_space<vmem>>
      %dma_wait3A_188 = tpu.memref_squeeze %dma_wait3A_187 : memref<1x16x512xi32, #tpu.memory_space<vmem>> -> memref<16x512xi32, #tpu.memory_space<vmem>>
      %dma_wait3A_189 = arith.constant 0 : i32
      %dma_wait3A_190 = arith.constant 0 : i32
      %dma_wait3A_191 = tpu.memref_slice %arg2[%dma_wait3A_183, %dma_wait3A_189, %dma_wait3A_190] : memref<10x1024x512xi32, #tpu.memory_space<hbm>> -> memref<1x16x512xi32, #tpu.memory_space<hbm>>
      %dma_wait3A_192 = tpu.memref_squeeze %dma_wait3A_191 : memref<1x16x512xi32, #tpu.memory_space<hbm>> -> memref<16x512xi32, #tpu.memory_space<hbm>>
      %dma_wait3A_193 = arith.constant 0 : i32
      %dma_wait3A_194 = arith.constant 0 : i32
      %dma_wait3A_195 = tpu.memref_slice %arg4[%dma_wait3A_184, %dma_wait3A_193, %dma_wait3A_194] : memref<4x16x512xi32, #tpu.memory_space<vmem>> -> memref<1x16x512xi32, #tpu.memory_space<vmem>>
      %dma_wait3A_196 = tpu.memref_squeeze %dma_wait3A_195 : memref<1x16x512xi32, #tpu.memory_space<vmem>> -> memref<16x512xi32, #tpu.memory_space<vmem>>
      %dma_wait3A_197 = arith.constant 0 : i32
      %dma_wait3A_198 = arith.constant 0 : i32
      %dma_wait3A_199 = tpu.memref_slice %arg2[%dma_wait3A_183, %dma_wait3A_197, %dma_wait3A_198] : memref<10x1024x512xi32, #tpu.memory_space<hbm>> -> memref<1x16x512xi32, #tpu.memory_space<hbm>>
      %dma_wait3A_200 = tpu.memref_squeeze %dma_wait3A_199 : memref<1x16x512xi32, #tpu.memory_space<hbm>> -> memref<16x512xi32, #tpu.memory_space<hbm>>
      tpu.wait_dma2 semaphore(%arg10 : memref<!tpu.dma_semaphore, #tpu.memory_space<semaphore_mem>>) src(%dma_wait3A_200 : memref<16x512xi32, #tpu.memory_space<hbm>>) dst(%dma_wait3A_196 : memref<16x512xi32, #tpu.memory_space<vmem>>)
      %scan3A_201 = arith.constant 0 : i32
      %scan3A_202 = arith.constant 16 : i32
      %scan3A_203 = arith.addi %scan3A_201, %scan3A_202 : i32
      %scan3A_204 = arith.constant 1 : i32
      scf.for %scan3A_247 = %scan3A_201 to %scan3A_203 step %scan3A_204  : i32 {
        %mul3A_248 = arith.constant 1 : i32
        %mul3A_249 = arith.muli %scan3A_247, %mul3A_248 : i32
        %add3A_250 = arith.constant 0 : i32
        %add3A_251 = arith.addi %add3A_250, %mul3A_249 : i32
        %parallel_loop3A_252 = arith.constant 0 : i32
        %parallel_loop3A_253 = arith.constant 32 : i32
        %parallel_loop3A_254 = arith.constant 1 : i32
        scf.for %parallel_loop3A_255 = %parallel_loop3A_252 to %parallel_loop3A_253 step %parallel_loop3A_254  : i32 {
          %parallel_loop3A_256 = arith.constant 16 : i32
          %parallel_loop3A_257 = arith.muli %parallel_loop3A_255, %parallel_loop3A_256 : i32
          %parallel_loop3A_258 = arith.constant 2 : i32
          %parallel_loop3A_259 = arith.index_cast %parallel_loop3A_258 : i32 to index
          %parallel_loop3A_260 = arith.index_cast %add3A_251 : i32 to index
          %parallel_loop3A_261 = arith.index_cast %parallel_loop3A_257 : i32 to index
          %parallel_loop3A_262 = tpu.vector_load %arg4[%parallel_loop3A_259, %parallel_loop3A_260, %parallel_loop3A_261] {strides = array<i32>} : memref<4x16x512xi32, #tpu.memory_space<vmem>>, vector<16xi32>,
          %parallel_loop3A_263 = arith.constant 65535 : i32
          %parallel_loop3A_264 = vector.broadcast %parallel_loop3A_263 : i32 to vector<16xi32>
          %parallel_loop3A_265 = arith.andi %parallel_loop3A_262, %parallel_loop3A_264 : vector<16xi32>
          %parallel_loop3A_266 = arith.constant 16 : i32
          %parallel_loop3A_267 = vector.broadcast %parallel_loop3A_266 : i32 to vector<16xi32>
          %parallel_loop3A_268 = arith.shrui %parallel_loop3A_262, %parallel_loop3A_267 : vector<16xi32>
          tpu.vector_store_idx %arg5[%parallel_loop3A_265], %broadcast_in_dim3A_3 {add = true} : memref<65536xf32, #tpu.memory_space<vmem>>[vector<16xi32>], vector<16xf32>,
          tpu.vector_store_idx %arg5[%parallel_loop3A_268], %broadcast_in_dim3A_3 {add = true} : memref<65536xf32, #tpu.memory_space<vmem>>[vector<16xi32>], vector<16xf32>,
        } {sc.loop_unroll_factor = 16 : i64, sc.parallel_access}
      }
      %scan3A_205 = arith.constant 16 : i32
      %add3A_206 = arith.constant 4 : i32
      %add3A_207 = arith.addi %add3A_122, %add3A_206 : i32
      %add3A_208 = arith.constant 2 : i32
      %add3A_209 = arith.addi %add3A_207, %add3A_208 : i32
      %lt3A_210 = arith.constant 20 : i32
      %lt3A_211 = arith.cmpi slt, %add3A_209, %lt3A_210 : i32
      %convert_element_type3A_212 = arith.extui %lt3A_211 : i1 to i32
      %cond3A_213 = arith.constant 0 : i32
      %cond3A_214 = arith.cmpi ne, %convert_element_type3A_212, %cond3A_213 : i32
      scf.if %cond3A_214 {
        %add3A_247 = arith.constant 4 : i32
        %add3A_248 = arith.addi %add3A_122, %add3A_247 : i32
        %add3A_249 = arith.constant 2 : i32
        %add3A_250 = arith.addi %add3A_248, %add3A_249 : i32
        %mul3A_251 = arith.constant 20 : i32
        %mul3A_252 = arith.muli %add3A, %mul3A_251 : i32
        %add3A_253 = arith.addi %mul3A_252, %add3A_250 : i32
        %div3A_254 = arith.constant 64 : i32
        %div3A_255 = arith.divsi %add3A_253, %div3A_254 : i32
        %rem3A_256 = arith.constant 64 : i32
        %rem3A_257 = arith.remsi %add3A_253, %rem3A_256 : i32
        %mul3A_258 = arith.constant 16 : i32
        %mul3A_259 = arith.muli %rem3A_257, %mul3A_258 : i32
        %dma_start3A_260 = arith.constant 2 : i32
        %dma_start3A_261 = arith.constant 0 : i32
        %dma_start3A_262 = arith.constant 0 : i32
        %dma_start3A_263 = tpu.memref_slice %arg4[%dma_start3A_260, %dma_start3A_261, %dma_start3A_262] : memref<4x16x512xi32, #tpu.memory_space<vmem>> -> memref<1x16x512xi32, #tpu.memory_space<vmem>>
        %dma_start3A_264 = tpu.memref_squeeze %dma_start3A_263 : memref<1x16x512xi32, #tpu.memory_space<vmem>> -> memref<16x512xi32, #tpu.memory_space<vmem>>
        %dma_start3A_265 = arith.constant 0 : i32
        %dma_start3A_266 = tpu.memref_slice %arg2[%div3A_255, %mul3A_259, %dma_start3A_265] : memref<10x1024x512xi32, #tpu.memory_space<hbm>> -> memref<1x16x512xi32, #tpu.memory_space<hbm>>
        %dma_start3A_267 = tpu.memref_squeeze %dma_start3A_266 : memref<1x16x512xi32, #tpu.memory_space<hbm>> -> memref<16x512xi32, #tpu.memory_space<hbm>>
        %dma_start3A_268 = arith.constant 0 : i32
        %dma_start3A_269 = arith.constant 0 : i32
        %dma_start3A_270 = tpu.memref_slice %arg4[%dma_start3A_260, %dma_start3A_268, %dma_start3A_269] : memref<4x16x512xi32, #tpu.memory_space<vmem>> -> memref<1x16x512xi32, #tpu.memory_space<vmem>>
        %dma_start3A_271 = tpu.memref_squeeze %dma_start3A_270 : memref<1x16x512xi32, #tpu.memory_space<vmem>> -> memref<16x512xi32, #tpu.memory_space<vmem>>
        %dma_start3A_272 = arith.constant 0 : i32
        %dma_start3A_273 = tpu.memref_slice %arg2[%div3A_255, %mul3A_259, %dma_start3A_272] : memref<10x1024x512xi32, #tpu.memory_space<hbm>> -> memref<1x16x512xi32, #tpu.memory_space<hbm>>
        %dma_start3A_274 = tpu.memref_squeeze %dma_start3A_273 : memref<1x16x512xi32, #tpu.memory_space<hbm>> -> memref<16x512xi32, #tpu.memory_space<hbm>>
        tpu.enqueue_dma source(%dma_start3A_274 : memref<16x512xi32, #tpu.memory_space<hbm>>) target(%dma_start3A_271 : memref<16x512xi32, #tpu.memory_space<vmem>>) target_semaphore(%arg10 : memref<!tpu.dma_semaphore, #tpu.memory_space<semaphore_mem>>)
      } else {
      }
      %dma_wait3A_215 = arith.constant 0 : i32
      %dma_wait3A_216 = arith.constant 3 : i32
      %dma_wait3A_217 = arith.constant 0 : i32
      %dma_wait3A_218 = arith.constant 0 : i32
      %dma_wait3A_219 = tpu.memref_slice %arg4[%dma_wait3A_216, %dma_wait3A_217, %dma_wait3A_218] : memref<4x16x512xi32, #tpu.memory_space<vmem>> -> memref<1x16x512xi32, #tpu.memory_space<vmem>>
      %dma_wait3A_220 = tpu.memref_squeeze %dma_wait3A_219 : memref<1x16x512xi32, #tpu.memory_space<vmem>> -> memref<16x512xi32, #tpu.memory_space<vmem>>
      %dma_wait3A_221 = arith.constant 0 : i32
      %dma_wait3A_222 = arith.constant 0 : i32
      %dma_wait3A_223 = tpu.memref_slice %arg2[%dma_wait3A_215, %dma_wait3A_221, %dma_wait3A_222] : memref<10x1024x512xi32, #tpu.memory_space<hbm>> -> memref<1x16x512xi32, #tpu.memory_space<hbm>>
      %dma_wait3A_224 = tpu.memref_squeeze %dma_wait3A_223 : memref<1x16x512xi32, #tpu.memory_space<hbm>> -> memref<16x512xi32, #tpu.memory_space<hbm>>
      %dma_wait3A_225 = arith.constant 0 : i32
      %dma_wait3A_226 = arith.constant 0 : i32
      %dma_wait3A_227 = tpu.memref_slice %arg4[%dma_wait3A_216, %dma_wait3A_225, %dma_wait3A_226] : memref<4x16x512xi32, #tpu.memory_space<vmem>> -> memref<1x16x512xi32, #tpu.memory_space<vmem>>
      %dma_wait3A_228 = tpu.memref_squeeze %dma_wait3A_227 : memref<1x16x512xi32, #tpu.memory_space<vmem>> -> memref<16x512xi32, #tpu.memory_space<vmem>>
      %dma_wait3A_229 = arith.constant 0 : i32
      %dma_wait3A_230 = arith.constant 0 : i32
      %dma_wait3A_231 = tpu.memref_slice %arg2[%dma_wait3A_215, %dma_wait3A_229, %dma_wait3A_230] : memref<10x1024x512xi32, #tpu.memory_space<hbm>> -> memref<1x16x512xi32, #tpu.memory_space<hbm>>
      %dma_wait3A_232 = tpu.memref_squeeze %dma_wait3A_231 : memref<1x16x512xi32, #tpu.memory_space<hbm>> -> memref<16x512xi32, #tpu.memory_space<hbm>>
      tpu.wait_dma2 semaphore(%arg11 : memref<!tpu.dma_semaphore, #tpu.memory_space<semaphore_mem>>) src(%dma_wait3A_232 : memref<16x512xi32, #tpu.memory_space<hbm>>) dst(%dma_wait3A_228 : memref<16x512xi32, #tpu.memory_space<vmem>>)
      %scan3A_233 = arith.constant 0 : i32
      %scan3A_234 = arith.constant 16 : i32
      %scan3A_235 = arith.addi %scan3A_233, %scan3A_234 : i32
      %scan3A_236 = arith.constant 1 : i32
      scf.for %scan3A_247 = %scan3A_233 to %scan3A_235 step %scan3A_236  : i32 {
        %mul3A_248 = arith.constant 1 : i32
        %mul3A_249 = arith.muli %scan3A_247, %mul3A_248 : i32
        %add3A_250 = arith.constant 0 : i32
        %add3A_251 = arith.addi %add3A_250, %mul3A_249 : i32
        %parallel_loop3A_252 = arith.constant 0 : i32
        %parallel_loop3A_253 = arith.constant 32 : i32
        %parallel_loop3A_254 = arith.constant 1 : i32
        scf.for %parallel_loop3A_255 = %parallel_loop3A_252 to %parallel_loop3A_253 step %parallel_loop3A_254  : i32 {
          %parallel_loop3A_256 = arith.constant 16 : i32
          %parallel_loop3A_257 = arith.muli %parallel_loop3A_255, %parallel_loop3A_256 : i32
          %parallel_loop3A_258 = arith.constant 3 : i32
          %parallel_loop3A_259 = arith.index_cast %parallel_loop3A_258 : i32 to index
          %parallel_loop3A_260 = arith.index_cast %add3A_251 : i32 to index
          %parallel_loop3A_261 = arith.index_cast %parallel_loop3A_257 : i32 to index
          %parallel_loop3A_262 = tpu.vector_load %arg4[%parallel_loop3A_259, %parallel_loop3A_260, %parallel_loop3A_261] {strides = array<i32>} : memref<4x16x512xi32, #tpu.memory_space<vmem>>, vector<16xi32>,
          %parallel_loop3A_263 = arith.constant 65535 : i32
          %parallel_loop3A_264 = vector.broadcast %parallel_loop3A_263 : i32 to vector<16xi32>
          %parallel_loop3A_265 = arith.andi %parallel_loop3A_262, %parallel_loop3A_264 : vector<16xi32>
          %parallel_loop3A_266 = arith.constant 16 : i32
          %parallel_loop3A_267 = vector.broadcast %parallel_loop3A_266 : i32 to vector<16xi32>
          %parallel_loop3A_268 = arith.shrui %parallel_loop3A_262, %parallel_loop3A_267 : vector<16xi32>
          tpu.vector_store_idx %arg5[%parallel_loop3A_265], %broadcast_in_dim3A_3 {add = true} : memref<65536xf32, #tpu.memory_space<vmem>>[vector<16xi32>], vector<16xf32>,
          tpu.vector_store_idx %arg5[%parallel_loop3A_268], %broadcast_in_dim3A_3 {add = true} : memref<65536xf32, #tpu.memory_space<vmem>>[vector<16xi32>], vector<16xf32>,
        } {sc.loop_unroll_factor = 16 : i64, sc.parallel_access}
      }
      %scan3A_237 = arith.constant 16 : i32
      %add3A_238 = arith.constant 4 : i32
      %add3A_239 = arith.addi %add3A_122, %add3A_238 : i32
      %add3A_240 = arith.constant 3 : i32
      %add3A_241 = arith.addi %add3A_239, %add3A_240 : i32
      %lt3A_242 = arith.constant 20 : i32
      %lt3A_243 = arith.cmpi slt, %add3A_241, %lt3A_242 : i32
      %convert_element_type3A_244 = arith.extui %lt3A_243 : i1 to i32
      %cond3A_245 = arith.constant 0 : i32
      %cond3A_246 = arith.cmpi ne, %convert_element_type3A_244, %cond3A_245 : i32
      scf.if %cond3A_246 {
        %add3A_247 = arith.constant 4 : i32
        %add3A_248 = arith.addi %add3A_122, %add3A_247 : i32
        %add3A_249 = arith.constant 3 : i32
        %add3A_250 = arith.addi %add3A_248, %add3A_249 : i32
        %mul3A_251 = arith.constant 20 : i32
        %mul3A_252 = arith.muli %add3A, %mul3A_251 : i32
        %add3A_253 = arith.addi %mul3A_252, %add3A_250 : i32
        %div3A_254 = arith.constant 64 : i32
        %div3A_255 = arith.divsi %add3A_253, %div3A_254 : i32
        %rem3A_256 = arith.constant 64 : i32
        %rem3A_257 = arith.remsi %add3A_253, %rem3A_256 : i32
        %mul3A_258 = arith.constant 16 : i32
        %mul3A_259 = arith.muli %rem3A_257, %mul3A_258 : i32
        %dma_start3A_260 = arith.constant 3 : i32
        %dma_start3A_261 = arith.constant 0 : i32
        %dma_start3A_262 = arith.constant 0 : i32
        %dma_start3A_263 = tpu.memref_slice %arg4[%dma_start3A_260, %dma_start3A_261, %dma_start3A_262] : memref<4x16x512xi32, #tpu.memory_space<vmem>> -> memref<1x16x512xi32, #tpu.memory_space<vmem>>
        %dma_start3A_264 = tpu.memref_squeeze %dma_start3A_263 : memref<1x16x512xi32, #tpu.memory_space<vmem>> -> memref<16x512xi32, #tpu.memory_space<vmem>>
        %dma_start3A_265 = arith.constant 0 : i32
        %dma_start3A_266 = tpu.memref_slice %arg2[%div3A_255, %mul3A_259, %dma_start3A_265] : memref<10x1024x512xi32, #tpu.memory_space<hbm>> -> memref<1x16x512xi32, #tpu.memory_space<hbm>>
        %dma_start3A_267 = tpu.memref_squeeze %dma_start3A_266 : memref<1x16x512xi32, #tpu.memory_space<hbm>> -> memref<16x512xi32, #tpu.memory_space<hbm>>
        %dma_start3A_268 = arith.constant 0 : i32
        %dma_start3A_269 = arith.constant 0 : i32
        %dma_start3A_270 = tpu.memref_slice %arg4[%dma_start3A_260, %dma_start3A_268, %dma_start3A_269] : memref<4x16x512xi32, #tpu.memory_space<vmem>> -> memref<1x16x512xi32, #tpu.memory_space<vmem>>
        %dma_start3A_271 = tpu.memref_squeeze %dma_start3A_270 : memref<1x16x512xi32, #tpu.memory_space<vmem>> -> memref<16x512xi32, #tpu.memory_space<vmem>>
        %dma_start3A_272 = arith.constant 0 : i32
        %dma_start3A_273 = tpu.memref_slice %arg2[%div3A_255, %mul3A_259, %dma_start3A_272] : memref<10x1024x512xi32, #tpu.memory_space<hbm>> -> memref<1x16x512xi32, #tpu.memory_space<hbm>>
        %dma_start3A_274 = tpu.memref_squeeze %dma_start3A_273 : memref<1x16x512xi32, #tpu.memory_space<hbm>> -> memref<16x512xi32, #tpu.memory_space<hbm>>
        tpu.enqueue_dma source(%dma_start3A_274 : memref<16x512xi32, #tpu.memory_space<hbm>>) target(%dma_start3A_271 : memref<16x512xi32, #tpu.memory_space<vmem>>) target_semaphore(%arg11 : memref<!tpu.dma_semaphore, #tpu.memory_space<semaphore_mem>>)
      } else {
      }
    }
    %scan3A_109 = arith.constant 5 : i32
    %iota3A = tpu.iota {dimensions = array<i32: 0>} : vector<16xi32>
    %mul3A_110 = arith.constant 4 : i32
    %mul3A_111 = vector.broadcast %mul3A_110 : i32 to vector<16xi32>
    %mul3A_112 = arith.muli %iota3A, %mul3A_111 : vector<16xi32>
    %parallel_loop3A = arith.constant 0 : i32
    %parallel_loop3A_113 = arith.constant 1024 : i32
    %parallel_loop3A_114 = arith.constant 1 : i32
    scf.for %parallel_loop3A_118 = %parallel_loop3A to %parallel_loop3A_113 step %parallel_loop3A_114  : i32 {
      %parallel_loop3A_119 = arith.constant 64 : i32
      %parallel_loop3A_120 = arith.muli %parallel_loop3A_118, %parallel_loop3A_119 : i32
      %parallel_loop3A_121 = vector.broadcast %parallel_loop3A_120 : i32 to vector<16xi32>
      %parallel_loop3A_122 = arith.addi %mul3A_112, %parallel_loop3A_121 : vector<16xi32>
      %parallel_loop3A_123 = tpu.vector_load_idx %arg5[%parallel_loop3A_122] : memref<65536xf32, #tpu.memory_space<vmem>>[vector<16xi32>], vector<16xf32>,
      %parallel_loop3A_124 = arith.constant 1 : i32
      %parallel_loop3A_125 = vector.broadcast %parallel_loop3A_124 : i32 to vector<16xi32>
      %parallel_loop3A_126 = arith.addi %parallel_loop3A_122, %parallel_loop3A_125 : vector<16xi32>
      %parallel_loop3A_127 = tpu.vector_load_idx %arg5[%parallel_loop3A_126] : memref<65536xf32, #tpu.memory_space<vmem>>[vector<16xi32>], vector<16xf32>,
      %parallel_loop3A_128 = arith.addf %parallel_loop3A_123, %parallel_loop3A_127 : vector<16xf32>
      %parallel_loop3A_129 = arith.constant 2 : i32
      %parallel_loop3A_130 = vector.broadcast %parallel_loop3A_129 : i32 to vector<16xi32>
      %parallel_loop3A_131 = arith.addi %parallel_loop3A_122, %parallel_loop3A_130 : vector<16xi32>
      %parallel_loop3A_132 = tpu.vector_load_idx %arg5[%parallel_loop3A_131] : memref<65536xf32, #tpu.memory_space<vmem>>[vector<16xi32>], vector<16xf32>,
      %parallel_loop3A_133 = arith.addf %parallel_loop3A_128, %parallel_loop3A_132 : vector<16xf32>
      %parallel_loop3A_134 = arith.constant 3 : i32
      %parallel_loop3A_135 = vector.broadcast %parallel_loop3A_134 : i32 to vector<16xi32>
      %parallel_loop3A_136 = arith.addi %parallel_loop3A_122, %parallel_loop3A_135 : vector<16xi32>
      %parallel_loop3A_137 = tpu.vector_load_idx %arg5[%parallel_loop3A_136] : memref<65536xf32, #tpu.memory_space<vmem>>[vector<16xi32>], vector<16xf32>,
      %parallel_loop3A_138 = arith.addf %parallel_loop3A_133, %parallel_loop3A_137 : vector<16xf32>
      %parallel_loop3A_139 = arith.constant 16 : i32
      %parallel_loop3A_140 = arith.muli %parallel_loop3A_118, %parallel_loop3A_139 : i32
      %parallel_loop3A_141 = arith.index_cast %parallel_loop3A_140 : i32 to index
      %parallel_loop3A_142 = tpu.vector_load %arg6[%parallel_loop3A_141] {strides = array<i32>} : memref<16384xf32, #tpu.memory_space<vmem>>, vector<16xf32>,
      tpu.vector_store %arg6[%parallel_loop3A_141], %parallel_loop3A_138 {strides = array<i32>} : memref<16384xf32, #tpu.memory_space<vmem>>, vector<16xf32>,
    } {sc.loop_unroll_factor = 4 : i64, sc.parallel_access}
    %parallel_loop3A_115 = arith.constant 0 : i32
    %parallel_loop3A_116 = arith.constant 256 : i32
    %parallel_loop3A_117 = arith.constant 1 : i32
    scf.for %parallel_loop3A_118 = %parallel_loop3A_115 to %parallel_loop3A_116 step %parallel_loop3A_117  : i32 {
      %parallel_loop3A_119 = arith.constant 64 : i32
      %parallel_loop3A_120 = arith.muli %parallel_loop3A_118, %parallel_loop3A_119 : i32
      %parallel_loop3A_121 = vector.broadcast %parallel_loop3A_120 : i32 to vector<16xi32>
      %parallel_loop3A_122 = arith.addi %mul3A_112, %parallel_loop3A_121 : vector<16xi32>
      %parallel_loop3A_123 = tpu.vector_load_idx %arg6[%parallel_loop3A_122] : memref<16384xf32, #tpu.memory_space<vmem>>[vector<16xi32>], vector<16xf32>,
      %parallel_loop3A_124 = arith.constant 1 : i32
      %parallel_loop3A_125 = vector.broadcast %parallel_loop3A_124 : i32 to vector<16xi32>
      %parallel_loop3A_126 = arith.addi %parallel_loop3A_122, %parallel_loop3A_125 : vector<16xi32>
      %parallel_loop3A_127 = tpu.vector_load_idx %arg6[%parallel_loop3A_126] : memref<16384xf32, #tpu.memory_space<vmem>>[vector<16xi32>], vector<16xf32>,
      %parallel_loop3A_128 = arith.addf %parallel_loop3A_123, %parallel_loop3A_127 : vector<16xf32>
      %parallel_loop3A_129 = arith.constant 2 : i32
      %parallel_loop3A_130 = vector.broadcast %parallel_loop3A_129 : i32 to vector<16xi32>
      %parallel_loop3A_131 = arith.addi %parallel_loop3A_122, %parallel_loop3A_130 : vector<16xi32>
      %parallel_loop3A_132 = tpu.vector_load_idx %arg6[%parallel_loop3A_131] : memref<16384xf32, #tpu.memory_space<vmem>>[vector<16xi32>], vector<16xf32>,
      %parallel_loop3A_133 = arith.addf %parallel_loop3A_128, %parallel_loop3A_132 : vector<16xf32>
      %parallel_loop3A_134 = arith.constant 3 : i32
      %parallel_loop3A_135 = vector.broadcast %parallel_loop3A_134 : i32 to vector<16xi32>
      %parallel_loop3A_136 = arith.addi %parallel_loop3A_122, %parallel_loop3A_135 : vector<16xi32>
      %parallel_loop3A_137 = tpu.vector_load_idx %arg6[%parallel_loop3A_136] : memref<16384xf32, #tpu.memory_space<vmem>>[vector<16xi32>], vector<16xf32>,
      %parallel_loop3A_138 = arith.addf %parallel_loop3A_133, %parallel_loop3A_137 : vector<16xf32>
      %parallel_loop3A_139 = arith.constant 16 : i32
      %parallel_loop3A_140 = arith.muli %parallel_loop3A_118, %parallel_loop3A_139 : i32
      %parallel_loop3A_141 = arith.index_cast %parallel_loop3A_140 : i32 to index
      %parallel_loop3A_142 = tpu.vector_load %arg7[%parallel_loop3A_141] {strides = array<i32>} : memref<4096xf32, #tpu.memory_space<vmem>>, vector<16xf32>,
      tpu.vector_store %arg7[%parallel_loop3A_141], %parallel_loop3A_138 {strides = array<i32>} : memref<4096xf32, #tpu.memory_space<vmem>>, vector<16xf32>,
    } {sc.loop_unroll_factor = 4 : i64, sc.parallel_access}
    "tpu.region"() ({
      %run_scoped3A = tpu.sem_alloc : memref<!tpu.dma_semaphore, #tpu.memory_space<semaphore_mem>>
      %dma_start3A_118 = arith.constant 0 : i32
      %dma_start3A_119 = tpu.memref_slice %arg3[%add3A, %dma_start3A_118] : memref<32x4096xf32, #tpu.memory_space<hbm>> -> memref<1x4096xf32, #tpu.memory_space<hbm>>
      %dma_start3A_120 = tpu.memref_squeeze %dma_start3A_119 : memref<1x4096xf32, #tpu.memory_space<hbm>> -> memref<4096xf32, #tpu.memory_space<hbm>>
      %dma_start3A_121 = arith.constant 0 : i32
      %dma_start3A_122 = tpu.memref_slice %arg3[%add3A, %dma_start3A_121] : memref<32x4096xf32, #tpu.memory_space<hbm>> -> memref<1x4096xf32, #tpu.memory_space<hbm>>
      %dma_start3A_123 = tpu.memref_squeeze %dma_start3A_122 : memref<1x4096xf32, #tpu.memory_space<hbm>> -> memref<4096xf32, #tpu.memory_space<hbm>>
      tpu.enqueue_dma source(%arg7 : memref<4096xf32, #tpu.memory_space<vmem>>) target(%dma_start3A_123 : memref<4096xf32, #tpu.memory_space<hbm>>) target_semaphore(%run_scoped3A : memref<!tpu.dma_semaphore, #tpu.memory_space<semaphore_mem>>)
      %dma_wait3A = arith.constant 0 : i32
      %dma_wait3A_124 = tpu.memref_slice %arg3[%add3A, %dma_wait3A] : memref<32x4096xf32, #tpu.memory_space<hbm>> -> memref<1x4096xf32, #tpu.memory_space<hbm>>
      %dma_wait3A_125 = tpu.memref_squeeze %dma_wait3A_124 : memref<1x4096xf32, #tpu.memory_space<hbm>> -> memref<4096xf32, #tpu.memory_space<hbm>>
      %dma_wait3A_126 = arith.constant 0 : i32
      %dma_wait3A_127 = tpu.memref_slice %arg3[%add3A, %dma_wait3A_126] : memref<32x4096xf32, #tpu.memory_space<hbm>> -> memref<1x4096xf32, #tpu.memory_space<hbm>>
      %dma_wait3A_128 = tpu.memref_squeeze %dma_wait3A_127 : memref<1x4096xf32, #tpu.memory_space<hbm>> -> memref<4096xf32, #tpu.memory_space<hbm>>
      tpu.wait_dma2 semaphore(%run_scoped3A : memref<!tpu.dma_semaphore, #tpu.memory_space<semaphore_mem>>) src(%arg7 : memref<4096xf32, #tpu.memory_space<vmem>>) dst(%dma_wait3A_128 : memref<4096xf32, #tpu.memory_space<hbm>>)
      tpu.yield
    }) : () -> ()
    return
  }
}

#map = affine_map<(d0, d1) -> (0, 0, 0)>
#map1 = affine_map<(d0, d1) -> (0, 0)>
module attributes {stable_mosaic.version = 14 : i64} {
  func.func @_sc_hist_body(%arg0: i32, %arg1: i32, %arg2: memref<10x1024x512xi32, #tpu.memory_space<hbm>>, %arg3: memref<32x4096xf32, #tpu.memory_space<hbm>>, %arg4: memref<4x16x512xi32, #tpu.memory_space<vmem>>, %arg5: memref<65536xf32, #tpu.memory_space<vmem>>, %arg6: memref<16384xf32, #tpu.memory_space<vmem>>, %arg7: memref<4096xf32, #tpu.memory_space<vmem>>, %arg8: memref<!tpu.dma_semaphore, #tpu.memory_space<semaphore_mem>>, %arg9: memref<!tpu.dma_semaphore, #tpu.memory_space<semaphore_mem>>, %arg10: memref<!tpu.dma_semaphore, #tpu.memory_space<semaphore_mem>>, %arg11: memref<!tpu.dma_semaphore, #tpu.memory_space<semaphore_mem>>) attributes {dimension_semantics = [#tpu.dimension_semantics<core_parallel>, #tpu.dimension_semantics<subcore_parallel>], iteration_bounds = array<i64: 2, 16>, scalar_prefetch = 0 : i64, scratch_operands = 8 : i64, tpu.core_type = #tpu.core_type<sc_vector_subcore>, window_params = [{transform_indices = #map}, {transform_indices = #map1}]} {
    %mul3A = arith.constant 2 : i32
    %mul3A_0 = arith.muli %arg1, %mul3A : i32
    %add3A = arith.addi %mul3A_0, %arg0 : i32
    %broadcast_in_dim3A = arith.constant 0.000000e+00 : f32
    %broadcast_in_dim3A_1 = vector.broadcast %broadcast_in_dim3A : f32 to vector<16xf32>
    %broadcast_in_dim3A_2 = arith.constant 1.000000e+00 : f32
    %broadcast_in_dim3A_3 = vector.broadcast %broadcast_in_dim3A_2 : f32 to vector<16xf32>
    %mul3A_4 = arith.constant 20 : i32
    %mul3A_5 = arith.muli %add3A, %mul3A_4 : i32
    %add3A_6 = arith.constant 0 : i32
    %add3A_7 = arith.addi %mul3A_5, %add3A_6 : i32
    %div3A = arith.constant 64 : i32
    %div3A_8 = arith.divsi %add3A_7, %div3A : i32
    %rem3A = arith.constant 64 : i32
    %rem3A_9 = arith.remsi %add3A_7, %rem3A : i32
    %mul3A_10 = arith.constant 16 : i32
    %mul3A_11 = arith.muli %rem3A_9, %mul3A_10 : i32
    %dma_start3A = arith.constant 0 : i32
    %dma_start3A_12 = arith.constant 0 : i32
    %dma_start3A_13 = arith.constant 0 : i32
    %dma_start3A_14 = tpu.memref_slice %arg4[%dma_start3A, %dma_start3A_12, %dma_start3A_13] : memref<4x16x512xi32, #tpu.memory_space<vmem>> -> memref<1x16x512xi32, #tpu.memory_space<vmem>>
    %dma_start3A_15 = tpu.memref_squeeze %dma_start3A_14 : memref<1x16x512xi32, #tpu.memory_space<vmem>> -> memref<16x512xi32, #tpu.memory_space<vmem>>
    %dma_start3A_16 = arith.constant 0 : i32
    %dma_start3A_17 = tpu.memref_slice %arg2[%div3A_8, %mul3A_11, %dma_start3A_16] : memref<10x1024x512xi32, #tpu.memory_space<hbm>> -> memref<1x16x512xi32, #tpu.memory_space<hbm>>
    %dma_start3A_18 = tpu.memref_squeeze %dma_start3A_17 : memref<1x16x512xi32, #tpu.memory_space<hbm>> -> memref<16x512xi32, #tpu.memory_space<hbm>>
    %dma_start3A_19 = arith.constant 0 : i32
    %dma_start3A_20 = arith.constant 0 : i32
    %dma_start3A_21 = tpu.memref_slice %arg4[%dma_start3A, %dma_start3A_19, %dma_start3A_20] : memref<4x16x512xi32, #tpu.memory_space<vmem>> -> memref<1x16x512xi32, #tpu.memory_space<vmem>>
    %dma_start3A_22 = tpu.memref_squeeze %dma_start3A_21 : memref<1x16x512xi32, #tpu.memory_space<vmem>> -> memref<16x512xi32, #tpu.memory_space<vmem>>
    %dma_start3A_23 = arith.constant 0 : i32
    %dma_start3A_24 = tpu.memref_slice %arg2[%div3A_8, %mul3A_11, %dma_start3A_23] : memref<10x1024x512xi32, #tpu.memory_space<hbm>> -> memref<1x16x512xi32, #tpu.memory_space<hbm>>
    %dma_start3A_25 = tpu.memref_squeeze %dma_start3A_24 : memref<1x16x512xi32, #tpu.memory_space<hbm>> -> memref<16x512xi32, #tpu.memory_space<hbm>>
    tpu.enqueue_dma source(%dma_start3A_25 : memref<16x512xi32, #tpu.memory_space<hbm>>) target(%dma_start3A_22 : memref<16x512xi32, #tpu.memory_space<vmem>>) target_semaphore(%arg8 : memref<!tpu.dma_semaphore, #tpu.memory_space<semaphore_mem>>)
    %mul3A_26 = arith.constant 20 : i32
    %mul3A_27 = arith.muli %add3A, %mul3A_26 : i32
    %add3A_28 = arith.constant 1 : i32
    %add3A_29 = arith.addi %mul3A_27, %add3A_28 : i32
    %div3A_30 = arith.constant 64 : i32
    %div3A_31 = arith.divsi %add3A_29, %div3A_30 : i32
    %rem3A_32 = arith.constant 64 : i32
    %rem3A_33 = arith.remsi %add3A_29, %rem3A_32 : i32
    %mul3A_34 = arith.constant 16 : i32
    %mul3A_35 = arith.muli %rem3A_33, %mul3A_34 : i32
    %dma_start3A_36 = arith.constant 1 : i32
    %dma_start3A_37 = arith.constant 0 : i32
    %dma_start3A_38 = arith.constant 0 : i32
    %dma_start3A_39 = tpu.memref_slice %arg4[%dma_start3A_36, %dma_start3A_37, %dma_start3A_38] : memref<4x16x512xi32, #tpu.memory_space<vmem>> -> memref<1x16x512xi32, #tpu.memory_space<vmem>>
    %dma_start3A_40 = tpu.memref_squeeze %dma_start3A_39 : memref<1x16x512xi32, #tpu.memory_space<vmem>> -> memref<16x512xi32, #tpu.memory_space<vmem>>
    %dma_start3A_41 = arith.constant 0 : i32
    %dma_start3A_42 = tpu.memref_slice %arg2[%div3A_31, %mul3A_35, %dma_start3A_41] : memref<10x1024x512xi32, #tpu.memory_space<hbm>> -> memref<1x16x512xi32, #tpu.memory_space<hbm>>
    %dma_start3A_43 = tpu.memref_squeeze %dma_start3A_42 : memref<1x16x512xi32, #tpu.memory_space<hbm>> -> memref<16x512xi32, #tpu.memory_space<hbm>>
    %dma_start3A_44 = arith.constant 0 : i32
    %dma_start3A_45 = arith.constant 0 : i32
    %dma_start3A_46 = tpu.memref_slice %arg4[%dma_start3A_36, %dma_start3A_44, %dma_start3A_45] : memref<4x16x512xi32, #tpu.memory_space<vmem>> -> memref<1x16x512xi32, #tpu.memory_space<vmem>>
    %dma_start3A_47 = tpu.memref_squeeze %dma_start3A_46 : memref<1x16x512xi32, #tpu.memory_space<vmem>> -> memref<16x512xi32, #tpu.memory_space<vmem>>
    %dma_start3A_48 = arith.constant 0 : i32
    %dma_start3A_49 = tpu.memref_slice %arg2[%div3A_31, %mul3A_35, %dma_start3A_48] : memref<10x1024x512xi32, #tpu.memory_space<hbm>> -> memref<1x16x512xi32, #tpu.memory_space<hbm>>
    %dma_start3A_50 = tpu.memref_squeeze %dma_start3A_49 : memref<1x16x512xi32, #tpu.memory_space<hbm>> -> memref<16x512xi32, #tpu.memory_space<hbm>>
    tpu.enqueue_dma source(%dma_start3A_50 : memref<16x512xi32, #tpu.memory_space<hbm>>) target(%dma_start3A_47 : memref<16x512xi32, #tpu.memory_space<vmem>>) target_semaphore(%arg9 : memref<!tpu.dma_semaphore, #tpu.memory_space<semaphore_mem>>)
    %mul3A_51 = arith.constant 20 : i32
    %mul3A_52 = arith.muli %add3A, %mul3A_51 : i32
    %add3A_53 = arith.constant 2 : i32
    %add3A_54 = arith.addi %mul3A_52, %add3A_53 : i32
    %div3A_55 = arith.constant 64 : i32
    %div3A_56 = arith.divsi %add3A_54, %div3A_55 : i32
    %rem3A_57 = arith.constant 64 : i32
    %rem3A_58 = arith.remsi %add3A_54, %rem3A_57 : i32
    %mul3A_59 = arith.constant 16 : i32
    %mul3A_60 = arith.muli %rem3A_58, %mul3A_59 : i32
    %dma_start3A_61 = arith.constant 2 : i32
    %dma_start3A_62 = arith.constant 0 : i32
    %dma_start3A_63 = arith.constant 0 : i32
    %dma_start3A_64 = tpu.memref_slice %arg4[%dma_start3A_61, %dma_start3A_62, %dma_start3A_63] : memref<4x16x512xi32, #tpu.memory_space<vmem>> -> memref<1x16x512xi32, #tpu.memory_space<vmem>>
    %dma_start3A_65 = tpu.memref_squeeze %dma_start3A_64 : memref<1x16x512xi32, #tpu.memory_space<vmem>> -> memref<16x512xi32, #tpu.memory_space<vmem>>
    %dma_start3A_66 = arith.constant 0 : i32
    %dma_start3A_67 = tpu.memref_slice %arg2[%div3A_56, %mul3A_60, %dma_start3A_66] : memref<10x1024x512xi32, #tpu.memory_space<hbm>> -> memref<1x16x512xi32, #tpu.memory_space<hbm>>
    %dma_start3A_68 = tpu.memref_squeeze %dma_start3A_67 : memref<1x16x512xi32, #tpu.memory_space<hbm>> -> memref<16x512xi32, #tpu.memory_space<hbm>>
    %dma_start3A_69 = arith.constant 0 : i32
    %dma_start3A_70 = arith.constant 0 : i32
    %dma_start3A_71 = tpu.memref_slice %arg4[%dma_start3A_61, %dma_start3A_69, %dma_start3A_70] : memref<4x16x512xi32, #tpu.memory_space<vmem>> -> memref<1x16x512xi32, #tpu.memory_space<vmem>>
    %dma_start3A_72 = tpu.memref_squeeze %dma_start3A_71 : memref<1x16x512xi32, #tpu.memory_space<vmem>> -> memref<16x512xi32, #tpu.memory_space<vmem>>
    %dma_start3A_73 = arith.constant 0 : i32
    %dma_start3A_74 = tpu.memref_slice %arg2[%div3A_56, %mul3A_60, %dma_start3A_73] : memref<10x1024x512xi32, #tpu.memory_space<hbm>> -> memref<1x16x512xi32, #tpu.memory_space<hbm>>
    %dma_start3A_75 = tpu.memref_squeeze %dma_start3A_74 : memref<1x16x512xi32, #tpu.memory_space<hbm>> -> memref<16x512xi32, #tpu.memory_space<hbm>>
    tpu.enqueue_dma source(%dma_start3A_75 : memref<16x512xi32, #tpu.memory_space<hbm>>) target(%dma_start3A_72 : memref<16x512xi32, #tpu.memory_space<vmem>>) target_semaphore(%arg10 : memref<!tpu.dma_semaphore, #tpu.memory_space<semaphore_mem>>)
    %mul3A_76 = arith.constant 20 : i32
    %mul3A_77 = arith.muli %add3A, %mul3A_76 : i32
    %add3A_78 = arith.constant 3 : i32
    %add3A_79 = arith.addi %mul3A_77, %add3A_78 : i32
    %div3A_80 = arith.constant 64 : i32
    %div3A_81 = arith.divsi %add3A_79, %div3A_80 : i32
    %rem3A_82 = arith.constant 64 : i32
    %rem3A_83 = arith.remsi %add3A_79, %rem3A_82 : i32
    %mul3A_84 = arith.constant 16 : i32
    %mul3A_85 = arith.muli %rem3A_83, %mul3A_84 : i32
    %dma_start3A_86 = arith.constant 3 : i32
    %dma_start3A_87 = arith.constant 0 : i32
    %dma_start3A_88 = arith.constant 0 : i32
    %dma_start3A_89 = tpu.memref_slice %arg4[%dma_start3A_86, %dma_start3A_87, %dma_start3A_88] : memref<4x16x512xi32, #tpu.memory_space<vmem>> -> memref<1x16x512xi32, #tpu.memory_space<vmem>>
    %dma_start3A_90 = tpu.memref_squeeze %dma_start3A_89 : memref<1x16x512xi32, #tpu.memory_space<vmem>> -> memref<16x512xi32, #tpu.memory_space<vmem>>
    %dma_start3A_91 = arith.constant 0 : i32
    %dma_start3A_92 = tpu.memref_slice %arg2[%div3A_81, %mul3A_85, %dma_start3A_91] : memref<10x1024x512xi32, #tpu.memory_space<hbm>> -> memref<1x16x512xi32, #tpu.memory_space<hbm>>
    %dma_start3A_93 = tpu.memref_squeeze %dma_start3A_92 : memref<1x16x512xi32, #tpu.memory_space<hbm>> -> memref<16x512xi32, #tpu.memory_space<hbm>>
    %dma_start3A_94 = arith.constant 0 : i32
    %dma_start3A_95 = arith.constant 0 : i32
    %dma_start3A_96 = tpu.memref_slice %arg4[%dma_start3A_86, %dma_start3A_94, %dma_start3A_95] : memref<4x16x512xi32, #tpu.memory_space<vmem>> -> memref<1x16x512xi32, #tpu.memory_space<vmem>>
    %dma_start3A_97 = tpu.memref_squeeze %dma_start3A_96 : memref<1x16x512xi32, #tpu.memory_space<vmem>> -> memref<16x512xi32, #tpu.memory_space<vmem>>
    %dma_start3A_98 = arith.constant 0 : i32
    %dma_start3A_99 = tpu.memref_slice %arg2[%div3A_81, %mul3A_85, %dma_start3A_98] : memref<10x1024x512xi32, #tpu.memory_space<hbm>> -> memref<1x16x512xi32, #tpu.memory_space<hbm>>
    %dma_start3A_100 = tpu.memref_squeeze %dma_start3A_99 : memref<1x16x512xi32, #tpu.memory_space<hbm>> -> memref<16x512xi32, #tpu.memory_space<hbm>>
    tpu.enqueue_dma source(%dma_start3A_100 : memref<16x512xi32, #tpu.memory_space<hbm>>) target(%dma_start3A_97 : memref<16x512xi32, #tpu.memory_space<vmem>>) target_semaphore(%arg11 : memref<!tpu.dma_semaphore, #tpu.memory_space<semaphore_mem>>)
    %scan3A = arith.constant 0 : i32
    %scan3A_101 = arith.constant 4096 : i32
    %scan3A_102 = arith.addi %scan3A, %scan3A_101 : i32
    %scan3A_103 = arith.constant 1 : i32
    scf.for %scan3A_118 = %scan3A to %scan3A_102 step %scan3A_103  : i32 {
      %mul3A_119 = arith.constant 1 : i32
      %mul3A_120 = arith.muli %scan3A_118, %mul3A_119 : i32
      %add3A_121 = arith.constant 0 : i32
      %add3A_122 = arith.addi %add3A_121, %mul3A_120 : i32
      %mul3A_123 = arith.constant 16 : i32
      %mul3A_124 = arith.muli %add3A_122, %mul3A_123 : i32
      %swap3A = arith.index_cast %mul3A_124 : i32 to index
      %swap3A_125 = tpu.vector_load %arg5[%swap3A] {strides = array<i32>} : memref<65536xf32, #tpu.memory_space<vmem>>, vector<16xf32>,
      tpu.vector_store %arg5[%swap3A], %broadcast_in_dim3A_1 {strides = array<i32>} : memref<65536xf32, #tpu.memory_space<vmem>>, vector<16xf32>,
    }
    %scan3A_104 = arith.constant 4096 : i32
    %scan3A_105 = arith.constant 0 : i32
    %scan3A_106 = arith.constant 5 : i32
    %scan3A_107 = arith.addi %scan3A_105, %scan3A_106 : i32
    %scan3A_108 = arith.constant 1 : i32
    scf.for %scan3A_118 = %scan3A_105 to %scan3A_107 step %scan3A_108  : i32 {
      %mul3A_119 = arith.constant 4 : i32
      %mul3A_120 = arith.muli %scan3A_118, %mul3A_119 : i32
      %add3A_121 = arith.constant 0 : i32
      %add3A_122 = arith.addi %add3A_121, %mul3A_120 : i32
      %dma_wait3A = arith.constant 0 : i32
      %dma_wait3A_123 = arith.constant 0 : i32
      %dma_wait3A_124 = arith.constant 0 : i32
      %dma_wait3A_125 = arith.constant 0 : i32
      %dma_wait3A_126 = tpu.memref_slice %arg4[%dma_wait3A_123, %dma_wait3A_124, %dma_wait3A_125] : memref<4x16x512xi32, #tpu.memory_space<vmem>> -> memref<1x16x512xi32, #tpu.memory_space<vmem>>
      %dma_wait3A_127 = tpu.memref_squeeze %dma_wait3A_126 : memref<1x16x512xi32, #tpu.memory_space<vmem>> -> memref<16x512xi32, #tpu.memory_space<vmem>>
      %dma_wait3A_128 = arith.constant 0 : i32
      %dma_wait3A_129 = arith.constant 0 : i32
      %dma_wait3A_130 = tpu.memref_slice %arg2[%dma_wait3A, %dma_wait3A_128, %dma_wait3A_129] : memref<10x1024x512xi32, #tpu.memory_space<hbm>> -> memref<1x16x512xi32, #tpu.memory_space<hbm>>
      %dma_wait3A_131 = tpu.memref_squeeze %dma_wait3A_130 : memref<1x16x512xi32, #tpu.memory_space<hbm>> -> memref<16x512xi32, #tpu.memory_space<hbm>>
      %dma_wait3A_132 = arith.constant 0 : i32
      %dma_wait3A_133 = arith.constant 0 : i32
      %dma_wait3A_134 = tpu.memref_slice %arg4[%dma_wait3A_123, %dma_wait3A_132, %dma_wait3A_133] : memref<4x16x512xi32, #tpu.memory_space<vmem>> -> memref<1x16x512xi32, #tpu.memory_space<vmem>>
      %dma_wait3A_135 = tpu.memref_squeeze %dma_wait3A_134 : memref<1x16x512xi32, #tpu.memory_space<vmem>> -> memref<16x512xi32, #tpu.memory_space<vmem>>
      %dma_wait3A_136 = arith.constant 0 : i32
      %dma_wait3A_137 = arith.constant 0 : i32
      %dma_wait3A_138 = tpu.memref_slice %arg2[%dma_wait3A, %dma_wait3A_136, %dma_wait3A_137] : memref<10x1024x512xi32, #tpu.memory_space<hbm>> -> memref<1x16x512xi32, #tpu.memory_space<hbm>>
      %dma_wait3A_139 = tpu.memref_squeeze %dma_wait3A_138 : memref<1x16x512xi32, #tpu.memory_space<hbm>> -> memref<16x512xi32, #tpu.memory_space<hbm>>
      tpu.wait_dma2 semaphore(%arg8 : memref<!tpu.dma_semaphore, #tpu.memory_space<semaphore_mem>>) src(%dma_wait3A_139 : memref<16x512xi32, #tpu.memory_space<hbm>>) dst(%dma_wait3A_135 : memref<16x512xi32, #tpu.memory_space<vmem>>)
      %scan3A_140 = arith.constant 0 : i32
      %scan3A_141 = arith.constant 16 : i32
      %scan3A_142 = arith.addi %scan3A_140, %scan3A_141 : i32
      %scan3A_143 = arith.constant 1 : i32
      scf.for %scan3A_247 = %scan3A_140 to %scan3A_142 step %scan3A_143  : i32 {
        %mul3A_248 = arith.constant 1 : i32
        %mul3A_249 = arith.muli %scan3A_247, %mul3A_248 : i32
        %add3A_250 = arith.constant 0 : i32
        %add3A_251 = arith.addi %add3A_250, %mul3A_249 : i32
        %parallel_loop3A_252 = arith.constant 0 : i32
        %parallel_loop3A_253 = arith.constant 32 : i32
        %parallel_loop3A_254 = arith.constant 1 : i32
        scf.for %parallel_loop3A_255 = %parallel_loop3A_252 to %parallel_loop3A_253 step %parallel_loop3A_254  : i32 {
          %parallel_loop3A_256 = arith.constant 16 : i32
          %parallel_loop3A_257 = arith.muli %parallel_loop3A_255, %parallel_loop3A_256 : i32
          %parallel_loop3A_258 = arith.constant 0 : i32
          %parallel_loop3A_259 = arith.index_cast %parallel_loop3A_258 : i32 to index
          %parallel_loop3A_260 = arith.index_cast %add3A_251 : i32 to index
          %parallel_loop3A_261 = arith.index_cast %parallel_loop3A_257 : i32 to index
          %parallel_loop3A_262 = tpu.vector_load %arg4[%parallel_loop3A_259, %parallel_loop3A_260, %parallel_loop3A_261] {strides = array<i32>} : memref<4x16x512xi32, #tpu.memory_space<vmem>>, vector<16xi32>,
          %parallel_loop3A_263 = arith.constant 65535 : i32
          %parallel_loop3A_264 = vector.broadcast %parallel_loop3A_263 : i32 to vector<16xi32>
          %parallel_loop3A_265 = arith.andi %parallel_loop3A_262, %parallel_loop3A_264 : vector<16xi32>
          %parallel_loop3A_266 = arith.constant 16 : i32
          %parallel_loop3A_267 = vector.broadcast %parallel_loop3A_266 : i32 to vector<16xi32>
          %parallel_loop3A_268 = arith.shrui %parallel_loop3A_262, %parallel_loop3A_267 : vector<16xi32>
          tpu.vector_store_idx %arg5[%parallel_loop3A_265], %broadcast_in_dim3A_3 {add = true} : memref<65536xf32, #tpu.memory_space<vmem>>[vector<16xi32>], vector<16xf32>,
          tpu.vector_store_idx %arg5[%parallel_loop3A_268], %broadcast_in_dim3A_3 {add = true} : memref<65536xf32, #tpu.memory_space<vmem>>[vector<16xi32>], vector<16xf32>,
        } {sc.loop_unroll_factor = 16 : i64, sc.parallel_access}
      }
      %scan3A_144 = arith.constant 16 : i32
      %add3A_145 = arith.constant 4 : i32
      %add3A_146 = arith.addi %add3A_122, %add3A_145 : i32
      %add3A_147 = arith.constant 0 : i32
      %add3A_148 = arith.addi %add3A_146, %add3A_147 : i32
      %lt3A = arith.constant 20 : i32
      %lt3A_149 = arith.cmpi slt, %add3A_148, %lt3A : i32
      %convert_element_type3A = arith.extui %lt3A_149 : i1 to i32
      %cond3A = arith.constant 0 : i32
      %cond3A_150 = arith.cmpi ne, %convert_element_type3A, %cond3A : i32
      scf.if %cond3A_150 {
        %add3A_247 = arith.constant 4 : i32
        %add3A_248 = arith.addi %add3A_122, %add3A_247 : i32
        %add3A_249 = arith.constant 0 : i32
        %add3A_250 = arith.addi %add3A_248, %add3A_249 : i32
        %mul3A_251 = arith.constant 20 : i32
        %mul3A_252 = arith.muli %add3A, %mul3A_251 : i32
        %add3A_253 = arith.addi %mul3A_252, %add3A_250 : i32
        %div3A_254 = arith.constant 64 : i32
        %div3A_255 = arith.divsi %add3A_253, %div3A_254 : i32
        %rem3A_256 = arith.constant 64 : i32
        %rem3A_257 = arith.remsi %add3A_253, %rem3A_256 : i32
        %mul3A_258 = arith.constant 16 : i32
        %mul3A_259 = arith.muli %rem3A_257, %mul3A_258 : i32
        %dma_start3A_260 = arith.constant 0 : i32
        %dma_start3A_261 = arith.constant 0 : i32
        %dma_start3A_262 = arith.constant 0 : i32
        %dma_start3A_263 = tpu.memref_slice %arg4[%dma_start3A_260, %dma_start3A_261, %dma_start3A_262] : memref<4x16x512xi32, #tpu.memory_space<vmem>> -> memref<1x16x512xi32, #tpu.memory_space<vmem>>
        %dma_start3A_264 = tpu.memref_squeeze %dma_start3A_263 : memref<1x16x512xi32, #tpu.memory_space<vmem>> -> memref<16x512xi32, #tpu.memory_space<vmem>>
        %dma_start3A_265 = arith.constant 0 : i32
        %dma_start3A_266 = tpu.memref_slice %arg2[%div3A_255, %mul3A_259, %dma_start3A_265] : memref<10x1024x512xi32, #tpu.memory_space<hbm>> -> memref<1x16x512xi32, #tpu.memory_space<hbm>>
        %dma_start3A_267 = tpu.memref_squeeze %dma_start3A_266 : memref<1x16x512xi32, #tpu.memory_space<hbm>> -> memref<16x512xi32, #tpu.memory_space<hbm>>
        %dma_start3A_268 = arith.constant 0 : i32
        %dma_start3A_269 = arith.constant 0 : i32
        %dma_start3A_270 = tpu.memref_slice %arg4[%dma_start3A_260, %dma_start3A_268, %dma_start3A_269] : memref<4x16x512xi32, #tpu.memory_space<vmem>> -> memref<1x16x512xi32, #tpu.memory_space<vmem>>
        %dma_start3A_271 = tpu.memref_squeeze %dma_start3A_270 : memref<1x16x512xi32, #tpu.memory_space<vmem>> -> memref<16x512xi32, #tpu.memory_space<vmem>>
        %dma_start3A_272 = arith.constant 0 : i32
        %dma_start3A_273 = tpu.memref_slice %arg2[%div3A_255, %mul3A_259, %dma_start3A_272] : memref<10x1024x512xi32, #tpu.memory_space<hbm>> -> memref<1x16x512xi32, #tpu.memory_space<hbm>>
        %dma_start3A_274 = tpu.memref_squeeze %dma_start3A_273 : memref<1x16x512xi32, #tpu.memory_space<hbm>> -> memref<16x512xi32, #tpu.memory_space<hbm>>
        tpu.enqueue_dma source(%dma_start3A_274 : memref<16x512xi32, #tpu.memory_space<hbm>>) target(%dma_start3A_271 : memref<16x512xi32, #tpu.memory_space<vmem>>) target_semaphore(%arg8 : memref<!tpu.dma_semaphore, #tpu.memory_space<semaphore_mem>>)
      } else {
      }
      %dma_wait3A_151 = arith.constant 0 : i32
      %dma_wait3A_152 = arith.constant 1 : i32
      %dma_wait3A_153 = arith.constant 0 : i32
      %dma_wait3A_154 = arith.constant 0 : i32
      %dma_wait3A_155 = tpu.memref_slice %arg4[%dma_wait3A_152, %dma_wait3A_153, %dma_wait3A_154] : memref<4x16x512xi32, #tpu.memory_space<vmem>> -> memref<1x16x512xi32, #tpu.memory_space<vmem>>
      %dma_wait3A_156 = tpu.memref_squeeze %dma_wait3A_155 : memref<1x16x512xi32, #tpu.memory_space<vmem>> -> memref<16x512xi32, #tpu.memory_space<vmem>>
      %dma_wait3A_157 = arith.constant 0 : i32
      %dma_wait3A_158 = arith.constant 0 : i32
      %dma_wait3A_159 = tpu.memref_slice %arg2[%dma_wait3A_151, %dma_wait3A_157, %dma_wait3A_158] : memref<10x1024x512xi32, #tpu.memory_space<hbm>> -> memref<1x16x512xi32, #tpu.memory_space<hbm>>
      %dma_wait3A_160 = tpu.memref_squeeze %dma_wait3A_159 : memref<1x16x512xi32, #tpu.memory_space<hbm>> -> memref<16x512xi32, #tpu.memory_space<hbm>>
      %dma_wait3A_161 = arith.constant 0 : i32
      %dma_wait3A_162 = arith.constant 0 : i32
      %dma_wait3A_163 = tpu.memref_slice %arg4[%dma_wait3A_152, %dma_wait3A_161, %dma_wait3A_162] : memref<4x16x512xi32, #tpu.memory_space<vmem>> -> memref<1x16x512xi32, #tpu.memory_space<vmem>>
      %dma_wait3A_164 = tpu.memref_squeeze %dma_wait3A_163 : memref<1x16x512xi32, #tpu.memory_space<vmem>> -> memref<16x512xi32, #tpu.memory_space<vmem>>
      %dma_wait3A_165 = arith.constant 0 : i32
      %dma_wait3A_166 = arith.constant 0 : i32
      %dma_wait3A_167 = tpu.memref_slice %arg2[%dma_wait3A_151, %dma_wait3A_165, %dma_wait3A_166] : memref<10x1024x512xi32, #tpu.memory_space<hbm>> -> memref<1x16x512xi32, #tpu.memory_space<hbm>>
      %dma_wait3A_168 = tpu.memref_squeeze %dma_wait3A_167 : memref<1x16x512xi32, #tpu.memory_space<hbm>> -> memref<16x512xi32, #tpu.memory_space<hbm>>
      tpu.wait_dma2 semaphore(%arg9 : memref<!tpu.dma_semaphore, #tpu.memory_space<semaphore_mem>>) src(%dma_wait3A_168 : memref<16x512xi32, #tpu.memory_space<hbm>>) dst(%dma_wait3A_164 : memref<16x512xi32, #tpu.memory_space<vmem>>)
      %scan3A_169 = arith.constant 0 : i32
      %scan3A_170 = arith.constant 16 : i32
      %scan3A_171 = arith.addi %scan3A_169, %scan3A_170 : i32
      %scan3A_172 = arith.constant 1 : i32
      scf.for %scan3A_247 = %scan3A_169 to %scan3A_171 step %scan3A_172  : i32 {
        %mul3A_248 = arith.constant 1 : i32
        %mul3A_249 = arith.muli %scan3A_247, %mul3A_248 : i32
        %add3A_250 = arith.constant 0 : i32
        %add3A_251 = arith.addi %add3A_250, %mul3A_249 : i32
        %parallel_loop3A_252 = arith.constant 0 : i32
        %parallel_loop3A_253 = arith.constant 32 : i32
        %parallel_loop3A_254 = arith.constant 1 : i32
        scf.for %parallel_loop3A_255 = %parallel_loop3A_252 to %parallel_loop3A_253 step %parallel_loop3A_254  : i32 {
          %parallel_loop3A_256 = arith.constant 16 : i32
          %parallel_loop3A_257 = arith.muli %parallel_loop3A_255, %parallel_loop3A_256 : i32
          %parallel_loop3A_258 = arith.constant 1 : i32
          %parallel_loop3A_259 = arith.index_cast %parallel_loop3A_258 : i32 to index
          %parallel_loop3A_260 = arith.index_cast %add3A_251 : i32 to index
          %parallel_loop3A_261 = arith.index_cast %parallel_loop3A_257 : i32 to index
          %parallel_loop3A_262 = tpu.vector_load %arg4[%parallel_loop3A_259, %parallel_loop3A_260, %parallel_loop3A_261] {strides = array<i32>} : memref<4x16x512xi32, #tpu.memory_space<vmem>>, vector<16xi32>,
          %parallel_loop3A_263 = arith.constant 65535 : i32
          %parallel_loop3A_264 = vector.broadcast %parallel_loop3A_263 : i32 to vector<16xi32>
          %parallel_loop3A_265 = arith.andi %parallel_loop3A_262, %parallel_loop3A_264 : vector<16xi32>
          %parallel_loop3A_266 = arith.constant 16 : i32
          %parallel_loop3A_267 = vector.broadcast %parallel_loop3A_266 : i32 to vector<16xi32>
          %parallel_loop3A_268 = arith.shrui %parallel_loop3A_262, %parallel_loop3A_267 : vector<16xi32>
          tpu.vector_store_idx %arg5[%parallel_loop3A_265], %broadcast_in_dim3A_3 {add = true} : memref<65536xf32, #tpu.memory_space<vmem>>[vector<16xi32>], vector<16xf32>,
          tpu.vector_store_idx %arg5[%parallel_loop3A_268], %broadcast_in_dim3A_3 {add = true} : memref<65536xf32, #tpu.memory_space<vmem>>[vector<16xi32>], vector<16xf32>,
        } {sc.loop_unroll_factor = 16 : i64, sc.parallel_access}
      }
      %scan3A_173 = arith.constant 16 : i32
      %add3A_174 = arith.constant 4 : i32
      %add3A_175 = arith.addi %add3A_122, %add3A_174 : i32
      %add3A_176 = arith.constant 1 : i32
      %add3A_177 = arith.addi %add3A_175, %add3A_176 : i32
      %lt3A_178 = arith.constant 20 : i32
      %lt3A_179 = arith.cmpi slt, %add3A_177, %lt3A_178 : i32
      %convert_element_type3A_180 = arith.extui %lt3A_179 : i1 to i32
      %cond3A_181 = arith.constant 0 : i32
      %cond3A_182 = arith.cmpi ne, %convert_element_type3A_180, %cond3A_181 : i32
      scf.if %cond3A_182 {
        %add3A_247 = arith.constant 4 : i32
        %add3A_248 = arith.addi %add3A_122, %add3A_247 : i32
        %add3A_249 = arith.constant 1 : i32
        %add3A_250 = arith.addi %add3A_248, %add3A_249 : i32
        %mul3A_251 = arith.constant 20 : i32
        %mul3A_252 = arith.muli %add3A, %mul3A_251 : i32
        %add3A_253 = arith.addi %mul3A_252, %add3A_250 : i32
        %div3A_254 = arith.constant 64 : i32
        %div3A_255 = arith.divsi %add3A_253, %div3A_254 : i32
        %rem3A_256 = arith.constant 64 : i32
        %rem3A_257 = arith.remsi %add3A_253, %rem3A_256 : i32
        %mul3A_258 = arith.constant 16 : i32
        %mul3A_259 = arith.muli %rem3A_257, %mul3A_258 : i32
        %dma_start3A_260 = arith.constant 1 : i32
        %dma_start3A_261 = arith.constant 0 : i32
        %dma_start3A_262 = arith.constant 0 : i32
        %dma_start3A_263 = tpu.memref_slice %arg4[%dma_start3A_260, %dma_start3A_261, %dma_start3A_262] : memref<4x16x512xi32, #tpu.memory_space<vmem>> -> memref<1x16x512xi32, #tpu.memory_space<vmem>>
        %dma_start3A_264 = tpu.memref_squeeze %dma_start3A_263 : memref<1x16x512xi32, #tpu.memory_space<vmem>> -> memref<16x512xi32, #tpu.memory_space<vmem>>
        %dma_start3A_265 = arith.constant 0 : i32
        %dma_start3A_266 = tpu.memref_slice %arg2[%div3A_255, %mul3A_259, %dma_start3A_265] : memref<10x1024x512xi32, #tpu.memory_space<hbm>> -> memref<1x16x512xi32, #tpu.memory_space<hbm>>
        %dma_start3A_267 = tpu.memref_squeeze %dma_start3A_266 : memref<1x16x512xi32, #tpu.memory_space<hbm>> -> memref<16x512xi32, #tpu.memory_space<hbm>>
        %dma_start3A_268 = arith.constant 0 : i32
        %dma_start3A_269 = arith.constant 0 : i32
        %dma_start3A_270 = tpu.memref_slice %arg4[%dma_start3A_260, %dma_start3A_268, %dma_start3A_269] : memref<4x16x512xi32, #tpu.memory_space<vmem>> -> memref<1x16x512xi32, #tpu.memory_space<vmem>>
        %dma_start3A_271 = tpu.memref_squeeze %dma_start3A_270 : memref<1x16x512xi32, #tpu.memory_space<vmem>> -> memref<16x512xi32, #tpu.memory_space<vmem>>
        %dma_start3A_272 = arith.constant 0 : i32
        %dma_start3A_273 = tpu.memref_slice %arg2[%div3A_255, %mul3A_259, %dma_start3A_272] : memref<10x1024x512xi32, #tpu.memory_space<hbm>> -> memref<1x16x512xi32, #tpu.memory_space<hbm>>
        %dma_start3A_274 = tpu.memref_squeeze %dma_start3A_273 : memref<1x16x512xi32, #tpu.memory_space<hbm>> -> memref<16x512xi32, #tpu.memory_space<hbm>>
        tpu.enqueue_dma source(%dma_start3A_274 : memref<16x512xi32, #tpu.memory_space<hbm>>) target(%dma_start3A_271 : memref<16x512xi32, #tpu.memory_space<vmem>>) target_semaphore(%arg9 : memref<!tpu.dma_semaphore, #tpu.memory_space<semaphore_mem>>)
      } else {
      }
      %dma_wait3A_183 = arith.constant 0 : i32
      %dma_wait3A_184 = arith.constant 2 : i32
      %dma_wait3A_185 = arith.constant 0 : i32
      %dma_wait3A_186 = arith.constant 0 : i32
      %dma_wait3A_187 = tpu.memref_slice %arg4[%dma_wait3A_184, %dma_wait3A_185, %dma_wait3A_186] : memref<4x16x512xi32, #tpu.memory_space<vmem>> -> memref<1x16x512xi32, #tpu.memory_space<vmem>>
      %dma_wait3A_188 = tpu.memref_squeeze %dma_wait3A_187 : memref<1x16x512xi32, #tpu.memory_space<vmem>> -> memref<16x512xi32, #tpu.memory_space<vmem>>
      %dma_wait3A_189 = arith.constant 0 : i32
      %dma_wait3A_190 = arith.constant 0 : i32
      %dma_wait3A_191 = tpu.memref_slice %arg2[%dma_wait3A_183, %dma_wait3A_189, %dma_wait3A_190] : memref<10x1024x512xi32, #tpu.memory_space<hbm>> -> memref<1x16x512xi32, #tpu.memory_space<hbm>>
      %dma_wait3A_192 = tpu.memref_squeeze %dma_wait3A_191 : memref<1x16x512xi32, #tpu.memory_space<hbm>> -> memref<16x512xi32, #tpu.memory_space<hbm>>
      %dma_wait3A_193 = arith.constant 0 : i32
      %dma_wait3A_194 = arith.constant 0 : i32
      %dma_wait3A_195 = tpu.memref_slice %arg4[%dma_wait3A_184, %dma_wait3A_193, %dma_wait3A_194] : memref<4x16x512xi32, #tpu.memory_space<vmem>> -> memref<1x16x512xi32, #tpu.memory_space<vmem>>
      %dma_wait3A_196 = tpu.memref_squeeze %dma_wait3A_195 : memref<1x16x512xi32, #tpu.memory_space<vmem>> -> memref<16x512xi32, #tpu.memory_space<vmem>>
      %dma_wait3A_197 = arith.constant 0 : i32
      %dma_wait3A_198 = arith.constant 0 : i32
      %dma_wait3A_199 = tpu.memref_slice %arg2[%dma_wait3A_183, %dma_wait3A_197, %dma_wait3A_198] : memref<10x1024x512xi32, #tpu.memory_space<hbm>> -> memref<1x16x512xi32, #tpu.memory_space<hbm>>
      %dma_wait3A_200 = tpu.memref_squeeze %dma_wait3A_199 : memref<1x16x512xi32, #tpu.memory_space<hbm>> -> memref<16x512xi32, #tpu.memory_space<hbm>>
      tpu.wait_dma2 semaphore(%arg10 : memref<!tpu.dma_semaphore, #tpu.memory_space<semaphore_mem>>) src(%dma_wait3A_200 : memref<16x512xi32, #tpu.memory_space<hbm>>) dst(%dma_wait3A_196 : memref<16x512xi32, #tpu.memory_space<vmem>>)
      %scan3A_201 = arith.constant 0 : i32
      %scan3A_202 = arith.constant 16 : i32
      %scan3A_203 = arith.addi %scan3A_201, %scan3A_202 : i32
      %scan3A_204 = arith.constant 1 : i32
      scf.for %scan3A_247 = %scan3A_201 to %scan3A_203 step %scan3A_204  : i32 {
        %mul3A_248 = arith.constant 1 : i32
        %mul3A_249 = arith.muli %scan3A_247, %mul3A_248 : i32
        %add3A_250 = arith.constant 0 : i32
        %add3A_251 = arith.addi %add3A_250, %mul3A_249 : i32
        %parallel_loop3A_252 = arith.constant 0 : i32
        %parallel_loop3A_253 = arith.constant 32 : i32
        %parallel_loop3A_254 = arith.constant 1 : i32
        scf.for %parallel_loop3A_255 = %parallel_loop3A_252 to %parallel_loop3A_253 step %parallel_loop3A_254  : i32 {
          %parallel_loop3A_256 = arith.constant 16 : i32
          %parallel_loop3A_257 = arith.muli %parallel_loop3A_255, %parallel_loop3A_256 : i32
          %parallel_loop3A_258 = arith.constant 2 : i32
          %parallel_loop3A_259 = arith.index_cast %parallel_loop3A_258 : i32 to index
          %parallel_loop3A_260 = arith.index_cast %add3A_251 : i32 to index
          %parallel_loop3A_261 = arith.index_cast %parallel_loop3A_257 : i32 to index
          %parallel_loop3A_262 = tpu.vector_load %arg4[%parallel_loop3A_259, %parallel_loop3A_260, %parallel_loop3A_261] {strides = array<i32>} : memref<4x16x512xi32, #tpu.memory_space<vmem>>, vector<16xi32>,
          %parallel_loop3A_263 = arith.constant 65535 : i32
          %parallel_loop3A_264 = vector.broadcast %parallel_loop3A_263 : i32 to vector<16xi32>
          %parallel_loop3A_265 = arith.andi %parallel_loop3A_262, %parallel_loop3A_264 : vector<16xi32>
          %parallel_loop3A_266 = arith.constant 16 : i32
          %parallel_loop3A_267 = vector.broadcast %parallel_loop3A_266 : i32 to vector<16xi32>
          %parallel_loop3A_268 = arith.shrui %parallel_loop3A_262, %parallel_loop3A_267 : vector<16xi32>
          tpu.vector_store_idx %arg5[%parallel_loop3A_265], %broadcast_in_dim3A_3 {add = true} : memref<65536xf32, #tpu.memory_space<vmem>>[vector<16xi32>], vector<16xf32>,
          tpu.vector_store_idx %arg5[%parallel_loop3A_268], %broadcast_in_dim3A_3 {add = true} : memref<65536xf32, #tpu.memory_space<vmem>>[vector<16xi32>], vector<16xf32>,
        } {sc.loop_unroll_factor = 16 : i64, sc.parallel_access}
      }
      %scan3A_205 = arith.constant 16 : i32
      %add3A_206 = arith.constant 4 : i32
      %add3A_207 = arith.addi %add3A_122, %add3A_206 : i32
      %add3A_208 = arith.constant 2 : i32
      %add3A_209 = arith.addi %add3A_207, %add3A_208 : i32
      %lt3A_210 = arith.constant 20 : i32
      %lt3A_211 = arith.cmpi slt, %add3A_209, %lt3A_210 : i32
      %convert_element_type3A_212 = arith.extui %lt3A_211 : i1 to i32
      %cond3A_213 = arith.constant 0 : i32
      %cond3A_214 = arith.cmpi ne, %convert_element_type3A_212, %cond3A_213 : i32
      scf.if %cond3A_214 {
        %add3A_247 = arith.constant 4 : i32
        %add3A_248 = arith.addi %add3A_122, %add3A_247 : i32
        %add3A_249 = arith.constant 2 : i32
        %add3A_250 = arith.addi %add3A_248, %add3A_249 : i32
        %mul3A_251 = arith.constant 20 : i32
        %mul3A_252 = arith.muli %add3A, %mul3A_251 : i32
        %add3A_253 = arith.addi %mul3A_252, %add3A_250 : i32
        %div3A_254 = arith.constant 64 : i32
        %div3A_255 = arith.divsi %add3A_253, %div3A_254 : i32
        %rem3A_256 = arith.constant 64 : i32
        %rem3A_257 = arith.remsi %add3A_253, %rem3A_256 : i32
        %mul3A_258 = arith.constant 16 : i32
        %mul3A_259 = arith.muli %rem3A_257, %mul3A_258 : i32
        %dma_start3A_260 = arith.constant 2 : i32
        %dma_start3A_261 = arith.constant 0 : i32
        %dma_start3A_262 = arith.constant 0 : i32
        %dma_start3A_263 = tpu.memref_slice %arg4[%dma_start3A_260, %dma_start3A_261, %dma_start3A_262] : memref<4x16x512xi32, #tpu.memory_space<vmem>> -> memref<1x16x512xi32, #tpu.memory_space<vmem>>
        %dma_start3A_264 = tpu.memref_squeeze %dma_start3A_263 : memref<1x16x512xi32, #tpu.memory_space<vmem>> -> memref<16x512xi32, #tpu.memory_space<vmem>>
        %dma_start3A_265 = arith.constant 0 : i32
        %dma_start3A_266 = tpu.memref_slice %arg2[%div3A_255, %mul3A_259, %dma_start3A_265] : memref<10x1024x512xi32, #tpu.memory_space<hbm>> -> memref<1x16x512xi32, #tpu.memory_space<hbm>>
        %dma_start3A_267 = tpu.memref_squeeze %dma_start3A_266 : memref<1x16x512xi32, #tpu.memory_space<hbm>> -> memref<16x512xi32, #tpu.memory_space<hbm>>
        %dma_start3A_268 = arith.constant 0 : i32
        %dma_start3A_269 = arith.constant 0 : i32
        %dma_start3A_270 = tpu.memref_slice %arg4[%dma_start3A_260, %dma_start3A_268, %dma_start3A_269] : memref<4x16x512xi32, #tpu.memory_space<vmem>> -> memref<1x16x512xi32, #tpu.memory_space<vmem>>
        %dma_start3A_271 = tpu.memref_squeeze %dma_start3A_270 : memref<1x16x512xi32, #tpu.memory_space<vmem>> -> memref<16x512xi32, #tpu.memory_space<vmem>>
        %dma_start3A_272 = arith.constant 0 : i32
        %dma_start3A_273 = tpu.memref_slice %arg2[%div3A_255, %mul3A_259, %dma_start3A_272] : memref<10x1024x512xi32, #tpu.memory_space<hbm>> -> memref<1x16x512xi32, #tpu.memory_space<hbm>>
        %dma_start3A_274 = tpu.memref_squeeze %dma_start3A_273 : memref<1x16x512xi32, #tpu.memory_space<hbm>> -> memref<16x512xi32, #tpu.memory_space<hbm>>
        tpu.enqueue_dma source(%dma_start3A_274 : memref<16x512xi32, #tpu.memory_space<hbm>>) target(%dma_start3A_271 : memref<16x512xi32, #tpu.memory_space<vmem>>) target_semaphore(%arg10 : memref<!tpu.dma_semaphore, #tpu.memory_space<semaphore_mem>>)
      } else {
      }
      %dma_wait3A_215 = arith.constant 0 : i32
      %dma_wait3A_216 = arith.constant 3 : i32
      %dma_wait3A_217 = arith.constant 0 : i32
      %dma_wait3A_218 = arith.constant 0 : i32
      %dma_wait3A_219 = tpu.memref_slice %arg4[%dma_wait3A_216, %dma_wait3A_217, %dma_wait3A_218] : memref<4x16x512xi32, #tpu.memory_space<vmem>> -> memref<1x16x512xi32, #tpu.memory_space<vmem>>
      %dma_wait3A_220 = tpu.memref_squeeze %dma_wait3A_219 : memref<1x16x512xi32, #tpu.memory_space<vmem>> -> memref<16x512xi32, #tpu.memory_space<vmem>>
      %dma_wait3A_221 = arith.constant 0 : i32
      %dma_wait3A_222 = arith.constant 0 : i32
      %dma_wait3A_223 = tpu.memref_slice %arg2[%dma_wait3A_215, %dma_wait3A_221, %dma_wait3A_222] : memref<10x1024x512xi32, #tpu.memory_space<hbm>> -> memref<1x16x512xi32, #tpu.memory_space<hbm>>
      %dma_wait3A_224 = tpu.memref_squeeze %dma_wait3A_223 : memref<1x16x512xi32, #tpu.memory_space<hbm>> -> memref<16x512xi32, #tpu.memory_space<hbm>>
      %dma_wait3A_225 = arith.constant 0 : i32
      %dma_wait3A_226 = arith.constant 0 : i32
      %dma_wait3A_227 = tpu.memref_slice %arg4[%dma_wait3A_216, %dma_wait3A_225, %dma_wait3A_226] : memref<4x16x512xi32, #tpu.memory_space<vmem>> -> memref<1x16x512xi32, #tpu.memory_space<vmem>>
      %dma_wait3A_228 = tpu.memref_squeeze %dma_wait3A_227 : memref<1x16x512xi32, #tpu.memory_space<vmem>> -> memref<16x512xi32, #tpu.memory_space<vmem>>
      %dma_wait3A_229 = arith.constant 0 : i32
      %dma_wait3A_230 = arith.constant 0 : i32
      %dma_wait3A_231 = tpu.memref_slice %arg2[%dma_wait3A_215, %dma_wait3A_229, %dma_wait3A_230] : memref<10x1024x512xi32, #tpu.memory_space<hbm>> -> memref<1x16x512xi32, #tpu.memory_space<hbm>>
      %dma_wait3A_232 = tpu.memref_squeeze %dma_wait3A_231 : memref<1x16x512xi32, #tpu.memory_space<hbm>> -> memref<16x512xi32, #tpu.memory_space<hbm>>
      tpu.wait_dma2 semaphore(%arg11 : memref<!tpu.dma_semaphore, #tpu.memory_space<semaphore_mem>>) src(%dma_wait3A_232 : memref<16x512xi32, #tpu.memory_space<hbm>>) dst(%dma_wait3A_228 : memref<16x512xi32, #tpu.memory_space<vmem>>)
      %scan3A_233 = arith.constant 0 : i32
      %scan3A_234 = arith.constant 16 : i32
      %scan3A_235 = arith.addi %scan3A_233, %scan3A_234 : i32
      %scan3A_236 = arith.constant 1 : i32
      scf.for %scan3A_247 = %scan3A_233 to %scan3A_235 step %scan3A_236  : i32 {
        %mul3A_248 = arith.constant 1 : i32
        %mul3A_249 = arith.muli %scan3A_247, %mul3A_248 : i32
        %add3A_250 = arith.constant 0 : i32
        %add3A_251 = arith.addi %add3A_250, %mul3A_249 : i32
        %parallel_loop3A_252 = arith.constant 0 : i32
        %parallel_loop3A_253 = arith.constant 32 : i32
        %parallel_loop3A_254 = arith.constant 1 : i32
        scf.for %parallel_loop3A_255 = %parallel_loop3A_252 to %parallel_loop3A_253 step %parallel_loop3A_254  : i32 {
          %parallel_loop3A_256 = arith.constant 16 : i32
          %parallel_loop3A_257 = arith.muli %parallel_loop3A_255, %parallel_loop3A_256 : i32
          %parallel_loop3A_258 = arith.constant 3 : i32
          %parallel_loop3A_259 = arith.index_cast %parallel_loop3A_258 : i32 to index
          %parallel_loop3A_260 = arith.index_cast %add3A_251 : i32 to index
          %parallel_loop3A_261 = arith.index_cast %parallel_loop3A_257 : i32 to index
          %parallel_loop3A_262 = tpu.vector_load %arg4[%parallel_loop3A_259, %parallel_loop3A_260, %parallel_loop3A_261] {strides = array<i32>} : memref<4x16x512xi32, #tpu.memory_space<vmem>>, vector<16xi32>,
          %parallel_loop3A_263 = arith.constant 65535 : i32
          %parallel_loop3A_264 = vector.broadcast %parallel_loop3A_263 : i32 to vector<16xi32>
          %parallel_loop3A_265 = arith.andi %parallel_loop3A_262, %parallel_loop3A_264 : vector<16xi32>
          %parallel_loop3A_266 = arith.constant 16 : i32
          %parallel_loop3A_267 = vector.broadcast %parallel_loop3A_266 : i32 to vector<16xi32>
          %parallel_loop3A_268 = arith.shrui %parallel_loop3A_262, %parallel_loop3A_267 : vector<16xi32>
          tpu.vector_store_idx %arg5[%parallel_loop3A_265], %broadcast_in_dim3A_3 {add = true} : memref<65536xf32, #tpu.memory_space<vmem>>[vector<16xi32>], vector<16xf32>,
          tpu.vector_store_idx %arg5[%parallel_loop3A_268], %broadcast_in_dim3A_3 {add = true} : memref<65536xf32, #tpu.memory_space<vmem>>[vector<16xi32>], vector<16xf32>,
        } {sc.loop_unroll_factor = 16 : i64, sc.parallel_access}
      }
      %scan3A_237 = arith.constant 16 : i32
      %add3A_238 = arith.constant 4 : i32
      %add3A_239 = arith.addi %add3A_122, %add3A_238 : i32
      %add3A_240 = arith.constant 3 : i32
      %add3A_241 = arith.addi %add3A_239, %add3A_240 : i32
      %lt3A_242 = arith.constant 20 : i32
      %lt3A_243 = arith.cmpi slt, %add3A_241, %lt3A_242 : i32
      %convert_element_type3A_244 = arith.extui %lt3A_243 : i1 to i32
      %cond3A_245 = arith.constant 0 : i32
      %cond3A_246 = arith.cmpi ne, %convert_element_type3A_244, %cond3A_245 : i32
      scf.if %cond3A_246 {
        %add3A_247 = arith.constant 4 : i32
        %add3A_248 = arith.addi %add3A_122, %add3A_247 : i32
        %add3A_249 = arith.constant 3 : i32
        %add3A_250 = arith.addi %add3A_248, %add3A_249 : i32
        %mul3A_251 = arith.constant 20 : i32
        %mul3A_252 = arith.muli %add3A, %mul3A_251 : i32
        %add3A_253 = arith.addi %mul3A_252, %add3A_250 : i32
        %div3A_254 = arith.constant 64 : i32
        %div3A_255 = arith.divsi %add3A_253, %div3A_254 : i32
        %rem3A_256 = arith.constant 64 : i32
        %rem3A_257 = arith.remsi %add3A_253, %rem3A_256 : i32
        %mul3A_258 = arith.constant 16 : i32
        %mul3A_259 = arith.muli %rem3A_257, %mul3A_258 : i32
        %dma_start3A_260 = arith.constant 3 : i32
        %dma_start3A_261 = arith.constant 0 : i32
        %dma_start3A_262 = arith.constant 0 : i32
        %dma_start3A_263 = tpu.memref_slice %arg4[%dma_start3A_260, %dma_start3A_261, %dma_start3A_262] : memref<4x16x512xi32, #tpu.memory_space<vmem>> -> memref<1x16x512xi32, #tpu.memory_space<vmem>>
        %dma_start3A_264 = tpu.memref_squeeze %dma_start3A_263 : memref<1x16x512xi32, #tpu.memory_space<vmem>> -> memref<16x512xi32, #tpu.memory_space<vmem>>
        %dma_start3A_265 = arith.constant 0 : i32
        %dma_start3A_266 = tpu.memref_slice %arg2[%div3A_255, %mul3A_259, %dma_start3A_265] : memref<10x1024x512xi32, #tpu.memory_space<hbm>> -> memref<1x16x512xi32, #tpu.memory_space<hbm>>
        %dma_start3A_267 = tpu.memref_squeeze %dma_start3A_266 : memref<1x16x512xi32, #tpu.memory_space<hbm>> -> memref<16x512xi32, #tpu.memory_space<hbm>>
        %dma_start3A_268 = arith.constant 0 : i32
        %dma_start3A_269 = arith.constant 0 : i32
        %dma_start3A_270 = tpu.memref_slice %arg4[%dma_start3A_260, %dma_start3A_268, %dma_start3A_269] : memref<4x16x512xi32, #tpu.memory_space<vmem>> -> memref<1x16x512xi32, #tpu.memory_space<vmem>>
        %dma_start3A_271 = tpu.memref_squeeze %dma_start3A_270 : memref<1x16x512xi32, #tpu.memory_space<vmem>> -> memref<16x512xi32, #tpu.memory_space<vmem>>
        %dma_start3A_272 = arith.constant 0 : i32
        %dma_start3A_273 = tpu.memref_slice %arg2[%div3A_255, %mul3A_259, %dma_start3A_272] : memref<10x1024x512xi32, #tpu.memory_space<hbm>> -> memref<1x16x512xi32, #tpu.memory_space<hbm>>
        %dma_start3A_274 = tpu.memref_squeeze %dma_start3A_273 : memref<1x16x512xi32, #tpu.memory_space<hbm>> -> memref<16x512xi32, #tpu.memory_space<hbm>>
        tpu.enqueue_dma source(%dma_start3A_274 : memref<16x512xi32, #tpu.memory_space<hbm>>) target(%dma_start3A_271 : memref<16x512xi32, #tpu.memory_space<vmem>>) target_semaphore(%arg11 : memref<!tpu.dma_semaphore, #tpu.memory_space<semaphore_mem>>)
      } else {
      }
    }
    %scan3A_109 = arith.constant 5 : i32
    %iota3A = tpu.iota {dimensions = array<i32: 0>} : vector<16xi32>
    %mul3A_110 = arith.constant 4 : i32
    %mul3A_111 = vector.broadcast %mul3A_110 : i32 to vector<16xi32>
    %mul3A_112 = arith.muli %iota3A, %mul3A_111 : vector<16xi32>
    %parallel_loop3A = arith.constant 0 : i32
    %parallel_loop3A_113 = arith.constant 1024 : i32
    %parallel_loop3A_114 = arith.constant 1 : i32
    scf.for %parallel_loop3A_118 = %parallel_loop3A to %parallel_loop3A_113 step %parallel_loop3A_114  : i32 {
      %parallel_loop3A_119 = arith.constant 64 : i32
      %parallel_loop3A_120 = arith.muli %parallel_loop3A_118, %parallel_loop3A_119 : i32
      %parallel_loop3A_121 = vector.broadcast %parallel_loop3A_120 : i32 to vector<16xi32>
      %parallel_loop3A_122 = arith.addi %mul3A_112, %parallel_loop3A_121 : vector<16xi32>
      %parallel_loop3A_123 = tpu.vector_load_idx %arg5[%parallel_loop3A_122] : memref<65536xf32, #tpu.memory_space<vmem>>[vector<16xi32>], vector<16xf32>,
      %parallel_loop3A_124 = arith.constant 1 : i32
      %parallel_loop3A_125 = vector.broadcast %parallel_loop3A_124 : i32 to vector<16xi32>
      %parallel_loop3A_126 = arith.addi %parallel_loop3A_122, %parallel_loop3A_125 : vector<16xi32>
      %parallel_loop3A_127 = tpu.vector_load_idx %arg5[%parallel_loop3A_126] : memref<65536xf32, #tpu.memory_space<vmem>>[vector<16xi32>], vector<16xf32>,
      %parallel_loop3A_128 = arith.addf %parallel_loop3A_123, %parallel_loop3A_127 : vector<16xf32>
      %parallel_loop3A_129 = arith.constant 2 : i32
      %parallel_loop3A_130 = vector.broadcast %parallel_loop3A_129 : i32 to vector<16xi32>
      %parallel_loop3A_131 = arith.addi %parallel_loop3A_122, %parallel_loop3A_130 : vector<16xi32>
      %parallel_loop3A_132 = tpu.vector_load_idx %arg5[%parallel_loop3A_131] : memref<65536xf32, #tpu.memory_space<vmem>>[vector<16xi32>], vector<16xf32>,
      %parallel_loop3A_133 = arith.addf %parallel_loop3A_128, %parallel_loop3A_132 : vector<16xf32>
      %parallel_loop3A_134 = arith.constant 3 : i32
      %parallel_loop3A_135 = vector.broadcast %parallel_loop3A_134 : i32 to vector<16xi32>
      %parallel_loop3A_136 = arith.addi %parallel_loop3A_122, %parallel_loop3A_135 : vector<16xi32>
      %parallel_loop3A_137 = tpu.vector_load_idx %arg5[%parallel_loop3A_136] : memref<65536xf32, #tpu.memory_space<vmem>>[vector<16xi32>], vector<16xf32>,
      %parallel_loop3A_138 = arith.addf %parallel_loop3A_133, %parallel_loop3A_137 : vector<16xf32>
      %parallel_loop3A_139 = arith.constant 16 : i32
      %parallel_loop3A_140 = arith.muli %parallel_loop3A_118, %parallel_loop3A_139 : i32
      %parallel_loop3A_141 = arith.index_cast %parallel_loop3A_140 : i32 to index
      %parallel_loop3A_142 = tpu.vector_load %arg6[%parallel_loop3A_141] {strides = array<i32>} : memref<16384xf32, #tpu.memory_space<vmem>>, vector<16xf32>,
      tpu.vector_store %arg6[%parallel_loop3A_141], %parallel_loop3A_138 {strides = array<i32>} : memref<16384xf32, #tpu.memory_space<vmem>>, vector<16xf32>,
    } {sc.loop_unroll_factor = 4 : i64, sc.parallel_access}
    %parallel_loop3A_115 = arith.constant 0 : i32
    %parallel_loop3A_116 = arith.constant 256 : i32
    %parallel_loop3A_117 = arith.constant 1 : i32
    scf.for %parallel_loop3A_118 = %parallel_loop3A_115 to %parallel_loop3A_116 step %parallel_loop3A_117  : i32 {
      %parallel_loop3A_119 = arith.constant 64 : i32
      %parallel_loop3A_120 = arith.muli %parallel_loop3A_118, %parallel_loop3A_119 : i32
      %parallel_loop3A_121 = vector.broadcast %parallel_loop3A_120 : i32 to vector<16xi32>
      %parallel_loop3A_122 = arith.addi %mul3A_112, %parallel_loop3A_121 : vector<16xi32>
      %parallel_loop3A_123 = tpu.vector_load_idx %arg6[%parallel_loop3A_122] : memref<16384xf32, #tpu.memory_space<vmem>>[vector<16xi32>], vector<16xf32>,
      %parallel_loop3A_124 = arith.constant 1 : i32
      %parallel_loop3A_125 = vector.broadcast %parallel_loop3A_124 : i32 to vector<16xi32>
      %parallel_loop3A_126 = arith.addi %parallel_loop3A_122, %parallel_loop3A_125 : vector<16xi32>
      %parallel_loop3A_127 = tpu.vector_load_idx %arg6[%parallel_loop3A_126] : memref<16384xf32, #tpu.memory_space<vmem>>[vector<16xi32>], vector<16xf32>,
      %parallel_loop3A_128 = arith.addf %parallel_loop3A_123, %parallel_loop3A_127 : vector<16xf32>
      %parallel_loop3A_129 = arith.constant 2 : i32
      %parallel_loop3A_130 = vector.broadcast %parallel_loop3A_129 : i32 to vector<16xi32>
      %parallel_loop3A_131 = arith.addi %parallel_loop3A_122, %parallel_loop3A_130 : vector<16xi32>
      %parallel_loop3A_132 = tpu.vector_load_idx %arg6[%parallel_loop3A_131] : memref<16384xf32, #tpu.memory_space<vmem>>[vector<16xi32>], vector<16xf32>,
      %parallel_loop3A_133 = arith.addf %parallel_loop3A_128, %parallel_loop3A_132 : vector<16xf32>
      %parallel_loop3A_134 = arith.constant 3 : i32
      %parallel_loop3A_135 = vector.broadcast %parallel_loop3A_134 : i32 to vector<16xi32>
      %parallel_loop3A_136 = arith.addi %parallel_loop3A_122, %parallel_loop3A_135 : vector<16xi32>
      %parallel_loop3A_137 = tpu.vector_load_idx %arg6[%parallel_loop3A_136] : memref<16384xf32, #tpu.memory_space<vmem>>[vector<16xi32>], vector<16xf32>,
      %parallel_loop3A_138 = arith.addf %parallel_loop3A_133, %parallel_loop3A_137 : vector<16xf32>
      %parallel_loop3A_139 = arith.constant 16 : i32
      %parallel_loop3A_140 = arith.muli %parallel_loop3A_118, %parallel_loop3A_139 : i32
      %parallel_loop3A_141 = arith.index_cast %parallel_loop3A_140 : i32 to index
      %parallel_loop3A_142 = tpu.vector_load %arg7[%parallel_loop3A_141] {strides = array<i32>} : memref<4096xf32, #tpu.memory_space<vmem>>, vector<16xf32>,
      tpu.vector_store %arg7[%parallel_loop3A_141], %parallel_loop3A_138 {strides = array<i32>} : memref<4096xf32, #tpu.memory_space<vmem>>, vector<16xf32>,
    } {sc.loop_unroll_factor = 4 : i64, sc.parallel_access}
    "tpu.region"() ({
      %run_scoped3A = tpu.sem_alloc : memref<!tpu.dma_semaphore, #tpu.memory_space<semaphore_mem>>
      %dma_start3A_118 = arith.constant 0 : i32
      %dma_start3A_119 = tpu.memref_slice %arg3[%add3A, %dma_start3A_118] : memref<32x4096xf32, #tpu.memory_space<hbm>> -> memref<1x4096xf32, #tpu.memory_space<hbm>>
      %dma_start3A_120 = tpu.memref_squeeze %dma_start3A_119 : memref<1x4096xf32, #tpu.memory_space<hbm>> -> memref<4096xf32, #tpu.memory_space<hbm>>
      %dma_start3A_121 = arith.constant 0 : i32
      %dma_start3A_122 = tpu.memref_slice %arg3[%add3A, %dma_start3A_121] : memref<32x4096xf32, #tpu.memory_space<hbm>> -> memref<1x4096xf32, #tpu.memory_space<hbm>>
      %dma_start3A_123 = tpu.memref_squeeze %dma_start3A_122 : memref<1x4096xf32, #tpu.memory_space<hbm>> -> memref<4096xf32, #tpu.memory_space<hbm>>
      tpu.enqueue_dma source(%arg7 : memref<4096xf32, #tpu.memory_space<vmem>>) target(%dma_start3A_123 : memref<4096xf32, #tpu.memory_space<hbm>>) target_semaphore(%run_scoped3A : memref<!tpu.dma_semaphore, #tpu.memory_space<semaphore_mem>>)
      %dma_wait3A = arith.constant 0 : i32
      %dma_wait3A_124 = tpu.memref_slice %arg3[%add3A, %dma_wait3A] : memref<32x4096xf32, #tpu.memory_space<hbm>> -> memref<1x4096xf32, #tpu.memory_space<hbm>>
      %dma_wait3A_125 = tpu.memref_squeeze %dma_wait3A_124 : memref<1x4096xf32, #tpu.memory_space<hbm>> -> memref<4096xf32, #tpu.memory_space<hbm>>
      %dma_wait3A_126 = arith.constant 0 : i32
      %dma_wait3A_127 = tpu.memref_slice %arg3[%add3A, %dma_wait3A_126] : memref<32x4096xf32, #tpu.memory_space<hbm>> -> memref<1x4096xf32, #tpu.memory_space<hbm>>
      %dma_wait3A_128 = tpu.memref_squeeze %dma_wait3A_127 : memref<1x4096xf32, #tpu.memory_space<hbm>> -> memref<4096xf32, #tpu.memory_space<hbm>>
      tpu.wait_dma2 semaphore(%run_scoped3A : memref<!tpu.dma_semaphore, #tpu.memory_space<semaphore_mem>>) src(%arg7 : memref<4096xf32, #tpu.memory_space<vmem>>) dst(%dma_wait3A_128 : memref<4096xf32, #tpu.memory_space<hbm>>)
      tpu.yield
    }) : () -> ()
    return
  }
}

module attributes {stable_mosaic.version = 14 : i64} {
  func.func @_bin_body(%arg0: i32, %arg1: i32, %arg2: memref<1x19x64x512xf32, #tpu.memory_space<vmem>>, %arg3: memref<1x64x512xi32, #tpu.memory_space<vmem>>, %arg4: memref<10x64x512xi32, #tpu.memory_space<vmem>>) attributes {dimension_semantics = [#tpu.dimension_semantics<arbitrary>, #tpu.dimension_semantics<arbitrary>], iteration_bounds = array<i64: 2, 8>, scalar_prefetch = 0 : i64, scratch_operands = 0 : i64, tpu.core_type = #tpu.core_type<tc>, window_params = [{transform_indices = @transform_0, window_bounds = array<i64: 1, 19, 64, 512>}, {transform_indices = @transform_1, window_bounds = array<i64: 1, 64, 512>}, {transform_indices = @transform_2, window_bounds = array<i64: 10, 64, 512>}]} {
    %get3A = arith.constant 0 : index
    %get3A_0 = arith.constant 0 : index
    %get3A_1 = arith.constant 0 : index
    %get3A_2 = arith.constant 0 : index
    %get3A_3 = vector.load %arg2[%get3A, %get3A_0, %get3A_1, %get3A_2] : memref<1x19x64x512xf32, #tpu.memory_space<vmem>>, vector<1x19x64x512xf32>
    %squeeze3A = vector.shape_cast %get3A_3 : vector<1x19x64x512xf32> to vector<19x64x512xf32>
    %exp3A = math.exp %squeeze3A : vector<19x64x512xf32>
    %reduce_sum3A = arith.constant dense<0.000000e+00> : vector<64x512xf32>
    %reduce_sum3A_4 = vector.multi_reduction <add>, %exp3A, %reduce_sum3A [0] : vector<19x64x512xf32> to vector<64x512xf32>
    %div3A = arith.constant 5.120000e+02 : f32
    %div3A_5 = vector.broadcast %div3A : f32 to vector<64x512xf32>
    %div3A_6 = arith.divf %div3A_5, %reduce_sum3A_4 : vector<64x512xf32>
    %get3A_7 = arith.constant 0 : index
    %get3A_8 = arith.constant 0 : index
    %get3A_9 = arith.constant 0 : index
    %get3A_10 = vector.load %arg3[%get3A_7, %get3A_8, %get3A_9] : memref<1x64x512xi32, #tpu.memory_space<vmem>>, vector<1x64x512xi32>
    %squeeze3A_11 = vector.shape_cast %get3A_10 : vector<1x64x512xi32> to vector<64x512xi32>
    %iota3A = tpu.iota {dimensions = array<i32: 1>} : vector<64x512xi32>
    %and3A = arith.constant 15 : i32
    %and3A_12 = vector.broadcast %and3A : i32 to vector<64x512xi32>
    %and3A_13 = arith.andi %iota3A, %and3A_12 : vector<64x512xi32>
    %slice3A = vector.extract_strided_slice %exp3A {offsets = [0, 0, 0], sizes = [1, 64, 512], strides = [1, 1, 1]} : vector<19x64x512xf32> to vector<1x64x512xf32>
    %squeeze3A_14 = vector.shape_cast %slice3A : vector<1x64x512xf32> to vector<64x512xf32>
    %mul3A = arith.mulf %squeeze3A_14, %div3A_6 : vector<64x512xf32>
    %eq3A = arith.constant 0 : i32
    %eq3A_15 = vector.broadcast %eq3A : i32 to vector<64x512xi32>
    %eq3A_16 = arith.cmpi eq, %squeeze3A_11, %eq3A_15 : vector<64x512xi32>
    %sub3A = arith.constant 1.024000e+03 : f32
    %sub3A_17 = vector.broadcast %sub3A : f32 to vector<64x512xf32>
    %sub3A_18 = arith.subf %sub3A_17, %mul3A : vector<64x512xf32>
    %select_n3A = arith.select %eq3A_16, %sub3A_18, %mul3A : vector<64x512xi1>, vector<64x512xf32>
    %convert_element_type3A = arith.fptosi %select_n3A : vector<64x512xf32> to vector<64x512xi32>
    %add3A = arith.constant 0 : i32
    %add3A_19 = vector.broadcast %add3A : i32 to vector<64x512xi32>
    %add3A_20 = arith.addi %convert_element_type3A, %add3A_19 : vector<64x512xi32>
    %shift_left3A = arith.constant 4 : i32
    %shift_left3A_21 = vector.broadcast %shift_left3A : i32 to vector<64x512xi32>
    %shift_left3A_22 = arith.shli %add3A_20, %shift_left3A_21 : vector<64x512xi32>
    %or3A = arith.ori %shift_left3A_22, %and3A_13 : vector<64x512xi32>
    %slice3A_23 = vector.extract_strided_slice %exp3A {offsets = [1, 0, 0], sizes = [1, 64, 512], strides = [1, 1, 1]} : vector<19x64x512xf32> to vector<1x64x512xf32>
    %squeeze3A_24 = vector.shape_cast %slice3A_23 : vector<1x64x512xf32> to vector<64x512xf32>
    %mul3A_25 = arith.mulf %squeeze3A_24, %div3A_6 : vector<64x512xf32>
    %eq3A_26 = arith.constant 1 : i32
    %eq3A_27 = vector.broadcast %eq3A_26 : i32 to vector<64x512xi32>
    %eq3A_28 = arith.cmpi eq, %squeeze3A_11, %eq3A_27 : vector<64x512xi32>
    %sub3A_29 = arith.constant 1.024000e+03 : f32
    %sub3A_30 = vector.broadcast %sub3A_29 : f32 to vector<64x512xf32>
    %sub3A_31 = arith.subf %sub3A_30, %mul3A_25 : vector<64x512xf32>
    %select_n3A_32 = arith.select %eq3A_28, %sub3A_31, %mul3A_25 : vector<64x512xi1>, vector<64x512xf32>
    %convert_element_type3A_33 = arith.fptosi %select_n3A_32 : vector<64x512xf32> to vector<64x512xi32>
    %add3A_34 = arith.constant 1024 : i32
    %add3A_35 = vector.broadcast %add3A_34 : i32 to vector<64x512xi32>
    %add3A_36 = arith.addi %convert_element_type3A_33, %add3A_35 : vector<64x512xi32>
    %shift_left3A_37 = arith.constant 4 : i32
    %shift_left3A_38 = vector.broadcast %shift_left3A_37 : i32 to vector<64x512xi32>
    %shift_left3A_39 = arith.shli %add3A_36, %shift_left3A_38 : vector<64x512xi32>
    %or3A_40 = arith.ori %shift_left3A_39, %and3A_13 : vector<64x512xi32>
    %slice3A_41 = vector.extract_strided_slice %exp3A {offsets = [2, 0, 0], sizes = [1, 64, 512], strides = [1, 1, 1]} : vector<19x64x512xf32> to vector<1x64x512xf32>
    %squeeze3A_42 = vector.shape_cast %slice3A_41 : vector<1x64x512xf32> to vector<64x512xf32>
    %mul3A_43 = arith.mulf %squeeze3A_42, %div3A_6 : vector<64x512xf32>
    %eq3A_44 = arith.constant 2 : i32
    %eq3A_45 = vector.broadcast %eq3A_44 : i32 to vector<64x512xi32>
    %eq3A_46 = arith.cmpi eq, %squeeze3A_11, %eq3A_45 : vector<64x512xi32>
    %sub3A_47 = arith.constant 1.024000e+03 : f32
    %sub3A_48 = vector.broadcast %sub3A_47 : f32 to vector<64x512xf32>
    %sub3A_49 = arith.subf %sub3A_48, %mul3A_43 : vector<64x512xf32>
    %select_n3A_50 = arith.select %eq3A_46, %sub3A_49, %mul3A_43 : vector<64x512xi1>, vector<64x512xf32>
    %convert_element_type3A_51 = arith.fptosi %select_n3A_50 : vector<64x512xf32> to vector<64x512xi32>
    %add3A_52 = arith.constant 2048 : i32
    %add3A_53 = vector.broadcast %add3A_52 : i32 to vector<64x512xi32>
    %add3A_54 = arith.addi %convert_element_type3A_51, %add3A_53 : vector<64x512xi32>
    %shift_left3A_55 = arith.constant 4 : i32
    %shift_left3A_56 = vector.broadcast %shift_left3A_55 : i32 to vector<64x512xi32>
    %shift_left3A_57 = arith.shli %add3A_54, %shift_left3A_56 : vector<64x512xi32>
    %or3A_58 = arith.ori %shift_left3A_57, %and3A_13 : vector<64x512xi32>
    %slice3A_59 = vector.extract_strided_slice %exp3A {offsets = [3, 0, 0], sizes = [1, 64, 512], strides = [1, 1, 1]} : vector<19x64x512xf32> to vector<1x64x512xf32>
    %squeeze3A_60 = vector.shape_cast %slice3A_59 : vector<1x64x512xf32> to vector<64x512xf32>
    %mul3A_61 = arith.mulf %squeeze3A_60, %div3A_6 : vector<64x512xf32>
    %eq3A_62 = arith.constant 3 : i32
    %eq3A_63 = vector.broadcast %eq3A_62 : i32 to vector<64x512xi32>
    %eq3A_64 = arith.cmpi eq, %squeeze3A_11, %eq3A_63 : vector<64x512xi32>
    %sub3A_65 = arith.constant 1.024000e+03 : f32
    %sub3A_66 = vector.broadcast %sub3A_65 : f32 to vector<64x512xf32>
    %sub3A_67 = arith.subf %sub3A_66, %mul3A_61 : vector<64x512xf32>
    %select_n3A_68 = arith.select %eq3A_64, %sub3A_67, %mul3A_61 : vector<64x512xi1>, vector<64x512xf32>
    %convert_element_type3A_69 = arith.fptosi %select_n3A_68 : vector<64x512xf32> to vector<64x512xi32>
    %add3A_70 = arith.constant 3072 : i32
    %add3A_71 = vector.broadcast %add3A_70 : i32 to vector<64x512xi32>
    %add3A_72 = arith.addi %convert_element_type3A_69, %add3A_71 : vector<64x512xi32>
    %shift_left3A_73 = arith.constant 4 : i32
    %shift_left3A_74 = vector.broadcast %shift_left3A_73 : i32 to vector<64x512xi32>
    %shift_left3A_75 = arith.shli %add3A_72, %shift_left3A_74 : vector<64x512xi32>
    %or3A_76 = arith.ori %shift_left3A_75, %and3A_13 : vector<64x512xi32>
    %slice3A_77 = vector.extract_strided_slice %exp3A {offsets = [4, 0, 0], sizes = [1, 64, 512], strides = [1, 1, 1]} : vector<19x64x512xf32> to vector<1x64x512xf32>
    %squeeze3A_78 = vector.shape_cast %slice3A_77 : vector<1x64x512xf32> to vector<64x512xf32>
    %mul3A_79 = arith.mulf %squeeze3A_78, %div3A_6 : vector<64x512xf32>
    %eq3A_80 = arith.constant 4 : i32
    %eq3A_81 = vector.broadcast %eq3A_80 : i32 to vector<64x512xi32>
    %eq3A_82 = arith.cmpi eq, %squeeze3A_11, %eq3A_81 : vector<64x512xi32>
    %sub3A_83 = arith.constant 1.024000e+03 : f32
    %sub3A_84 = vector.broadcast %sub3A_83 : f32 to vector<64x512xf32>
    %sub3A_85 = arith.subf %sub3A_84, %mul3A_79 : vector<64x512xf32>
    %select_n3A_86 = arith.select %eq3A_82, %sub3A_85, %mul3A_79 : vector<64x512xi1>, vector<64x512xf32>
    %convert_element_type3A_87 = arith.fptosi %select_n3A_86 : vector<64x512xf32> to vector<64x512xi32>
    %add3A_88 = arith.constant 0 : i32
    %add3A_89 = vector.broadcast %add3A_88 : i32 to vector<64x512xi32>
    %add3A_90 = arith.addi %convert_element_type3A_87, %add3A_89 : vector<64x512xi32>
    %shift_left3A_91 = arith.constant 4 : i32
    %shift_left3A_92 = vector.broadcast %shift_left3A_91 : i32 to vector<64x512xi32>
    %shift_left3A_93 = arith.shli %add3A_90, %shift_left3A_92 : vector<64x512xi32>
    %or3A_94 = arith.ori %shift_left3A_93, %and3A_13 : vector<64x512xi32>
    %slice3A_95 = vector.extract_strided_slice %exp3A {offsets = [5, 0, 0], sizes = [1, 64, 512], strides = [1, 1, 1]} : vector<19x64x512xf32> to vector<1x64x512xf32>
    %squeeze3A_96 = vector.shape_cast %slice3A_95 : vector<1x64x512xf32> to vector<64x512xf32>
    %mul3A_97 = arith.mulf %squeeze3A_96, %div3A_6 : vector<64x512xf32>
    %eq3A_98 = arith.constant 5 : i32
    %eq3A_99 = vector.broadcast %eq3A_98 : i32 to vector<64x512xi32>
    %eq3A_100 = arith.cmpi eq, %squeeze3A_11, %eq3A_99 : vector<64x512xi32>
    %sub3A_101 = arith.constant 1.024000e+03 : f32
    %sub3A_102 = vector.broadcast %sub3A_101 : f32 to vector<64x512xf32>
    %sub3A_103 = arith.subf %sub3A_102, %mul3A_97 : vector<64x512xf32>
    %select_n3A_104 = arith.select %eq3A_100, %sub3A_103, %mul3A_97 : vector<64x512xi1>, vector<64x512xf32>
    %convert_element_type3A_105 = arith.fptosi %select_n3A_104 : vector<64x512xf32> to vector<64x512xi32>
    %add3A_106 = arith.constant 1024 : i32
    %add3A_107 = vector.broadcast %add3A_106 : i32 to vector<64x512xi32>
    %add3A_108 = arith.addi %convert_element_type3A_105, %add3A_107 : vector<64x512xi32>
    %shift_left3A_109 = arith.constant 4 : i32
    %shift_left3A_110 = vector.broadcast %shift_left3A_109 : i32 to vector<64x512xi32>
    %shift_left3A_111 = arith.shli %add3A_108, %shift_left3A_110 : vector<64x512xi32>
    %or3A_112 = arith.ori %shift_left3A_111, %and3A_13 : vector<64x512xi32>
    %slice3A_113 = vector.extract_strided_slice %exp3A {offsets = [6, 0, 0], sizes = [1, 64, 512], strides = [1, 1, 1]} : vector<19x64x512xf32> to vector<1x64x512xf32>
    %squeeze3A_114 = vector.shape_cast %slice3A_113 : vector<1x64x512xf32> to vector<64x512xf32>
    %mul3A_115 = arith.mulf %squeeze3A_114, %div3A_6 : vector<64x512xf32>
    %eq3A_116 = arith.constant 6 : i32
    %eq3A_117 = vector.broadcast %eq3A_116 : i32 to vector<64x512xi32>
    %eq3A_118 = arith.cmpi eq, %squeeze3A_11, %eq3A_117 : vector<64x512xi32>
    %sub3A_119 = arith.constant 1.024000e+03 : f32
    %sub3A_120 = vector.broadcast %sub3A_119 : f32 to vector<64x512xf32>
    %sub3A_121 = arith.subf %sub3A_120, %mul3A_115 : vector<64x512xf32>
    %select_n3A_122 = arith.select %eq3A_118, %sub3A_121, %mul3A_115 : vector<64x512xi1>, vector<64x512xf32>
    %convert_element_type3A_123 = arith.fptosi %select_n3A_122 : vector<64x512xf32> to vector<64x512xi32>
    %add3A_124 = arith.constant 2048 : i32
    %add3A_125 = vector.broadcast %add3A_124 : i32 to vector<64x512xi32>
    %add3A_126 = arith.addi %convert_element_type3A_123, %add3A_125 : vector<64x512xi32>
    %shift_left3A_127 = arith.constant 4 : i32
    %shift_left3A_128 = vector.broadcast %shift_left3A_127 : i32 to vector<64x512xi32>
    %shift_left3A_129 = arith.shli %add3A_126, %shift_left3A_128 : vector<64x512xi32>
    %or3A_130 = arith.ori %shift_left3A_129, %and3A_13 : vector<64x512xi32>
    %slice3A_131 = vector.extract_strided_slice %exp3A {offsets = [7, 0, 0], sizes = [1, 64, 512], strides = [1, 1, 1]} : vector<19x64x512xf32> to vector<1x64x512xf32>
    %squeeze3A_132 = vector.shape_cast %slice3A_131 : vector<1x64x512xf32> to vector<64x512xf32>
    %mul3A_133 = arith.mulf %squeeze3A_132, %div3A_6 : vector<64x512xf32>
    %eq3A_134 = arith.constant 7 : i32
    %eq3A_135 = vector.broadcast %eq3A_134 : i32 to vector<64x512xi32>
    %eq3A_136 = arith.cmpi eq, %squeeze3A_11, %eq3A_135 : vector<64x512xi32>
    %sub3A_137 = arith.constant 1.024000e+03 : f32
    %sub3A_138 = vector.broadcast %sub3A_137 : f32 to vector<64x512xf32>
    %sub3A_139 = arith.subf %sub3A_138, %mul3A_133 : vector<64x512xf32>
    %select_n3A_140 = arith.select %eq3A_136, %sub3A_139, %mul3A_133 : vector<64x512xi1>, vector<64x512xf32>
    %convert_element_type3A_141 = arith.fptosi %select_n3A_140 : vector<64x512xf32> to vector<64x512xi32>
    %add3A_142 = arith.constant 3072 : i32
    %add3A_143 = vector.broadcast %add3A_142 : i32 to vector<64x512xi32>
    %add3A_144 = arith.addi %convert_element_type3A_141, %add3A_143 : vector<64x512xi32>
    %shift_left3A_145 = arith.constant 4 : i32
    %shift_left3A_146 = vector.broadcast %shift_left3A_145 : i32 to vector<64x512xi32>
    %shift_left3A_147 = arith.shli %add3A_144, %shift_left3A_146 : vector<64x512xi32>
    %or3A_148 = arith.ori %shift_left3A_147, %and3A_13 : vector<64x512xi32>
    %slice3A_149 = vector.extract_strided_slice %exp3A {offsets = [8, 0, 0], sizes = [1, 64, 512], strides = [1, 1, 1]} : vector<19x64x512xf32> to vector<1x64x512xf32>
    %squeeze3A_150 = vector.shape_cast %slice3A_149 : vector<1x64x512xf32> to vector<64x512xf32>
    %mul3A_151 = arith.mulf %squeeze3A_150, %div3A_6 : vector<64x512xf32>
    %eq3A_152 = arith.constant 8 : i32
    %eq3A_153 = vector.broadcast %eq3A_152 : i32 to vector<64x512xi32>
    %eq3A_154 = arith.cmpi eq, %squeeze3A_11, %eq3A_153 : vector<64x512xi32>
    %sub3A_155 = arith.constant 1.024000e+03 : f32
    %sub3A_156 = vector.broadcast %sub3A_155 : f32 to vector<64x512xf32>
    %sub3A_157 = arith.subf %sub3A_156, %mul3A_151 : vector<64x512xf32>
    %select_n3A_158 = arith.select %eq3A_154, %sub3A_157, %mul3A_151 : vector<64x512xi1>, vector<64x512xf32>
    %convert_element_type3A_159 = arith.fptosi %select_n3A_158 : vector<64x512xf32> to vector<64x512xi32>
    %add3A_160 = arith.constant 0 : i32
    %add3A_161 = vector.broadcast %add3A_160 : i32 to vector<64x512xi32>
    %add3A_162 = arith.addi %convert_element_type3A_159, %add3A_161 : vector<64x512xi32>
    %shift_left3A_163 = arith.constant 4 : i32
    %shift_left3A_164 = vector.broadcast %shift_left3A_163 : i32 to vector<64x512xi32>
    %shift_left3A_165 = arith.shli %add3A_162, %shift_left3A_164 : vector<64x512xi32>
    %or3A_166 = arith.ori %shift_left3A_165, %and3A_13 : vector<64x512xi32>
    %slice3A_167 = vector.extract_strided_slice %exp3A {offsets = [9, 0, 0], sizes = [1, 64, 512], strides = [1, 1, 1]} : vector<19x64x512xf32> to vector<1x64x512xf32>
    %squeeze3A_168 = vector.shape_cast %slice3A_167 : vector<1x64x512xf32> to vector<64x512xf32>
    %mul3A_169 = arith.mulf %squeeze3A_168, %div3A_6 : vector<64x512xf32>
    %eq3A_170 = arith.constant 9 : i32
    %eq3A_171 = vector.broadcast %eq3A_170 : i32 to vector<64x512xi32>
    %eq3A_172 = arith.cmpi eq, %squeeze3A_11, %eq3A_171 : vector<64x512xi32>
    %sub3A_173 = arith.constant 1.024000e+03 : f32
    %sub3A_174 = vector.broadcast %sub3A_173 : f32 to vector<64x512xf32>
    %sub3A_175 = arith.subf %sub3A_174, %mul3A_169 : vector<64x512xf32>
    %select_n3A_176 = arith.select %eq3A_172, %sub3A_175, %mul3A_169 : vector<64x512xi1>, vector<64x512xf32>
    %convert_element_type3A_177 = arith.fptosi %select_n3A_176 : vector<64x512xf32> to vector<64x512xi32>
    %add3A_178 = arith.constant 1024 : i32
    %add3A_179 = vector.broadcast %add3A_178 : i32 to vector<64x512xi32>
    %add3A_180 = arith.addi %convert_element_type3A_177, %add3A_179 : vector<64x512xi32>
    %shift_left3A_181 = arith.constant 4 : i32
    %shift_left3A_182 = vector.broadcast %shift_left3A_181 : i32 to vector<64x512xi32>
    %shift_left3A_183 = arith.shli %add3A_180, %shift_left3A_182 : vector<64x512xi32>
    %or3A_184 = arith.ori %shift_left3A_183, %and3A_13 : vector<64x512xi32>
    %slice3A_185 = vector.extract_strided_slice %exp3A {offsets = [10, 0, 0], sizes = [1, 64, 512], strides = [1, 1, 1]} : vector<19x64x512xf32> to vector<1x64x512xf32>
    %squeeze3A_186 = vector.shape_cast %slice3A_185 : vector<1x64x512xf32> to vector<64x512xf32>
    %mul3A_187 = arith.mulf %squeeze3A_186, %div3A_6 : vector<64x512xf32>
    %eq3A_188 = arith.constant 10 : i32
    %eq3A_189 = vector.broadcast %eq3A_188 : i32 to vector<64x512xi32>
    %eq3A_190 = arith.cmpi eq, %squeeze3A_11, %eq3A_189 : vector<64x512xi32>
    %sub3A_191 = arith.constant 1.024000e+03 : f32
    %sub3A_192 = vector.broadcast %sub3A_191 : f32 to vector<64x512xf32>
    %sub3A_193 = arith.subf %sub3A_192, %mul3A_187 : vector<64x512xf32>
    %select_n3A_194 = arith.select %eq3A_190, %sub3A_193, %mul3A_187 : vector<64x512xi1>, vector<64x512xf32>
    %convert_element_type3A_195 = arith.fptosi %select_n3A_194 : vector<64x512xf32> to vector<64x512xi32>
    %add3A_196 = arith.constant 2048 : i32
    %add3A_197 = vector.broadcast %add3A_196 : i32 to vector<64x512xi32>
    %add3A_198 = arith.addi %convert_element_type3A_195, %add3A_197 : vector<64x512xi32>
    %shift_left3A_199 = arith.constant 4 : i32
    %shift_left3A_200 = vector.broadcast %shift_left3A_199 : i32 to vector<64x512xi32>
    %shift_left3A_201 = arith.shli %add3A_198, %shift_left3A_200 : vector<64x512xi32>
    %or3A_202 = arith.ori %shift_left3A_201, %and3A_13 : vector<64x512xi32>
    %slice3A_203 = vector.extract_strided_slice %exp3A {offsets = [11, 0, 0], sizes = [1, 64, 512], strides = [1, 1, 1]} : vector<19x64x512xf32> to vector<1x64x512xf32>
    %squeeze3A_204 = vector.shape_cast %slice3A_203 : vector<1x64x512xf32> to vector<64x512xf32>
    %mul3A_205 = arith.mulf %squeeze3A_204, %div3A_6 : vector<64x512xf32>
    %eq3A_206 = arith.constant 11 : i32
    %eq3A_207 = vector.broadcast %eq3A_206 : i32 to vector<64x512xi32>
    %eq3A_208 = arith.cmpi eq, %squeeze3A_11, %eq3A_207 : vector<64x512xi32>
    %sub3A_209 = arith.constant 1.024000e+03 : f32
    %sub3A_210 = vector.broadcast %sub3A_209 : f32 to vector<64x512xf32>
    %sub3A_211 = arith.subf %sub3A_210, %mul3A_205 : vector<64x512xf32>
    %select_n3A_212 = arith.select %eq3A_208, %sub3A_211, %mul3A_205 : vector<64x512xi1>, vector<64x512xf32>
    %convert_element_type3A_213 = arith.fptosi %select_n3A_212 : vector<64x512xf32> to vector<64x512xi32>
    %add3A_214 = arith.constant 3072 : i32
    %add3A_215 = vector.broadcast %add3A_214 : i32 to vector<64x512xi32>
    %add3A_216 = arith.addi %convert_element_type3A_213, %add3A_215 : vector<64x512xi32>
    %shift_left3A_217 = arith.constant 4 : i32
    %shift_left3A_218 = vector.broadcast %shift_left3A_217 : i32 to vector<64x512xi32>
    %shift_left3A_219 = arith.shli %add3A_216, %shift_left3A_218 : vector<64x512xi32>
    %or3A_220 = arith.ori %shift_left3A_219, %and3A_13 : vector<64x512xi32>
    %slice3A_221 = vector.extract_strided_slice %exp3A {offsets = [12, 0, 0], sizes = [1, 64, 512], strides = [1, 1, 1]} : vector<19x64x512xf32> to vector<1x64x512xf32>
    %squeeze3A_222 = vector.shape_cast %slice3A_221 : vector<1x64x512xf32> to vector<64x512xf32>
    %mul3A_223 = arith.mulf %squeeze3A_222, %div3A_6 : vector<64x512xf32>
    %eq3A_224 = arith.constant 12 : i32
    %eq3A_225 = vector.broadcast %eq3A_224 : i32 to vector<64x512xi32>
    %eq3A_226 = arith.cmpi eq, %squeeze3A_11, %eq3A_225 : vector<64x512xi32>
    %sub3A_227 = arith.constant 1.024000e+03 : f32
    %sub3A_228 = vector.broadcast %sub3A_227 : f32 to vector<64x512xf32>
    %sub3A_229 = arith.subf %sub3A_228, %mul3A_223 : vector<64x512xf32>
    %select_n3A_230 = arith.select %eq3A_226, %sub3A_229, %mul3A_223 : vector<64x512xi1>, vector<64x512xf32>
    %convert_element_type3A_231 = arith.fptosi %select_n3A_230 : vector<64x512xf32> to vector<64x512xi32>
    %add3A_232 = arith.constant 0 : i32
    %add3A_233 = vector.broadcast %add3A_232 : i32 to vector<64x512xi32>
    %add3A_234 = arith.addi %convert_element_type3A_231, %add3A_233 : vector<64x512xi32>
    %shift_left3A_235 = arith.constant 4 : i32
    %shift_left3A_236 = vector.broadcast %shift_left3A_235 : i32 to vector<64x512xi32>
    %shift_left3A_237 = arith.shli %add3A_234, %shift_left3A_236 : vector<64x512xi32>
    %or3A_238 = arith.ori %shift_left3A_237, %and3A_13 : vector<64x512xi32>
    %slice3A_239 = vector.extract_strided_slice %exp3A {offsets = [13, 0, 0], sizes = [1, 64, 512], strides = [1, 1, 1]} : vector<19x64x512xf32> to vector<1x64x512xf32>
    %squeeze3A_240 = vector.shape_cast %slice3A_239 : vector<1x64x512xf32> to vector<64x512xf32>
    %mul3A_241 = arith.mulf %squeeze3A_240, %div3A_6 : vector<64x512xf32>
    %eq3A_242 = arith.constant 13 : i32
    %eq3A_243 = vector.broadcast %eq3A_242 : i32 to vector<64x512xi32>
    %eq3A_244 = arith.cmpi eq, %squeeze3A_11, %eq3A_243 : vector<64x512xi32>
    %sub3A_245 = arith.constant 1.024000e+03 : f32
    %sub3A_246 = vector.broadcast %sub3A_245 : f32 to vector<64x512xf32>
    %sub3A_247 = arith.subf %sub3A_246, %mul3A_241 : vector<64x512xf32>
    %select_n3A_248 = arith.select %eq3A_244, %sub3A_247, %mul3A_241 : vector<64x512xi1>, vector<64x512xf32>
    %convert_element_type3A_249 = arith.fptosi %select_n3A_248 : vector<64x512xf32> to vector<64x512xi32>
    %add3A_250 = arith.constant 1024 : i32
    %add3A_251 = vector.broadcast %add3A_250 : i32 to vector<64x512xi32>
    %add3A_252 = arith.addi %convert_element_type3A_249, %add3A_251 : vector<64x512xi32>
    %shift_left3A_253 = arith.constant 4 : i32
    %shift_left3A_254 = vector.broadcast %shift_left3A_253 : i32 to vector<64x512xi32>
    %shift_left3A_255 = arith.shli %add3A_252, %shift_left3A_254 : vector<64x512xi32>
    %or3A_256 = arith.ori %shift_left3A_255, %and3A_13 : vector<64x512xi32>
    %slice3A_257 = vector.extract_strided_slice %exp3A {offsets = [14, 0, 0], sizes = [1, 64, 512], strides = [1, 1, 1]} : vector<19x64x512xf32> to vector<1x64x512xf32>
    %squeeze3A_258 = vector.shape_cast %slice3A_257 : vector<1x64x512xf32> to vector<64x512xf32>
    %mul3A_259 = arith.mulf %squeeze3A_258, %div3A_6 : vector<64x512xf32>
    %eq3A_260 = arith.constant 14 : i32
    %eq3A_261 = vector.broadcast %eq3A_260 : i32 to vector<64x512xi32>
    %eq3A_262 = arith.cmpi eq, %squeeze3A_11, %eq3A_261 : vector<64x512xi32>
    %sub3A_263 = arith.constant 1.024000e+03 : f32
    %sub3A_264 = vector.broadcast %sub3A_263 : f32 to vector<64x512xf32>
    %sub3A_265 = arith.subf %sub3A_264, %mul3A_259 : vector<64x512xf32>
    %select_n3A_266 = arith.select %eq3A_262, %sub3A_265, %mul3A_259 : vector<64x512xi1>, vector<64x512xf32>
    %convert_element_type3A_267 = arith.fptosi %select_n3A_266 : vector<64x512xf32> to vector<64x512xi32>
    %add3A_268 = arith.constant 2048 : i32
    %add3A_269 = vector.broadcast %add3A_268 : i32 to vector<64x512xi32>
    %add3A_270 = arith.addi %convert_element_type3A_267, %add3A_269 : vector<64x512xi32>
    %shift_left3A_271 = arith.constant 4 : i32
    %shift_left3A_272 = vector.broadcast %shift_left3A_271 : i32 to vector<64x512xi32>
    %shift_left3A_273 = arith.shli %add3A_270, %shift_left3A_272 : vector<64x512xi32>
    %or3A_274 = arith.ori %shift_left3A_273, %and3A_13 : vector<64x512xi32>
    %slice3A_275 = vector.extract_strided_slice %exp3A {offsets = [15, 0, 0], sizes = [1, 64, 512], strides = [1, 1, 1]} : vector<19x64x512xf32> to vector<1x64x512xf32>
    %squeeze3A_276 = vector.shape_cast %slice3A_275 : vector<1x64x512xf32> to vector<64x512xf32>
    %mul3A_277 = arith.mulf %squeeze3A_276, %div3A_6 : vector<64x512xf32>
    %eq3A_278 = arith.constant 15 : i32
    %eq3A_279 = vector.broadcast %eq3A_278 : i32 to vector<64x512xi32>
    %eq3A_280 = arith.cmpi eq, %squeeze3A_11, %eq3A_279 : vector<64x512xi32>
    %sub3A_281 = arith.constant 1.024000e+03 : f32
    %sub3A_282 = vector.broadcast %sub3A_281 : f32 to vector<64x512xf32>
    %sub3A_283 = arith.subf %sub3A_282, %mul3A_277 : vector<64x512xf32>
    %select_n3A_284 = arith.select %eq3A_280, %sub3A_283, %mul3A_277 : vector<64x512xi1>, vector<64x512xf32>
    %convert_element_type3A_285 = arith.fptosi %select_n3A_284 : vector<64x512xf32> to vector<64x512xi32>
    %add3A_286 = arith.constant 3072 : i32
    %add3A_287 = vector.broadcast %add3A_286 : i32 to vector<64x512xi32>
    %add3A_288 = arith.addi %convert_element_type3A_285, %add3A_287 : vector<64x512xi32>
    %shift_left3A_289 = arith.constant 4 : i32
    %shift_left3A_290 = vector.broadcast %shift_left3A_289 : i32 to vector<64x512xi32>
    %shift_left3A_291 = arith.shli %add3A_288, %shift_left3A_290 : vector<64x512xi32>
    %or3A_292 = arith.ori %shift_left3A_291, %and3A_13 : vector<64x512xi32>
    %slice3A_293 = vector.extract_strided_slice %exp3A {offsets = [16, 0, 0], sizes = [1, 64, 512], strides = [1, 1, 1]} : vector<19x64x512xf32> to vector<1x64x512xf32>
    %squeeze3A_294 = vector.shape_cast %slice3A_293 : vector<1x64x512xf32> to vector<64x512xf32>
    %mul3A_295 = arith.mulf %squeeze3A_294, %div3A_6 : vector<64x512xf32>
    %eq3A_296 = arith.constant 16 : i32
    %eq3A_297 = vector.broadcast %eq3A_296 : i32 to vector<64x512xi32>
    %eq3A_298 = arith.cmpi eq, %squeeze3A_11, %eq3A_297 : vector<64x512xi32>
    %sub3A_299 = arith.constant 1.024000e+03 : f32
    %sub3A_300 = vector.broadcast %sub3A_299 : f32 to vector<64x512xf32>
    %sub3A_301 = arith.subf %sub3A_300, %mul3A_295 : vector<64x512xf32>
    %select_n3A_302 = arith.select %eq3A_298, %sub3A_301, %mul3A_295 : vector<64x512xi1>, vector<64x512xf32>
    %convert_element_type3A_303 = arith.fptosi %select_n3A_302 : vector<64x512xf32> to vector<64x512xi32>
    %add3A_304 = arith.constant 0 : i32
    %add3A_305 = vector.broadcast %add3A_304 : i32 to vector<64x512xi32>
    %add3A_306 = arith.addi %convert_element_type3A_303, %add3A_305 : vector<64x512xi32>
    %shift_left3A_307 = arith.constant 4 : i32
    %shift_left3A_308 = vector.broadcast %shift_left3A_307 : i32 to vector<64x512xi32>
    %shift_left3A_309 = arith.shli %add3A_306, %shift_left3A_308 : vector<64x512xi32>
    %or3A_310 = arith.ori %shift_left3A_309, %and3A_13 : vector<64x512xi32>
    %slice3A_311 = vector.extract_strided_slice %exp3A {offsets = [17, 0, 0], sizes = [1, 64, 512], strides = [1, 1, 1]} : vector<19x64x512xf32> to vector<1x64x512xf32>
    %squeeze3A_312 = vector.shape_cast %slice3A_311 : vector<1x64x512xf32> to vector<64x512xf32>
    %mul3A_313 = arith.mulf %squeeze3A_312, %div3A_6 : vector<64x512xf32>
    %eq3A_314 = arith.constant 17 : i32
    %eq3A_315 = vector.broadcast %eq3A_314 : i32 to vector<64x512xi32>
    %eq3A_316 = arith.cmpi eq, %squeeze3A_11, %eq3A_315 : vector<64x512xi32>
    %sub3A_317 = arith.constant 1.024000e+03 : f32
    %sub3A_318 = vector.broadcast %sub3A_317 : f32 to vector<64x512xf32>
    %sub3A_319 = arith.subf %sub3A_318, %mul3A_313 : vector<64x512xf32>
    %select_n3A_320 = arith.select %eq3A_316, %sub3A_319, %mul3A_313 : vector<64x512xi1>, vector<64x512xf32>
    %convert_element_type3A_321 = arith.fptosi %select_n3A_320 : vector<64x512xf32> to vector<64x512xi32>
    %add3A_322 = arith.constant 1024 : i32
    %add3A_323 = vector.broadcast %add3A_322 : i32 to vector<64x512xi32>
    %add3A_324 = arith.addi %convert_element_type3A_321, %add3A_323 : vector<64x512xi32>
    %shift_left3A_325 = arith.constant 4 : i32
    %shift_left3A_326 = vector.broadcast %shift_left3A_325 : i32 to vector<64x512xi32>
    %shift_left3A_327 = arith.shli %add3A_324, %shift_left3A_326 : vector<64x512xi32>
    %or3A_328 = arith.ori %shift_left3A_327, %and3A_13 : vector<64x512xi32>
    %slice3A_329 = vector.extract_strided_slice %exp3A {offsets = [18, 0, 0], sizes = [1, 64, 512], strides = [1, 1, 1]} : vector<19x64x512xf32> to vector<1x64x512xf32>
    %squeeze3A_330 = vector.shape_cast %slice3A_329 : vector<1x64x512xf32> to vector<64x512xf32>
    %mul3A_331 = arith.mulf %squeeze3A_330, %div3A_6 : vector<64x512xf32>
    %eq3A_332 = arith.constant 18 : i32
    %eq3A_333 = vector.broadcast %eq3A_332 : i32 to vector<64x512xi32>
    %eq3A_334 = arith.cmpi eq, %squeeze3A_11, %eq3A_333 : vector<64x512xi32>
    %sub3A_335 = arith.constant 1.024000e+03 : f32
    %sub3A_336 = vector.broadcast %sub3A_335 : f32 to vector<64x512xf32>
    %sub3A_337 = arith.subf %sub3A_336, %mul3A_331 : vector<64x512xf32>
    %select_n3A_338 = arith.select %eq3A_334, %sub3A_337, %mul3A_331 : vector<64x512xi1>, vector<64x512xf32>
    %convert_element_type3A_339 = arith.fptosi %select_n3A_338 : vector<64x512xf32> to vector<64x512xi32>
    %add3A_340 = arith.constant 2048 : i32
    %add3A_341 = vector.broadcast %add3A_340 : i32 to vector<64x512xi32>
    %add3A_342 = arith.addi %convert_element_type3A_339, %add3A_341 : vector<64x512xi32>
    %shift_left3A_343 = arith.constant 4 : i32
    %shift_left3A_344 = vector.broadcast %shift_left3A_343 : i32 to vector<64x512xi32>
    %shift_left3A_345 = arith.shli %add3A_342, %shift_left3A_344 : vector<64x512xi32>
    %or3A_346 = arith.ori %shift_left3A_345, %and3A_13 : vector<64x512xi32>
    %shift_left3A_347 = arith.constant 16 : i32
    %shift_left3A_348 = vector.broadcast %shift_left3A_347 : i32 to vector<64x512xi32>
    %shift_left3A_349 = arith.shli %or3A_40, %shift_left3A_348 : vector<64x512xi32>
    %or3A_350 = arith.ori %or3A, %shift_left3A_349 : vector<64x512xi32>
    %shift_left3A_351 = arith.constant 16 : i32
    %shift_left3A_352 = vector.broadcast %shift_left3A_351 : i32 to vector<64x512xi32>
    %shift_left3A_353 = arith.shli %or3A_76, %shift_left3A_352 : vector<64x512xi32>
    %or3A_354 = arith.ori %or3A_58, %shift_left3A_353 : vector<64x512xi32>
    %shift_left3A_355 = arith.constant 16 : i32
    %shift_left3A_356 = vector.broadcast %shift_left3A_355 : i32 to vector<64x512xi32>
    %shift_left3A_357 = arith.shli %or3A_112, %shift_left3A_356 : vector<64x512xi32>
    %or3A_358 = arith.ori %or3A_94, %shift_left3A_357 : vector<64x512xi32>
    %shift_left3A_359 = arith.constant 16 : i32
    %shift_left3A_360 = vector.broadcast %shift_left3A_359 : i32 to vector<64x512xi32>
    %shift_left3A_361 = arith.shli %or3A_148, %shift_left3A_360 : vector<64x512xi32>
    %or3A_362 = arith.ori %or3A_130, %shift_left3A_361 : vector<64x512xi32>
    %shift_left3A_363 = arith.constant 16 : i32
    %shift_left3A_364 = vector.broadcast %shift_left3A_363 : i32 to vector<64x512xi32>
    %shift_left3A_365 = arith.shli %or3A_184, %shift_left3A_364 : vector<64x512xi32>
    %or3A_366 = arith.ori %or3A_166, %shift_left3A_365 : vector<64x512xi32>
    %shift_left3A_367 = arith.constant 16 : i32
    %shift_left3A_368 = vector.broadcast %shift_left3A_367 : i32 to vector<64x512xi32>
    %shift_left3A_369 = arith.shli %or3A_220, %shift_left3A_368 : vector<64x512xi32>
    %or3A_370 = arith.ori %or3A_202, %shift_left3A_369 : vector<64x512xi32>
    %shift_left3A_371 = arith.constant 16 : i32
    %shift_left3A_372 = vector.broadcast %shift_left3A_371 : i32 to vector<64x512xi32>
    %shift_left3A_373 = arith.shli %or3A_256, %shift_left3A_372 : vector<64x512xi32>
    %or3A_374 = arith.ori %or3A_238, %shift_left3A_373 : vector<64x512xi32>
    %shift_left3A_375 = arith.constant 16 : i32
    %shift_left3A_376 = vector.broadcast %shift_left3A_375 : i32 to vector<64x512xi32>
    %shift_left3A_377 = arith.shli %or3A_292, %shift_left3A_376 : vector<64x512xi32>
    %or3A_378 = arith.ori %or3A_274, %shift_left3A_377 : vector<64x512xi32>
    %shift_left3A_379 = arith.constant 16 : i32
    %shift_left3A_380 = vector.broadcast %shift_left3A_379 : i32 to vector<64x512xi32>
    %shift_left3A_381 = arith.shli %or3A_328, %shift_left3A_380 : vector<64x512xi32>
    %or3A_382 = arith.ori %or3A_310, %shift_left3A_381 : vector<64x512xi32>
    %shift_left3A_383 = arith.constant 16 : i32
    %shift_left3A_384 = vector.broadcast %shift_left3A_383 : i32 to vector<64x512xi32>
    %shift_left3A_385 = arith.shli %or3A_346, %shift_left3A_384 : vector<64x512xi32>
    %or3A_386 = arith.ori %or3A_346, %shift_left3A_385 : vector<64x512xi32>
    %stack3A = vector.shape_cast %or3A_350 : vector<64x512xi32> to vector<1x64x512xi32>
    %stack3A_387 = vector.shape_cast %or3A_354 : vector<64x512xi32> to vector<1x64x512xi32>
    %stack3A_388 = vector.shape_cast %or3A_358 : vector<64x512xi32> to vector<1x64x512xi32>
    %stack3A_389 = vector.shape_cast %or3A_362 : vector<64x512xi32> to vector<1x64x512xi32>
    %stack3A_390 = vector.shape_cast %or3A_366 : vector<64x512xi32> to vector<1x64x512xi32>
    %stack3A_391 = vector.shape_cast %or3A_370 : vector<64x512xi32> to vector<1x64x512xi32>
    %stack3A_392 = vector.shape_cast %or3A_374 : vector<64x512xi32> to vector<1x64x512xi32>
    %stack3A_393 = vector.shape_cast %or3A_378 : vector<64x512xi32> to vector<1x64x512xi32>
    %stack3A_394 = vector.shape_cast %or3A_382 : vector<64x512xi32> to vector<1x64x512xi32>
    %stack3A_395 = vector.shape_cast %or3A_386 : vector<64x512xi32> to vector<1x64x512xi32>
    %stack3A_396 = tpu.concatenate %stack3A, %stack3A_387, %stack3A_388, %stack3A_389, %stack3A_390, %stack3A_391, %stack3A_392, %stack3A_393, %stack3A_394, %stack3A_395 in 0 : vector<1x64x512xi32>, vector<1x64x512xi32>, vector<1x64x512xi32>, vector<1x64x512xi32>, vector<1x64x512xi32>, vector<1x64x512xi32>, vector<1x64x512xi32>, vector<1x64x512xi32>, vector<1x64x512xi32>, vector<1x64x512xi32> -> vector<10x64x512xi32>
    %swap3A = arith.constant 0 : index
    %swap3A_397 = arith.constant 0 : index
    %swap3A_398 = arith.constant 0 : index
    %swap3A_399 = vector.load %arg4[%swap3A, %swap3A_397, %swap3A_398] : memref<10x64x512xi32, #tpu.memory_space<vmem>>, vector<10x64x512xi32>
    tpu.vector_store %arg4[%swap3A, %swap3A_397, %swap3A_398], %stack3A_396 {strides = array<i32>} : memref<10x64x512xi32, #tpu.memory_space<vmem>>, vector<10x64x512xi32>,
    return
  }
  func.func @transform_0(%arg0: i32, %arg1: i32) -> (i32, i32, i32, i32) {
    %add3A = arith.constant 2 : i32
    %add3A_0 = arith.addi %add3A, %arg0 : i32
    %c0_i32 = arith.constant 0 : i32
    %c0_i32_1 = arith.constant 0 : i32
    %c0_i32_2 = arith.constant 0 : i32
    return %add3A_0, %c0_i32, %arg1, %c0_i32_1 : i32, i32, i32, i32
  }
  func.func @transform_1(%arg0: i32, %arg1: i32) -> (i32, i32, i32) {
    %add3A = arith.constant 2 : i32
    %add3A_0 = arith.addi %add3A, %arg0 : i32
    %c0_i32 = arith.constant 0 : i32
    %c0_i32_1 = arith.constant 0 : i32
    return %add3A_0, %arg1, %c0_i32 : i32, i32, i32
  }
  func.func @transform_2(%arg0: i32, %arg1: i32) -> (i32, i32, i32) {
    %mul3A = arith.constant 8 : i32
    %mul3A_0 = arith.muli %arg0, %mul3A : i32
    %add3A = arith.addi %mul3A_0, %arg1 : i32
    %c0_i32 = arith.constant 0 : i32
    %c0_i32_1 = arith.constant 0 : i32
    %c0_i32_2 = arith.constant 0 : i32
    return %c0_i32, %add3A, %c0_i32_1 : i32, i32, i32
  }
}

module attributes {stable_mosaic.version = 14 : i64} {
  func.func @_bin_body(%arg0: i32, %arg1: i32, %arg2: memref<1x19x64x512xf32, #tpu.memory_space<vmem>>, %arg3: memref<1x64x512xi32, #tpu.memory_space<vmem>>, %arg4: memref<10x64x512xi32, #tpu.memory_space<vmem>>) attributes {dimension_semantics = [#tpu.dimension_semantics<arbitrary>, #tpu.dimension_semantics<arbitrary>], iteration_bounds = array<i64: 2, 8>, scalar_prefetch = 0 : i64, scratch_operands = 0 : i64, tpu.core_type = #tpu.core_type<tc>, window_params = [{transform_indices = @transform_0, window_bounds = array<i64: 1, 19, 64, 512>}, {transform_indices = @transform_1, window_bounds = array<i64: 1, 64, 512>}, {transform_indices = @transform_2, window_bounds = array<i64: 10, 64, 512>}]} {
    %get3A = arith.constant 0 : index
    %get3A_0 = arith.constant 0 : index
    %get3A_1 = arith.constant 0 : index
    %get3A_2 = arith.constant 0 : index
    %get3A_3 = vector.load %arg2[%get3A, %get3A_0, %get3A_1, %get3A_2] : memref<1x19x64x512xf32, #tpu.memory_space<vmem>>, vector<1x19x64x512xf32>
    %squeeze3A = vector.shape_cast %get3A_3 : vector<1x19x64x512xf32> to vector<19x64x512xf32>
    %exp3A = math.exp %squeeze3A : vector<19x64x512xf32>
    %reduce_sum3A = arith.constant dense<0.000000e+00> : vector<64x512xf32>
    %reduce_sum3A_4 = vector.multi_reduction <add>, %exp3A, %reduce_sum3A [0] : vector<19x64x512xf32> to vector<64x512xf32>
    %div3A = arith.constant 5.120000e+02 : f32
    %div3A_5 = vector.broadcast %div3A : f32 to vector<64x512xf32>
    %div3A_6 = arith.divf %div3A_5, %reduce_sum3A_4 : vector<64x512xf32>
    %get3A_7 = arith.constant 0 : index
    %get3A_8 = arith.constant 0 : index
    %get3A_9 = arith.constant 0 : index
    %get3A_10 = vector.load %arg3[%get3A_7, %get3A_8, %get3A_9] : memref<1x64x512xi32, #tpu.memory_space<vmem>>, vector<1x64x512xi32>
    %squeeze3A_11 = vector.shape_cast %get3A_10 : vector<1x64x512xi32> to vector<64x512xi32>
    %iota3A = tpu.iota {dimensions = array<i32: 1>} : vector<64x512xi32>
    %and3A = arith.constant 15 : i32
    %and3A_12 = vector.broadcast %and3A : i32 to vector<64x512xi32>
    %and3A_13 = arith.andi %iota3A, %and3A_12 : vector<64x512xi32>
    %slice3A = vector.extract_strided_slice %exp3A {offsets = [0, 0, 0], sizes = [1, 64, 512], strides = [1, 1, 1]} : vector<19x64x512xf32> to vector<1x64x512xf32>
    %squeeze3A_14 = vector.shape_cast %slice3A : vector<1x64x512xf32> to vector<64x512xf32>
    %mul3A = arith.mulf %squeeze3A_14, %div3A_6 : vector<64x512xf32>
    %eq3A = arith.constant 0 : i32
    %eq3A_15 = vector.broadcast %eq3A : i32 to vector<64x512xi32>
    %eq3A_16 = arith.cmpi eq, %squeeze3A_11, %eq3A_15 : vector<64x512xi32>
    %sub3A = arith.constant 1.024000e+03 : f32
    %sub3A_17 = vector.broadcast %sub3A : f32 to vector<64x512xf32>
    %sub3A_18 = arith.subf %sub3A_17, %mul3A : vector<64x512xf32>
    %select_n3A = arith.select %eq3A_16, %sub3A_18, %mul3A : vector<64x512xi1>, vector<64x512xf32>
    %convert_element_type3A = arith.fptosi %select_n3A : vector<64x512xf32> to vector<64x512xi32>
    %add3A = arith.constant 0 : i32
    %add3A_19 = vector.broadcast %add3A : i32 to vector<64x512xi32>
    %add3A_20 = arith.addi %convert_element_type3A, %add3A_19 : vector<64x512xi32>
    %shift_left3A = arith.constant 4 : i32
    %shift_left3A_21 = vector.broadcast %shift_left3A : i32 to vector<64x512xi32>
    %shift_left3A_22 = arith.shli %add3A_20, %shift_left3A_21 : vector<64x512xi32>
    %or3A = arith.ori %shift_left3A_22, %and3A_13 : vector<64x512xi32>
    %slice3A_23 = vector.extract_strided_slice %exp3A {offsets = [1, 0, 0], sizes = [1, 64, 512], strides = [1, 1, 1]} : vector<19x64x512xf32> to vector<1x64x512xf32>
    %squeeze3A_24 = vector.shape_cast %slice3A_23 : vector<1x64x512xf32> to vector<64x512xf32>
    %mul3A_25 = arith.mulf %squeeze3A_24, %div3A_6 : vector<64x512xf32>
    %eq3A_26 = arith.constant 1 : i32
    %eq3A_27 = vector.broadcast %eq3A_26 : i32 to vector<64x512xi32>
    %eq3A_28 = arith.cmpi eq, %squeeze3A_11, %eq3A_27 : vector<64x512xi32>
    %sub3A_29 = arith.constant 1.024000e+03 : f32
    %sub3A_30 = vector.broadcast %sub3A_29 : f32 to vector<64x512xf32>
    %sub3A_31 = arith.subf %sub3A_30, %mul3A_25 : vector<64x512xf32>
    %select_n3A_32 = arith.select %eq3A_28, %sub3A_31, %mul3A_25 : vector<64x512xi1>, vector<64x512xf32>
    %convert_element_type3A_33 = arith.fptosi %select_n3A_32 : vector<64x512xf32> to vector<64x512xi32>
    %add3A_34 = arith.constant 1024 : i32
    %add3A_35 = vector.broadcast %add3A_34 : i32 to vector<64x512xi32>
    %add3A_36 = arith.addi %convert_element_type3A_33, %add3A_35 : vector<64x512xi32>
    %shift_left3A_37 = arith.constant 4 : i32
    %shift_left3A_38 = vector.broadcast %shift_left3A_37 : i32 to vector<64x512xi32>
    %shift_left3A_39 = arith.shli %add3A_36, %shift_left3A_38 : vector<64x512xi32>
    %or3A_40 = arith.ori %shift_left3A_39, %and3A_13 : vector<64x512xi32>
    %slice3A_41 = vector.extract_strided_slice %exp3A {offsets = [2, 0, 0], sizes = [1, 64, 512], strides = [1, 1, 1]} : vector<19x64x512xf32> to vector<1x64x512xf32>
    %squeeze3A_42 = vector.shape_cast %slice3A_41 : vector<1x64x512xf32> to vector<64x512xf32>
    %mul3A_43 = arith.mulf %squeeze3A_42, %div3A_6 : vector<64x512xf32>
    %eq3A_44 = arith.constant 2 : i32
    %eq3A_45 = vector.broadcast %eq3A_44 : i32 to vector<64x512xi32>
    %eq3A_46 = arith.cmpi eq, %squeeze3A_11, %eq3A_45 : vector<64x512xi32>
    %sub3A_47 = arith.constant 1.024000e+03 : f32
    %sub3A_48 = vector.broadcast %sub3A_47 : f32 to vector<64x512xf32>
    %sub3A_49 = arith.subf %sub3A_48, %mul3A_43 : vector<64x512xf32>
    %select_n3A_50 = arith.select %eq3A_46, %sub3A_49, %mul3A_43 : vector<64x512xi1>, vector<64x512xf32>
    %convert_element_type3A_51 = arith.fptosi %select_n3A_50 : vector<64x512xf32> to vector<64x512xi32>
    %add3A_52 = arith.constant 2048 : i32
    %add3A_53 = vector.broadcast %add3A_52 : i32 to vector<64x512xi32>
    %add3A_54 = arith.addi %convert_element_type3A_51, %add3A_53 : vector<64x512xi32>
    %shift_left3A_55 = arith.constant 4 : i32
    %shift_left3A_56 = vector.broadcast %shift_left3A_55 : i32 to vector<64x512xi32>
    %shift_left3A_57 = arith.shli %add3A_54, %shift_left3A_56 : vector<64x512xi32>
    %or3A_58 = arith.ori %shift_left3A_57, %and3A_13 : vector<64x512xi32>
    %slice3A_59 = vector.extract_strided_slice %exp3A {offsets = [3, 0, 0], sizes = [1, 64, 512], strides = [1, 1, 1]} : vector<19x64x512xf32> to vector<1x64x512xf32>
    %squeeze3A_60 = vector.shape_cast %slice3A_59 : vector<1x64x512xf32> to vector<64x512xf32>
    %mul3A_61 = arith.mulf %squeeze3A_60, %div3A_6 : vector<64x512xf32>
    %eq3A_62 = arith.constant 3 : i32
    %eq3A_63 = vector.broadcast %eq3A_62 : i32 to vector<64x512xi32>
    %eq3A_64 = arith.cmpi eq, %squeeze3A_11, %eq3A_63 : vector<64x512xi32>
    %sub3A_65 = arith.constant 1.024000e+03 : f32
    %sub3A_66 = vector.broadcast %sub3A_65 : f32 to vector<64x512xf32>
    %sub3A_67 = arith.subf %sub3A_66, %mul3A_61 : vector<64x512xf32>
    %select_n3A_68 = arith.select %eq3A_64, %sub3A_67, %mul3A_61 : vector<64x512xi1>, vector<64x512xf32>
    %convert_element_type3A_69 = arith.fptosi %select_n3A_68 : vector<64x512xf32> to vector<64x512xi32>
    %add3A_70 = arith.constant 3072 : i32
    %add3A_71 = vector.broadcast %add3A_70 : i32 to vector<64x512xi32>
    %add3A_72 = arith.addi %convert_element_type3A_69, %add3A_71 : vector<64x512xi32>
    %shift_left3A_73 = arith.constant 4 : i32
    %shift_left3A_74 = vector.broadcast %shift_left3A_73 : i32 to vector<64x512xi32>
    %shift_left3A_75 = arith.shli %add3A_72, %shift_left3A_74 : vector<64x512xi32>
    %or3A_76 = arith.ori %shift_left3A_75, %and3A_13 : vector<64x512xi32>
    %slice3A_77 = vector.extract_strided_slice %exp3A {offsets = [4, 0, 0], sizes = [1, 64, 512], strides = [1, 1, 1]} : vector<19x64x512xf32> to vector<1x64x512xf32>
    %squeeze3A_78 = vector.shape_cast %slice3A_77 : vector<1x64x512xf32> to vector<64x512xf32>
    %mul3A_79 = arith.mulf %squeeze3A_78, %div3A_6 : vector<64x512xf32>
    %eq3A_80 = arith.constant 4 : i32
    %eq3A_81 = vector.broadcast %eq3A_80 : i32 to vector<64x512xi32>
    %eq3A_82 = arith.cmpi eq, %squeeze3A_11, %eq3A_81 : vector<64x512xi32>
    %sub3A_83 = arith.constant 1.024000e+03 : f32
    %sub3A_84 = vector.broadcast %sub3A_83 : f32 to vector<64x512xf32>
    %sub3A_85 = arith.subf %sub3A_84, %mul3A_79 : vector<64x512xf32>
    %select_n3A_86 = arith.select %eq3A_82, %sub3A_85, %mul3A_79 : vector<64x512xi1>, vector<64x512xf32>
    %convert_element_type3A_87 = arith.fptosi %select_n3A_86 : vector<64x512xf32> to vector<64x512xi32>
    %add3A_88 = arith.constant 0 : i32
    %add3A_89 = vector.broadcast %add3A_88 : i32 to vector<64x512xi32>
    %add3A_90 = arith.addi %convert_element_type3A_87, %add3A_89 : vector<64x512xi32>
    %shift_left3A_91 = arith.constant 4 : i32
    %shift_left3A_92 = vector.broadcast %shift_left3A_91 : i32 to vector<64x512xi32>
    %shift_left3A_93 = arith.shli %add3A_90, %shift_left3A_92 : vector<64x512xi32>
    %or3A_94 = arith.ori %shift_left3A_93, %and3A_13 : vector<64x512xi32>
    %slice3A_95 = vector.extract_strided_slice %exp3A {offsets = [5, 0, 0], sizes = [1, 64, 512], strides = [1, 1, 1]} : vector<19x64x512xf32> to vector<1x64x512xf32>
    %squeeze3A_96 = vector.shape_cast %slice3A_95 : vector<1x64x512xf32> to vector<64x512xf32>
    %mul3A_97 = arith.mulf %squeeze3A_96, %div3A_6 : vector<64x512xf32>
    %eq3A_98 = arith.constant 5 : i32
    %eq3A_99 = vector.broadcast %eq3A_98 : i32 to vector<64x512xi32>
    %eq3A_100 = arith.cmpi eq, %squeeze3A_11, %eq3A_99 : vector<64x512xi32>
    %sub3A_101 = arith.constant 1.024000e+03 : f32
    %sub3A_102 = vector.broadcast %sub3A_101 : f32 to vector<64x512xf32>
    %sub3A_103 = arith.subf %sub3A_102, %mul3A_97 : vector<64x512xf32>
    %select_n3A_104 = arith.select %eq3A_100, %sub3A_103, %mul3A_97 : vector<64x512xi1>, vector<64x512xf32>
    %convert_element_type3A_105 = arith.fptosi %select_n3A_104 : vector<64x512xf32> to vector<64x512xi32>
    %add3A_106 = arith.constant 1024 : i32
    %add3A_107 = vector.broadcast %add3A_106 : i32 to vector<64x512xi32>
    %add3A_108 = arith.addi %convert_element_type3A_105, %add3A_107 : vector<64x512xi32>
    %shift_left3A_109 = arith.constant 4 : i32
    %shift_left3A_110 = vector.broadcast %shift_left3A_109 : i32 to vector<64x512xi32>
    %shift_left3A_111 = arith.shli %add3A_108, %shift_left3A_110 : vector<64x512xi32>
    %or3A_112 = arith.ori %shift_left3A_111, %and3A_13 : vector<64x512xi32>
    %slice3A_113 = vector.extract_strided_slice %exp3A {offsets = [6, 0, 0], sizes = [1, 64, 512], strides = [1, 1, 1]} : vector<19x64x512xf32> to vector<1x64x512xf32>
    %squeeze3A_114 = vector.shape_cast %slice3A_113 : vector<1x64x512xf32> to vector<64x512xf32>
    %mul3A_115 = arith.mulf %squeeze3A_114, %div3A_6 : vector<64x512xf32>
    %eq3A_116 = arith.constant 6 : i32
    %eq3A_117 = vector.broadcast %eq3A_116 : i32 to vector<64x512xi32>
    %eq3A_118 = arith.cmpi eq, %squeeze3A_11, %eq3A_117 : vector<64x512xi32>
    %sub3A_119 = arith.constant 1.024000e+03 : f32
    %sub3A_120 = vector.broadcast %sub3A_119 : f32 to vector<64x512xf32>
    %sub3A_121 = arith.subf %sub3A_120, %mul3A_115 : vector<64x512xf32>
    %select_n3A_122 = arith.select %eq3A_118, %sub3A_121, %mul3A_115 : vector<64x512xi1>, vector<64x512xf32>
    %convert_element_type3A_123 = arith.fptosi %select_n3A_122 : vector<64x512xf32> to vector<64x512xi32>
    %add3A_124 = arith.constant 2048 : i32
    %add3A_125 = vector.broadcast %add3A_124 : i32 to vector<64x512xi32>
    %add3A_126 = arith.addi %convert_element_type3A_123, %add3A_125 : vector<64x512xi32>
    %shift_left3A_127 = arith.constant 4 : i32
    %shift_left3A_128 = vector.broadcast %shift_left3A_127 : i32 to vector<64x512xi32>
    %shift_left3A_129 = arith.shli %add3A_126, %shift_left3A_128 : vector<64x512xi32>
    %or3A_130 = arith.ori %shift_left3A_129, %and3A_13 : vector<64x512xi32>
    %slice3A_131 = vector.extract_strided_slice %exp3A {offsets = [7, 0, 0], sizes = [1, 64, 512], strides = [1, 1, 1]} : vector<19x64x512xf32> to vector<1x64x512xf32>
    %squeeze3A_132 = vector.shape_cast %slice3A_131 : vector<1x64x512xf32> to vector<64x512xf32>
    %mul3A_133 = arith.mulf %squeeze3A_132, %div3A_6 : vector<64x512xf32>
    %eq3A_134 = arith.constant 7 : i32
    %eq3A_135 = vector.broadcast %eq3A_134 : i32 to vector<64x512xi32>
    %eq3A_136 = arith.cmpi eq, %squeeze3A_11, %eq3A_135 : vector<64x512xi32>
    %sub3A_137 = arith.constant 1.024000e+03 : f32
    %sub3A_138 = vector.broadcast %sub3A_137 : f32 to vector<64x512xf32>
    %sub3A_139 = arith.subf %sub3A_138, %mul3A_133 : vector<64x512xf32>
    %select_n3A_140 = arith.select %eq3A_136, %sub3A_139, %mul3A_133 : vector<64x512xi1>, vector<64x512xf32>
    %convert_element_type3A_141 = arith.fptosi %select_n3A_140 : vector<64x512xf32> to vector<64x512xi32>
    %add3A_142 = arith.constant 3072 : i32
    %add3A_143 = vector.broadcast %add3A_142 : i32 to vector<64x512xi32>
    %add3A_144 = arith.addi %convert_element_type3A_141, %add3A_143 : vector<64x512xi32>
    %shift_left3A_145 = arith.constant 4 : i32
    %shift_left3A_146 = vector.broadcast %shift_left3A_145 : i32 to vector<64x512xi32>
    %shift_left3A_147 = arith.shli %add3A_144, %shift_left3A_146 : vector<64x512xi32>
    %or3A_148 = arith.ori %shift_left3A_147, %and3A_13 : vector<64x512xi32>
    %slice3A_149 = vector.extract_strided_slice %exp3A {offsets = [8, 0, 0], sizes = [1, 64, 512], strides = [1, 1, 1]} : vector<19x64x512xf32> to vector<1x64x512xf32>
    %squeeze3A_150 = vector.shape_cast %slice3A_149 : vector<1x64x512xf32> to vector<64x512xf32>
    %mul3A_151 = arith.mulf %squeeze3A_150, %div3A_6 : vector<64x512xf32>
    %eq3A_152 = arith.constant 8 : i32
    %eq3A_153 = vector.broadcast %eq3A_152 : i32 to vector<64x512xi32>
    %eq3A_154 = arith.cmpi eq, %squeeze3A_11, %eq3A_153 : vector<64x512xi32>
    %sub3A_155 = arith.constant 1.024000e+03 : f32
    %sub3A_156 = vector.broadcast %sub3A_155 : f32 to vector<64x512xf32>
    %sub3A_157 = arith.subf %sub3A_156, %mul3A_151 : vector<64x512xf32>
    %select_n3A_158 = arith.select %eq3A_154, %sub3A_157, %mul3A_151 : vector<64x512xi1>, vector<64x512xf32>
    %convert_element_type3A_159 = arith.fptosi %select_n3A_158 : vector<64x512xf32> to vector<64x512xi32>
    %add3A_160 = arith.constant 0 : i32
    %add3A_161 = vector.broadcast %add3A_160 : i32 to vector<64x512xi32>
    %add3A_162 = arith.addi %convert_element_type3A_159, %add3A_161 : vector<64x512xi32>
    %shift_left3A_163 = arith.constant 4 : i32
    %shift_left3A_164 = vector.broadcast %shift_left3A_163 : i32 to vector<64x512xi32>
    %shift_left3A_165 = arith.shli %add3A_162, %shift_left3A_164 : vector<64x512xi32>
    %or3A_166 = arith.ori %shift_left3A_165, %and3A_13 : vector<64x512xi32>
    %slice3A_167 = vector.extract_strided_slice %exp3A {offsets = [9, 0, 0], sizes = [1, 64, 512], strides = [1, 1, 1]} : vector<19x64x512xf32> to vector<1x64x512xf32>
    %squeeze3A_168 = vector.shape_cast %slice3A_167 : vector<1x64x512xf32> to vector<64x512xf32>
    %mul3A_169 = arith.mulf %squeeze3A_168, %div3A_6 : vector<64x512xf32>
    %eq3A_170 = arith.constant 9 : i32
    %eq3A_171 = vector.broadcast %eq3A_170 : i32 to vector<64x512xi32>
    %eq3A_172 = arith.cmpi eq, %squeeze3A_11, %eq3A_171 : vector<64x512xi32>
    %sub3A_173 = arith.constant 1.024000e+03 : f32
    %sub3A_174 = vector.broadcast %sub3A_173 : f32 to vector<64x512xf32>
    %sub3A_175 = arith.subf %sub3A_174, %mul3A_169 : vector<64x512xf32>
    %select_n3A_176 = arith.select %eq3A_172, %sub3A_175, %mul3A_169 : vector<64x512xi1>, vector<64x512xf32>
    %convert_element_type3A_177 = arith.fptosi %select_n3A_176 : vector<64x512xf32> to vector<64x512xi32>
    %add3A_178 = arith.constant 1024 : i32
    %add3A_179 = vector.broadcast %add3A_178 : i32 to vector<64x512xi32>
    %add3A_180 = arith.addi %convert_element_type3A_177, %add3A_179 : vector<64x512xi32>
    %shift_left3A_181 = arith.constant 4 : i32
    %shift_left3A_182 = vector.broadcast %shift_left3A_181 : i32 to vector<64x512xi32>
    %shift_left3A_183 = arith.shli %add3A_180, %shift_left3A_182 : vector<64x512xi32>
    %or3A_184 = arith.ori %shift_left3A_183, %and3A_13 : vector<64x512xi32>
    %slice3A_185 = vector.extract_strided_slice %exp3A {offsets = [10, 0, 0], sizes = [1, 64, 512], strides = [1, 1, 1]} : vector<19x64x512xf32> to vector<1x64x512xf32>
    %squeeze3A_186 = vector.shape_cast %slice3A_185 : vector<1x64x512xf32> to vector<64x512xf32>
    %mul3A_187 = arith.mulf %squeeze3A_186, %div3A_6 : vector<64x512xf32>
    %eq3A_188 = arith.constant 10 : i32
    %eq3A_189 = vector.broadcast %eq3A_188 : i32 to vector<64x512xi32>
    %eq3A_190 = arith.cmpi eq, %squeeze3A_11, %eq3A_189 : vector<64x512xi32>
    %sub3A_191 = arith.constant 1.024000e+03 : f32
    %sub3A_192 = vector.broadcast %sub3A_191 : f32 to vector<64x512xf32>
    %sub3A_193 = arith.subf %sub3A_192, %mul3A_187 : vector<64x512xf32>
    %select_n3A_194 = arith.select %eq3A_190, %sub3A_193, %mul3A_187 : vector<64x512xi1>, vector<64x512xf32>
    %convert_element_type3A_195 = arith.fptosi %select_n3A_194 : vector<64x512xf32> to vector<64x512xi32>
    %add3A_196 = arith.constant 2048 : i32
    %add3A_197 = vector.broadcast %add3A_196 : i32 to vector<64x512xi32>
    %add3A_198 = arith.addi %convert_element_type3A_195, %add3A_197 : vector<64x512xi32>
    %shift_left3A_199 = arith.constant 4 : i32
    %shift_left3A_200 = vector.broadcast %shift_left3A_199 : i32 to vector<64x512xi32>
    %shift_left3A_201 = arith.shli %add3A_198, %shift_left3A_200 : vector<64x512xi32>
    %or3A_202 = arith.ori %shift_left3A_201, %and3A_13 : vector<64x512xi32>
    %slice3A_203 = vector.extract_strided_slice %exp3A {offsets = [11, 0, 0], sizes = [1, 64, 512], strides = [1, 1, 1]} : vector<19x64x512xf32> to vector<1x64x512xf32>
    %squeeze3A_204 = vector.shape_cast %slice3A_203 : vector<1x64x512xf32> to vector<64x512xf32>
    %mul3A_205 = arith.mulf %squeeze3A_204, %div3A_6 : vector<64x512xf32>
    %eq3A_206 = arith.constant 11 : i32
    %eq3A_207 = vector.broadcast %eq3A_206 : i32 to vector<64x512xi32>
    %eq3A_208 = arith.cmpi eq, %squeeze3A_11, %eq3A_207 : vector<64x512xi32>
    %sub3A_209 = arith.constant 1.024000e+03 : f32
    %sub3A_210 = vector.broadcast %sub3A_209 : f32 to vector<64x512xf32>
    %sub3A_211 = arith.subf %sub3A_210, %mul3A_205 : vector<64x512xf32>
    %select_n3A_212 = arith.select %eq3A_208, %sub3A_211, %mul3A_205 : vector<64x512xi1>, vector<64x512xf32>
    %convert_element_type3A_213 = arith.fptosi %select_n3A_212 : vector<64x512xf32> to vector<64x512xi32>
    %add3A_214 = arith.constant 3072 : i32
    %add3A_215 = vector.broadcast %add3A_214 : i32 to vector<64x512xi32>
    %add3A_216 = arith.addi %convert_element_type3A_213, %add3A_215 : vector<64x512xi32>
    %shift_left3A_217 = arith.constant 4 : i32
    %shift_left3A_218 = vector.broadcast %shift_left3A_217 : i32 to vector<64x512xi32>
    %shift_left3A_219 = arith.shli %add3A_216, %shift_left3A_218 : vector<64x512xi32>
    %or3A_220 = arith.ori %shift_left3A_219, %and3A_13 : vector<64x512xi32>
    %slice3A_221 = vector.extract_strided_slice %exp3A {offsets = [12, 0, 0], sizes = [1, 64, 512], strides = [1, 1, 1]} : vector<19x64x512xf32> to vector<1x64x512xf32>
    %squeeze3A_222 = vector.shape_cast %slice3A_221 : vector<1x64x512xf32> to vector<64x512xf32>
    %mul3A_223 = arith.mulf %squeeze3A_222, %div3A_6 : vector<64x512xf32>
    %eq3A_224 = arith.constant 12 : i32
    %eq3A_225 = vector.broadcast %eq3A_224 : i32 to vector<64x512xi32>
    %eq3A_226 = arith.cmpi eq, %squeeze3A_11, %eq3A_225 : vector<64x512xi32>
    %sub3A_227 = arith.constant 1.024000e+03 : f32
    %sub3A_228 = vector.broadcast %sub3A_227 : f32 to vector<64x512xf32>
    %sub3A_229 = arith.subf %sub3A_228, %mul3A_223 : vector<64x512xf32>
    %select_n3A_230 = arith.select %eq3A_226, %sub3A_229, %mul3A_223 : vector<64x512xi1>, vector<64x512xf32>
    %convert_element_type3A_231 = arith.fptosi %select_n3A_230 : vector<64x512xf32> to vector<64x512xi32>
    %add3A_232 = arith.constant 0 : i32
    %add3A_233 = vector.broadcast %add3A_232 : i32 to vector<64x512xi32>
    %add3A_234 = arith.addi %convert_element_type3A_231, %add3A_233 : vector<64x512xi32>
    %shift_left3A_235 = arith.constant 4 : i32
    %shift_left3A_236 = vector.broadcast %shift_left3A_235 : i32 to vector<64x512xi32>
    %shift_left3A_237 = arith.shli %add3A_234, %shift_left3A_236 : vector<64x512xi32>
    %or3A_238 = arith.ori %shift_left3A_237, %and3A_13 : vector<64x512xi32>
    %slice3A_239 = vector.extract_strided_slice %exp3A {offsets = [13, 0, 0], sizes = [1, 64, 512], strides = [1, 1, 1]} : vector<19x64x512xf32> to vector<1x64x512xf32>
    %squeeze3A_240 = vector.shape_cast %slice3A_239 : vector<1x64x512xf32> to vector<64x512xf32>
    %mul3A_241 = arith.mulf %squeeze3A_240, %div3A_6 : vector<64x512xf32>
    %eq3A_242 = arith.constant 13 : i32
    %eq3A_243 = vector.broadcast %eq3A_242 : i32 to vector<64x512xi32>
    %eq3A_244 = arith.cmpi eq, %squeeze3A_11, %eq3A_243 : vector<64x512xi32>
    %sub3A_245 = arith.constant 1.024000e+03 : f32
    %sub3A_246 = vector.broadcast %sub3A_245 : f32 to vector<64x512xf32>
    %sub3A_247 = arith.subf %sub3A_246, %mul3A_241 : vector<64x512xf32>
    %select_n3A_248 = arith.select %eq3A_244, %sub3A_247, %mul3A_241 : vector<64x512xi1>, vector<64x512xf32>
    %convert_element_type3A_249 = arith.fptosi %select_n3A_248 : vector<64x512xf32> to vector<64x512xi32>
    %add3A_250 = arith.constant 1024 : i32
    %add3A_251 = vector.broadcast %add3A_250 : i32 to vector<64x512xi32>
    %add3A_252 = arith.addi %convert_element_type3A_249, %add3A_251 : vector<64x512xi32>
    %shift_left3A_253 = arith.constant 4 : i32
    %shift_left3A_254 = vector.broadcast %shift_left3A_253 : i32 to vector<64x512xi32>
    %shift_left3A_255 = arith.shli %add3A_252, %shift_left3A_254 : vector<64x512xi32>
    %or3A_256 = arith.ori %shift_left3A_255, %and3A_13 : vector<64x512xi32>
    %slice3A_257 = vector.extract_strided_slice %exp3A {offsets = [14, 0, 0], sizes = [1, 64, 512], strides = [1, 1, 1]} : vector<19x64x512xf32> to vector<1x64x512xf32>
    %squeeze3A_258 = vector.shape_cast %slice3A_257 : vector<1x64x512xf32> to vector<64x512xf32>
    %mul3A_259 = arith.mulf %squeeze3A_258, %div3A_6 : vector<64x512xf32>
    %eq3A_260 = arith.constant 14 : i32
    %eq3A_261 = vector.broadcast %eq3A_260 : i32 to vector<64x512xi32>
    %eq3A_262 = arith.cmpi eq, %squeeze3A_11, %eq3A_261 : vector<64x512xi32>
    %sub3A_263 = arith.constant 1.024000e+03 : f32
    %sub3A_264 = vector.broadcast %sub3A_263 : f32 to vector<64x512xf32>
    %sub3A_265 = arith.subf %sub3A_264, %mul3A_259 : vector<64x512xf32>
    %select_n3A_266 = arith.select %eq3A_262, %sub3A_265, %mul3A_259 : vector<64x512xi1>, vector<64x512xf32>
    %convert_element_type3A_267 = arith.fptosi %select_n3A_266 : vector<64x512xf32> to vector<64x512xi32>
    %add3A_268 = arith.constant 2048 : i32
    %add3A_269 = vector.broadcast %add3A_268 : i32 to vector<64x512xi32>
    %add3A_270 = arith.addi %convert_element_type3A_267, %add3A_269 : vector<64x512xi32>
    %shift_left3A_271 = arith.constant 4 : i32
    %shift_left3A_272 = vector.broadcast %shift_left3A_271 : i32 to vector<64x512xi32>
    %shift_left3A_273 = arith.shli %add3A_270, %shift_left3A_272 : vector<64x512xi32>
    %or3A_274 = arith.ori %shift_left3A_273, %and3A_13 : vector<64x512xi32>
    %slice3A_275 = vector.extract_strided_slice %exp3A {offsets = [15, 0, 0], sizes = [1, 64, 512], strides = [1, 1, 1]} : vector<19x64x512xf32> to vector<1x64x512xf32>
    %squeeze3A_276 = vector.shape_cast %slice3A_275 : vector<1x64x512xf32> to vector<64x512xf32>
    %mul3A_277 = arith.mulf %squeeze3A_276, %div3A_6 : vector<64x512xf32>
    %eq3A_278 = arith.constant 15 : i32
    %eq3A_279 = vector.broadcast %eq3A_278 : i32 to vector<64x512xi32>
    %eq3A_280 = arith.cmpi eq, %squeeze3A_11, %eq3A_279 : vector<64x512xi32>
    %sub3A_281 = arith.constant 1.024000e+03 : f32
    %sub3A_282 = vector.broadcast %sub3A_281 : f32 to vector<64x512xf32>
    %sub3A_283 = arith.subf %sub3A_282, %mul3A_277 : vector<64x512xf32>
    %select_n3A_284 = arith.select %eq3A_280, %sub3A_283, %mul3A_277 : vector<64x512xi1>, vector<64x512xf32>
    %convert_element_type3A_285 = arith.fptosi %select_n3A_284 : vector<64x512xf32> to vector<64x512xi32>
    %add3A_286 = arith.constant 3072 : i32
    %add3A_287 = vector.broadcast %add3A_286 : i32 to vector<64x512xi32>
    %add3A_288 = arith.addi %convert_element_type3A_285, %add3A_287 : vector<64x512xi32>
    %shift_left3A_289 = arith.constant 4 : i32
    %shift_left3A_290 = vector.broadcast %shift_left3A_289 : i32 to vector<64x512xi32>
    %shift_left3A_291 = arith.shli %add3A_288, %shift_left3A_290 : vector<64x512xi32>
    %or3A_292 = arith.ori %shift_left3A_291, %and3A_13 : vector<64x512xi32>
    %slice3A_293 = vector.extract_strided_slice %exp3A {offsets = [16, 0, 0], sizes = [1, 64, 512], strides = [1, 1, 1]} : vector<19x64x512xf32> to vector<1x64x512xf32>
    %squeeze3A_294 = vector.shape_cast %slice3A_293 : vector<1x64x512xf32> to vector<64x512xf32>
    %mul3A_295 = arith.mulf %squeeze3A_294, %div3A_6 : vector<64x512xf32>
    %eq3A_296 = arith.constant 16 : i32
    %eq3A_297 = vector.broadcast %eq3A_296 : i32 to vector<64x512xi32>
    %eq3A_298 = arith.cmpi eq, %squeeze3A_11, %eq3A_297 : vector<64x512xi32>
    %sub3A_299 = arith.constant 1.024000e+03 : f32
    %sub3A_300 = vector.broadcast %sub3A_299 : f32 to vector<64x512xf32>
    %sub3A_301 = arith.subf %sub3A_300, %mul3A_295 : vector<64x512xf32>
    %select_n3A_302 = arith.select %eq3A_298, %sub3A_301, %mul3A_295 : vector<64x512xi1>, vector<64x512xf32>
    %convert_element_type3A_303 = arith.fptosi %select_n3A_302 : vector<64x512xf32> to vector<64x512xi32>
    %add3A_304 = arith.constant 0 : i32
    %add3A_305 = vector.broadcast %add3A_304 : i32 to vector<64x512xi32>
    %add3A_306 = arith.addi %convert_element_type3A_303, %add3A_305 : vector<64x512xi32>
    %shift_left3A_307 = arith.constant 4 : i32
    %shift_left3A_308 = vector.broadcast %shift_left3A_307 : i32 to vector<64x512xi32>
    %shift_left3A_309 = arith.shli %add3A_306, %shift_left3A_308 : vector<64x512xi32>
    %or3A_310 = arith.ori %shift_left3A_309, %and3A_13 : vector<64x512xi32>
    %slice3A_311 = vector.extract_strided_slice %exp3A {offsets = [17, 0, 0], sizes = [1, 64, 512], strides = [1, 1, 1]} : vector<19x64x512xf32> to vector<1x64x512xf32>
    %squeeze3A_312 = vector.shape_cast %slice3A_311 : vector<1x64x512xf32> to vector<64x512xf32>
    %mul3A_313 = arith.mulf %squeeze3A_312, %div3A_6 : vector<64x512xf32>
    %eq3A_314 = arith.constant 17 : i32
    %eq3A_315 = vector.broadcast %eq3A_314 : i32 to vector<64x512xi32>
    %eq3A_316 = arith.cmpi eq, %squeeze3A_11, %eq3A_315 : vector<64x512xi32>
    %sub3A_317 = arith.constant 1.024000e+03 : f32
    %sub3A_318 = vector.broadcast %sub3A_317 : f32 to vector<64x512xf32>
    %sub3A_319 = arith.subf %sub3A_318, %mul3A_313 : vector<64x512xf32>
    %select_n3A_320 = arith.select %eq3A_316, %sub3A_319, %mul3A_313 : vector<64x512xi1>, vector<64x512xf32>
    %convert_element_type3A_321 = arith.fptosi %select_n3A_320 : vector<64x512xf32> to vector<64x512xi32>
    %add3A_322 = arith.constant 1024 : i32
    %add3A_323 = vector.broadcast %add3A_322 : i32 to vector<64x512xi32>
    %add3A_324 = arith.addi %convert_element_type3A_321, %add3A_323 : vector<64x512xi32>
    %shift_left3A_325 = arith.constant 4 : i32
    %shift_left3A_326 = vector.broadcast %shift_left3A_325 : i32 to vector<64x512xi32>
    %shift_left3A_327 = arith.shli %add3A_324, %shift_left3A_326 : vector<64x512xi32>
    %or3A_328 = arith.ori %shift_left3A_327, %and3A_13 : vector<64x512xi32>
    %slice3A_329 = vector.extract_strided_slice %exp3A {offsets = [18, 0, 0], sizes = [1, 64, 512], strides = [1, 1, 1]} : vector<19x64x512xf32> to vector<1x64x512xf32>
    %squeeze3A_330 = vector.shape_cast %slice3A_329 : vector<1x64x512xf32> to vector<64x512xf32>
    %mul3A_331 = arith.mulf %squeeze3A_330, %div3A_6 : vector<64x512xf32>
    %eq3A_332 = arith.constant 18 : i32
    %eq3A_333 = vector.broadcast %eq3A_332 : i32 to vector<64x512xi32>
    %eq3A_334 = arith.cmpi eq, %squeeze3A_11, %eq3A_333 : vector<64x512xi32>
    %sub3A_335 = arith.constant 1.024000e+03 : f32
    %sub3A_336 = vector.broadcast %sub3A_335 : f32 to vector<64x512xf32>
    %sub3A_337 = arith.subf %sub3A_336, %mul3A_331 : vector<64x512xf32>
    %select_n3A_338 = arith.select %eq3A_334, %sub3A_337, %mul3A_331 : vector<64x512xi1>, vector<64x512xf32>
    %convert_element_type3A_339 = arith.fptosi %select_n3A_338 : vector<64x512xf32> to vector<64x512xi32>
    %add3A_340 = arith.constant 2048 : i32
    %add3A_341 = vector.broadcast %add3A_340 : i32 to vector<64x512xi32>
    %add3A_342 = arith.addi %convert_element_type3A_339, %add3A_341 : vector<64x512xi32>
    %shift_left3A_343 = arith.constant 4 : i32
    %shift_left3A_344 = vector.broadcast %shift_left3A_343 : i32 to vector<64x512xi32>
    %shift_left3A_345 = arith.shli %add3A_342, %shift_left3A_344 : vector<64x512xi32>
    %or3A_346 = arith.ori %shift_left3A_345, %and3A_13 : vector<64x512xi32>
    %shift_left3A_347 = arith.constant 16 : i32
    %shift_left3A_348 = vector.broadcast %shift_left3A_347 : i32 to vector<64x512xi32>
    %shift_left3A_349 = arith.shli %or3A_40, %shift_left3A_348 : vector<64x512xi32>
    %or3A_350 = arith.ori %or3A, %shift_left3A_349 : vector<64x512xi32>
    %shift_left3A_351 = arith.constant 16 : i32
    %shift_left3A_352 = vector.broadcast %shift_left3A_351 : i32 to vector<64x512xi32>
    %shift_left3A_353 = arith.shli %or3A_76, %shift_left3A_352 : vector<64x512xi32>
    %or3A_354 = arith.ori %or3A_58, %shift_left3A_353 : vector<64x512xi32>
    %shift_left3A_355 = arith.constant 16 : i32
    %shift_left3A_356 = vector.broadcast %shift_left3A_355 : i32 to vector<64x512xi32>
    %shift_left3A_357 = arith.shli %or3A_112, %shift_left3A_356 : vector<64x512xi32>
    %or3A_358 = arith.ori %or3A_94, %shift_left3A_357 : vector<64x512xi32>
    %shift_left3A_359 = arith.constant 16 : i32
    %shift_left3A_360 = vector.broadcast %shift_left3A_359 : i32 to vector<64x512xi32>
    %shift_left3A_361 = arith.shli %or3A_148, %shift_left3A_360 : vector<64x512xi32>
    %or3A_362 = arith.ori %or3A_130, %shift_left3A_361 : vector<64x512xi32>
    %shift_left3A_363 = arith.constant 16 : i32
    %shift_left3A_364 = vector.broadcast %shift_left3A_363 : i32 to vector<64x512xi32>
    %shift_left3A_365 = arith.shli %or3A_184, %shift_left3A_364 : vector<64x512xi32>
    %or3A_366 = arith.ori %or3A_166, %shift_left3A_365 : vector<64x512xi32>
    %shift_left3A_367 = arith.constant 16 : i32
    %shift_left3A_368 = vector.broadcast %shift_left3A_367 : i32 to vector<64x512xi32>
    %shift_left3A_369 = arith.shli %or3A_220, %shift_left3A_368 : vector<64x512xi32>
    %or3A_370 = arith.ori %or3A_202, %shift_left3A_369 : vector<64x512xi32>
    %shift_left3A_371 = arith.constant 16 : i32
    %shift_left3A_372 = vector.broadcast %shift_left3A_371 : i32 to vector<64x512xi32>
    %shift_left3A_373 = arith.shli %or3A_256, %shift_left3A_372 : vector<64x512xi32>
    %or3A_374 = arith.ori %or3A_238, %shift_left3A_373 : vector<64x512xi32>
    %shift_left3A_375 = arith.constant 16 : i32
    %shift_left3A_376 = vector.broadcast %shift_left3A_375 : i32 to vector<64x512xi32>
    %shift_left3A_377 = arith.shli %or3A_292, %shift_left3A_376 : vector<64x512xi32>
    %or3A_378 = arith.ori %or3A_274, %shift_left3A_377 : vector<64x512xi32>
    %shift_left3A_379 = arith.constant 16 : i32
    %shift_left3A_380 = vector.broadcast %shift_left3A_379 : i32 to vector<64x512xi32>
    %shift_left3A_381 = arith.shli %or3A_328, %shift_left3A_380 : vector<64x512xi32>
    %or3A_382 = arith.ori %or3A_310, %shift_left3A_381 : vector<64x512xi32>
    %shift_left3A_383 = arith.constant 16 : i32
    %shift_left3A_384 = vector.broadcast %shift_left3A_383 : i32 to vector<64x512xi32>
    %shift_left3A_385 = arith.shli %or3A_346, %shift_left3A_384 : vector<64x512xi32>
    %or3A_386 = arith.ori %or3A_346, %shift_left3A_385 : vector<64x512xi32>
    %stack3A = vector.shape_cast %or3A_350 : vector<64x512xi32> to vector<1x64x512xi32>
    %stack3A_387 = vector.shape_cast %or3A_354 : vector<64x512xi32> to vector<1x64x512xi32>
    %stack3A_388 = vector.shape_cast %or3A_358 : vector<64x512xi32> to vector<1x64x512xi32>
    %stack3A_389 = vector.shape_cast %or3A_362 : vector<64x512xi32> to vector<1x64x512xi32>
    %stack3A_390 = vector.shape_cast %or3A_366 : vector<64x512xi32> to vector<1x64x512xi32>
    %stack3A_391 = vector.shape_cast %or3A_370 : vector<64x512xi32> to vector<1x64x512xi32>
    %stack3A_392 = vector.shape_cast %or3A_374 : vector<64x512xi32> to vector<1x64x512xi32>
    %stack3A_393 = vector.shape_cast %or3A_378 : vector<64x512xi32> to vector<1x64x512xi32>
    %stack3A_394 = vector.shape_cast %or3A_382 : vector<64x512xi32> to vector<1x64x512xi32>
    %stack3A_395 = vector.shape_cast %or3A_386 : vector<64x512xi32> to vector<1x64x512xi32>
    %stack3A_396 = tpu.concatenate %stack3A, %stack3A_387, %stack3A_388, %stack3A_389, %stack3A_390, %stack3A_391, %stack3A_392, %stack3A_393, %stack3A_394, %stack3A_395 in 0 : vector<1x64x512xi32>, vector<1x64x512xi32>, vector<1x64x512xi32>, vector<1x64x512xi32>, vector<1x64x512xi32>, vector<1x64x512xi32>, vector<1x64x512xi32>, vector<1x64x512xi32>, vector<1x64x512xi32>, vector<1x64x512xi32> -> vector<10x64x512xi32>
    %swap3A = arith.constant 0 : index
    %swap3A_397 = arith.constant 0 : index
    %swap3A_398 = arith.constant 0 : index
    %swap3A_399 = vector.load %arg4[%swap3A, %swap3A_397, %swap3A_398] : memref<10x64x512xi32, #tpu.memory_space<vmem>>, vector<10x64x512xi32>
    tpu.vector_store %arg4[%swap3A, %swap3A_397, %swap3A_398], %stack3A_396 {strides = array<i32>} : memref<10x64x512xi32, #tpu.memory_space<vmem>>, vector<10x64x512xi32>,
    return
  }
  func.func @transform_0(%arg0: i32, %arg1: i32) -> (i32, i32, i32, i32) {
    %add3A = arith.constant 0 : i32
    %add3A_0 = arith.addi %add3A, %arg0 : i32
    %c0_i32 = arith.constant 0 : i32
    %c0_i32_1 = arith.constant 0 : i32
    %c0_i32_2 = arith.constant 0 : i32
    return %add3A_0, %c0_i32, %arg1, %c0_i32_1 : i32, i32, i32, i32
  }
  func.func @transform_1(%arg0: i32, %arg1: i32) -> (i32, i32, i32) {
    %add3A = arith.constant 0 : i32
    %add3A_0 = arith.addi %add3A, %arg0 : i32
    %c0_i32 = arith.constant 0 : i32
    %c0_i32_1 = arith.constant 0 : i32
    return %add3A_0, %arg1, %c0_i32 : i32, i32, i32
  }
  func.func @transform_2(%arg0: i32, %arg1: i32) -> (i32, i32, i32) {
    %mul3A = arith.constant 8 : i32
    %mul3A_0 = arith.muli %arg0, %mul3A : i32
    %add3A = arith.addi %mul3A_0, %arg1 : i32
    %c0_i32 = arith.constant 0 : i32
    %c0_i32_1 = arith.constant 0 : i32
    %c0_i32_2 = arith.constant 0 : i32
    return %c0_i32, %add3A, %c0_i32_1 : i32, i32, i32
  }
}

module attributes {stable_mosaic.version = 14 : i64} {
  func.func @_finish_body(%arg0: memref<32x4096xf32, #tpu.memory_space<vmem>>, %arg1: memref<32x4096xf32, #tpu.memory_space<vmem>>, %arg2: memref<1x1xf32, #tpu.memory_space<vmem>>) attributes {dimension_semantics = [], scalar_prefetch = 0 : i64, scratch_operands = 0 : i64, tpu.core_type = #tpu.core_type<tc>} {
    %get3A = arith.constant 0 : index
    %get3A_0 = arith.constant 0 : index
    %get3A_1 = vector.load %arg0[%get3A, %get3A_0] : memref<32x4096xf32, #tpu.memory_space<vmem>>, vector<32x4096xf32>
    %get3A_2 = arith.constant 0 : index
    %get3A_3 = arith.constant 0 : index
    %get3A_4 = vector.load %arg1[%get3A_2, %get3A_3] : memref<32x4096xf32, #tpu.memory_space<vmem>>, vector<32x4096xf32>
    %add3A = arith.addf %get3A_1, %get3A_4 : vector<32x4096xf32>
    %slice3A = vector.extract_strided_slice %add3A {offsets = [0, 0], sizes = [1, 1024], strides = [1, 1]} : vector<32x4096xf32> to vector<1x1024xf32>
    %squeeze3A = vector.shape_cast %slice3A : vector<1x1024xf32> to vector<1024xf32>
    %slice3A_5 = vector.extract_strided_slice %add3A {offsets = [1, 0], sizes = [1, 1024], strides = [1, 1]} : vector<32x4096xf32> to vector<1x1024xf32>
    %squeeze3A_6 = vector.shape_cast %slice3A_5 : vector<1x1024xf32> to vector<1024xf32>
    %add3A_7 = arith.addf %squeeze3A, %squeeze3A_6 : vector<1024xf32>
    %slice3A_8 = vector.extract_strided_slice %add3A {offsets = [2, 0], sizes = [1, 1024], strides = [1, 1]} : vector<32x4096xf32> to vector<1x1024xf32>
    %squeeze3A_9 = vector.shape_cast %slice3A_8 : vector<1x1024xf32> to vector<1024xf32>
    %add3A_10 = arith.addf %add3A_7, %squeeze3A_9 : vector<1024xf32>
    %slice3A_11 = vector.extract_strided_slice %add3A {offsets = [3, 0], sizes = [1, 1024], strides = [1, 1]} : vector<32x4096xf32> to vector<1x1024xf32>
    %squeeze3A_12 = vector.shape_cast %slice3A_11 : vector<1x1024xf32> to vector<1024xf32>
    %add3A_13 = arith.addf %add3A_10, %squeeze3A_12 : vector<1024xf32>
    %slice3A_14 = vector.extract_strided_slice %add3A {offsets = [0, 1024], sizes = [1, 1024], strides = [1, 1]} : vector<32x4096xf32> to vector<1x1024xf32>
    %squeeze3A_15 = vector.shape_cast %slice3A_14 : vector<1x1024xf32> to vector<1024xf32>
    %slice3A_16 = vector.extract_strided_slice %add3A {offsets = [1, 1024], sizes = [1, 1024], strides = [1, 1]} : vector<32x4096xf32> to vector<1x1024xf32>
    %squeeze3A_17 = vector.shape_cast %slice3A_16 : vector<1x1024xf32> to vector<1024xf32>
    %add3A_18 = arith.addf %squeeze3A_15, %squeeze3A_17 : vector<1024xf32>
    %slice3A_19 = vector.extract_strided_slice %add3A {offsets = [2, 1024], sizes = [1, 1024], strides = [1, 1]} : vector<32x4096xf32> to vector<1x1024xf32>
    %squeeze3A_20 = vector.shape_cast %slice3A_19 : vector<1x1024xf32> to vector<1024xf32>
    %add3A_21 = arith.addf %add3A_18, %squeeze3A_20 : vector<1024xf32>
    %slice3A_22 = vector.extract_strided_slice %add3A {offsets = [3, 1024], sizes = [1, 1024], strides = [1, 1]} : vector<32x4096xf32> to vector<1x1024xf32>
    %squeeze3A_23 = vector.shape_cast %slice3A_22 : vector<1x1024xf32> to vector<1024xf32>
    %add3A_24 = arith.addf %add3A_21, %squeeze3A_23 : vector<1024xf32>
    %slice3A_25 = vector.extract_strided_slice %add3A {offsets = [3, 2048], sizes = [1, 1024], strides = [1, 1]} : vector<32x4096xf32> to vector<1x1024xf32>
    %squeeze3A_26 = vector.shape_cast %slice3A_25 : vector<1x1024xf32> to vector<1024xf32>
    %slice3A_27 = vector.extract_strided_slice %add3A {offsets = [4, 2048], sizes = [1, 1024], strides = [1, 1]} : vector<32x4096xf32> to vector<1x1024xf32>
    %squeeze3A_28 = vector.shape_cast %slice3A_27 : vector<1x1024xf32> to vector<1024xf32>
    %add3A_29 = arith.addf %squeeze3A_26, %squeeze3A_28 : vector<1024xf32>
    %slice3A_30 = vector.extract_strided_slice %add3A {offsets = [5, 2048], sizes = [1, 1024], strides = [1, 1]} : vector<32x4096xf32> to vector<1x1024xf32>
    %squeeze3A_31 = vector.shape_cast %slice3A_30 : vector<1x1024xf32> to vector<1024xf32>
    %add3A_32 = arith.addf %add3A_29, %squeeze3A_31 : vector<1024xf32>
    %slice3A_33 = vector.extract_strided_slice %add3A {offsets = [6, 2048], sizes = [1, 1024], strides = [1, 1]} : vector<32x4096xf32> to vector<1x1024xf32>
    %squeeze3A_34 = vector.shape_cast %slice3A_33 : vector<1x1024xf32> to vector<1024xf32>
    %add3A_35 = arith.addf %add3A_32, %squeeze3A_34 : vector<1024xf32>
    %slice3A_36 = vector.extract_strided_slice %add3A {offsets = [3, 3072], sizes = [1, 1024], strides = [1, 1]} : vector<32x4096xf32> to vector<1x1024xf32>
    %squeeze3A_37 = vector.shape_cast %slice3A_36 : vector<1x1024xf32> to vector<1024xf32>
    %slice3A_38 = vector.extract_strided_slice %add3A {offsets = [4, 3072], sizes = [1, 1024], strides = [1, 1]} : vector<32x4096xf32> to vector<1x1024xf32>
    %squeeze3A_39 = vector.shape_cast %slice3A_38 : vector<1x1024xf32> to vector<1024xf32>
    %add3A_40 = arith.addf %squeeze3A_37, %squeeze3A_39 : vector<1024xf32>
    %slice3A_41 = vector.extract_strided_slice %add3A {offsets = [5, 3072], sizes = [1, 1024], strides = [1, 1]} : vector<32x4096xf32> to vector<1x1024xf32>
    %squeeze3A_42 = vector.shape_cast %slice3A_41 : vector<1x1024xf32> to vector<1024xf32>
    %add3A_43 = arith.addf %add3A_40, %squeeze3A_42 : vector<1024xf32>
    %slice3A_44 = vector.extract_strided_slice %add3A {offsets = [6, 3072], sizes = [1, 1024], strides = [1, 1]} : vector<32x4096xf32> to vector<1x1024xf32>
    %squeeze3A_45 = vector.shape_cast %slice3A_44 : vector<1x1024xf32> to vector<1024xf32>
    %add3A_46 = arith.addf %add3A_43, %squeeze3A_45 : vector<1024xf32>
    %slice3A_47 = vector.extract_strided_slice %add3A {offsets = [6, 0], sizes = [1, 1024], strides = [1, 1]} : vector<32x4096xf32> to vector<1x1024xf32>
    %squeeze3A_48 = vector.shape_cast %slice3A_47 : vector<1x1024xf32> to vector<1024xf32>
    %slice3A_49 = vector.extract_strided_slice %add3A {offsets = [7, 0], sizes = [1, 1024], strides = [1, 1]} : vector<32x4096xf32> to vector<1x1024xf32>
    %squeeze3A_50 = vector.shape_cast %slice3A_49 : vector<1x1024xf32> to vector<1024xf32>
    %add3A_51 = arith.addf %squeeze3A_48, %squeeze3A_50 : vector<1024xf32>
    %slice3A_52 = vector.extract_strided_slice %add3A {offsets = [8, 0], sizes = [1, 1024], strides = [1, 1]} : vector<32x4096xf32> to vector<1x1024xf32>
    %squeeze3A_53 = vector.shape_cast %slice3A_52 : vector<1x1024xf32> to vector<1024xf32>
    %add3A_54 = arith.addf %add3A_51, %squeeze3A_53 : vector<1024xf32>
    %slice3A_55 = vector.extract_strided_slice %add3A {offsets = [9, 0], sizes = [1, 1024], strides = [1, 1]} : vector<32x4096xf32> to vector<1x1024xf32>
    %squeeze3A_56 = vector.shape_cast %slice3A_55 : vector<1x1024xf32> to vector<1024xf32>
    %add3A_57 = arith.addf %add3A_54, %squeeze3A_56 : vector<1024xf32>
    %slice3A_58 = vector.extract_strided_slice %add3A {offsets = [6, 1024], sizes = [1, 1024], strides = [1, 1]} : vector<32x4096xf32> to vector<1x1024xf32>
    %squeeze3A_59 = vector.shape_cast %slice3A_58 : vector<1x1024xf32> to vector<1024xf32>
    %slice3A_60 = vector.extract_strided_slice %add3A {offsets = [7, 1024], sizes = [1, 1024], strides = [1, 1]} : vector<32x4096xf32> to vector<1x1024xf32>
    %squeeze3A_61 = vector.shape_cast %slice3A_60 : vector<1x1024xf32> to vector<1024xf32>
    %add3A_62 = arith.addf %squeeze3A_59, %squeeze3A_61 : vector<1024xf32>
    %slice3A_63 = vector.extract_strided_slice %add3A {offsets = [8, 1024], sizes = [1, 1024], strides = [1, 1]} : vector<32x4096xf32> to vector<1x1024xf32>
    %squeeze3A_64 = vector.shape_cast %slice3A_63 : vector<1x1024xf32> to vector<1024xf32>
    %add3A_65 = arith.addf %add3A_62, %squeeze3A_64 : vector<1024xf32>
    %slice3A_66 = vector.extract_strided_slice %add3A {offsets = [9, 1024], sizes = [1, 1024], strides = [1, 1]} : vector<32x4096xf32> to vector<1x1024xf32>
    %squeeze3A_67 = vector.shape_cast %slice3A_66 : vector<1x1024xf32> to vector<1024xf32>
    %add3A_68 = arith.addf %add3A_65, %squeeze3A_67 : vector<1024xf32>
    %slice3A_69 = vector.extract_strided_slice %add3A {offsets = [9, 2048], sizes = [1, 1024], strides = [1, 1]} : vector<32x4096xf32> to vector<1x1024xf32>
    %squeeze3A_70 = vector.shape_cast %slice3A_69 : vector<1x1024xf32> to vector<1024xf32>
    %slice3A_71 = vector.extract_strided_slice %add3A {offsets = [10, 2048], sizes = [1, 1024], strides = [1, 1]} : vector<32x4096xf32> to vector<1x1024xf32>
    %squeeze3A_72 = vector.shape_cast %slice3A_71 : vector<1x1024xf32> to vector<1024xf32>
    %add3A_73 = arith.addf %squeeze3A_70, %squeeze3A_72 : vector<1024xf32>
    %slice3A_74 = vector.extract_strided_slice %add3A {offsets = [11, 2048], sizes = [1, 1024], strides = [1, 1]} : vector<32x4096xf32> to vector<1x1024xf32>
    %squeeze3A_75 = vector.shape_cast %slice3A_74 : vector<1x1024xf32> to vector<1024xf32>
    %add3A_76 = arith.addf %add3A_73, %squeeze3A_75 : vector<1024xf32>
    %slice3A_77 = vector.extract_strided_slice %add3A {offsets = [12, 2048], sizes = [1, 1024], strides = [1, 1]} : vector<32x4096xf32> to vector<1x1024xf32>
    %squeeze3A_78 = vector.shape_cast %slice3A_77 : vector<1x1024xf32> to vector<1024xf32>
    %add3A_79 = arith.addf %add3A_76, %squeeze3A_78 : vector<1024xf32>
    %slice3A_80 = vector.extract_strided_slice %add3A {offsets = [9, 3072], sizes = [1, 1024], strides = [1, 1]} : vector<32x4096xf32> to vector<1x1024xf32>
    %squeeze3A_81 = vector.shape_cast %slice3A_80 : vector<1x1024xf32> to vector<1024xf32>
    %slice3A_82 = vector.extract_strided_slice %add3A {offsets = [10, 3072], sizes = [1, 1024], strides = [1, 1]} : vector<32x4096xf32> to vector<1x1024xf32>
    %squeeze3A_83 = vector.shape_cast %slice3A_82 : vector<1x1024xf32> to vector<1024xf32>
    %add3A_84 = arith.addf %squeeze3A_81, %squeeze3A_83 : vector<1024xf32>
    %slice3A_85 = vector.extract_strided_slice %add3A {offsets = [11, 3072], sizes = [1, 1024], strides = [1, 1]} : vector<32x4096xf32> to vector<1x1024xf32>
    %squeeze3A_86 = vector.shape_cast %slice3A_85 : vector<1x1024xf32> to vector<1024xf32>
    %add3A_87 = arith.addf %add3A_84, %squeeze3A_86 : vector<1024xf32>
    %slice3A_88 = vector.extract_strided_slice %add3A {offsets = [12, 3072], sizes = [1, 1024], strides = [1, 1]} : vector<32x4096xf32> to vector<1x1024xf32>
    %squeeze3A_89 = vector.shape_cast %slice3A_88 : vector<1x1024xf32> to vector<1024xf32>
    %add3A_90 = arith.addf %add3A_87, %squeeze3A_89 : vector<1024xf32>
    %slice3A_91 = vector.extract_strided_slice %add3A {offsets = [12, 0], sizes = [1, 1024], strides = [1, 1]} : vector<32x4096xf32> to vector<1x1024xf32>
    %squeeze3A_92 = vector.shape_cast %slice3A_91 : vector<1x1024xf32> to vector<1024xf32>
    %slice3A_93 = vector.extract_strided_slice %add3A {offsets = [13, 0], sizes = [1, 1024], strides = [1, 1]} : vector<32x4096xf32> to vector<1x1024xf32>
    %squeeze3A_94 = vector.shape_cast %slice3A_93 : vector<1x1024xf32> to vector<1024xf32>
    %add3A_95 = arith.addf %squeeze3A_92, %squeeze3A_94 : vector<1024xf32>
    %slice3A_96 = vector.extract_strided_slice %add3A {offsets = [14, 0], sizes = [1, 1024], strides = [1, 1]} : vector<32x4096xf32> to vector<1x1024xf32>
    %squeeze3A_97 = vector.shape_cast %slice3A_96 : vector<1x1024xf32> to vector<1024xf32>
    %add3A_98 = arith.addf %add3A_95, %squeeze3A_97 : vector<1024xf32>
    %slice3A_99 = vector.extract_strided_slice %add3A {offsets = [15, 0], sizes = [1, 1024], strides = [1, 1]} : vector<32x4096xf32> to vector<1x1024xf32>
    %squeeze3A_100 = vector.shape_cast %slice3A_99 : vector<1x1024xf32> to vector<1024xf32>
    %add3A_101 = arith.addf %add3A_98, %squeeze3A_100 : vector<1024xf32>
    %slice3A_102 = vector.extract_strided_slice %add3A {offsets = [12, 1024], sizes = [1, 1024], strides = [1, 1]} : vector<32x4096xf32> to vector<1x1024xf32>
    %squeeze3A_103 = vector.shape_cast %slice3A_102 : vector<1x1024xf32> to vector<1024xf32>
    %slice3A_104 = vector.extract_strided_slice %add3A {offsets = [13, 1024], sizes = [1, 1024], strides = [1, 1]} : vector<32x4096xf32> to vector<1x1024xf32>
    %squeeze3A_105 = vector.shape_cast %slice3A_104 : vector<1x1024xf32> to vector<1024xf32>
    %add3A_106 = arith.addf %squeeze3A_103, %squeeze3A_105 : vector<1024xf32>
    %slice3A_107 = vector.extract_strided_slice %add3A {offsets = [14, 1024], sizes = [1, 1024], strides = [1, 1]} : vector<32x4096xf32> to vector<1x1024xf32>
    %squeeze3A_108 = vector.shape_cast %slice3A_107 : vector<1x1024xf32> to vector<1024xf32>
    %add3A_109 = arith.addf %add3A_106, %squeeze3A_108 : vector<1024xf32>
    %slice3A_110 = vector.extract_strided_slice %add3A {offsets = [15, 1024], sizes = [1, 1024], strides = [1, 1]} : vector<32x4096xf32> to vector<1x1024xf32>
    %squeeze3A_111 = vector.shape_cast %slice3A_110 : vector<1x1024xf32> to vector<1024xf32>
    %add3A_112 = arith.addf %add3A_109, %squeeze3A_111 : vector<1024xf32>
    %slice3A_113 = vector.extract_strided_slice %add3A {offsets = [16, 2048], sizes = [1, 1024], strides = [1, 1]} : vector<32x4096xf32> to vector<1x1024xf32>
    %squeeze3A_114 = vector.shape_cast %slice3A_113 : vector<1x1024xf32> to vector<1024xf32>
    %slice3A_115 = vector.extract_strided_slice %add3A {offsets = [17, 2048], sizes = [1, 1024], strides = [1, 1]} : vector<32x4096xf32> to vector<1x1024xf32>
    %squeeze3A_116 = vector.shape_cast %slice3A_115 : vector<1x1024xf32> to vector<1024xf32>
    %add3A_117 = arith.addf %squeeze3A_114, %squeeze3A_116 : vector<1024xf32>
    %slice3A_118 = vector.extract_strided_slice %add3A {offsets = [18, 2048], sizes = [1, 1024], strides = [1, 1]} : vector<32x4096xf32> to vector<1x1024xf32>
    %squeeze3A_119 = vector.shape_cast %slice3A_118 : vector<1x1024xf32> to vector<1024xf32>
    %add3A_120 = arith.addf %add3A_117, %squeeze3A_119 : vector<1024xf32>
    %slice3A_121 = vector.extract_strided_slice %add3A {offsets = [19, 2048], sizes = [1, 1024], strides = [1, 1]} : vector<32x4096xf32> to vector<1x1024xf32>
    %squeeze3A_122 = vector.shape_cast %slice3A_121 : vector<1x1024xf32> to vector<1024xf32>
    %add3A_123 = arith.addf %add3A_120, %squeeze3A_122 : vector<1024xf32>
    %slice3A_124 = vector.extract_strided_slice %add3A {offsets = [16, 3072], sizes = [1, 1024], strides = [1, 1]} : vector<32x4096xf32> to vector<1x1024xf32>
    %squeeze3A_125 = vector.shape_cast %slice3A_124 : vector<1x1024xf32> to vector<1024xf32>
    %slice3A_126 = vector.extract_strided_slice %add3A {offsets = [17, 3072], sizes = [1, 1024], strides = [1, 1]} : vector<32x4096xf32> to vector<1x1024xf32>
    %squeeze3A_127 = vector.shape_cast %slice3A_126 : vector<1x1024xf32> to vector<1024xf32>
    %add3A_128 = arith.addf %squeeze3A_125, %squeeze3A_127 : vector<1024xf32>
    %slice3A_129 = vector.extract_strided_slice %add3A {offsets = [18, 3072], sizes = [1, 1024], strides = [1, 1]} : vector<32x4096xf32> to vector<1x1024xf32>
    %squeeze3A_130 = vector.shape_cast %slice3A_129 : vector<1x1024xf32> to vector<1024xf32>
    %add3A_131 = arith.addf %add3A_128, %squeeze3A_130 : vector<1024xf32>
    %slice3A_132 = vector.extract_strided_slice %add3A {offsets = [19, 3072], sizes = [1, 1024], strides = [1, 1]} : vector<32x4096xf32> to vector<1x1024xf32>
    %squeeze3A_133 = vector.shape_cast %slice3A_132 : vector<1x1024xf32> to vector<1024xf32>
    %add3A_134 = arith.addf %add3A_131, %squeeze3A_133 : vector<1024xf32>
    %slice3A_135 = vector.extract_strided_slice %add3A {offsets = [19, 0], sizes = [1, 1024], strides = [1, 1]} : vector<32x4096xf32> to vector<1x1024xf32>
    %squeeze3A_136 = vector.shape_cast %slice3A_135 : vector<1x1024xf32> to vector<1024xf32>
    %slice3A_137 = vector.extract_strided_slice %add3A {offsets = [20, 0], sizes = [1, 1024], strides = [1, 1]} : vector<32x4096xf32> to vector<1x1024xf32>
    %squeeze3A_138 = vector.shape_cast %slice3A_137 : vector<1x1024xf32> to vector<1024xf32>
    %add3A_139 = arith.addf %squeeze3A_136, %squeeze3A_138 : vector<1024xf32>
    %slice3A_140 = vector.extract_strided_slice %add3A {offsets = [21, 0], sizes = [1, 1024], strides = [1, 1]} : vector<32x4096xf32> to vector<1x1024xf32>
    %squeeze3A_141 = vector.shape_cast %slice3A_140 : vector<1x1024xf32> to vector<1024xf32>
    %add3A_142 = arith.addf %add3A_139, %squeeze3A_141 : vector<1024xf32>
    %slice3A_143 = vector.extract_strided_slice %add3A {offsets = [22, 0], sizes = [1, 1024], strides = [1, 1]} : vector<32x4096xf32> to vector<1x1024xf32>
    %squeeze3A_144 = vector.shape_cast %slice3A_143 : vector<1x1024xf32> to vector<1024xf32>
    %add3A_145 = arith.addf %add3A_142, %squeeze3A_144 : vector<1024xf32>
    %slice3A_146 = vector.extract_strided_slice %add3A {offsets = [19, 1024], sizes = [1, 1024], strides = [1, 1]} : vector<32x4096xf32> to vector<1x1024xf32>
    %squeeze3A_147 = vector.shape_cast %slice3A_146 : vector<1x1024xf32> to vector<1024xf32>
    %slice3A_148 = vector.extract_strided_slice %add3A {offsets = [20, 1024], sizes = [1, 1024], strides = [1, 1]} : vector<32x4096xf32> to vector<1x1024xf32>
    %squeeze3A_149 = vector.shape_cast %slice3A_148 : vector<1x1024xf32> to vector<1024xf32>
    %add3A_150 = arith.addf %squeeze3A_147, %squeeze3A_149 : vector<1024xf32>
    %slice3A_151 = vector.extract_strided_slice %add3A {offsets = [21, 1024], sizes = [1, 1024], strides = [1, 1]} : vector<32x4096xf32> to vector<1x1024xf32>
    %squeeze3A_152 = vector.shape_cast %slice3A_151 : vector<1x1024xf32> to vector<1024xf32>
    %add3A_153 = arith.addf %add3A_150, %squeeze3A_152 : vector<1024xf32>
    %slice3A_154 = vector.extract_strided_slice %add3A {offsets = [22, 1024], sizes = [1, 1024], strides = [1, 1]} : vector<32x4096xf32> to vector<1x1024xf32>
    %squeeze3A_155 = vector.shape_cast %slice3A_154 : vector<1x1024xf32> to vector<1024xf32>
    %add3A_156 = arith.addf %add3A_153, %squeeze3A_155 : vector<1024xf32>
    %slice3A_157 = vector.extract_strided_slice %add3A {offsets = [22, 2048], sizes = [1, 1024], strides = [1, 1]} : vector<32x4096xf32> to vector<1x1024xf32>
    %squeeze3A_158 = vector.shape_cast %slice3A_157 : vector<1x1024xf32> to vector<1024xf32>
    %slice3A_159 = vector.extract_strided_slice %add3A {offsets = [23, 2048], sizes = [1, 1024], strides = [1, 1]} : vector<32x4096xf32> to vector<1x1024xf32>
    %squeeze3A_160 = vector.shape_cast %slice3A_159 : vector<1x1024xf32> to vector<1024xf32>
    %add3A_161 = arith.addf %squeeze3A_158, %squeeze3A_160 : vector<1024xf32>
    %slice3A_162 = vector.extract_strided_slice %add3A {offsets = [24, 2048], sizes = [1, 1024], strides = [1, 1]} : vector<32x4096xf32> to vector<1x1024xf32>
    %squeeze3A_163 = vector.shape_cast %slice3A_162 : vector<1x1024xf32> to vector<1024xf32>
    %add3A_164 = arith.addf %add3A_161, %squeeze3A_163 : vector<1024xf32>
    %slice3A_165 = vector.extract_strided_slice %add3A {offsets = [25, 2048], sizes = [1, 1024], strides = [1, 1]} : vector<32x4096xf32> to vector<1x1024xf32>
    %squeeze3A_166 = vector.shape_cast %slice3A_165 : vector<1x1024xf32> to vector<1024xf32>
    %add3A_167 = arith.addf %add3A_164, %squeeze3A_166 : vector<1024xf32>
    %slice3A_168 = vector.extract_strided_slice %add3A {offsets = [22, 3072], sizes = [1, 1024], strides = [1, 1]} : vector<32x4096xf32> to vector<1x1024xf32>
    %squeeze3A_169 = vector.shape_cast %slice3A_168 : vector<1x1024xf32> to vector<1024xf32>
    %slice3A_170 = vector.extract_strided_slice %add3A {offsets = [23, 3072], sizes = [1, 1024], strides = [1, 1]} : vector<32x4096xf32> to vector<1x1024xf32>
    %squeeze3A_171 = vector.shape_cast %slice3A_170 : vector<1x1024xf32> to vector<1024xf32>
    %add3A_172 = arith.addf %squeeze3A_169, %squeeze3A_171 : vector<1024xf32>
    %slice3A_173 = vector.extract_strided_slice %add3A {offsets = [24, 3072], sizes = [1, 1024], strides = [1, 1]} : vector<32x4096xf32> to vector<1x1024xf32>
    %squeeze3A_174 = vector.shape_cast %slice3A_173 : vector<1x1024xf32> to vector<1024xf32>
    %add3A_175 = arith.addf %add3A_172, %squeeze3A_174 : vector<1024xf32>
    %slice3A_176 = vector.extract_strided_slice %add3A {offsets = [25, 3072], sizes = [1, 1024], strides = [1, 1]} : vector<32x4096xf32> to vector<1x1024xf32>
    %squeeze3A_177 = vector.shape_cast %slice3A_176 : vector<1x1024xf32> to vector<1024xf32>
    %add3A_178 = arith.addf %add3A_175, %squeeze3A_177 : vector<1024xf32>
    %slice3A_179 = vector.extract_strided_slice %add3A {offsets = [25, 0], sizes = [1, 1024], strides = [1, 1]} : vector<32x4096xf32> to vector<1x1024xf32>
    %squeeze3A_180 = vector.shape_cast %slice3A_179 : vector<1x1024xf32> to vector<1024xf32>
    %slice3A_181 = vector.extract_strided_slice %add3A {offsets = [26, 0], sizes = [1, 1024], strides = [1, 1]} : vector<32x4096xf32> to vector<1x1024xf32>
    %squeeze3A_182 = vector.shape_cast %slice3A_181 : vector<1x1024xf32> to vector<1024xf32>
    %add3A_183 = arith.addf %squeeze3A_180, %squeeze3A_182 : vector<1024xf32>
    %slice3A_184 = vector.extract_strided_slice %add3A {offsets = [27, 0], sizes = [1, 1024], strides = [1, 1]} : vector<32x4096xf32> to vector<1x1024xf32>
    %squeeze3A_185 = vector.shape_cast %slice3A_184 : vector<1x1024xf32> to vector<1024xf32>
    %add3A_186 = arith.addf %add3A_183, %squeeze3A_185 : vector<1024xf32>
    %slice3A_187 = vector.extract_strided_slice %add3A {offsets = [28, 0], sizes = [1, 1024], strides = [1, 1]} : vector<32x4096xf32> to vector<1x1024xf32>
    %squeeze3A_188 = vector.shape_cast %slice3A_187 : vector<1x1024xf32> to vector<1024xf32>
    %add3A_189 = arith.addf %add3A_186, %squeeze3A_188 : vector<1024xf32>
    %slice3A_190 = vector.extract_strided_slice %add3A {offsets = [25, 1024], sizes = [1, 1024], strides = [1, 1]} : vector<32x4096xf32> to vector<1x1024xf32>
    %squeeze3A_191 = vector.shape_cast %slice3A_190 : vector<1x1024xf32> to vector<1024xf32>
    %slice3A_192 = vector.extract_strided_slice %add3A {offsets = [26, 1024], sizes = [1, 1024], strides = [1, 1]} : vector<32x4096xf32> to vector<1x1024xf32>
    %squeeze3A_193 = vector.shape_cast %slice3A_192 : vector<1x1024xf32> to vector<1024xf32>
    %add3A_194 = arith.addf %squeeze3A_191, %squeeze3A_193 : vector<1024xf32>
    %slice3A_195 = vector.extract_strided_slice %add3A {offsets = [27, 1024], sizes = [1, 1024], strides = [1, 1]} : vector<32x4096xf32> to vector<1x1024xf32>
    %squeeze3A_196 = vector.shape_cast %slice3A_195 : vector<1x1024xf32> to vector<1024xf32>
    %add3A_197 = arith.addf %add3A_194, %squeeze3A_196 : vector<1024xf32>
    %slice3A_198 = vector.extract_strided_slice %add3A {offsets = [28, 1024], sizes = [1, 1024], strides = [1, 1]} : vector<32x4096xf32> to vector<1x1024xf32>
    %squeeze3A_199 = vector.shape_cast %slice3A_198 : vector<1x1024xf32> to vector<1024xf32>
    %add3A_200 = arith.addf %add3A_197, %squeeze3A_199 : vector<1024xf32>
    %slice3A_201 = vector.extract_strided_slice %add3A {offsets = [28, 2048], sizes = [1, 1024], strides = [1, 1]} : vector<32x4096xf32> to vector<1x1024xf32>
    %squeeze3A_202 = vector.shape_cast %slice3A_201 : vector<1x1024xf32> to vector<1024xf32>
    %slice3A_203 = vector.extract_strided_slice %add3A {offsets = [29, 2048], sizes = [1, 1024], strides = [1, 1]} : vector<32x4096xf32> to vector<1x1024xf32>
    %squeeze3A_204 = vector.shape_cast %slice3A_203 : vector<1x1024xf32> to vector<1024xf32>
    %add3A_205 = arith.addf %squeeze3A_202, %squeeze3A_204 : vector<1024xf32>
    %slice3A_206 = vector.extract_strided_slice %add3A {offsets = [30, 2048], sizes = [1, 1024], strides = [1, 1]} : vector<32x4096xf32> to vector<1x1024xf32>
    %squeeze3A_207 = vector.shape_cast %slice3A_206 : vector<1x1024xf32> to vector<1024xf32>
    %add3A_208 = arith.addf %add3A_205, %squeeze3A_207 : vector<1024xf32>
    %slice3A_209 = vector.extract_strided_slice %add3A {offsets = [31, 2048], sizes = [1, 1024], strides = [1, 1]} : vector<32x4096xf32> to vector<1x1024xf32>
    %squeeze3A_210 = vector.shape_cast %slice3A_209 : vector<1x1024xf32> to vector<1024xf32>
    %add3A_211 = arith.addf %add3A_208, %squeeze3A_210 : vector<1024xf32>
    %stack3A = vector.shape_cast %add3A_13 : vector<1024xf32> to vector<1x1024xf32>
    %stack3A_212 = vector.shape_cast %add3A_24 : vector<1024xf32> to vector<1x1024xf32>
    %stack3A_213 = vector.shape_cast %add3A_35 : vector<1024xf32> to vector<1x1024xf32>
    %stack3A_214 = vector.shape_cast %add3A_46 : vector<1024xf32> to vector<1x1024xf32>
    %stack3A_215 = vector.shape_cast %add3A_57 : vector<1024xf32> to vector<1x1024xf32>
    %stack3A_216 = vector.shape_cast %add3A_68 : vector<1024xf32> to vector<1x1024xf32>
    %stack3A_217 = vector.shape_cast %add3A_79 : vector<1024xf32> to vector<1x1024xf32>
    %stack3A_218 = vector.shape_cast %add3A_90 : vector<1024xf32> to vector<1x1024xf32>
    %stack3A_219 = vector.shape_cast %add3A_101 : vector<1024xf32> to vector<1x1024xf32>
    %stack3A_220 = vector.shape_cast %add3A_112 : vector<1024xf32> to vector<1x1024xf32>
    %stack3A_221 = vector.shape_cast %add3A_123 : vector<1024xf32> to vector<1x1024xf32>
    %stack3A_222 = vector.shape_cast %add3A_134 : vector<1024xf32> to vector<1x1024xf32>
    %stack3A_223 = vector.shape_cast %add3A_145 : vector<1024xf32> to vector<1x1024xf32>
    %stack3A_224 = vector.shape_cast %add3A_156 : vector<1024xf32> to vector<1x1024xf32>
    %stack3A_225 = vector.shape_cast %add3A_167 : vector<1024xf32> to vector<1x1024xf32>
    %stack3A_226 = vector.shape_cast %add3A_178 : vector<1024xf32> to vector<1x1024xf32>
    %stack3A_227 = vector.shape_cast %add3A_189 : vector<1024xf32> to vector<1x1024xf32>
    %stack3A_228 = vector.shape_cast %add3A_200 : vector<1024xf32> to vector<1x1024xf32>
    %stack3A_229 = vector.shape_cast %add3A_211 : vector<1024xf32> to vector<1x1024xf32>
    %stack3A_230 = tpu.concatenate %stack3A, %stack3A_212, %stack3A_213, %stack3A_214, %stack3A_215, %stack3A_216, %stack3A_217, %stack3A_218, %stack3A_219, %stack3A_220, %stack3A_221, %stack3A_222, %stack3A_223, %stack3A_224, %stack3A_225, %stack3A_226, %stack3A_227, %stack3A_228, %stack3A_229 in 0 : vector<1x1024xf32>, vector<1x1024xf32>, vector<1x1024xf32>, vector<1x1024xf32>, vector<1x1024xf32>, vector<1x1024xf32>, vector<1x1024xf32>, vector<1x1024xf32>, vector<1x1024xf32>, vector<1x1024xf32>, vector<1x1024xf32>, vector<1x1024xf32>, vector<1x1024xf32>, vector<1x1024xf32>, vector<1x1024xf32>, vector<1x1024xf32>, vector<1x1024xf32>, vector<1x1024xf32>, vector<1x1024xf32> -> vector<19x1024xf32>
    %slice3A_231 = vector.extract_strided_slice %stack3A_230 {offsets = [0, 512], sizes = [19, 512], strides = [1, 1]} : vector<19x1024xf32> to vector<19x512xf32>
    %slice3A_232 = vector.extract_strided_slice %stack3A_230 {offsets = [0, 0], sizes = [19, 512], strides = [1, 1]} : vector<19x1024xf32> to vector<19x512xf32>
    %add3A_233 = arith.addf %slice3A_232, %slice3A_231 : vector<19x512xf32>
    %iota3A = tpu.iota {dimensions = array<i32: 0>} : vector<512x512xi32>
    %iota3A_234 = tpu.iota {dimensions = array<i32: 1>} : vector<512x512xi32>
    %ge3A = arith.cmpi sge, %iota3A, %iota3A_234 : vector<512x512xi32>
    %jit3A = arith.constant 1.000000e+00 : f32
    %jit3A_235 = arith.constant 0.000000e+00 : f32
    %broadcast_in_dim3A = vector.broadcast %jit3A : f32 to vector<512x512xf32>
    %broadcast_in_dim3A_236 = vector.broadcast %jit3A_235 : f32 to vector<512x512xf32>
    %select_n3A = arith.select %ge3A, %broadcast_in_dim3A, %broadcast_in_dim3A_236 : vector<512x512xi1>, vector<512x512xf32>
    %dot_general3A = arith.constant dense<0.000000e+00> : vector<19x512xf32>
    %dot_general3A_237 = tpu.matmul %add3A_233, %select_n3A, %dot_general3A {dimension_numbers = #tpu.dot_dimension_numbers<[1], [0], [0], [1], [0, 0, 1, 1], [], []>, transpose_lhs_hint = false} : vector<19x512xf32>, vector<512x512xf32>, vector<19x512xf32> -> vector<19x512xf32>
    %dot_general3A_238 = arith.constant dense<0.000000e+00> : vector<19x512xf32>
    %dot_general3A_239 = tpu.matmul %slice3A_231, %select_n3A, %dot_general3A_238 {dimension_numbers = #tpu.dot_dimension_numbers<[1], [0], [0], [1], [0, 0, 1, 1], [], []>, transpose_lhs_hint = false} : vector<19x512xf32>, vector<512x512xf32>, vector<19x512xf32> -> vector<19x512xf32>
    %reduce_sum3A = arith.constant dense<0.000000e+00> : vector<19xf32>
    %reduce_sum3A_240 = vector.multi_reduction <add>, %slice3A_231, %reduce_sum3A [1] : vector<19x512xf32> to vector<19xf32>
    %broadcast_in_dim3A_241 = vector.shape_cast %reduce_sum3A_240 : vector<19xf32> to vector<19x1xf32>
    %mul3A = arith.constant 5.000000e-01 : f32
    %mul3A_242 = vector.broadcast %mul3A : f32 to vector<19x512xf32>
    %mul3A_243 = arith.mulf %mul3A_242, %add3A_233 : vector<19x512xf32>
    %sub3A = arith.subf %dot_general3A_237, %mul3A_243 : vector<19x512xf32>
    %mul3A_244 = arith.constant 5.000000e-01 : f32
    %mul3A_245 = vector.broadcast %mul3A_244 : f32 to vector<19x512xf32>
    %mul3A_246 = arith.mulf %mul3A_245, %slice3A_231 : vector<19x512xf32>
    %sub3A_247 = arith.subf %dot_general3A_239, %mul3A_246 : vector<19x512xf32>
    %add3A_248 = vector.broadcast %broadcast_in_dim3A_241 : vector<19x1xf32> to vector<19x512xf32>
    %add3A_249 = arith.addf %add3A_248, %sub3A : vector<19x512xf32>
    %sub3A_250 = arith.subf %add3A_249, %sub3A_247 : vector<19x512xf32>
    %gt3A = arith.constant 0.000000e+00 : f32
    %gt3A_251 = vector.broadcast %gt3A : f32 to vector<19x512xf32>
    %gt3A_252 = arith.cmpf ogt, %sub3A_250, %gt3A_251 : vector<19x512xf32>
    %max3A = arith.constant 1.000000e-30 : f32
    %max3A_253 = vector.broadcast %max3A : f32 to vector<19x512xf32>
    %max3A_254 = arith.maximumf %sub3A_250, %max3A_253 : vector<19x512xf32>
    %div3A = arith.divf %sub3A, %max3A_254 : vector<19x512xf32>
    %jit3A_255 = arith.constant 0.000000e+00 : f32
    %broadcast_in_dim3A_256 = vector.broadcast %jit3A_255 : f32 to vector<19x512xf32>
    %select_n3A_257 = arith.select %gt3A_252, %div3A, %broadcast_in_dim3A_256 : vector<19x512xi1>, vector<19x512xf32>
    %reduce_sum3A_258 = arith.constant dense<0.000000e+00> : vector<19xf32>
    %reduce_sum3A_259 = vector.multi_reduction <add>, %select_n3A_257, %reduce_sum3A_258 [1] : vector<19x512xf32> to vector<19xf32>
    %mul3A_260 = arith.constant 0.001953125 : f32
    %mul3A_261 = vector.broadcast %mul3A_260 : f32 to vector<19xf32>
    %mul3A_262 = arith.mulf %reduce_sum3A_259, %mul3A_261 : vector<19xf32>
    %squeeze3A_263 = vector.shape_cast %broadcast_in_dim3A_241 : vector<19x1xf32> to vector<19xf32>
    %gt3A_264 = arith.constant 0.000000e+00 : f32
    %gt3A_265 = vector.broadcast %gt3A_264 : f32 to vector<19xf32>
    %gt3A_266 = arith.cmpf ogt, %squeeze3A_263, %gt3A_265 : vector<19xf32>
    %convert_element_type3A = arith.extui %gt3A_266 : vector<19xi1> to vector<19xi32>
    %convert_element_type3A_267 = arith.sitofp %convert_element_type3A : vector<19xi32> to vector<19xf32>
    %mul3A_268 = arith.mulf %mul3A_262, %convert_element_type3A_267 : vector<19xf32>
    %reduce_sum3A_269 = vector.shape_cast %mul3A_268 : vector<19xf32> to vector<1x19xf32>
    %reduce_sum3A_270 = arith.constant dense<0.000000e+00> : vector<1xf32>
    %reduce_sum3A_271 = vector.multi_reduction <add>, %reduce_sum3A_269, %reduce_sum3A_270 [1] : vector<1x19xf32> to vector<1xf32>
    %reduce_sum3A_272 = vector.shape_cast %reduce_sum3A_271 : vector<1xf32> to vector<1x1xf32>
    %reduce_sum3A_273 = vector.extract %reduce_sum3A_272[0, 0] : f32 from vector<1x1xf32>
    %reduce_sum3A_274 = vector.shape_cast %convert_element_type3A_267 : vector<19xf32> to vector<1x19xf32>
    %reduce_sum3A_275 = arith.constant dense<0.000000e+00> : vector<1xf32>
    %reduce_sum3A_276 = vector.multi_reduction <add>, %reduce_sum3A_274, %reduce_sum3A_275 [1] : vector<1x19xf32> to vector<1xf32>
    %reduce_sum3A_277 = vector.shape_cast %reduce_sum3A_276 : vector<1xf32> to vector<1x1xf32>
    %reduce_sum3A_278 = vector.extract %reduce_sum3A_277[0, 0] : f32 from vector<1x1xf32>
    %max3A_279 = arith.constant 1.000000e+00 : f32
    %max3A_280 = arith.maximumf %reduce_sum3A_278, %max3A_279 : f32
    %div3A_281 = arith.divf %reduce_sum3A_273, %max3A_280 : f32
    %reshape3A = vector.broadcast %div3A_281 : f32 to vector<1x1xf32>
    %swap3A = arith.constant 0 : index
    %swap3A_282 = arith.constant 0 : index
    %swap3A_283 = vector.load %arg2[%swap3A, %swap3A_282] : memref<1x1xf32, #tpu.memory_space<vmem>>, vector<1x1xf32>
    tpu.vector_store %arg2[%swap3A, %swap3A_282], %reshape3A {strides = array<i32>} : memref<1x1xf32, #tpu.memory_space<vmem>>, vector<1x1xf32>,
    return
  }
}

</mosaic_0001>

<sc_bundles>
// kernel: kernel.10.cloned.1.call-start
scs
__scs_entry_jumppad:
0x0: {  	(pc) =	sbr.rel $0x88, $3  }
0x1: {  	(tag) =	ssettag $0x0;
	lr =	simm.s32 $0x1  }
0x2: {  	[smem:$0x3F9F] =	sst lr;
	_ =	strace $0xD0000000  }
0x3: {  	_ = 	snop  }
0x4: {  	_ = 	snop  }
0x5: {  	_ = 	snop  }
0x6: {  	_ = 	snop  }
0x7: {  	_ = 	snop  }
__scs_overlays_trampoline_lowered:
0x8: {  	[smem:$0x3FAE] =	sst s0  }
0x9: {  	[smem:$0x3FAF] =	sst s1  }
0xa: {  	[smem:$0x3FB0] =	sst s2  }
0xb: {  	[smem:$0x3FB1] =	sst s3  }
0xc: {  	[smem:$0x3FB2] =	sst s4  }
0xd: {  	[smem:$0x3FB3] =	sst s5  }
0xe: {  	[smem:$0x3FB4] =	sst s6  }
0xf: {  	[smem:$0x3FB5] =	sst s7  }
0x10: {  	[smem:$0x3FB6] =	sst s8  }
0x11: {  	[smem:$0x3FB7] =	sst s9;
	s0 =	simm.s32 @!p0 $0x0  }
0x12: {  	s1 =	sld [smem:$0x3F9D];
	s0 =	simm.s32 @p0 $0x1  }
0x13: {  	[smem:$0x3FB8] =	sst s0;
	s0 =	simm.s32 @!p1 $0x0  }
0x14: {  	s2 =	sld [smem:$0x3F9C];
	s0 =	simm.s32 @p1 $0x1  }
0x15: {  	[smem:$0x3FB9] =	sst s0;
	s0 =	simm.s32 @!p2 $0x0  }
0x16: {  	s3 =	sld [smem:$0x3FDB];
	s0 =	simm.s32 @p2 $0x1  }
0x17: {  	s4 =	simm.s32 $0x1BF5;
	[smem:$0x3FBB] =	sst s0  }
0x18: {  	s0 =	sld [smem:$0x3F9E];
	_ =	swait.ge [sflag:s4], $0x0  }
0x19: {  	s7 =	sld [smem:$0x3F9F]  }
0x1a: {  	s8 =	sadd.s32 $0xFFFFE003, lr  }
0x1b: {  	s9 =	sadd.s32 $0xFFFFFEF7, lr;
	s5 =	simm.s32 $0xFFFFFFFF;
	p2 =	slt.u32 s8, $0xFFFFF086  }
0x1c: {  	p1 =	slt.u32 s9, $0xF7A;
	s5 =	simm.s32 @!p2 $0x0  }
0x1d: {  	s5 =	simm.s32 @p1 $0x1;
	p0 =	seq.s32 s7, s2  }
0x1e: {  	s7 =	smul.u32 @!p0 $0xF7A, s2;
	p2 =	seq.s32 @!p0 s5, $0x0  }
0x1f: {  	s9 =	smul.u32 $0xF7A, s1;
	s8 =	simm.s32 @!p0 $0x1BF5;
	p2 =	por !p2, p0  }
0x20: {  	[sflag:s8] =	ssyncset.s32 @!p0 $0xFFFFF086;
	s6 =	sadd.s32 @!p0 s3, s7;
	s7 =	simm.s32 @!p0 $0x108  }
0x21: {  	s3 =	sadd.s32 s3, s9;
	s6 =	sadd.s32 @!p0 $0x88, s6;
	s7 =	simm.s32 @p2 $0x1082  }
0x22: {  	[simem:s7], [sflag:s8] =	dma.local @!p0 [hbm:s6], $0xF7A  }
0x23: {  	s9 =	sor.u32 $0xD0000000, s2;
	s6 =	simm.s32 $0x108;
	_ =	swait.ge @!p0 [sflag:s8], $0x0  }
0x24: {  	s3 =	sadd.s32 $0x88, s3;
	s6 =	simm.s32 @!p1 $0x1082;
	[sflag:s4] =	ssyncset.s32 $0xFFFFF086  }
0x25: {  	[simem:s6], [sflag:s4] =	dma.local [hbm:s3], $0xF7A  }
0x26: {  	[smem:$0x3F9F] =	sst s1;
	(tag) =	ssettag s2;
	_ =	strace s9  }
0x27: {  	s1 =	sld [smem:$0x3FAF]  }
0x28: {  	s2 =	sld [smem:$0x3FB0]  }
0x29: {  	s4 =	sld [smem:$0x3FB2]  }
0x2a: {  	p0 =	seq.s32 s5, $0x0;
	s5 =	sld [smem:$0x3FB3]  }
0x2b: {  	s6 =	sld [smem:$0x3FB4]  }
0x2c: {  	s7 =	sld [smem:$0x3FB5]  }
0x2d: {  	s3 =	simm.s32 $0x108;
	s8 =	sld [smem:$0x3FB6]  }
0x2e: {  	s3 =	simm.s32 @!p0 $0x1082;
	s9 =	sld [smem:$0x3FB7]  }
0x2f: {  	lr =	sadd.s32 s0, s3;
	s0 =	sld [smem:$0x3FAE]  }
0x30: {  	s3 =	sld [smem:$0x3FB1]  }
0x31: {  	[smem:$0x3FBA] =	sst s10  }
0x32: {  	s10 =	sld [smem:$0x3FB8];
	_ =	sdelay $0x3  }
0x33: {  	p0 =	seq.s32 s10, $0x1;
	s10 =	sld [smem:$0x3FBA];
	_ =	sdelay $0x3  }
0x34: {  	[smem:$0x3FBA] =	sst s10  }
0x35: {  	s10 =	sld [smem:$0x3FB9];
	_ =	sdelay $0x3  }
0x36: {  	p1 =	seq.s32 s10, $0x1;
	s10 =	sld [smem:$0x3FBA];
	_ =	sdelay $0x3  }
0x37: {  	[smem:$0x3FBA] =	sst s10  }
0x38: {  	s10 =	sld [smem:$0x3FBB]  }
0x39: {  	_ = 	snop;
	(pc) =	sbr.ind lr, $3  }
0x3a: {  	_ = 	snop  }
0x3b: {  	_ = 	snop  }
0x3c: {  	p2 =	seq.s32 s10, $0x1;
	s10 =	sld [smem:$0x3FBA]  }
0x3d: {  	_ =	shalt  }
0x3e: {  	_ =	shalt  }
0x3f: {  	_ =	shalt  }
0x40: {  	_ =	shalt  }
0x41: {  	_ =	shalt  }
0x42: {  	_ =	shalt  }
0x43: {  	_ =	shalt  }
0x44: {  	_ =	shalt  }
0x45: {  	_ =	shalt  }
0x46: {  	_ =	shalt  }
0x47: {  	_ =	shalt  }
0x48: {  	_ =	shalt  }
0x49: {  	_ =	shalt  }
0x4a: {  	_ =	shalt  }
0x4b: {  	_ =	shalt  }
0x4c: {  	_ =	shalt  }
0x4d: {  	_ =	shalt  }
0x4e: {  	_ =	shalt  }
0x4f: {  	_ =	shalt  }
0x50: {  	_ =	shalt  }
0x51: {  	_ =	shalt  }
0x52: {  	_ =	shalt  }
0x53: {  	_ =	shalt  }
0x54: {  	_ =	shalt  }
0x55: {  	_ =	shalt  }
0x56: {  	_ =	shalt  }
0x57: {  	_ =	shalt  }
0x58: {  	_ =	shalt  }
0x59: {  	_ =	shalt  }
0x5a: {  	_ =	shalt  }
0x5b: {  	_ =	shalt  }
0x5c: {  	_ =	shalt  }
0x5d: {  	_ =	shalt  }
0x5e: {  	_ =	shalt  }
0x5f: {  	_ =	shalt  }
0x60: {  	_ =	shalt  }
0x61: {  	_ =	shalt  }
0x62: {  	_ =	shalt  }
0x63: {  	_ =	shalt  }
0x64: {  	_ =	shalt  }
0x65: {  	_ =	shalt  }
0x66: {  	_ =	shalt  }
0x67: {  	_ =	shalt  }
0x68: {  	_ =	shalt  }
0x69: {  	_ =	shalt  }
0x6a: {  	_ =	shalt  }
0x6b: {  	_ =	shalt  }
0x6c: {  	_ =	shalt  }
0x6d: {  	_ =	shalt  }
0x6e: {  	_ =	shalt  }
0x6f: {  	_ =	shalt  }
0x70: {  	_ =	shalt  }
0x71: {  	_ =	shalt  }
0x72: {  	_ =	shalt  }
0x73: {  	_ =	shalt  }
0x74: {  	_ =	shalt  }
0x75: {  	_ =	shalt  }
0x76: {  	_ =	shalt  }
0x77: {  	_ =	shalt  }
0x78: {  	_ =	shalt  }
0x79: {  	_ =	shalt  }
0x7a: {  	_ =	shalt  }
0x7b: {  	_ =	shalt  }
0x7c: {  	_ =	shalt  }
0x7d: {  	_ =	shalt  }
0x7e: {  	_ =	shalt  }
0x7f: {  	_ =	shalt  }
0x80: {  	_ =	shalt  }
0x81: {  	_ =	shalt  }
0x82: {  	_ =	shalt  }
0x83: {  	_ =	shalt  }
0x84: {  	_ =	shalt  }
0x85: {  	_ =	shalt  }
0x86: {  	_ =	shalt  }
0x87: {  	_ =	shalt  }
.Lfunc_end0:
.L_simem_size_0:
called_computation.1_lowered:
.L_overlay_start_0:
0x88: {  	s2 =	sld [smem:$0x3FD9]  }
0x89: {  	s3 =	sld [smem:$0x3FFE];
	_ =	sdelay $0x1  }
0x8a: {  	s1 =	srdreg.scid  }
0x8b: {  	s0 =	sand.u32 $0x1, s1  }
0x8c: {  	s16 =	sshll.u32 s0, $0xA;
	s2 =	sadd.s32 s3, s2  }
0x8d: {  	s2 =	sadd.s32 s2, s16  }
0x8e: {  	[smem:$0x3FC6] =	sst s2  }
0x8f: {  	_ = 	snop  }
0x90: {  	(tm) =	ssettm $0x1  }
0x91: {  	s17 =	sld [smem:$0x3FFB];
	_ =	sdelay $0x3  }
0x92: {  	_ =	strace s17  }
0x93: {  	s2 =	sld [smem:$0x3FFC];
	_ =	sdelay $0x3  }
0x94: {  	_ =	strace s2  }
0x95: {  	s2 =	sld [smem:$0x3FFD];
	_ =	sdelay $0x3  }
0x96: {  	_ =	strace s2  }
0x97: {  	_ =	strace $0x8FFFFFFF  }
0x98: {  	s18 =	sld [smem:$0x3FDB];
	_ =	sdelay $0x1  }
0x99: {  	s19 =	simm.s32 $_scs_section_size  }
0x9a: {  	s4 =	simm.s32 $_size__tile_overlayer_lowered;
	s5 =	simm.s32 $_tile_overlayer_lowered  }
0x9b: {  	s22 =	simm.s32 $0x1BFF;
	s21 =	sshll.u32 s5, $0x1;
	s2 =	sadd.s32 s19, s18  }
0x9c: {  	s6 =	simm.s32 $0x0;
	s20 =	sshll.u32 s4, $0x1;
	s4 =	sadd.s32 s21, s2  }
0x9d: {  	[timem:s6], [sflag:s22] =	dma.local [hbm:s4], s20  }
0x9e: {  	_ =	swait.ge [sflag:s22], s20  }
0x9f: {  	s3 =	ssub.s32 $0x0, s20;
	[sflag:s22] =	ssyncset.done $0x0  }
0xa0: {  	[sflag:s22] =	ssyncadd.s32 s3;
	_ =	sdelay $0x1  }
0xa1: {  	s23 =	simm.s32 $0x1B8B  }
0xa2: {  	_ =	swait.ge [sflag:s23], $0x1  }
0xa3: {  	[sflag:s23] =	ssyncset.done $0x0  }
0xa4: {  	s25 =	simm.s32 $0x1B8E;
	s24 =	sld [smem:$0x3FFE];
	[sflag:s23] =	ssyncadd.s32 $0xFFFFFFFF  }
0xa5: {  	s26 =	simm.s32 $execute0_lowered;
	[smem:$0x3FD2] =	sst s25  }
0xa6: {  	s4 =	sshll.u32 s26, $0x1;
	_ =	strace $0x80000046;
	[dreg:$0x1] =	wrdreg $0xFFFFFFFF  }
0xa7: {  	s28 =	simm.s32 $_size_execute0_lowered;
	s2 =	sadd.s32 s2, s4;
	[dreg:$0x0] =	wrdreg $0x0  }
0xa8: {  	s4 =	sshll.u32 s28, $0x1;
	[dreg:$0x2] =	wrdreg s2  }
0xa9: {  	[dreg:$0x3] =	wrdreg s4  }
0xaa: {  	[dreg:$0x4] =	wrdreg $0xC0  }
0xab: {  	_ =	task [dreg:s6], $0x5FFFF  }
0xac: {  	[dreg:$0x1] =	wrdreg $0xFFFFFFFF  }
0xad: {  	[dreg:$0x0] =	wrdreg $0x60  }
0xae: {  	[dreg:$0x2] =	wrdreg s24  }
0xaf: {  	[dreg:$0x3] =	wrdreg $0xA  }
0xb0: {  	_ =	task.clear_ibuf [dreg:s6], $0x4FFFF;
	_ =	strace $0x90000046  }
0xb1: {  	s29 =	simm.s32 $0xA;
	_ =	strace $0x80000048  }
0xb2: {  	_ =	swait.ge [sflag:s29], $0x1  }
0xb3: {  	[sflag:s29] =	ssyncadd.s32 $0xFFFFFFFF  }
0xb4: {  	_ =	strace $0x90000048  }
0xb5: {  	_ =	sfence  }
0xb6: {  	s30 =	sld [smem:$0x0];
	_ =	sdelay $0x2  }
0xb7: {  	s31 =	sshll.u32 s1, $0xD;
	s1 =	sshrl.u32 s1, $0x2  }
0xb8: {  	s3 =	sand.u32 $0x4000, s31;
	s1 =	sadd.s32 s1, s30  }
0xb9: {  	s0 =	sor.u32 s3, s0;
	s1 =	sshll.u32 s1, $0x11  }
0xba: {  	s0 =	sor.u32 s1, s0  }
0xbb: {  	s0 =	sadd.s32 $0x8F2B, s0  }
0xbc: {  	[sflag:s0] =	ssyncadd.remote.s32 $0x1  }
0xbd: {  	_ =	sfence.sel $0xFFFF  }
0xbe: {  	[dreg:$0x0] =	wrdreg $0xFFFFFFFF;
	(pc) =	sbr.abs _section_cstart, $3  }
0xbf: {  	[dreg:$0x1] =	wrdreg $0xFFFFFFFF  }
0xc0: {  	_ =	task.clear_ibuf [dreg:s6], $0x2FFFF;
	_ =	strace $0x9FFFFFFF  }
0xc1: {  	(tm) =	ssettm $0x7FFFFFFF  }
tec
execute0_lowered:
.L_overlay_start_1:
0x0: {  	(tag) =	ssettag $0x1  }
0x1: {  	s0 =	rddreg [dreg:$0x0];
	s2 =	simm.s32 $0x0  }
0x2: {  	s4 =	stileid.u32;
	s1 =	srdreg.scid;
	s16 =	simm.s32 $0x6000  }
0x3: {  	s17 =	simm.s32 $0x1;
	s18 =	simm.s32 $0x8000;
	s19 =	simm.s32 $0x2  }
0x4: {  	s20 =	simm.s32 $0x3;
	s21 =	simm.s32 $0x4;
	s22 =	simm.s32 $0x18000  }
0x5: {  	s25 =	simm.s32 $0x1C000;
	s26 =	simm.s32 $0x5;
	s28 =	simm.s32 $0x0  }
0x6: {  	[smem:$0x7FF] =	sst s2;
	s1 =	sand.u32 $0x1, s1;
	s3 =	sshll.u32 s4, $0x1  }
0x7: {  	s4 =	sshll.u32 s4, $0xA;
	_ =	strace $0x80000047;
	s6 =	sor.u32 s1, s3  }
0x8: {  	s1 =	ssub.s32 $0x2, s1;
	s3 =	sadd.s32 $0xE00, s0;
	s5 =	smul.u32 $0x5000, s6  }
0x9: {  	s4 =	sand.u32 $0x3000, s4;
	s7 =	sshrl.u32 s1, $0x1;
	s11 =	smul.u32 $0x14, s6  }
0xa: {  	s0 =	sadd.s32 s4, s0;
	s8 =	sshll.u32 s6, $0x4;
	s1 =	ssub.s32 s1, s7  }
0xb: {  	s10 =	sand.u32 $0x70, s8;
	s4 =	sadd.s32 s3, s5;
	s8 =	sadd.s32 $0x4, s11  }
0xc: {  	v2 =	vlaneseq.u32;
	s9 =	sadd.s32 $0x5, s11;
	s0 =	sadd.s32 s10, s0;
	s10 =	sadd.s32 $0x6, s11  }
0xd: {  	v2 =	vmul.u32 $0x4, v2;
	s11 =	sadd.s32 $0x7, s11;
	s13 =	smax.u32 s1, $0x1;
	s5 =	sadd.s32 $0x400, s4  }
0xe: {  	v0 =	vimm.f32 $0.0e+00;
	v1 =	vimm.f32 $1.000000000e+00;
	s6 =	sadd.s32 $0x800, s4;
	s7 =	sadd.s32 $0xC00, s4;
	s12 =	sadd.s32 $0xA0E00, s0  }
.LBB2_1:
0xf: {  	[tilespmem:s2], [sflag:$0x1] =	stream.linear.gather [hbm4b:s4+s2], $0x2000, $0x38;
	[tilespmem:$0x1D000] =	vst v63  }
0x10: {  	s0 =	simm.s32 $0x2000  }
0x11: {  	[tilespmem:s0], [sflag:$0x2] =	stream.linear.gather [hbm4b:s5+s2], $0x2000, $0x38;
	[tilespmem:$0x1D000] =	vst v63  }
0x12: {  	s31 =	simm.s32 $0x4000  }
0x13: {  	[tilespmem:s31], [sflag:$0x3] =	stream.linear.gather [hbm4b:s6+s2], $0x2000, $0x38;
	[tilespmem:$0x1D000] =	vst v63  }
0x14: {  	s1 =	simm.s32 $0x0;
	s0 =	simm.s32 $0x40  }
0x15: {  	[tilespmem:s16], [sflag:$0x4] =	stream.linear.gather [hbm4b:s7+s2], $0x2000, $0x38;
	[tilespmem:$0x1D000] =	vst v63  }
.LBB2_2:
0x16: {  	p0 =	sne.s32 s0, $0x3FFC0;
	[tilespmem:s1+$0x8000] =	vst v0;
	s1 =	smov.u32 s0;
	s0 =	sadd.s32 $0x40, s0  }
.Ltmp0:
0x17: {  	(pc) =	sbr.rel @p0 .LBB2_2-.Ltmp0, $2  }
0x18: {  	_ =	sdelay $0x2  }
0x19: {  	s1 =	sshra.s32 s1, $0x2  }
0x1a: {  	[tilespmem:s1+$0x8000] =	vst v0;
	s29 =	simm.s32 $0x0  }
.LBB2_4:
0x1b: {  	_ =	swait.ge [sflag:s17], $0x2000  }
0x1c: {  	[sflag:s17] =	ssyncset.done $0x0  }
0x1d: {  	s30 =	simm.s32 $0x0;
	[sflag:s17] =	ssyncadd.s32 $0xFFFFE000  }
.LBB2_5:
0x1e: {  	s0 =	sshll.u32 s30, $0x7  }
0x1f: {  	s14 =	sand.u32 $0x380, s0  }
0x20: {  	v3 =	vmov s14  }
0x21: {  	s1 =	sshll.u32 s30, $0x9  }
0x22: {  	p0 =	por $0x1, $0x1;
	s0 =	sand.u32 $0x1000, s1;
	s1 =	simm.s32 $0x0  }
.LBB2_6:
0x23: {  	s1 =	sshra.s32 s1, $0x2  }
0x24: {  	s1 =	sadd.s32 s1, s0  }
0x25: {  	v4 =	vld.idx.msk [tilespmem:v3+s1+$0x0 ss:$0x1], $0xffff;
	_ =	sdelay $0x2  }
0x26: {  	v5 =	vld.idx.msk [tilespmem:v3+s1+$0x10 ss:$0x1], $0xffff;
	_ =	sdelay $0x1  }
0x27: {  	v7 =	vld.idx.msk [tilespmem:v3+s1+$0x20 ss:$0x1], $0xffff;
	v6 =	vand.u32 $0xFFFF, v4  }
0x28: {  	v9 =	vld.idx.msk [tilespmem:v3+s1+$0x30 ss:$0x1], $0xffff;
	v4 =	vshrl.u32 v4, $0x10  }
0x29: {  	v44 =	vld.idx.msk [tilespmem:v3+s1+$0x40 ss:$0x1], $0xffff  }
0x2a: {  	v45 =	vld.idx.msk [tilespmem:v3+s1+$0x50 ss:$0x1], $0xffff;
	v8 =	vand.u32 $0xFFFF, v5  }
0x2b: {  	v47 =	vld.idx.msk [tilespmem:v3+s1+$0x60 ss:$0x1], $0xffff;
	v5 =	vshrl.u32 v5, $0x10  }
0x2c: {  	[tilespmem:v6+s18+$0x0] =	vst.idx.add.f32.msk $0xffff, v1  }
0x2d: {  	[tilespmem:v4+s18+$0x0] =	vst.idx.add.f32.msk $0xffff, v1;
	v4 =	vand.u32 $0xFFFF, v7  }
0x2e: {  	v10 =	vld.idx.msk [tilespmem:v3+s1+$0x70 ss:$0x1], $0xffff  }
0x2f: {  	[tilespmem:v8+s18+$0x0] =	vst.idx.add.f32.msk $0xffff, v1  }
0x30: {  	[tilespmem:v5+s18+$0x0] =	vst.idx.add.f32.msk $0xffff, v1;
	v5 =	vand.u32 $0xFFFF, v9  }
0x31: {  	v50 =	vld.idx.msk [tilespmem:v3+s1+$0x400 ss:$0x1], $0xffff  }
0x32: {  	[tilespmem:v4+s18+$0x0] =	vst.idx.add.f32.msk $0xffff, v1;
	v4 =	vshrl.u32 v9, $0x10  }
0x33: {  	v52 =	vld.idx.msk [tilespmem:v3+s1+$0x410 ss:$0x1], $0xffff  }
0x34: {  	v54 =	vld.idx.msk [tilespmem:v3+s1+$0x420 ss:$0x1], $0xffff;
	v46 =	vand.u32 $0xFFFF, v44  }
0x35: {  	[tilespmem:v5+s18+$0x0] =	vst.idx.add.f32.msk $0xffff, v1;
	v5 =	vshrl.u32 v44, $0x10  }
0x36: {  	v56 =	vld.idx.msk [tilespmem:v3+s1+$0x430 ss:$0x1], $0xffff;
	v48 =	vand.u32 $0xFFFF, v45  }
0x37: {  	[tilespmem:v4+s18+$0x0] =	vst.idx.add.f32.msk $0xffff, v1;
	v4 =	vshrl.u32 v45, $0x10  }
0x38: {  	v57 =	vld.idx.msk [tilespmem:v3+s1+$0x440 ss:$0x1], $0xffff  }
0x39: {  	v49 =	vand.u32 $0xFFFF, v47;
	[tilespmem:v46+s18+$0x0] =	vst.idx.add.f32.msk $0xffff, v1  }
0x3a: {  	[tilespmem:v5+s18+$0x0] =	vst.idx.add.f32.msk $0xffff, v1;
	v5 =	vshrl.u32 v47, $0x10  }
0x3b: {  	v51 =	vand.u32 $0xFFFF, v10;
	[tilespmem:v48+s18+$0x0] =	vst.idx.add.f32.msk $0xffff, v1  }
0x3c: {  	[tilespmem:v4+s18+$0x0] =	vst.idx.add.f32.msk $0xffff, v1;
	v4 =	vshrl.u32 v10, $0x10  }
0x3d: {  	v60 =	vld.idx.msk [tilespmem:v3+s1+$0x460 ss:$0x1], $0xffff  }
0x3e: {  	v53 =	vand.u32 $0xFFFF, v50;
	[tilespmem:v49+s18+$0x0] =	vst.idx.add.f32.msk $0xffff, v1  }
0x3f: {  	[tilespmem:v5+s18+$0x0] =	vst.idx.add.f32.msk $0xffff, v1;
	v5 =	vshrl.u32 v50, $0x10  }
0x40: {  	[tilespmem:v51+s18+$0x0] =	vst.idx.add.f32.msk $0xffff, v1  }
0x41: {  	[tilespmem:v4+s18+$0x0] =	vst.idx.add.f32.msk $0xffff, v1;
	v4 =	vand.u32 $0xFFFF, v52  }
0x42: {  	v11 =	vld.idx.msk [tilespmem:v3+s1+$0x470 ss:$0x1], $0xffff  }
0x43: {  	v59 =	vand.u32 $0xFFFF, v56;
	[tilespmem:v53+s18+$0x0] =	vst.idx.add.f32.msk $0xffff, v1  }
0x44: {  	[tilespmem:v5+s18+$0x0] =	vst.idx.add.f32.msk $0xffff, v1;
	v5 =	vand.u32 $0xFFFF, v54  }
0x45: {  	v58 =	vld.idx.msk [tilespmem:v3+s1+$0x450 ss:$0x1], $0xffff;
	v62 =	vand.u32 $0xFFFF, v60  }
0x46: {  	[tilespmem:v4+s18+$0x0] =	vst.idx.add.f32.msk $0xffff, v1;
	v4 =	vshrl.u32 v54, $0x10  }
0x47: {  	v63 =	vand.u32 $0xFFFF, v11  }
0x48: {  	v8 =	vshrl.u32 v56, $0x10;
	[tilespmem:v59+s18+$0x0] =	vst.idx.add.f32.msk $0xffff, v1  }
0x49: {  	[tilespmem:v5+s18+$0x0] =	vst.idx.add.f32.msk $0xffff, v1;
	v5 =	vand.u32 $0xFFFF, v57  }
0x4a: {  	v43 =	vshrl.u32 v7, $0x10;
	[tilespmem:v62+s18+$0x0] =	vst.idx.add.f32.msk $0xffff, v1  }
0x4b: {  	[tilespmem:v4+s18+$0x0] =	vst.idx.add.f32.msk $0xffff, v1;
	v4 =	vand.u32 $0xFFFF, v58  }
0x4c: {  	v55 =	vshrl.u32 v52, $0x10;
	[tilespmem:v63+s18+$0x0] =	vst.idx.add.f32.msk $0xffff, v1  }
0x4d: {  	[tilespmem:v8+s18+$0x0] =	vst.idx.add.f32.msk $0xffff, v1;
	v9 =	vshrl.u32 v57, $0x10  }
0x4e: {  	[tilespmem:v5+s18+$0x0] =	vst.idx.add.f32.msk $0xffff, v1;
	v5 =	vshrl.u32 v60, $0x10  }
0x4f: {  	v61 =	vshrl.u32 v58, $0x10;
	[tilespmem:v43+s18+$0x0] =	vst.idx.add.f32.msk $0xffff, v1  }
0x50: {  	p1 =	por p0, p0;
	[tilespmem:v4+s18+$0x0] =	vst.idx.add.f32.msk $0xffff, v1;
	v4 =	vshrl.u32 v11, $0x10  }
.Ltmp1:
0x51: {  	[tilespmem:v55+s18+$0x0] =	vst.idx.add.f32.msk $0xffff, v1;
	(pc) =	sbr.rel @p1 .LBB2_6-.Ltmp1, $4  }
0x52: {  	[tilespmem:v9+s18+$0x0] =	vst.idx.add.f32.msk $0xffff, v1  }
0x53: {  	[tilespmem:v5+s18+$0x0] =	vst.idx.add.f32.msk $0xffff, v1  }
0x54: {  	[tilespmem:v61+s18+$0x0] =	vst.idx.add.f32.msk $0xffff, v1  }
0x55: {  	p0 =	por $0x0, $0x0;
	s1 =	simm.s32 $0x2000;
	[tilespmem:v4+s18+$0x0] =	vst.idx.add.f32.msk $0xffff, v1  }
0x56: {  	s30 =	sadd.s32 $0x1, s30  }
0x57: {  	p0 =	sne.s32 s30, $0x10  }
.Ltmp2:
0x58: {  	_ = 	snop;
	(pc) =	sbr.rel @p0 .LBB2_5-.Ltmp2, $1  }
0x59: {  	_ =	sdelay $0x3  }
0x5a: {  	s30 =	sshll.u32 s29, $0x2;
	p0 =	seq.s32 s29, $0x4  }
0x5b: {  	s0 =	sadd.s32 @!p0 s30, s8  }
0x5c: {  	s0 =	sshll.u32 @!p0 s0, $0xA  }
0x5d: {  	s0 =	sand.u32 @!p0 $0xFFFF000, s0  }
0x5e: {  	s1 =	simm.s32 @!p0 $0x0;
	s0 =	sadd.s32 @!p0 s3, s0  }
0x5f: {  	[tilespmem:s1], [sflag:$0x1] =	stream.linear.gather @!p0 [hbm4b:s0+s1], $0x2000, $0x38;
	[tilespmem:$0x1D000] =	vst v63  }
0x60: {  	_ =	swait.ge [sflag:s19], $0x2000  }
0x61: {  	[sflag:s19] =	ssyncset.done $0x0  }
0x62: {  	s31 =	simm.s32 $0x0;
	[sflag:s19] =	ssyncadd.s32 $0xFFFFE000  }
.LBB2_9:
0x63: {  	s1 =	sshll.u32 s31, $0x7  }
0x64: {  	s1 =	sand.u32 $0x380, s1  }
0x65: {  	s0 =	sshll.u32 s31, $0x9;
	v3 =	vmov s1  }
0x66: {  	s0 =	sand.u32 $0x1000, s0  }
0x67: {  	p1 =	por $0x1, $0x1;
	s0 =	sor.u32 $0x2000, s0;
	s1 =	simm.s32 $0x0  }
.LBB2_10:
0x68: {  	s1 =	sshra.s32 s1, $0x2  }
0x69: {  	s1 =	sadd.s32 s1, s0  }
0x6a: {  	v4 =	vld.idx.msk [tilespmem:v3+s1+$0x0 ss:$0x1], $0xffff;
	_ =	sdelay $0x2  }
0x6b: {  	v5 =	vld.idx.msk [tilespmem:v3+s1+$0x10 ss:$0x1], $0xffff;
	_ =	sdelay $0x1  }
0x6c: {  	v7 =	vld.idx.msk [tilespmem:v3+s1+$0x20 ss:$0x1], $0xffff;
	v6 =	vand.u32 $0xFFFF, v4  }
0x6d: {  	v9 =	vld.idx.msk [tilespmem:v3+s1+$0x30 ss:$0x1], $0xffff;
	v4 =	vshrl.u32 v4, $0x10  }
0x6e: {  	v44 =	vld.idx.msk [tilespmem:v3+s1+$0x40 ss:$0x1], $0xffff  }
0x6f: {  	v45 =	vld.idx.msk [tilespmem:v3+s1+$0x50 ss:$0x1], $0xffff;
	v8 =	vand.u32 $0xFFFF, v5  }
0x70: {  	v47 =	vld.idx.msk [tilespmem:v3+s1+$0x60 ss:$0x1], $0xffff;
	v5 =	vshrl.u32 v5, $0x10  }
0x71: {  	[tilespmem:v6+s18+$0x0] =	vst.idx.add.f32.msk $0xffff, v1  }
0x72: {  	[tilespmem:v4+s18+$0x0] =	vst.idx.add.f32.msk $0xffff, v1;
	v4 =	vand.u32 $0xFFFF, v7  }
0x73: {  	v10 =	vld.idx.msk [tilespmem:v3+s1+$0x70 ss:$0x1], $0xffff  }
0x74: {  	[tilespmem:v8+s18+$0x0] =	vst.idx.add.f32.msk $0xffff, v1  }
0x75: {  	[tilespmem:v5+s18+$0x0] =	vst.idx.add.f32.msk $0xffff, v1;
	v5 =	vand.u32 $0xFFFF, v9  }
0x76: {  	v50 =	vld.idx.msk [tilespmem:v3+s1+$0x400 ss:$0x1], $0xffff  }
0x77: {  	[tilespmem:v4+s18+$0x0] =	vst.idx.add.f32.msk $0xffff, v1;
	v4 =	vshrl.u32 v9, $0x10  }
0x78: {  	v52 =	vld.idx.msk [tilespmem:v3+s1+$0x410 ss:$0x1], $0xffff  }
0x79: {  	v54 =	vld.idx.msk [tilespmem:v3+s1+$0x420 ss:$0x1], $0xffff;
	v46 =	vand.u32 $0xFFFF, v44  }
0x7a: {  	[tilespmem:v5+s18+$0x0] =	vst.idx.add.f32.msk $0xffff, v1;
	v5 =	vshrl.u32 v44, $0x10  }
0x7b: {  	v56 =	vld.idx.msk [tilespmem:v3+s1+$0x430 ss:$0x1], $0xffff;
	v48 =	vand.u32 $0xFFFF, v45  }
0x7c: {  	[tilespmem:v4+s18+$0x0] =	vst.idx.add.f32.msk $0xffff, v1;
	v4 =	vshrl.u32 v45, $0x10  }
0x7d: {  	v57 =	vld.idx.msk [tilespmem:v3+s1+$0x440 ss:$0x1], $0xffff  }
0x7e: {  	v49 =	vand.u32 $0xFFFF, v47;
	[tilespmem:v46+s18+$0x0] =	vst.idx.add.f32.msk $0xffff, v1  }
0x7f: {  	[tilespmem:v5+s18+$0x0] =	vst.idx.add.f32.msk $0xffff, v1;
	v5 =	vshrl.u32 v47, $0x10  }
0x80: {  	v51 =	vand.u32 $0xFFFF, v10;
	[tilespmem:v48+s18+$0x0] =	vst.idx.add.f32.msk $0xffff, v1  }
0x81: {  	[tilespmem:v4+s18+$0x0] =	vst.idx.add.f32.msk $0xffff, v1;
	v4 =	vshrl.u32 v10, $0x10  }
0x82: {  	v60 =	vld.idx.msk [tilespmem:v3+s1+$0x460 ss:$0x1], $0xffff  }
0x83: {  	v53 =	vand.u32 $0xFFFF, v50;
	[tilespmem:v49+s18+$0x0] =	vst.idx.add.f32.msk $0xffff, v1  }
0x84: {  	[tilespmem:v5+s18+$0x0] =	vst.idx.add.f32.msk $0xffff, v1;
	v5 =	vshrl.u32 v50, $0x10  }
0x85: {  	[tilespmem:v51+s18+$0x0] =	vst.idx.add.f32.msk $0xffff, v1  }
0x86: {  	[tilespmem:v4+s18+$0x0] =	vst.idx.add.f32.msk $0xffff, v1;
	v4 =	vand.u32 $0xFFFF, v52  }
0x87: {  	v11 =	vld.idx.msk [tilespmem:v3+s1+$0x470 ss:$0x1], $0xffff  }
0x88: {  	v59 =	vand.u32 $0xFFFF, v56;
	[tilespmem:v53+s18+$0x0] =	vst.idx.add.f32.msk $0xffff, v1  }
0x89: {  	[tilespmem:v5+s18+$0x0] =	vst.idx.add.f32.msk $0xffff, v1;
	v5 =	vand.u32 $0xFFFF, v54  }
0x8a: {  	v58 =	vld.idx.msk [tilespmem:v3+s1+$0x450 ss:$0x1], $0xffff;
	v62 =	vand.u32 $0xFFFF, v60  }
0x8b: {  	[tilespmem:v4+s18+$0x0] =	vst.idx.add.f32.msk $0xffff, v1;
	v4 =	vshrl.u32 v54, $0x10  }
0x8c: {  	v63 =	vand.u32 $0xFFFF, v11  }
0x8d: {  	v8 =	vshrl.u32 v56, $0x10;
	[tilespmem:v59+s18+$0x0] =	vst.idx.add.f32.msk $0xffff, v1  }
0x8e: {  	[tilespmem:v5+s18+$0x0] =	vst.idx.add.f32.msk $0xffff, v1;
	v5 =	vand.u32 $0xFFFF, v57  }
0x8f: {  	v43 =	vshrl.u32 v7, $0x10;
	[tilespmem:v62+s18+$0x0] =	vst.idx.add.f32.msk $0xffff, v1  }
0x90: {  	[tilespmem:v4+s18+$0x0] =	vst.idx.add.f32.msk $0xffff, v1;
	v4 =	vand.u32 $0xFFFF, v58  }
0x91: {  	v55 =	vshrl.u32 v52, $0x10;
	[tilespmem:v63+s18+$0x0] =	vst.idx.add.f32.msk $0xffff, v1  }
0x92: {  	[tilespmem:v8+s18+$0x0] =	vst.idx.add.f32.msk $0xffff, v1;
	v9 =	vshrl.u32 v57, $0x10  }
0x93: {  	[tilespmem:v5+s18+$0x0] =	vst.idx.add.f32.msk $0xffff, v1;
	v5 =	vshrl.u32 v60, $0x10  }
0x94: {  	v61 =	vshrl.u32 v58, $0x10;
	[tilespmem:v43+s18+$0x0] =	vst.idx.add.f32.msk $0xffff, v1  }
0x95: {  	p2 =	por p1, p1;
	[tilespmem:v4+s18+$0x0] =	vst.idx.add.f32.msk $0xffff, v1;
	v4 =	vshrl.u32 v11, $0x10  }
.Ltmp3:
0x96: {  	[tilespmem:v55+s18+$0x0] =	vst.idx.add.f32.msk $0xffff, v1;
	(pc) =	sbr.rel @p2 .LBB2_10-.Ltmp3, $4  }
0x97: {  	[tilespmem:v9+s18+$0x0] =	vst.idx.add.f32.msk $0xffff, v1  }
0x98: {  	[tilespmem:v5+s18+$0x0] =	vst.idx.add.f32.msk $0xffff, v1  }
0x99: {  	[tilespmem:v61+s18+$0x0] =	vst.idx.add.f32.msk $0xffff, v1  }
0x9a: {  	p1 =	por $0x0, $0x0;
	s1 =	simm.s32 $0x2000;
	[tilespmem:v4+s18+$0x0] =	vst.idx.add.f32.msk $0xffff, v1  }
0x9b: {  	s31 =	sadd.s32 $0x1, s31  }
0x9c: {  	p1 =	sne.s32 s31, $0x10  }
.Ltmp4:
0x9d: {  	_ = 	snop;
	(pc) =	sbr.rel @p1 .LBB2_9-.Ltmp4, $1  }
0x9e: {  	_ =	sdelay $0x3  }
0x9f: {  	s0 =	sadd.s32 @!p0 s30, s9  }
0xa0: {  	s0 =	sshll.u32 @!p0 s0, $0xA  }
0xa1: {  	s0 =	sand.u32 @!p0 $0xFFFF400, s0  }
0xa2: {  	s1 =	simm.s32 @!p0 $0x0;
	s14 =	simm.s32 @!p0 $0x2000;
	s0 =	sadd.s32 @!p0 s3, s0  }
0xa3: {  	[tilespmem:s14], [sflag:$0x2] =	stream.linear.gather @!p0 [hbm4b:s0+s1], $0x2000, $0x38;
	[tilespmem:$0x1D000] =	vst v63  }
0xa4: {  	_ =	swait.ge [sflag:s20], $0x2000  }
0xa5: {  	[sflag:s20] =	ssyncset.done $0x0  }
0xa6: {  	s31 =	simm.s32 $0x0;
	[sflag:s20] =	ssyncadd.s32 $0xFFFFE000  }
.LBB2_13:
0xa7: {  	s1 =	sshll.u32 s31, $0x7  }
0xa8: {  	s1 =	sand.u32 $0x380, s1  }
0xa9: {  	s0 =	sshll.u32 s31, $0x9;
	v3 =	vmov s1  }
0xaa: {  	s0 =	sand.u32 $0x1000, s0  }
0xab: {  	p1 =	por $0x1, $0x1;
	s0 =	sor.u32 $0x4000, s0;
	s1 =	simm.s32 $0x0  }
.LBB2_14:
0xac: {  	s1 =	sshra.s32 s1, $0x2  }
0xad: {  	s1 =	sadd.s32 s1, s0  }
0xae: {  	v4 =	vld.idx.msk [tilespmem:v3+s1+$0x0 ss:$0x1], $0xffff;
	_ =	sdelay $0x2  }
0xaf: {  	v5 =	vld.idx.msk [tilespmem:v3+s1+$0x10 ss:$0x1], $0xffff;
	_ =	sdelay $0x1  }
0xb0: {  	v7 =	vld.idx.msk [tilespmem:v3+s1+$0x20 ss:$0x1], $0xffff;
	v6 =	vand.u32 $0xFFFF, v4  }
0xb1: {  	v9 =	vld.idx.msk [tilespmem:v3+s1+$0x30 ss:$0x1], $0xffff;
	v4 =	vshrl.u32 v4, $0x10  }
0xb2: {  	v44 =	vld.idx.msk [tilespmem:v3+s1+$0x40 ss:$0x1], $0xffff  }
0xb3: {  	v45 =	vld.idx.msk [tilespmem:v3+s1+$0x50 ss:$0x1], $0xffff;
	v8 =	vand.u32 $0xFFFF, v5  }
0xb4: {  	v47 =	vld.idx.msk [tilespmem:v3+s1+$0x60 ss:$0x1], $0xffff;
	v5 =	vshrl.u32 v5, $0x10  }
0xb5: {  	[tilespmem:v6+s18+$0x0] =	vst.idx.add.f32.msk $0xffff, v1  }
0xb6: {  	[tilespmem:v4+s18+$0x0] =	vst.idx.add.f32.msk $0xffff, v1;
	v4 =	vand.u32 $0xFFFF, v7  }
0xb7: {  	v10 =	vld.idx.msk [tilespmem:v3+s1+$0x70 ss:$0x1], $0xffff  }
0xb8: {  	[tilespmem:v8+s18+$0x0] =	vst.idx.add.f32.msk $0xffff, v1  }
0xb9: {  	[tilespmem:v5+s18+$0x0] =	vst.idx.add.f32.msk $0xffff, v1;
	v5 =	vand.u32 $0xFFFF, v9  }
0xba: {  	v50 =	vld.idx.msk [tilespmem:v3+s1+$0x400 ss:$0x1], $0xffff  }
0xbb: {  	[tilespmem:v4+s18+$0x0] =	vst.idx.add.f32.msk $0xffff, v1;
	v4 =	vshrl.u32 v9, $0x10  }
0xbc: {  	v52 =	vld.idx.msk [tilespmem:v3+s1+$0x410 ss:$0x1], $0xffff  }
0xbd: {  	v54 =	vld.idx.msk [tilespmem:v3+s1+$0x420 ss:$0x1], $0xffff;
	v46 =	vand.u32 $0xFFFF, v44  }
0xbe: {  	[tilespmem:v5+s18+$0x0] =	vst.idx.add.f32.msk $0xffff, v1;
	v5 =	vshrl.u32 v44, $0x10  }
0xbf: {  	v56 =	vld.idx.msk [tilespmem:v3+s1+$0x430 ss:$0x1], $0xffff;
	v48 =	vand.u32 $0xFFFF, v45  }
0xc0: {  	[tilespmem:v4+s18+$0x0] =	vst.idx.add.f32.msk $0xffff, v1;
	v4 =	vshrl.u32 v45, $0x10  }
0xc1: {  	v57 =	vld.idx.msk [tilespmem:v3+s1+$0x440 ss:$0x1], $0xffff  }
0xc2: {  	v49 =	vand.u32 $0xFFFF, v47;
	[tilespmem:v46+s18+$0x0] =	vst.idx.add.f32.msk $0xffff, v1  }
0xc3: {  	[tilespmem:v5+s18+$0x0] =	vst.idx.add.f32.msk $0xffff, v1;
	v5 =	vshrl.u32 v47, $0x10  }
0xc4: {  	v51 =	vand.u32 $0xFFFF, v10;
	[tilespmem:v48+s18+$0x0] =	vst.idx.add.f32.msk $0xffff, v1  }
0xc5: {  	[tilespmem:v4+s18+$0x0] =	vst.idx.add.f32.msk $0xffff, v1;
	v4 =	vshrl.u32 v10, $0x10  }
0xc6: {  	v60 =	vld.idx.msk [tilespmem:v3+s1+$0x460 ss:$0x1], $0xffff  }
0xc7: {  	v53 =	vand.u32 $0xFFFF, v50;
	[tilespmem:v49+s18+$0x0] =	vst.idx.add.f32.msk $0xffff, v1  }
0xc8: {  	[tilespmem:v5+s18+$0x0] =	vst.idx.add.f32.msk $0xffff, v1;
	v5 =	vshrl.u32 v50, $0x10  }
0xc9: {  	[tilespmem:v51+s18+$0x0] =	vst.idx.add.f32.msk $0xffff, v1  }
0xca: {  	[tilespmem:v4+s18+$0x0] =	vst.idx.add.f32.msk $0xffff, v1;
	v4 =	vand.u32 $0xFFFF, v52  }
0xcb: {  	v11 =	vld.idx.msk [tilespmem:v3+s1+$0x470 ss:$0x1], $0xffff  }
0xcc: {  	v59 =	vand.u32 $0xFFFF, v56;
	[tilespmem:v53+s18+$0x0] =	vst.idx.add.f32.msk $0xffff, v1  }
0xcd: {  	[tilespmem:v5+s18+$0x0] =	vst.idx.add.f32.msk $0xffff, v1;
	v5 =	vand.u32 $0xFFFF, v54  }
0xce: {  	v58 =	vld.idx.msk [tilespmem:v3+s1+$0x450 ss:$0x1], $0xffff;
	v62 =	vand.u32 $0xFFFF, v60  }
0xcf: {  	[tilespmem:v4+s18+$0x0] =	vst.idx.add.f32.msk $0xffff, v1;
	v4 =	vshrl.u32 v54, $0x10  }
0xd0: {  	v63 =	vand.u32 $0xFFFF, v11  }
0xd1: {  	v8 =	vshrl.u32 v56, $0x10;
	[tilespmem:v59+s18+$0x0] =	vst.idx.add.f32.msk $0xffff, v1  }
0xd2: {  	[tilespmem:v5+s18+$0x0] =	vst.idx.add.f32.msk $0xffff, v1;
	v5 =	vand.u32 $0xFFFF, v57  }
0xd3: {  	v43 =	vshrl.u32 v7, $0x10;
	[tilespmem:v62+s18+$0x0] =	vst.idx.add.f32.msk $0xffff, v1  }
0xd4: {  	[tilespmem:v4+s18+$0x0] =	vst.idx.add.f32.msk $0xffff, v1;
	v4 =	vand.u32 $0xFFFF, v58  }
0xd5: {  	v55 =	vshrl.u32 v52, $0x10;
	[tilespmem:v63+s18+$0x0] =	vst.idx.add.f32.msk $0xffff, v1  }
0xd6: {  	[tilespmem:v8+s18+$0x0] =	vst.idx.add.f32.msk $0xffff, v1;
	v9 =	vshrl.u32 v57, $0x10  }
0xd7: {  	[tilespmem:v5+s18+$0x0] =	vst.idx.add.f32.msk $0xffff, v1;
	v5 =	vshrl.u32 v60, $0x10  }
0xd8: {  	v61 =	vshrl.u32 v58, $0x10;
	[tilespmem:v43+s18+$0x0] =	vst.idx.add.f32.msk $0xffff, v1  }
0xd9: {  	p2 =	por p1, p1;
	[tilespmem:v4+s18+$0x0] =	vst.idx.add.f32.msk $0xffff, v1;
	v4 =	vshrl.u32 v11, $0x10  }
.Ltmp5:
0xda: {  	[tilespmem:v55+s18+$0x0] =	vst.idx.add.f32.msk $0xffff, v1;
	(pc) =	sbr.rel @p2 .LBB2_14-.Ltmp5, $4  }
0xdb: {  	[tilespmem:v9+s18+$0x0] =	vst.idx.add.f32.msk $0xffff, v1  }
0xdc: {  	[tilespmem:v5+s18+$0x0] =	vst.idx.add.f32.msk $0xffff, v1  }
0xdd: {  	[tilespmem:v61+s18+$0x0] =	vst.idx.add.f32.msk $0xffff, v1  }
0xde: {  	p1 =	por $0x0, $0x0;
	s1 =	simm.s32 $0x2000;
	[tilespmem:v4+s18+$0x0] =	vst.idx.add.f32.msk $0xffff, v1  }
0xdf: {  	s31 =	sadd.s32 $0x1, s31  }
0xe0: {  	p1 =	sne.s32 s31, $0x10  }
.Ltmp6:
0xe1: {  	_ = 	snop;
	(pc) =	sbr.rel @p1 .LBB2_13-.Ltmp6, $1  }
0xe2: {  	_ =	sdelay $0x3  }
0xe3: {  	s0 =	sadd.s32 @!p0 s30, s10  }
0xe4: {  	s0 =	sshll.u32 @!p0 s0, $0xA  }
0xe5: {  	s0 =	sand.u32 @!p0 $0xFFFF800, s0  }
0xe6: {  	s1 =	simm.s32 @!p0 $0x0;
	s14 =	simm.s32 @!p0 $0x4000;
	s0 =	sadd.s32 @!p0 s3, s0  }
0xe7: {  	[tilespmem:s14], [sflag:$0x3] =	stream.linear.gather @!p0 [hbm4b:s0+s1], $0x2000, $0x38;
	[tilespmem:$0x1D000] =	vst v63  }
0xe8: {  	_ =	swait.ge [sflag:s21], $0x2000  }
0xe9: {  	[sflag:s21] =	ssyncset.done $0x0  }
0xea: {  	s31 =	simm.s32 $0x0;
	[sflag:s21] =	ssyncadd.s32 $0xFFFFE000  }
.LBB2_17:
0xeb: {  	s1 =	sshll.u32 s31, $0x7  }
0xec: {  	s1 =	sand.u32 $0x380, s1  }
0xed: {  	s0 =	sshll.u32 s31, $0x9;
	v3 =	vmov s1  }
0xee: {  	s0 =	sand.u32 $0x1000, s0  }
0xef: {  	p1 =	por $0x1, $0x1;
	s0 =	sor.u32 $0x6000, s0;
	s1 =	simm.s32 $0x0  }
.LBB2_18:
0xf0: {  	s1 =	sshra.s32 s1, $0x2  }
0xf1: {  	s1 =	sadd.s32 s1, s0  }
0xf2: {  	v4 =	vld.idx.msk [tilespmem:v3+s1+$0x0 ss:$0x1], $0xffff;
	_ =	sdelay $0x2  }
0xf3: {  	v5 =	vld.idx.msk [tilespmem:v3+s1+$0x10 ss:$0x1], $0xffff;
	_ =	sdelay $0x1  }
0xf4: {  	v7 =	vld.idx.msk [tilespmem:v3+s1+$0x20 ss:$0x1], $0xffff;
	v6 =	vand.u32 $0xFFFF, v4  }
0xf5: {  	v9 =	vld.idx.msk [tilespmem:v3+s1+$0x30 ss:$0x1], $0xffff;
	v4 =	vshrl.u32 v4, $0x10  }
0xf6: {  	v44 =	vld.idx.msk [tilespmem:v3+s1+$0x40 ss:$0x1], $0xffff  }
0xf7: {  	v45 =	vld.idx.msk [tilespmem:v3+s1+$0x50 ss:$0x1], $0xffff;
	v8 =	vand.u32 $0xFFFF, v5  }
0xf8: {  	v47 =	vld.idx.msk [tilespmem:v3+s1+$0x60 ss:$0x1], $0xffff;
	v5 =	vshrl.u32 v5, $0x10  }
0xf9: {  	[tilespmem:v6+s18+$0x0] =	vst.idx.add.f32.msk $0xffff, v1  }
0xfa: {  	[tilespmem:v4+s18+$0x0] =	vst.idx.add.f32.msk $0xffff, v1;
	v4 =	vand.u32 $0xFFFF, v7  }
0xfb: {  	v10 =	vld.idx.msk [tilespmem:v3+s1+$0x70 ss:$0x1], $0xffff  }
0xfc: {  	[tilespmem:v8+s18+$0x0] =	vst.idx.add.f32.msk $0xffff, v1  }
0xfd: {  	[tilespmem:v5+s18+$0x0] =	vst.idx.add.f32.msk $0xffff, v1;
	v5 =	vand.u32 $0xFFFF, v9  }
0xfe: {  	v50 =	vld.idx.msk [tilespmem:v3+s1+$0x400 ss:$0x1], $0xffff  }
0xff: {  	[tilespmem:v4+s18+$0x0] =	vst.idx.add.f32.msk $0xffff, v1;
	v4 =	vshrl.u32 v9, $0x10  }
0x100: {  	v52 =	vld.idx.msk [tilespmem:v3+s1+$0x410 ss:$0x1], $0xffff  }
0x101: {  	v54 =	vld.idx.msk [tilespmem:v3+s1+$0x420 ss:$0x1], $0xffff;
	v46 =	vand.u32 $0xFFFF, v44  }
0x102: {  	[tilespmem:v5+s18+$0x0] =	vst.idx.add.f32.msk $0xffff, v1;
	v5 =	vshrl.u32 v44, $0x10  }
0x103: {  	v56 =	vld.idx.msk [tilespmem:v3+s1+$0x430 ss:$0x1], $0xffff;
	v48 =	vand.u32 $0xFFFF, v45  }
0x104: {  	[tilespmem:v4+s18+$0x0] =	vst.idx.add.f32.msk $0xffff, v1;
	v4 =	vshrl.u32 v45, $0x10  }
0x105: {  	v57 =	vld.idx.msk [tilespmem:v3+s1+$0x440 ss:$0x1], $0xffff  }
0x106: {  	v49 =	vand.u32 $0xFFFF, v47;
	[tilespmem:v46+s18+$0x0] =	vst.idx.add.f32.msk $0xffff, v1  }
0x107: {  	[tilespmem:v5+s18+$0x0] =	vst.idx.add.f32.msk $0xffff, v1;
	v5 =	vshrl.u32 v47, $0x10  }
0x108: {  	v51 =	vand.u32 $0xFFFF, v10;
	[tilespmem:v48+s18+$0x0] =	vst.idx.add.f32.msk $0xffff, v1  }
0x109: {  	[tilespmem:v4+s18+$0x0] =	vst.idx.add.f32.msk $0xffff, v1;
	v4 =	vshrl.u32 v10, $0x10  }
0x10a: {  	v60 =	vld.idx.msk [tilespmem:v3+s1+$0x460 ss:$0x1], $0xffff  }
0x10b: {  	v53 =	vand.u32 $0xFFFF, v50;
	[tilespmem:v49+s18+$0x0] =	vst.idx.add.f32.msk $0xffff, v1  }
0x10c: {  	[tilespmem:v5+s18+$0x0] =	vst.idx.add.f32.msk $0xffff, v1;
	v5 =	vshrl.u32 v50, $0x10  }
0x10d: {  	[tilespmem:v51+s18+$0x0] =	vst.idx.add.f32.msk $0xffff, v1  }
0x10e: {  	[tilespmem:v4+s18+$0x0] =	vst.idx.add.f32.msk $0xffff, v1;
	v4 =	vand.u32 $0xFFFF, v52  }
0x10f: {  	v11 =	vld.idx.msk [tilespmem:v3+s1+$0x470 ss:$0x1], $0xffff  }
0x110: {  	v59 =	vand.u32 $0xFFFF, v56;
	[tilespmem:v53+s18+$0x0] =	vst.idx.add.f32.msk $0xffff, v1  }
0x111: {  	[tilespmem:v5+s18+$0x0] =	vst.idx.add.f32.msk $0xffff, v1;
	v5 =	vand.u32 $0xFFFF, v54  }
0x112: {  	v58 =	vld.idx.msk [tilespmem:v3+s1+$0x450 ss:$0x1], $0xffff;
	v62 =	vand.u32 $0xFFFF, v60  }
0x113: {  	[tilespmem:v4+s18+$0x0] =	vst.idx.add.f32.msk $0xffff, v1;
	v4 =	vshrl.u32 v54, $0x10  }
0x114: {  	v63 =	vand.u32 $0xFFFF, v11  }
0x115: {  	v8 =	vshrl.u32 v56, $0x10;
	[tilespmem:v59+s18+$0x0] =	vst.idx.add.f32.msk $0xffff, v1  }
0x116: {  	[tilespmem:v5+s18+$0x0] =	vst.idx.add.f32.msk $0xffff, v1;
	v5 =	vand.u32 $0xFFFF, v57  }
0x117: {  	v43 =	vshrl.u32 v7, $0x10;
	[tilespmem:v62+s18+$0x0] =	vst.idx.add.f32.msk $0xffff, v1  }
0x118: {  	[tilespmem:v4+s18+$0x0] =	vst.idx.add.f32.msk $0xffff, v1;
	v4 =	vand.u32 $0xFFFF, v58  }
0x119: {  	v55 =	vshrl.u32 v52, $0x10;
	[tilespmem:v63+s18+$0x0] =	vst.idx.add.f32.msk $0xffff, v1  }
0x11a: {  	[tilespmem:v8+s18+$0x0] =	vst.idx.add.f32.msk $0xffff, v1;
	v9 =	vshrl.u32 v57, $0x10  }
0x11b: {  	[tilespmem:v5+s18+$0x0] =	vst.idx.add.f32.msk $0xffff, v1;
	v5 =	vshrl.u32 v60, $0x10  }
0x11c: {  	v61 =	vshrl.u32 v58, $0x10;
	[tilespmem:v43+s18+$0x0] =	vst.idx.add.f32.msk $0xffff, v1  }
0x11d: {  	p2 =	por p1, p1;
	[tilespmem:v4+s18+$0x0] =	vst.idx.add.f32.msk $0xffff, v1;
	v4 =	vshrl.u32 v11, $0x10  }
.Ltmp7:
0x11e: {  	[tilespmem:v55+s18+$0x0] =	vst.idx.add.f32.msk $0xffff, v1;
	(pc) =	sbr.rel @p2 .LBB2_18-.Ltmp7, $4  }
0x11f: {  	[tilespmem:v9+s18+$0x0] =	vst.idx.add.f32.msk $0xffff, v1  }
0x120: {  	[tilespmem:v5+s18+$0x0] =	vst.idx.add.f32.msk $0xffff, v1  }
0x121: {  	[tilespmem:v61+s18+$0x0] =	vst.idx.add.f32.msk $0xffff, v1  }
0x122: {  	p1 =	por $0x0, $0x0;
	s1 =	simm.s32 $0x2000;
	[tilespmem:v4+s18+$0x0] =	vst.idx.add.f32.msk $0xffff, v1  }
0x123: {  	s31 =	sadd.s32 $0x1, s31  }
0x124: {  	p1 =	sne.s32 s31, $0x10  }
.Ltmp8:
0x125: {  	_ = 	snop;
	(pc) =	sbr.rel @p1 .LBB2_17-.Ltmp8, $1  }
0x126: {  	_ =	sdelay $0x3  }
.Ltmp9:
0x127: {  	(pc) =	sbr.rel @p0 .LBB2_22-.Ltmp9, $2  }
0x128: {  	_ =	sdelay $0x2  }
0x129: {  	s31 =	simm.s32 $0x80  }
.Ltmp10:
0x12a: {  	s0 =	sadd.s32 s30, s11;
	(pc) =	sbr.rel .LBB2_4-.Ltmp10, $4  }
0x12b: {  	s0 =	sshll.u32 s0, $0xA  }
0x12c: {  	s0 =	sand.u32 $0xFFFFC00, s0  }
0x12d: {  	s29 =	sadd.s32 $0x1, s29;
	s0 =	sadd.s32 s3, s0  }
0x12e: {  	[tilespmem:s16], [sflag:$0x4] =	stream.linear.gather [hbm4b:s0+s2], $0x2000, $0x38;
	[tilespmem:$0x1D000] =	vst v63  }
.LBB2_22:
0x12f: {  	v3 =	vor.u32 $0x1, v2;
	v24 =	vor.u32 s31, v2  }
0x130: {  	s0 =	simm.s32 $0xC0;
	v14 =	vor.u32 s31, v3  }
0x131: {  	v4 =	vor.u32 $0x41, v2;
	v15 =	vor.u32 s0, v2  }
0x132: {  	s1 =	simm.s32 $0x0;
	v17 =	vor.u32 s0, v4  }
0x133: {  	v5 =	vor.u32 $0x42, v2;
	v16 =	vor.u32 s1, v2  }
0x134: {  	v19 =	vor.u32 s0, v5;
	v34 =	vld.idx.msk [tilespmem:v24+s18+$0x0], $0xffff  }
0x135: {  	v6 =	vor.u32 $0x43, v2;
	v18 =	vor.u32 s1, v3;
	v27 =	vld.idx.msk [tilespmem:v14+s18+$0x0], $0xffff  }
0x136: {  	s14 =	simm.s32 $0x40;
	v21 =	vor.u32 s0, v6;
	v25 =	vld.idx.msk [tilespmem:v15+s18+$0x0], $0xffff  }
0x137: {  	v20 =	vor.u32 s14, v2;
	v26 =	vld.idx.msk [tilespmem:v17+s18+$0x0], $0xffff  }
0x138: {  	v7 =	vor.u32 $0x2, v2;
	v22 =	vor.u32 s14, v4;
	v28 =	vld.idx.msk [tilespmem:v16+s18+$0x0], $0xffff  }
0x139: {  	v23 =	vor.u32 s1, v7;
	v29 =	vld.idx.msk [tilespmem:v19+s18+$0x0], $0xffff  }
0x13a: {  	v13 =	vor.u32 s14, v5;
	v30 =	vld.idx.msk [tilespmem:v18+s18+$0x0], $0xffff  }
0x13b: {  	v8 =	vor.u32 $0x3, v2;
	v9 =	vor.u32 s31, v7;
	v31 =	vld.idx.msk [tilespmem:v21+s18+$0x0], $0xffff  }
0x13c: {  	v12 =	vor.u32 s1, v8;
	v32 =	vld.idx.msk [tilespmem:v20+s18+$0x0], $0xffff  }
0x13d: {  	v11 =	vor.u32 s14, v6;
	v33 =	vld.idx.msk [tilespmem:v22+s18+$0x0], $0xffff  }
0x13e: {  	s23 =	simm.s32 $0x1C0;
	v10 =	vor.u32 s31, v8;
	v35 =	vld.idx.msk [tilespmem:v23+s18+$0x0], $0xffff  }
0x13f: {  	v38 =	vor.u32 s23, v2;
	v37 =	vld.idx.msk [tilespmem:v13+s18+$0x0], $0xffff  }
0x140: {  	v40 =	vor.u32 s23, v4;
	v39 =	vld.idx.msk [tilespmem:v9+s18+$0x0], $0xffff  }
0x141: {  	s30 =	simm.s32 $0x180;
	v44 =	vor.u32 s23, v5;
	v41 =	vld.idx.msk [tilespmem:v12+s18+$0x0], $0xffff  }
0x142: {  	s24 =	simm.s32 $0x100;
	v36 =	vor.u32 s30, v3;
	v43 =	vld.idx.msk [tilespmem:v11+s18+$0x0], $0xffff  }
0x143: {  	s15 =	simm.s32 $0x140;
	v46 =	vor.u32 s24, v3;
	v45 =	vld.idx.msk [tilespmem:v10+s18+$0x0], $0xffff  }
0x144: {  	v48 =	vor.u32 s15, v2;
	v47 =	vld.idx.msk [tilespmem:v38+s18+$0x0], $0xffff;
	v26 =	vadd.f32 v26, v25  }
0x145: {  	v42 =	vor.u32 s24, v2;
	v40 =	vld.idx.msk [tilespmem:v40+s18+$0x0], $0xffff;
	v28 =	vadd.f32 v30, v28  }
0x146: {  	v61 =	vor.u32 s23, v6;
	v38 =	vld.idx.msk [tilespmem:v44+s18+$0x0], $0xffff;
	v26 =	vadd.f32 v29, v26;
	v29 =	vadd.f32 v33, v32  }
0x147: {  	v49 =	vor.u32 s15, v4;
	v25 =	vld.idx.msk [tilespmem:v36+s18+$0x0], $0xffff;
	v62 =	vadd.f32 v27, v34;
	v28 =	vadd.f32 v35, v28  }
0x148: {  	v30 =	vld.idx.msk [tilespmem:v46+s18+$0x0], $0xffff;
	v31 =	vadd.f32 v31, v26;
	v33 =	vadd.f32 v37, v29;
	v29 =	vor.u32 s30, v2  }
0x149: {  	s1 =	simm.s32 $0x20;
	v36 =	vor.u32 s24, v7;
	v39 =	vadd.f32 v39, v62;
	v32 =	vld.idx.msk [tilespmem:v48+s18+$0x0], $0xffff;
	v35 =	vadd.f32 v41, v28  }
0x14a: {  	v34 =	vor.u32 s15, v5;
	v26 =	vld.idx.msk [tilespmem:v42+s18+$0x0], $0xffff;
	[tilespmem:s1+$0x18010] =	vst v31;
	v63 =	vadd.f32 v43, v33  }
0x14b: {  	v27 =	vor.u32 s30, v7;
	v37 =	vld.idx.msk [tilespmem:v61+s18+$0x0], $0xffff;
	v28 =	vor.u32 s30, v8;
	v39 =	vadd.f32 v45, v39;
	[tilespmem:s1+$0x17FE0] =	vst v35  }
0x14c: {  	s29 =	simm.s32 $0x0;
	s14 =	simm.s32 $0x4;
	s0 =	simm.s32 $0x180;
	v40 =	vadd.f32 v40, v47;
	v31 =	vor.u32 s24, v8;
	v33 =	vor.u32 s15, v6;
	v35 =	vld.idx.msk [tilespmem:v49+s18+$0x0], $0xffff;
	[tilespmem:s1+$0x17FF0] =	vst v63  }
.LBB2_23:
0x14d: {  	v41 =	vld.idx.msk [tilespmem:v29+s18+$0x0], $0xffff;
	[tilespmem:s1+$0x18000] =	vst v39  }
0x14e: {  	s30 =	sadd.s32 $0x100, s30;
	v39 =	vld.idx.msk [tilespmem:v36+s18+$0x0], $0xffff;
	v36 =	vadd.f32 v38, v40  }
0x14f: {  	s15 =	sadd.s32 $0xFFFFFF80, s30;
	s23 =	sadd.s32 $0xFFFFFFC0, s30;
	v29 =	vor.u32 s30, v2;
	v38 =	vor.u32 s30, v3;
	v40 =	vor.u32 s30, v7;
	s24 =	sadd.s32 $0x40, s30;
	v42 =	vld.idx.msk [tilespmem:v34+s18+$0x0], $0xffff  }
0x150: {  	s14 =	sadd.s32 $0x4, s14;
	v43 =	vor.u32 s24, v2;
	v44 =	vld.idx.msk [tilespmem:v27+s18+$0x0], $0xffff;
	v34 =	vadd.f32 v37, v36;
	v27 =	vmov v40  }
0x151: {  	s1 =	sshra.s32 s0, $0x2;
	p0 =	slt.u32 s14, $0x3FC;
	s0 =	smov.u32 s30;
	v45 =	vor.u32 s24, v4;
	v37 =	vor.u32 s15, v2;
	v40 =	vor.u32 s15, v3;
	v46 =	vld.idx.msk [tilespmem:v31+s18+$0x0], $0xffff  }
0x152: {  	v47 =	vor.u32 s23, v2;
	v48 =	vor.u32 s23, v4;
	v49 =	vld.idx.msk [tilespmem:v33+s18+$0x0], $0xffff;
	[tilespmem:s1+$0x18010] =	vst v34  }
0x153: {  	v50 =	vor.u32 s24, v5;
	v36 =	vor.u32 s15, v7;
	v34 =	vor.u32 s23, v5;
	v51 =	vld.idx.msk [tilespmem:v28+s18+$0x0], $0xffff  }
0x154: {  	v31 =	vor.u32 s15, v8;
	v28 =	vor.u32 s30, v8;
	v52 =	vld.idx.msk [tilespmem:v38+s18+$0x0], $0xffff  }
0x155: {  	v30 =	vadd.f32 v30, v26;
	v53 =	vor.u32 s24, v6;
	v33 =	vor.u32 s23, v6;
	v43 =	vld.idx.msk [tilespmem:v43+s18+$0x0], $0xffff  }
0x156: {  	v32 =	vadd.f32 v35, v32;
	v25 =	vadd.f32 v25, v41;
	v45 =	vld.idx.msk [tilespmem:v45+s18+$0x0], $0xffff  }
0x157: {  	v35 =	vadd.f32 v39, v30;
	v26 =	vld.idx.msk [tilespmem:v37+s18+$0x0], $0xffff  }
.Ltmp11:
0x158: {  	v32 =	vadd.f32 v42, v32;
	v42 =	vadd.f32 v44, v25;
	v38 =	vld.idx.msk [tilespmem:v50+s18+$0x0], $0xffff;
	(pc) =	sbr.rel @p0 .LBB2_23-.Ltmp11, $4  }
0x159: {  	v35 =	vadd.f32 v46, v35;
	v30 =	vld.idx.msk [tilespmem:v40+s18+$0x0], $0xffff  }
0x15a: {  	v41 =	vadd.f32 v49, v32;
	v39 =	vadd.f32 v51, v42;
	v25 =	vmov v52;
	v37 =	vld.idx.msk [tilespmem:v53+s18+$0x0], $0xffff  }
0x15b: {  	v32 =	vld.idx.msk [tilespmem:v47+s18+$0x0], $0xffff;
	[tilespmem:s1+$0x17FE0] =	vst v35  }
0x15c: {  	v40 =	vadd.f32 v45, v43;
	v35 =	vld.idx.msk [tilespmem:v48+s18+$0x0], $0xffff;
	[tilespmem:s1+$0x17FF0] =	vst v41  }
0x15d: {  	_ =	sdelay $0x3  }
0x15e: {  	v29 =	vld.idx.msk [tilespmem:v29+s18+$0x0], $0xffff  }
0x15f: {  	v36 =	vld.idx.msk [tilespmem:v36+s18+$0x0], $0xffff  }
0x160: {  	v34 =	vld.idx.msk [tilespmem:v34+s18+$0x0], $0xffff  }
0x161: {  	v27 =	vld.idx.msk [tilespmem:v27+s18+$0x0], $0xffff  }
0x162: {  	v31 =	vld.idx.msk [tilespmem:v31+s18+$0x0], $0xffff  }
0x163: {  	v33 =	vld.idx.msk [tilespmem:v33+s18+$0x0], $0xffff;
	v26 =	vadd.f32 v30, v26  }
0x164: {  	v28 =	vld.idx.msk [tilespmem:v28+s18+$0x0], $0xffff;
	v61 =	vadd.f32 v38, v40;
	v32 =	vadd.f32 v35, v32  }
0x165: {  	v25 =	vadd.f32 v25, v29;
	v26 =	vadd.f32 v36, v26  }
0x166: {  	v62 =	vadd.f32 v37, v61;
	v63 =	vadd.f32 v34, v32  }
0x167: {  	[tilespmem:s1+$0x18000] =	vst v39;
	s0 =	sshra.s32 s0, $0x2;
	v25 =	vadd.f32 v27, v25;
	v26 =	vadd.f32 v31, v26  }
0x168: {  	[tilespmem:s0+$0x18010] =	vst v62;
	v27 =	vadd.f32 v33, v63  }
0x169: {  	v25 =	vadd.f32 v28, v25;
	[tilespmem:s0+$0x17FE0] =	vst v26  }
0x16a: {  	[tilespmem:s0+$0x17FF0] =	vst v27  }
0x16b: {  	[tilespmem:s0+$0x18000] =	vst v25  }
0x16c: {  	v24 =	vld.idx.msk [tilespmem:v24+s22+$0x0], $0xffff  }
0x16d: {  	v25 =	vld.idx.msk [tilespmem:v15+s22+$0x0], $0xffff  }
0x16e: {  	v26 =	vld.idx.msk [tilespmem:v17+s22+$0x0], $0xffff  }
0x16f: {  	v15 =	vld.idx.msk [tilespmem:v16+s22+$0x0], $0xffff  }
0x170: {  	v27 =	vld.idx.msk [tilespmem:v19+s22+$0x0], $0xffff  }
0x171: {  	v16 =	vld.idx.msk [tilespmem:v18+s22+$0x0], $0xffff  }
0x172: {  	v21 =	vld.idx.msk [tilespmem:v21+s22+$0x0], $0xffff  }
0x173: {  	v17 =	vld.idx.msk [tilespmem:v20+s22+$0x0], $0xffff  }
0x174: {  	v18 =	vld.idx.msk [tilespmem:v22+s22+$0x0], $0xffff;
	v20 =	vadd.f32 v26, v25  }
0x175: {  	v19 =	vld.idx.msk [tilespmem:v14+s22+$0x0], $0xffff  }
0x176: {  	s0 =	simm.s32 $0x180;
	v14 =	vld.idx.msk [tilespmem:v23+s22+$0x0], $0xffff;
	v20 =	vadd.f32 v27, v20  }
.LBB2_25:
0x177: {  	s1 =	sadd.s32 $0xFFFFFF80, s0;
	s14 =	sadd.s32 $0xFFFFFFC0, s0;
	v22 =	vor.u32 s0, v2;
	v23 =	vor.u32 s0, v3;
	v25 =	vor.u32 s0, v7;
	s15 =	sadd.s32 $0x40, s0;
	v26 =	vld.idx.msk [tilespmem:v13+s22+$0x0], $0xffff  }
0x178: {  	s29 =	sadd.s32 $0x4, s29;
	v27 =	vor.u32 s1, v2;
	v28 =	vor.u32 s15, v2;
	v29 =	vld.idx.msk [tilespmem:v9+s22+$0x0], $0xffff;
	v20 =	vadd.f32 v21, v20;
	v9 =	vmovc v25  }
0x179: {  	s23 =	sshra.s32 s31, $0x2;
	s31 =	smov.u32 s0;
	v21 =	vor.u32 s1, v3;
	v25 =	vor.u32 s14, v2;
	v30 =	vor.u32 s15, v4;
	p0 =	slt.u32 s29, $0xFC;
	v31 =	vld.idx.msk [tilespmem:v12+s22+$0x0], $0xffff  }
0x17a: {  	v32 =	vor.u32 s1, v7;
	v33 =	vor.u32 s14, v4;
	v13 =	vor.u32 s14, v5;
	v34 =	vld.idx.msk [tilespmem:v11+s22+$0x0], $0xffff;
	[tilespmem:s23+$0x1C010] =	vst v20  }
0x17b: {  	v12 =	vor.u32 s1, v8;
	v11 =	vor.u32 s14, v6;
	v20 =	vor.u32 s15, v5;
	v35 =	vld.idx.msk [tilespmem:v10+s22+$0x0], $0xffff  }
0x17c: {  	v15 =	vadd.f32 v16, v15;
	v16 =	vadd.f32 v18, v17;
	v10 =	vor.u32 s0, v8;
	v22 =	vld.idx.msk [tilespmem:v22+s22+$0x0], $0xffff  }
0x17d: {  	v17 =	vor.u32 s15, v6;
	v18 =	vadd.f32 v19, v24;
	v28 =	vld.idx.msk [tilespmem:v28+s22+$0x0], $0xffff  }
0x17e: {  	v14 =	vadd.f32 v14, v15;
	v16 =	vadd.f32 v26, v16;
	v19 =	vld.idx.msk [tilespmem:v30+s22+$0x0], $0xffff  }
0x17f: {  	v18 =	vadd.f32 v29, v18;
	v15 =	vld.idx.msk [tilespmem:v27+s22+$0x0], $0xffff  }
0x180: {  	v14 =	vadd.f32 v31, v14;
	v26 =	vadd.f32 v34, v16;
	v20 =	vld.idx.msk [tilespmem:v20+s22+$0x0], $0xffff  }
0x181: {  	v27 =	vadd.f32 v35, v18;
	v16 =	vld.idx.msk [tilespmem:v21+s22+$0x0], $0xffff  }
.Ltmp12:
0x182: {  	v24 =	vmov v22;
	v21 =	vld.idx.msk [tilespmem:v17+s22+$0x0], $0xffff;
	[tilespmem:s23+$0x1BFE0] =	vst v14;
	(pc) =	sbr.rel @p0 .LBB2_25-.Ltmp12, $4  }
0x183: {  	v17 =	vld.idx.msk [tilespmem:v25+s22+$0x0], $0xffff;
	[tilespmem:s23+$0x1BFF0] =	vst v26  }
0x184: {  	v22 =	vadd.f32 v19, v28;
	v18 =	vld.idx.msk [tilespmem:v33+s22+$0x0], $0xffff;
	[tilespmem:s23+$0x1C000] =	vst v27  }
0x185: {  	v19 =	vld.idx.msk [tilespmem:v23+s22+$0x0], $0xffff  }
0x186: {  	s0 =	sadd.s32 $0x100, s0;
	v20 =	vadd.f32 v20, v22;
	v14 =	vld.idx.msk [tilespmem:v32+s22+$0x0], $0xffff  }
0x187: {  	_ =	sdelay $0x3  }
0x188: {  	v3 =	vld.idx.msk [tilespmem:v13+s22+$0x0], $0xffff  }
0x189: {  	v4 =	vld.idx.msk [tilespmem:v9+s22+$0x0], $0xffff  }
0x18a: {  	v5 =	vld.idx.msk [tilespmem:v12+s22+$0x0], $0xffff  }
0x18b: {  	v6 =	vld.idx.msk [tilespmem:v11+s22+$0x0], $0xffff;
	v7 =	vadd.f32 v16, v15  }
0x18c: {  	v8 =	vld.idx.msk [tilespmem:v10+s22+$0x0], $0xffff;
	v61 =	vadd.f32 v18, v17  }
0x18d: {  	v62 =	vadd.f32 v19, v24;
	v7 =	vadd.f32 v14, v7  }
0x18e: {  	v63 =	vadd.f32 v21, v20;
	v3 =	vadd.f32 v3, v61  }
0x18f: {  	s0 =	sshra.s32 s31, $0x2;
	v4 =	vadd.f32 v4, v62;
	v5 =	vadd.f32 v5, v7  }
0x190: {  	[tilespmem:s0+$0x1C010] =	vst v63;
	v3 =	vadd.f32 v6, v3  }
0x191: {  	s28 =	sadd.s32 $0x1, s28;
	v4 =	vadd.f32 v8, v4;
	[tilespmem:s0+$0x1BFE0] =	vst v5  }
0x192: {  	p0 =	sne.s32 s28, s13;
	[tilespmem:s0+$0x1BFF0] =	vst v3  }
.Ltmp13:
0x193: {  	s31 =	simm.s32 $0x80;
	s1 =	simm.s32 $0x400;
	[tilespmem:s0+$0x1C000] =	vst v4;
	(pc) =	sbr.rel @p0 .LBB2_1-.Ltmp13, $4  }
0x194: {  	[hbm4b:s12+s31] =	stream.strided.scatter [tilespmem:s25], [sflag:$0x5], $0x1000, s1, s31, $0x38;
	[tilespmem:$0x1D000] =	vst v63  }
0x195: {  	_ =	swait.ge [sflag:s26], $0x1000  }
0x196: {  	[sflag:s26] =	ssyncset.done $0x0  }
0x197: {  	[sflag:s26] =	ssyncadd.s32 $0xFFFFF000  }
0x198: {  	_ =	sfence.sel $0x180000  }
0x199: {  	[bflag:$0x0] =	sbarrier.arrive $0xFFFF  }
0x19a: {  	_ =	strace $0x90000047  }
0x19b: {  	s0 =	stileid.u32;
	[bflag:$0x2] =	sbarrier.arrive $0xFFFF  }
0x19c: {  	p0 =	sne.s32 s0, $0x0;
	s0 =	rddreg [dreg:$0x1]  }
0x19d: {  	s0 =	sadd.s32 @!p0 $0x100000, s0  }
0x19e: {  	[sflag:s0] =	ssyncadd.tile.s32 @!p0 $0x1;
	_ =	shalt  }
.Lfunc_end2:
_tile_overlayer_lowered:
.L_overlay_start_2:
0x19f: {  	(tag) =	ssettag $0x2  }
0x1a0: {  	s0 =	rddreg [dreg:$0x0];
	s2 =	stileid.u32  }
0x1a1: {  	s1 =	rddreg [dreg:$0x1];
	p0 =	sne.s32 s2, $0x0  }
0x1a2: {  	s3 =	rddreg [dreg:$0x2];
	[bflag:$0x3] =	sbarrier.arrive $0xFFFF;
	s2 =	simm.s32 @!p0 $0x1C05  }
0x1a3: {  	[timem:s3], [sflag:s2] =	dma.local @!p0 [hbm:s0], s1  }
0x1a4: {  	s0 =	simm.s32 @!p0 $0x5  }
0x1a5: {  	_ =	swait.ge @!p0 [sflag:s0], s1  }
0x1a6: {  	s1 =	ssub.s32 @!p0 $0x0, s1;
	[sflag:s0] =	ssyncset.done @!p0 $0x0  }
0x1a7: {  	[sflag:s0] =	ssyncadd.s32 @!p0 s1  }
0x1a8: {  	[bflag:$0x3] =	sbarrier.arrive $0xFFFF  }
0x1a9: {  	_ =	shalt  }

// kernel: kernel.7.cloned.1.call-start
scs
__scs_entry_jumppad:
0x0: {  	(pc) =	sbr.rel $0x88, $3  }
0x1: {  	(tag) =	ssettag $0x0;
	lr =	simm.s32 $0x1  }
0x2: {  	[smem:$0x3F9F] =	sst lr;
	_ =	strace $0xD0000000  }
0x3: {  	_ = 	snop  }
0x4: {  	_ = 	snop  }
0x5: {  	_ = 	snop  }
0x6: {  	_ = 	snop  }
0x7: {  	_ = 	snop  }
__scs_overlays_trampoline_lowered:
0x8: {  	[smem:$0x3FAE] =	sst s0  }
0x9: {  	[smem:$0x3FAF] =	sst s1  }
0xa: {  	[smem:$0x3FB0] =	sst s2  }
0xb: {  	[smem:$0x3FB1] =	sst s3  }
0xc: {  	[smem:$0x3FB2] =	sst s4  }
0xd: {  	[smem:$0x3FB3] =	sst s5  }
0xe: {  	[smem:$0x3FB4] =	sst s6  }
0xf: {  	[smem:$0x3FB5] =	sst s7  }
0x10: {  	[smem:$0x3FB6] =	sst s8  }
0x11: {  	[smem:$0x3FB7] =	sst s9;
	s0 =	simm.s32 @!p0 $0x0  }
0x12: {  	s1 =	sld [smem:$0x3F9D];
	s0 =	simm.s32 @p0 $0x1  }
0x13: {  	[smem:$0x3FB8] =	sst s0;
	s0 =	simm.s32 @!p1 $0x0  }
0x14: {  	s2 =	sld [smem:$0x3F9C];
	s0 =	simm.s32 @p1 $0x1  }
0x15: {  	[smem:$0x3FB9] =	sst s0;
	s0 =	simm.s32 @!p2 $0x0  }
0x16: {  	s3 =	sld [smem:$0x3FDB];
	s0 =	simm.s32 @p2 $0x1  }
0x17: {  	s4 =	simm.s32 $0x1BF5;
	[smem:$0x3FBB] =	sst s0  }
0x18: {  	s0 =	sld [smem:$0x3F9E];
	_ =	swait.ge [sflag:s4], $0x0  }
0x19: {  	s7 =	sld [smem:$0x3F9F]  }
0x1a: {  	s8 =	sadd.s32 $0xFFFFE003, lr  }
0x1b: {  	s9 =	sadd.s32 $0xFFFFFEF7, lr;
	s5 =	simm.s32 $0xFFFFFFFF;
	p2 =	slt.u32 s8, $0xFFFFF086  }
0x1c: {  	p1 =	slt.u32 s9, $0xF7A;
	s5 =	simm.s32 @!p2 $0x0  }
0x1d: {  	s5 =	simm.s32 @p1 $0x1;
	p0 =	seq.s32 s7, s2  }
0x1e: {  	s7 =	smul.u32 @!p0 $0xF7A, s2;
	p2 =	seq.s32 @!p0 s5, $0x0  }
0x1f: {  	s9 =	smul.u32 $0xF7A, s1;
	s8 =	simm.s32 @!p0 $0x1BF5;
	p2 =	por !p2, p0  }
0x20: {  	[sflag:s8] =	ssyncset.s32 @!p0 $0xFFFFF086;
	s6 =	sadd.s32 @!p0 s3, s7;
	s7 =	simm.s32 @!p0 $0x108  }
0x21: {  	s3 =	sadd.s32 s3, s9;
	s6 =	sadd.s32 @!p0 $0x88, s6;
	s7 =	simm.s32 @p2 $0x1082  }
0x22: {  	[simem:s7], [sflag:s8] =	dma.local @!p0 [hbm:s6], $0xF7A  }
0x23: {  	s9 =	sor.u32 $0xD0000000, s2;
	s6 =	simm.s32 $0x108;
	_ =	swait.ge @!p0 [sflag:s8], $0x0  }
0x24: {  	s3 =	sadd.s32 $0x88, s3;
	s6 =	simm.s32 @!p1 $0x1082;
	[sflag:s4] =	ssyncset.s32 $0xFFFFF086  }
0x25: {  	[simem:s6], [sflag:s4] =	dma.local [hbm:s3], $0xF7A  }
0x26: {  	[smem:$0x3F9F] =	sst s1;
	(tag) =	ssettag s2;
	_ =	strace s9  }
0x27: {  	s1 =	sld [smem:$0x3FAF]  }
0x28: {  	s2 =	sld [smem:$0x3FB0]  }
0x29: {  	s4 =	sld [smem:$0x3FB2]  }
0x2a: {  	p0 =	seq.s32 s5, $0x0;
	s5 =	sld [smem:$0x3FB3]  }
0x2b: {  	s6 =	sld [smem:$0x3FB4]  }
0x2c: {  	s7 =	sld [smem:$0x3FB5]  }
0x2d: {  	s3 =	simm.s32 $0x108;
	s8 =	sld [smem:$0x3FB6]  }
0x2e: {  	s3 =	simm.s32 @!p0 $0x1082;
	s9 =	sld [smem:$0x3FB7]  }
0x2f: {  	lr =	sadd.s32 s0, s3;
	s0 =	sld [smem:$0x3FAE]  }
0x30: {  	s3 =	sld [smem:$0x3FB1]  }
0x31: {  	[smem:$0x3FBA] =	sst s10  }
0x32: {  	s10 =	sld [smem:$0x3FB8];
	_ =	sdelay $0x3  }
0x33: {  	p0 =	seq.s32 s10, $0x1;
	s10 =	sld [smem:$0x3FBA];
	_ =	sdelay $0x3  }
0x34: {  	[smem:$0x3FBA] =	sst s10  }
0x35: {  	s10 =	sld [smem:$0x3FB9];
	_ =	sdelay $0x3  }
0x36: {  	p1 =	seq.s32 s10, $0x1;
	s10 =	sld [smem:$0x3FBA];
	_ =	sdelay $0x3  }
0x37: {  	[smem:$0x3FBA] =	sst s10  }
0x38: {  	s10 =	sld [smem:$0x3FBB]  }
0x39: {  	_ = 	snop;
	(pc) =	sbr.ind lr, $3  }
0x3a: {  	_ = 	snop  }
0x3b: {  	_ = 	snop  }
0x3c: {  	p2 =	seq.s32 s10, $0x1;
	s10 =	sld [smem:$0x3FBA]  }
0x3d: {  	_ =	shalt  }
0x3e: {  	_ =	shalt  }
0x3f: {  	_ =	shalt  }
0x40: {  	_ =	shalt  }
0x41: {  	_ =	shalt  }
0x42: {  	_ =	shalt  }
0x43: {  	_ =	shalt  }
0x44: {  	_ =	shalt  }
0x45: {  	_ =	shalt  }
0x46: {  	_ =	shalt  }
0x47: {  	_ =	shalt  }
0x48: {  	_ =	shalt  }
0x49: {  	_ =	shalt  }
0x4a: {  	_ =	shalt  }
0x4b: {  	_ =	shalt  }
0x4c: {  	_ =	shalt  }
0x4d: {  	_ =	shalt  }
0x4e: {  	_ =	shalt  }
0x4f: {  	_ =	shalt  }
0x50: {  	_ =	shalt  }
0x51: {  	_ =	shalt  }
0x52: {  	_ =	shalt  }
0x53: {  	_ =	shalt  }
0x54: {  	_ =	shalt  }
0x55: {  	_ =	shalt  }
0x56: {  	_ =	shalt  }
0x57: {  	_ =	shalt  }
0x58: {  	_ =	shalt  }
0x59: {  	_ =	shalt  }
0x5a: {  	_ =	shalt  }
0x5b: {  	_ =	shalt  }
0x5c: {  	_ =	shalt  }
0x5d: {  	_ =	shalt  }
0x5e: {  	_ =	shalt  }
0x5f: {  	_ =	shalt  }
0x60: {  	_ =	shalt  }
0x61: {  	_ =	shalt  }
0x62: {  	_ =	shalt  }
0x63: {  	_ =	shalt  }
0x64: {  	_ =	shalt  }
0x65: {  	_ =	shalt  }
0x66: {  	_ =	shalt  }
0x67: {  	_ =	shalt  }
0x68: {  	_ =	shalt  }
0x69: {  	_ =	shalt  }
0x6a: {  	_ =	shalt  }
0x6b: {  	_ =	shalt  }
0x6c: {  	_ =	shalt  }
0x6d: {  	_ =	shalt  }
0x6e: {  	_ =	shalt  }
0x6f: {  	_ =	shalt  }
0x70: {  	_ =	shalt  }
0x71: {  	_ =	shalt  }
0x72: {  	_ =	shalt  }
0x73: {  	_ =	shalt  }
0x74: {  	_ =	shalt  }
0x75: {  	_ =	shalt  }
0x76: {  	_ =	shalt  }
0x77: {  	_ =	shalt  }
0x78: {  	_ =	shalt  }
0x79: {  	_ =	shalt  }
0x7a: {  	_ =	shalt  }
0x7b: {  	_ =	shalt  }
0x7c: {  	_ =	shalt  }
0x7d: {  	_ =	shalt  }
0x7e: {  	_ =	shalt  }
0x7f: {  	_ =	shalt  }
0x80: {  	_ =	shalt  }
0x81: {  	_ =	shalt  }
0x82: {  	_ =	shalt  }
0x83: {  	_ =	shalt  }
0x84: {  	_ =	shalt  }
0x85: {  	_ =	shalt  }
0x86: {  	_ =	shalt  }
0x87: {  	_ =	shalt  }
.Lfunc_end0:
.L_simem_size_0:
called_computation_lowered:
.L_overlay_start_0:
0x88: {  	s2 =	sld [smem:$0x3FD9]  }
0x89: {  	s3 =	sld [smem:$0x3FFE];
	_ =	sdelay $0x1  }
0x8a: {  	s1 =	srdreg.scid  }
0x8b: {  	s0 =	sand.u32 $0x1, s1  }
0x8c: {  	s17 =	sshll.u32 s0, $0xA;
	s2 =	sadd.s32 s3, s2  }
0x8d: {  	s2 =	sadd.s32 s2, s17  }
0x8e: {  	[smem:$0x3FC6] =	sst s2  }
0x8f: {  	_ = 	snop  }
0x90: {  	(tm) =	ssettm $0x1  }
0x91: {  	s18 =	sld [smem:$0x3FFB];
	_ =	sdelay $0x3  }
0x92: {  	_ =	strace s18  }
0x93: {  	s2 =	sld [smem:$0x3FFC];
	_ =	sdelay $0x3  }
0x94: {  	_ =	strace s2  }
0x95: {  	s2 =	sld [smem:$0x3FFD];
	_ =	sdelay $0x3  }
0x96: {  	_ =	strace s2  }
0x97: {  	_ =	strace $0x8FFFFFFF  }
0x98: {  	s19 =	sld [smem:$0x3FDB];
	_ =	sdelay $0x1  }
0x99: {  	s20 =	simm.s32 $_scs_section_size  }
0x9a: {  	s4 =	simm.s32 $_size__tile_overlayer_lowered;
	s5 =	simm.s32 $_tile_overlayer_lowered  }
0x9b: {  	s6 =	simm.s32 $0x1BFF;
	s21 =	sshll.u32 s5, $0x1;
	s3 =	sadd.s32 s20, s19  }
0x9c: {  	s22 =	simm.s32 $0x0;
	s4 =	sshll.u32 s4, $0x1;
	s5 =	sadd.s32 s21, s3  }
0x9d: {  	[timem:s22], [sflag:s6] =	dma.local [hbm:s5], s4  }
0x9e: {  	_ =	swait.ge [sflag:s6], s4  }
0x9f: {  	s4 =	ssub.s32 $0x0, s4;
	[sflag:s6] =	ssyncset.done $0x0  }
0xa0: {  	[sflag:s6] =	ssyncadd.s32 s4;
	_ =	sdelay $0x1  }
0xa1: {  	s23 =	simm.s32 $0x1B8B  }
0xa2: {  	_ =	swait.ge [sflag:s23], $0x1  }
0xa3: {  	[sflag:s23] =	ssyncset.done $0x0  }
0xa4: {  	[sflag:s23] =	ssyncadd.s32 $0xFFFFFFFF  }
0xa5: {  	s4 =	sld [smem:$0x0]  }
0xa6: {  	s5 =	sand.u32 $0xFFFFFFFE, s1  }
0xa7: {  	p0 =	sne.s32 s1, s5  }
0xa8: {  	s5 =	sshll.u32 @p0 s5, $0xE  }
0xa9: {  	s5 =	sadd.s32 @p0 $0x11B8D, s5;
	s6 =	sshll.u32 @p0 s4, $0x11  }
0xaa: {  	s5 =	sor.u32 @p0 s6, s5  }
0xab: {  	[sflag:s5] =	ssyncadd.remote.s32 @p0 $0x1;
	_ =	sdelay $0x1  }
0xac: {  	s5 =	simm.s32 @p0 $0x1B8D  }
0xad: {  	_ =	swait.eq @p0 [sflag:s5], $0x1  }
0xae: {  	[sflag:s5] =	ssyncadd.s32 @p0 $0xFFFFFFFF  }
0xaf: {  	s6 =	sshll.u32 @!p0 s1, $0xE  }
0xb0: {  	s6 =	sor.u32 @!p0 $0x4000, s6;
	s5 =	simm.s32 @!p0 $0x1B8D  }
0xb1: {  	s4 =	sshll.u32 @!p0 s4, $0x11;
	s6 =	sadd.s32 @!p0 $0x11B8D, s6;
	_ =	swait.eq @!p0 [sflag:s5], $0x1  }
0xb2: {  	s4 =	sor.u32 @!p0 s4, s6;
	[sflag:s5] =	ssyncadd.s32 @!p0 $0xFFFFFFFF  }
0xb3: {  	s25 =	simm.s32 $0x1B8E;
	s24 =	sld [smem:$0x3FFE];
	[sflag:s4] =	ssyncadd.remote.s32 @!p0 $0x1  }
0xb4: {  	s26 =	simm.s32 $execute0_lowered;
	[smem:$0x3FD2] =	sst s25  }
0xb5: {  	s5 =	sshll.u32 s26, $0x1;
	_ =	strace $0x80000049;
	[dreg:$0x1] =	wrdreg $0xFFFFFFFF  }
0xb6: {  	s28 =	simm.s32 $_size_execute0_lowered;
	s3 =	sadd.s32 s3, s5;
	[dreg:$0x0] =	wrdreg $0x0  }
0xb7: {  	s5 =	sshll.u32 s28, $0x1;
	[dreg:$0x2] =	wrdreg s3  }
0xb8: {  	[dreg:$0x3] =	wrdreg s5  }
0xb9: {  	[dreg:$0x4] =	wrdreg $0xC0  }
0xba: {  	_ =	task [dreg:s22], $0x5FFFF  }
0xbb: {  	[dreg:$0x1] =	wrdreg $0xFFFFFFFF  }
0xbc: {  	[dreg:$0x0] =	wrdreg $0x60  }
0xbd: {  	[dreg:$0x2] =	wrdreg s24  }
0xbe: {  	[dreg:$0x3] =	wrdreg $0x9  }
0xbf: {  	_ =	task.clear_ibuf [dreg:s22], $0x4FFFF;
	_ =	strace $0x90000049  }
0xc0: {  	s29 =	simm.s32 $0x9;
	_ =	strace $0x8000004B  }
0xc1: {  	_ =	swait.ge [sflag:s29], $0x1  }
0xc2: {  	[sflag:s29] =	ssyncadd.s32 $0xFFFFFFFF  }
0xc3: {  	_ =	strace $0x9000004B  }
0xc4: {  	_ =	sfence  }
0xc5: {  	s30 =	sld [smem:$0x0];
	_ =	sdelay $0x2  }
0xc6: {  	s31 =	sshll.u32 s1, $0xD;
	s1 =	sshrl.u32 s1, $0x2  }
0xc7: {  	s4 =	sand.u32 $0x4000, s31;
	s1 =	sadd.s32 s1, s30  }
0xc8: {  	s0 =	sor.u32 s4, s0;
	s1 =	sshll.u32 s1, $0x11  }
0xc9: {  	s0 =	sor.u32 s1, s0  }
0xca: {  	s0 =	sadd.s32 $0x8F2B, s0  }
0xcb: {  	[sflag:s0] =	ssyncadd.remote.s32 $0x1  }
0xcc: {  	_ =	sfence.sel $0xFFFF  }
0xcd: {  	[dreg:$0x0] =	wrdreg $0xFFFFFFFF;
	(pc) =	sbr.abs _section_cstart, $3  }
0xce: {  	[dreg:$0x1] =	wrdreg $0xFFFFFFFF  }
0xcf: {  	_ =	task.clear_ibuf [dreg:s22], $0x2FFFF;
	_ =	strace $0x9FFFFFFF  }
0xd0: {  	(tm) =	ssettm $0x7FFFFFFF  }
0xd1: {  	_ =	shalt  }
tec
execute0_lowered:
.L_overlay_start_1:
0x0: {  	(tag) =	ssettag $0x1  }
0x1: {  	s0 =	rddreg [dreg:$0x0];
	s2 =	simm.s32 $0x0  }
0x2: {  	s4 =	stileid.u32;
	s1 =	srdreg.scid;
	s16 =	simm.s32 $0x6000  }
0x3: {  	s17 =	simm.s32 $0x1;
	s18 =	simm.s32 $0x8000;
	s19 =	simm.s32 $0x2  }
0x4: {  	s20 =	simm.s32 $0x3;
	s21 =	simm.s32 $0x4;
	s22 =	simm.s32 $0x18000  }
0x5: {  	s25 =	simm.s32 $0x1C000;
	s26 =	simm.s32 $0x5;
	s28 =	simm.s32 $0x0  }
0x6: {  	[smem:$0x7FF] =	sst s2;
	s1 =	sand.u32 $0x1, s1;
	s3 =	sshll.u32 s4, $0x1  }
0x7: {  	s4 =	sshll.u32 s4, $0xA;
	_ =	strace $0x8000004A;
	s6 =	sor.u32 s1, s3  }
0x8: {  	s1 =	ssub.s32 $0x2, s1;
	s3 =	sadd.s32 $0xA4E00, s0;
	s5 =	smul.u32 $0x5000, s6  }
0x9: {  	s4 =	sand.u32 $0x3000, s4;
	s7 =	sshrl.u32 s1, $0x1;
	s11 =	smul.u32 $0x14, s6  }
0xa: {  	s0 =	sadd.s32 s4, s0;
	s8 =	sshll.u32 s6, $0x4;
	s1 =	ssub.s32 s1, s7  }
0xb: {  	s10 =	sand.u32 $0x70, s8;
	s4 =	sadd.s32 s3, s5;
	s8 =	sadd.s32 $0x4, s11  }
0xc: {  	v2 =	vlaneseq.u32;
	s9 =	sadd.s32 $0x5, s11;
	s0 =	sadd.s32 s10, s0;
	s10 =	sadd.s32 $0x6, s11  }
0xd: {  	v2 =	vmul.u32 $0x4, v2;
	s11 =	sadd.s32 $0x7, s11;
	s13 =	smax.u32 s1, $0x1;
	s5 =	sadd.s32 $0x400, s4  }
0xe: {  	v0 =	vimm.f32 $0.0e+00;
	v1 =	vimm.f32 $1.000000000e+00;
	s6 =	sadd.s32 $0x800, s4;
	s7 =	sadd.s32 $0xC00, s4;
	s12 =	sadd.s32 $0x144E00, s0  }
.LBB2_1:
0xf: {  	[tilespmem:s2], [sflag:$0x1] =	stream.linear.gather [hbm4b:s4+s2], $0x2000, $0x38;
	[tilespmem:$0x1D000] =	vst v63  }
0x10: {  	s0 =	simm.s32 $0x2000  }
0x11: {  	[tilespmem:s0], [sflag:$0x2] =	stream.linear.gather [hbm4b:s5+s2], $0x2000, $0x38;
	[tilespmem:$0x1D000] =	vst v63  }
0x12: {  	s31 =	simm.s32 $0x4000  }
0x13: {  	[tilespmem:s31], [sflag:$0x3] =	stream.linear.gather [hbm4b:s6+s2], $0x2000, $0x38;
	[tilespmem:$0x1D000] =	vst v63  }
0x14: {  	s1 =	simm.s32 $0x0;
	s0 =	simm.s32 $0x40  }
0x15: {  	[tilespmem:s16], [sflag:$0x4] =	stream.linear.gather [hbm4b:s7+s2], $0x2000, $0x38;
	[tilespmem:$0x1D000] =	vst v63  }
.LBB2_2:
0x16: {  	p0 =	sne.s32 s0, $0x3FFC0;
	[tilespmem:s1+$0x8000] =	vst v0;
	s1 =	smov.u32 s0;
	s0 =	sadd.s32 $0x40, s0  }
.Ltmp0:
0x17: {  	(pc) =	sbr.rel @p0 .LBB2_2-.Ltmp0, $2  }
0x18: {  	_ =	sdelay $0x2  }
0x19: {  	s1 =	sshra.s32 s1, $0x2  }
0x1a: {  	[tilespmem:s1+$0x8000] =	vst v0;
	s29 =	simm.s32 $0x0  }
.LBB2_4:
0x1b: {  	_ =	swait.ge [sflag:s17], $0x2000  }
0x1c: {  	[sflag:s17] =	ssyncset.done $0x0  }
0x1d: {  	s30 =	simm.s32 $0x0;
	[sflag:s17] =	ssyncadd.s32 $0xFFFFE000  }
.LBB2_5:
0x1e: {  	s0 =	sshll.u32 s30, $0x7  }
0x1f: {  	s14 =	sand.u32 $0x380, s0  }
0x20: {  	v3 =	vmov s14  }
0x21: {  	s1 =	sshll.u32 s30, $0x9  }
0x22: {  	p0 =	por $0x1, $0x1;
	s0 =	sand.u32 $0x1000, s1;
	s1 =	simm.s32 $0x0  }
.LBB2_6:
0x23: {  	s1 =	sshra.s32 s1, $0x2  }
0x24: {  	s1 =	sadd.s32 s1, s0  }
0x25: {  	v4 =	vld.idx.msk [tilespmem:v3+s1+$0x0 ss:$0x1], $0xffff;
	_ =	sdelay $0x2  }
0x26: {  	v5 =	vld.idx.msk [tilespmem:v3+s1+$0x10 ss:$0x1], $0xffff;
	_ =	sdelay $0x1  }
0x27: {  	v7 =	vld.idx.msk [tilespmem:v3+s1+$0x20 ss:$0x1], $0xffff;
	v6 =	vand.u32 $0xFFFF, v4  }
0x28: {  	v9 =	vld.idx.msk [tilespmem:v3+s1+$0x30 ss:$0x1], $0xffff;
	v4 =	vshrl.u32 v4, $0x10  }
0x29: {  	v44 =	vld.idx.msk [tilespmem:v3+s1+$0x40 ss:$0x1], $0xffff  }
0x2a: {  	v45 =	vld.idx.msk [tilespmem:v3+s1+$0x50 ss:$0x1], $0xffff;
	v8 =	vand.u32 $0xFFFF, v5  }
0x2b: {  	v47 =	vld.idx.msk [tilespmem:v3+s1+$0x60 ss:$0x1], $0xffff;
	v5 =	vshrl.u32 v5, $0x10  }
0x2c: {  	[tilespmem:v6+s18+$0x0] =	vst.idx.add.f32.msk $0xffff, v1  }
0x2d: {  	[tilespmem:v4+s18+$0x0] =	vst.idx.add.f32.msk $0xffff, v1;
	v4 =	vand.u32 $0xFFFF, v7  }
0x2e: {  	v10 =	vld.idx.msk [tilespmem:v3+s1+$0x70 ss:$0x1], $0xffff  }
0x2f: {  	[tilespmem:v8+s18+$0x0] =	vst.idx.add.f32.msk $0xffff, v1  }
0x30: {  	[tilespmem:v5+s18+$0x0] =	vst.idx.add.f32.msk $0xffff, v1;
	v5 =	vand.u32 $0xFFFF, v9  }
0x31: {  	v50 =	vld.idx.msk [tilespmem:v3+s1+$0x400 ss:$0x1], $0xffff  }
0x32: {  	[tilespmem:v4+s18+$0x0] =	vst.idx.add.f32.msk $0xffff, v1;
	v4 =	vshrl.u32 v9, $0x10  }
0x33: {  	v52 =	vld.idx.msk [tilespmem:v3+s1+$0x410 ss:$0x1], $0xffff  }
0x34: {  	v54 =	vld.idx.msk [tilespmem:v3+s1+$0x420 ss:$0x1], $0xffff;
	v46 =	vand.u32 $0xFFFF, v44  }
0x35: {  	[tilespmem:v5+s18+$0x0] =	vst.idx.add.f32.msk $0xffff, v1;
	v5 =	vshrl.u32 v44, $0x10  }
0x36: {  	v56 =	vld.idx.msk [tilespmem:v3+s1+$0x430 ss:$0x1], $0xffff;
	v48 =	vand.u32 $0xFFFF, v45  }
0x37: {  	[tilespmem:v4+s18+$0x0] =	vst.idx.add.f32.msk $0xffff, v1;
	v4 =	vshrl.u32 v45, $0x10  }
0x38: {  	v57 =	vld.idx.msk [tilespmem:v3+s1+$0x440 ss:$0x1], $0xffff  }
0x39: {  	v49 =	vand.u32 $0xFFFF, v47;
	[tilespmem:v46+s18+$0x0] =	vst.idx.add.f32.msk $0xffff, v1  }
0x3a: {  	[tilespmem:v5+s18+$0x0] =	vst.idx.add.f32.msk $0xffff, v1;
	v5 =	vshrl.u32 v47, $0x10  }
0x3b: {  	v51 =	vand.u32 $0xFFFF, v10;
	[tilespmem:v48+s18+$0x0] =	vst.idx.add.f32.msk $0xffff, v1  }
0x3c: {  	[tilespmem:v4+s18+$0x0] =	vst.idx.add.f32.msk $0xffff, v1;
	v4 =	vshrl.u32 v10, $0x10  }
0x3d: {  	v60 =	vld.idx.msk [tilespmem:v3+s1+$0x460 ss:$0x1], $0xffff  }
0x3e: {  	v53 =	vand.u32 $0xFFFF, v50;
	[tilespmem:v49+s18+$0x0] =	vst.idx.add.f32.msk $0xffff, v1  }
0x3f: {  	[tilespmem:v5+s18+$0x0] =	vst.idx.add.f32.msk $0xffff, v1;
	v5 =	vshrl.u32 v50, $0x10  }
0x40: {  	[tilespmem:v51+s18+$0x0] =	vst.idx.add.f32.msk $0xffff, v1  }
0x41: {  	[tilespmem:v4+s18+$0x0] =	vst.idx.add.f32.msk $0xffff, v1;
	v4 =	vand.u32 $0xFFFF, v52  }
0x42: {  	v11 =	vld.idx.msk [tilespmem:v3+s1+$0x470 ss:$0x1], $0xffff  }
0x43: {  	v59 =	vand.u32 $0xFFFF, v56;
	[tilespmem:v53+s18+$0x0] =	vst.idx.add.f32.msk $0xffff, v1  }
0x44: {  	[tilespmem:v5+s18+$0x0] =	vst.idx.add.f32.msk $0xffff, v1;
	v5 =	vand.u32 $0xFFFF, v54  }
0x45: {  	v58 =	vld.idx.msk [tilespmem:v3+s1+$0x450 ss:$0x1], $0xffff;
	v62 =	vand.u32 $0xFFFF, v60  }
0x46: {  	[tilespmem:v4+s18+$0x0] =	vst.idx.add.f32.msk $0xffff, v1;
	v4 =	vshrl.u32 v54, $0x10  }
0x47: {  	v63 =	vand.u32 $0xFFFF, v11  }
0x48: {  	v8 =	vshrl.u32 v56, $0x10;
	[tilespmem:v59+s18+$0x0] =	vst.idx.add.f32.msk $0xffff, v1  }
0x49: {  	[tilespmem:v5+s18+$0x0] =	vst.idx.add.f32.msk $0xffff, v1;
	v5 =	vand.u32 $0xFFFF, v57  }
0x4a: {  	v43 =	vshrl.u32 v7, $0x10;
	[tilespmem:v62+s18+$0x0] =	vst.idx.add.f32.msk $0xffff, v1  }
0x4b: {  	[tilespmem:v4+s18+$0x0] =	vst.idx.add.f32.msk $0xffff, v1;
	v4 =	vand.u32 $0xFFFF, v58  }
0x4c: {  	v55 =	vshrl.u32 v52, $0x10;
	[tilespmem:v63+s18+$0x0] =	vst.idx.add.f32.msk $0xffff, v1  }
0x4d: {  	[tilespmem:v8+s18+$0x0] =	vst.idx.add.f32.msk $0xffff, v1;
	v9 =	vshrl.u32 v57, $0x10  }
0x4e: {  	[tilespmem:v5+s18+$0x0] =	vst.idx.add.f32.msk $0xffff, v1;
	v5 =	vshrl.u32 v60, $0x10  }
0x4f: {  	v61 =	vshrl.u32 v58, $0x10;
	[tilespmem:v43+s18+$0x0] =	vst.idx.add.f32.msk $0xffff, v1  }
0x50: {  	p1 =	por p0, p0;
	[tilespmem:v4+s18+$0x0] =	vst.idx.add.f32.msk $0xffff, v1;
	v4 =	vshrl.u32 v11, $0x10  }
.Ltmp1:
0x51: {  	[tilespmem:v55+s18+$0x0] =	vst.idx.add.f32.msk $0xffff, v1;
	(pc) =	sbr.rel @p1 .LBB2_6-.Ltmp1, $4  }
0x52: {  	[tilespmem:v9+s18+$0x0] =	vst.idx.add.f32.msk $0xffff, v1  }
0x53: {  	[tilespmem:v5+s18+$0x0] =	vst.idx.add.f32.msk $0xffff, v1  }
0x54: {  	[tilespmem:v61+s18+$0x0] =	vst.idx.add.f32.msk $0xffff, v1  }
0x55: {  	p0 =	por $0x0, $0x0;
	s1 =	simm.s32 $0x2000;
	[tilespmem:v4+s18+$0x0] =	vst.idx.add.f32.msk $0xffff, v1  }
0x56: {  	s30 =	sadd.s32 $0x1, s30  }
0x57: {  	p0 =	sne.s32 s30, $0x10  }
.Ltmp2:
0x58: {  	_ = 	snop;
	(pc) =	sbr.rel @p0 .LBB2_5-.Ltmp2, $1  }
0x59: {  	_ =	sdelay $0x3  }
0x5a: {  	s30 =	sshll.u32 s29, $0x2;
	p0 =	seq.s32 s29, $0x4  }
0x5b: {  	s0 =	sadd.s32 @!p0 s30, s8  }
0x5c: {  	s0 =	sshll.u32 @!p0 s0, $0xA  }
0x5d: {  	s0 =	sand.u32 @!p0 $0xFFFF000, s0  }
0x5e: {  	s1 =	simm.s32 @!p0 $0x0;
	s0 =	sadd.s32 @!p0 s3, s0  }
0x5f: {  	[tilespmem:s1], [sflag:$0x1] =	stream.linear.gather @!p0 [hbm4b:s0+s1], $0x2000, $0x38;
	[tilespmem:$0x1D000] =	vst v63  }
0x60: {  	_ =	swait.ge [sflag:s19], $0x2000  }
0x61: {  	[sflag:s19] =	ssyncset.done $0x0  }
0x62: {  	s31 =	simm.s32 $0x0;
	[sflag:s19] =	ssyncadd.s32 $0xFFFFE000  }
.LBB2_9:
0x63: {  	s1 =	sshll.u32 s31, $0x7  }
0x64: {  	s1 =	sand.u32 $0x380, s1  }
0x65: {  	s0 =	sshll.u32 s31, $0x9;
	v3 =	vmov s1  }
0x66: {  	s0 =	sand.u32 $0x1000, s0  }
0x67: {  	p1 =	por $0x1, $0x1;
	s0 =	sor.u32 $0x2000, s0;
	s1 =	simm.s32 $0x0  }
.LBB2_10:
0x68: {  	s1 =	sshra.s32 s1, $0x2  }
0x69: {  	s1 =	sadd.s32 s1, s0  }
0x6a: {  	v4 =	vld.idx.msk [tilespmem:v3+s1+$0x0 ss:$0x1], $0xffff;
	_ =	sdelay $0x2  }
0x6b: {  	v5 =	vld.idx.msk [tilespmem:v3+s1+$0x10 ss:$0x1], $0xffff;
	_ =	sdelay $0x1  }
0x6c: {  	v7 =	vld.idx.msk [tilespmem:v3+s1+$0x20 ss:$0x1], $0xffff;
	v6 =	vand.u32 $0xFFFF, v4  }
0x6d: {  	v9 =	vld.idx.msk [tilespmem:v3+s1+$0x30 ss:$0x1], $0xffff;
	v4 =	vshrl.u32 v4, $0x10  }
0x6e: {  	v44 =	vld.idx.msk [tilespmem:v3+s1+$0x40 ss:$0x1], $0xffff  }
0x6f: {  	v45 =	vld.idx.msk [tilespmem:v3+s1+$0x50 ss:$0x1], $0xffff;
	v8 =	vand.u32 $0xFFFF, v5  }
0x70: {  	v47 =	vld.idx.msk [tilespmem:v3+s1+$0x60 ss:$0x1], $0xffff;
	v5 =	vshrl.u32 v5, $0x10  }
0x71: {  	[tilespmem:v6+s18+$0x0] =	vst.idx.add.f32.msk $0xffff, v1  }
0x72: {  	[tilespmem:v4+s18+$0x0] =	vst.idx.add.f32.msk $0xffff, v1;
	v4 =	vand.u32 $0xFFFF, v7  }
0x73: {  	v10 =	vld.idx.msk [tilespmem:v3+s1+$0x70 ss:$0x1], $0xffff  }
0x74: {  	[tilespmem:v8+s18+$0x0] =	vst.idx.add.f32.msk $0xffff, v1  }
0x75: {  	[tilespmem:v5+s18+$0x0] =	vst.idx.add.f32.msk $0xffff, v1;
	v5 =	vand.u32 $0xFFFF, v9  }
0x76: {  	v50 =	vld.idx.msk [tilespmem:v3+s1+$0x400 ss:$0x1], $0xffff  }
0x77: {  	[tilespmem:v4+s18+$0x0] =	vst.idx.add.f32.msk $0xffff, v1;
	v4 =	vshrl.u32 v9, $0x10  }
0x78: {  	v52 =	vld.idx.msk [tilespmem:v3+s1+$0x410 ss:$0x1], $0xffff  }
0x79: {  	v54 =	vld.idx.msk [tilespmem:v3+s1+$0x420 ss:$0x1], $0xffff;
	v46 =	vand.u32 $0xFFFF, v44  }
0x7a: {  	[tilespmem:v5+s18+$0x0] =	vst.idx.add.f32.msk $0xffff, v1;
	v5 =	vshrl.u32 v44, $0x10  }
0x7b: {  	v56 =	vld.idx.msk [tilespmem:v3+s1+$0x430 ss:$0x1], $0xffff;
	v48 =	vand.u32 $0xFFFF, v45  }
0x7c: {  	[tilespmem:v4+s18+$0x0] =	vst.idx.add.f32.msk $0xffff, v1;
	v4 =	vshrl.u32 v45, $0x10  }
0x7d: {  	v57 =	vld.idx.msk [tilespmem:v3+s1+$0x440 ss:$0x1], $0xffff  }
0x7e: {  	v49 =	vand.u32 $0xFFFF, v47;
	[tilespmem:v46+s18+$0x0] =	vst.idx.add.f32.msk $0xffff, v1  }
0x7f: {  	[tilespmem:v5+s18+$0x0] =	vst.idx.add.f32.msk $0xffff, v1;
	v5 =	vshrl.u32 v47, $0x10  }
0x80: {  	v51 =	vand.u32 $0xFFFF, v10;
	[tilespmem:v48+s18+$0x0] =	vst.idx.add.f32.msk $0xffff, v1  }
0x81: {  	[tilespmem:v4+s18+$0x0] =	vst.idx.add.f32.msk $0xffff, v1;
	v4 =	vshrl.u32 v10, $0x10  }
0x82: {  	v60 =	vld.idx.msk [tilespmem:v3+s1+$0x460 ss:$0x1], $0xffff  }
0x83: {  	v53 =	vand.u32 $0xFFFF, v50;
	[tilespmem:v49+s18+$0x0] =	vst.idx.add.f32.msk $0xffff, v1  }
0x84: {  	[tilespmem:v5+s18+$0x0] =	vst.idx.add.f32.msk $0xffff, v1;
	v5 =	vshrl.u32 v50, $0x10  }
0x85: {  	[tilespmem:v51+s18+$0x0] =	vst.idx.add.f32.msk $0xffff, v1  }
0x86: {  	[tilespmem:v4+s18+$0x0] =	vst.idx.add.f32.msk $0xffff, v1;
	v4 =	vand.u32 $0xFFFF, v52  }
0x87: {  	v11 =	vld.idx.msk [tilespmem:v3+s1+$0x470 ss:$0x1], $0xffff  }
0x88: {  	v59 =	vand.u32 $0xFFFF, v56;
	[tilespmem:v53+s18+$0x0] =	vst.idx.add.f32.msk $0xffff, v1  }
0x89: {  	[tilespmem:v5+s18+$0x0] =	vst.idx.add.f32.msk $0xffff, v1;
	v5 =	vand.u32 $0xFFFF, v54  }
0x8a: {  	v58 =	vld.idx.msk [tilespmem:v3+s1+$0x450 ss:$0x1], $0xffff;
	v62 =	vand.u32 $0xFFFF, v60  }
0x8b: {  	[tilespmem:v4+s18+$0x0] =	vst.idx.add.f32.msk $0xffff, v1;
	v4 =	vshrl.u32 v54, $0x10  }
0x8c: {  	v63 =	vand.u32 $0xFFFF, v11  }
0x8d: {  	v8 =	vshrl.u32 v56, $0x10;
	[tilespmem:v59+s18+$0x0] =	vst.idx.add.f32.msk $0xffff, v1  }
0x8e: {  	[tilespmem:v5+s18+$0x0] =	vst.idx.add.f32.msk $0xffff, v1;
	v5 =	vand.u32 $0xFFFF, v57  }
0x8f: {  	v43 =	vshrl.u32 v7, $0x10;
	[tilespmem:v62+s18+$0x0] =	vst.idx.add.f32.msk $0xffff, v1  }
0x90: {  	[tilespmem:v4+s18+$0x0] =	vst.idx.add.f32.msk $0xffff, v1;
	v4 =	vand.u32 $0xFFFF, v58  }
0x91: {  	v55 =	vshrl.u32 v52, $0x10;
	[tilespmem:v63+s18+$0x0] =	vst.idx.add.f32.msk $0xffff, v1  }
0x92: {  	[tilespmem:v8+s18+$0x0] =	vst.idx.add.f32.msk $0xffff, v1;
	v9 =	vshrl.u32 v57, $0x10  }
0x93: {  	[tilespmem:v5+s18+$0x0] =	vst.idx.add.f32.msk $0xffff, v1;
	v5 =	vshrl.u32 v60, $0x10  }
0x94: {  	v61 =	vshrl.u32 v58, $0x10;
	[tilespmem:v43+s18+$0x0] =	vst.idx.add.f32.msk $0xffff, v1  }
0x95: {  	p2 =	por p1, p1;
	[tilespmem:v4+s18+$0x0] =	vst.idx.add.f32.msk $0xffff, v1;
	v4 =	vshrl.u32 v11, $0x10  }
.Ltmp3:
0x96: {  	[tilespmem:v55+s18+$0x0] =	vst.idx.add.f32.msk $0xffff, v1;
	(pc) =	sbr.rel @p2 .LBB2_10-.Ltmp3, $4  }
0x97: {  	[tilespmem:v9+s18+$0x0] =	vst.idx.add.f32.msk $0xffff, v1  }
0x98: {  	[tilespmem:v5+s18+$0x0] =	vst.idx.add.f32.msk $0xffff, v1  }
0x99: {  	[tilespmem:v61+s18+$0x0] =	vst.idx.add.f32.msk $0xffff, v1  }
0x9a: {  	p1 =	por $0x0, $0x0;
	s1 =	simm.s32 $0x2000;
	[tilespmem:v4+s18+$0x0] =	vst.idx.add.f32.msk $0xffff, v1  }
0x9b: {  	s31 =	sadd.s32 $0x1, s31  }
0x9c: {  	p1 =	sne.s32 s31, $0x10  }
.Ltmp4:
0x9d: {  	_ = 	snop;
	(pc) =	sbr.rel @p1 .LBB2_9-.Ltmp4, $1  }
0x9e: {  	_ =	sdelay $0x3  }
0x9f: {  	s0 =	sadd.s32 @!p0 s30, s9  }
0xa0: {  	s0 =	sshll.u32 @!p0 s0, $0xA  }
0xa1: {  	s0 =	sand.u32 @!p0 $0xFFFF400, s0  }
0xa2: {  	s1 =	simm.s32 @!p0 $0x0;
	s14 =	simm.s32 @!p0 $0x2000;
	s0 =	sadd.s32 @!p0 s3, s0  }
0xa3: {  	[tilespmem:s14], [sflag:$0x2] =	stream.linear.gather @!p0 [hbm4b:s0+s1], $0x2000, $0x38;
	[tilespmem:$0x1D000] =	vst v63  }
0xa4: {  	_ =	swait.ge [sflag:s20], $0x2000  }
0xa5: {  	[sflag:s20] =	ssyncset.done $0x0  }
0xa6: {  	s31 =	simm.s32 $0x0;
	[sflag:s20] =	ssyncadd.s32 $0xFFFFE000  }
.LBB2_13:
0xa7: {  	s1 =	sshll.u32 s31, $0x7  }
0xa8: {  	s1 =	sand.u32 $0x380, s1  }
0xa9: {  	s0 =	sshll.u32 s31, $0x9;
	v3 =	vmov s1  }
0xaa: {  	s0 =	sand.u32 $0x1000, s0  }
0xab: {  	p1 =	por $0x1, $0x1;
	s0 =	sor.u32 $0x4000, s0;
	s1 =	simm.s32 $0x0  }
.LBB2_14:
0xac: {  	s1 =	sshra.s32 s1, $0x2  }
0xad: {  	s1 =	sadd.s32 s1, s0  }
0xae: {  	v4 =	vld.idx.msk [tilespmem:v3+s1+$0x0 ss:$0x1], $0xffff;
	_ =	sdelay $0x2  }
0xaf: {  	v5 =	vld.idx.msk [tilespmem:v3+s1+$0x10 ss:$0x1], $0xffff;
	_ =	sdelay $0x1  }
0xb0: {  	v7 =	vld.idx.msk [tilespmem:v3+s1+$0x20 ss:$0x1], $0xffff;
	v6 =	vand.u32 $0xFFFF, v4  }
0xb1: {  	v9 =	vld.idx.msk [tilespmem:v3+s1+$0x30 ss:$0x1], $0xffff;
	v4 =	vshrl.u32 v4, $0x10  }
0xb2: {  	v44 =	vld.idx.msk [tilespmem:v3+s1+$0x40 ss:$0x1], $0xffff  }
0xb3: {  	v45 =	vld.idx.msk [tilespmem:v3+s1+$0x50 ss:$0x1], $0xffff;
	v8 =	vand.u32 $0xFFFF, v5  }
0xb4: {  	v47 =	vld.idx.msk [tilespmem:v3+s1+$0x60 ss:$0x1], $0xffff;
	v5 =	vshrl.u32 v5, $0x10  }
0xb5: {  	[tilespmem:v6+s18+$0x0] =	vst.idx.add.f32.msk $0xffff, v1  }
0xb6: {  	[tilespmem:v4+s18+$0x0] =	vst.idx.add.f32.msk $0xffff, v1;
	v4 =	vand.u32 $0xFFFF, v7  }
0xb7: {  	v10 =	vld.idx.msk [tilespmem:v3+s1+$0x70 ss:$0x1], $0xffff  }
0xb8: {  	[tilespmem:v8+s18+$0x0] =	vst.idx.add.f32.msk $0xffff, v1  }
0xb9: {  	[tilespmem:v5+s18+$0x0] =	vst.idx.add.f32.msk $0xffff, v1;
	v5 =	vand.u32 $0xFFFF, v9  }
0xba: {  	v50 =	vld.idx.msk [tilespmem:v3+s1+$0x400 ss:$0x1], $0xffff  }
0xbb: {  	[tilespmem:v4+s18+$0x0] =	vst.idx.add.f32.msk $0xffff, v1;
	v4 =	vshrl.u32 v9, $0x10  }
0xbc: {  	v52 =	vld.idx.msk [tilespmem:v3+s1+$0x410 ss:$0x1], $0xffff  }
0xbd: {  	v54 =	vld.idx.msk [tilespmem:v3+s1+$0x420 ss:$0x1], $0xffff;
	v46 =	vand.u32 $0xFFFF, v44  }
0xbe: {  	[tilespmem:v5+s18+$0x0] =	vst.idx.add.f32.msk $0xffff, v1;
	v5 =	vshrl.u32 v44, $0x10  }
0xbf: {  	v56 =	vld.idx.msk [tilespmem:v3+s1+$0x430 ss:$0x1], $0xffff;
	v48 =	vand.u32 $0xFFFF, v45  }
0xc0: {  	[tilespmem:v4+s18+$0x0] =	vst.idx.add.f32.msk $0xffff, v1;
	v4 =	vshrl.u32 v45, $0x10  }
0xc1: {  	v57 =	vld.idx.msk [tilespmem:v3+s1+$0x440 ss:$0x1], $0xffff  }
0xc2: {  	v49 =	vand.u32 $0xFFFF, v47;
	[tilespmem:v46+s18+$0x0] =	vst.idx.add.f32.msk $0xffff, v1  }
0xc3: {  	[tilespmem:v5+s18+$0x0] =	vst.idx.add.f32.msk $0xffff, v1;
	v5 =	vshrl.u32 v47, $0x10  }
0xc4: {  	v51 =	vand.u32 $0xFFFF, v10;
	[tilespmem:v48+s18+$0x0] =	vst.idx.add.f32.msk $0xffff, v1  }
0xc5: {  	[tilespmem:v4+s18+$0x0] =	vst.idx.add.f32.msk $0xffff, v1;
	v4 =	vshrl.u32 v10, $0x10  }
0xc6: {  	v60 =	vld.idx.msk [tilespmem:v3+s1+$0x460 ss:$0x1], $0xffff  }
0xc7: {  	v53 =	vand.u32 $0xFFFF, v50;
	[tilespmem:v49+s18+$0x0] =	vst.idx.add.f32.msk $0xffff, v1  }
0xc8: {  	[tilespmem:v5+s18+$0x0] =	vst.idx.add.f32.msk $0xffff, v1;
	v5 =	vshrl.u32 v50, $0x10  }
0xc9: {  	[tilespmem:v51+s18+$0x0] =	vst.idx.add.f32.msk $0xffff, v1  }
0xca: {  	[tilespmem:v4+s18+$0x0] =	vst.idx.add.f32.msk $0xffff, v1;
	v4 =	vand.u32 $0xFFFF, v52  }
0xcb: {  	v11 =	vld.idx.msk [tilespmem:v3+s1+$0x470 ss:$0x1], $0xffff  }
0xcc: {  	v59 =	vand.u32 $0xFFFF, v56;
	[tilespmem:v53+s18+$0x0] =	vst.idx.add.f32.msk $0xffff, v1  }
0xcd: {  	[tilespmem:v5+s18+$0x0] =	vst.idx.add.f32.msk $0xffff, v1;
	v5 =	vand.u32 $0xFFFF, v54  }
0xce: {  	v58 =	vld.idx.msk [tilespmem:v3+s1+$0x450 ss:$0x1], $0xffff;
	v62 =	vand.u32 $0xFFFF, v60  }
0xcf: {  	[tilespmem:v4+s18+$0x0] =	vst.idx.add.f32.msk $0xffff, v1;
	v4 =	vshrl.u32 v54, $0x10  }
0xd0: {  	v63 =	vand.u32 $0xFFFF, v11  }
0xd1: {  	v8 =	vshrl.u32 v56, $0x10;
	[tilespmem:v59+s18+$0x0] =	vst.idx.add.f32.msk $0xffff, v1  }
0xd2: {  	[tilespmem:v5+s18+$0x0] =	vst.idx.add.f32.msk $0xffff, v1;
	v5 =	vand.u32 $0xFFFF, v57  }
0xd3: {  	v43 =	vshrl.u32 v7, $0x10;
	[tilespmem:v62+s18+$0x0] =	vst.idx.add.f32.msk $0xffff, v1  }
0xd4: {  	[tilespmem:v4+s18+$0x0] =	vst.idx.add.f32.msk $0xffff, v1;
	v4 =	vand.u32 $0xFFFF, v58  }
0xd5: {  	v55 =	vshrl.u32 v52, $0x10;
	[tilespmem:v63+s18+$0x0] =	vst.idx.add.f32.msk $0xffff, v1  }
0xd6: {  	[tilespmem:v8+s18+$0x0] =	vst.idx.add.f32.msk $0xffff, v1;
	v9 =	vshrl.u32 v57, $0x10  }
0xd7: {  	[tilespmem:v5+s18+$0x0] =	vst.idx.add.f32.msk $0xffff, v1;
	v5 =	vshrl.u32 v60, $0x10  }
0xd8: {  	v61 =	vshrl.u32 v58, $0x10;
	[tilespmem:v43+s18+$0x0] =	vst.idx.add.f32.msk $0xffff, v1  }
0xd9: {  	p2 =	por p1, p1;
	[tilespmem:v4+s18+$0x0] =	vst.idx.add.f32.msk $0xffff, v1;
	v4 =	vshrl.u32 v11, $0x10  }
.Ltmp5:
0xda: {  	[tilespmem:v55+s18+$0x0] =	vst.idx.add.f32.msk $0xffff, v1;
	(pc) =	sbr.rel @p2 .LBB2_14-.Ltmp5, $4  }
0xdb: {  	[tilespmem:v9+s18+$0x0] =	vst.idx.add.f32.msk $0xffff, v1  }
0xdc: {  	[tilespmem:v5+s18+$0x0] =	vst.idx.add.f32.msk $0xffff, v1  }
0xdd: {  	[tilespmem:v61+s18+$0x0] =	vst.idx.add.f32.msk $0xffff, v1  }
0xde: {  	p1 =	por $0x0, $0x0;
	s1 =	simm.s32 $0x2000;
	[tilespmem:v4+s18+$0x0] =	vst.idx.add.f32.msk $0xffff, v1  }
0xdf: {  	s31 =	sadd.s32 $0x1, s31  }
0xe0: {  	p1 =	sne.s32 s31, $0x10  }
.Ltmp6:
0xe1: {  	_ = 	snop;
	(pc) =	sbr.rel @p1 .LBB2_13-.Ltmp6, $1  }
0xe2: {  	_ =	sdelay $0x3  }
0xe3: {  	s0 =	sadd.s32 @!p0 s30, s10  }
0xe4: {  	s0 =	sshll.u32 @!p0 s0, $0xA  }
0xe5: {  	s0 =	sand.u32 @!p0 $0xFFFF800, s0  }
0xe6: {  	s1 =	simm.s32 @!p0 $0x0;
	s14 =	simm.s32 @!p0 $0x4000;
	s0 =	sadd.s32 @!p0 s3, s0  }
0xe7: {  	[tilespmem:s14], [sflag:$0x3] =	stream.linear.gather @!p0 [hbm4b:s0+s1], $0x2000, $0x38;
	[tilespmem:$0x1D000] =	vst v63  }
0xe8: {  	_ =	swait.ge [sflag:s21], $0x2000  }
0xe9: {  	[sflag:s21] =	ssyncset.done $0x0  }
0xea: {  	s31 =	simm.s32 $0x0;
	[sflag:s21] =	ssyncadd.s32 $0xFFFFE000  }
.LBB2_17:
0xeb: {  	s1 =	sshll.u32 s31, $0x7  }
0xec: {  	s1 =	sand.u32 $0x380, s1  }
0xed: {  	s0 =	sshll.u32 s31, $0x9;
	v3 =	vmov s1  }
0xee: {  	s0 =	sand.u32 $0x1000, s0  }
0xef: {  	p1 =	por $0x1, $0x1;
	s0 =	sor.u32 $0x6000, s0;
	s1 =	simm.s32 $0x0  }
.LBB2_18:
0xf0: {  	s1 =	sshra.s32 s1, $0x2  }
0xf1: {  	s1 =	sadd.s32 s1, s0  }
0xf2: {  	v4 =	vld.idx.msk [tilespmem:v3+s1+$0x0 ss:$0x1], $0xffff;
	_ =	sdelay $0x2  }
0xf3: {  	v5 =	vld.idx.msk [tilespmem:v3+s1+$0x10 ss:$0x1], $0xffff;
	_ =	sdelay $0x1  }
0xf4: {  	v7 =	vld.idx.msk [tilespmem:v3+s1+$0x20 ss:$0x1], $0xffff;
	v6 =	vand.u32 $0xFFFF, v4  }
0xf5: {  	v9 =	vld.idx.msk [tilespmem:v3+s1+$0x30 ss:$0x1], $0xffff;
	v4 =	vshrl.u32 v4, $0x10  }
0xf6: {  	v44 =	vld.idx.msk [tilespmem:v3+s1+$0x40 ss:$0x1], $0xffff  }
0xf7: {  	v45 =	vld.idx.msk [tilespmem:v3+s1+$0x50 ss:$0x1], $0xffff;
	v8 =	vand.u32 $0xFFFF, v5  }
0xf8: {  	v47 =	vld.idx.msk [tilespmem:v3+s1+$0x60 ss:$0x1], $0xffff;
	v5 =	vshrl.u32 v5, $0x10  }
0xf9: {  	[tilespmem:v6+s18+$0x0] =	vst.idx.add.f32.msk $0xffff, v1  }
0xfa: {  	[tilespmem:v4+s18+$0x0] =	vst.idx.add.f32.msk $0xffff, v1;
	v4 =	vand.u32 $0xFFFF, v7  }
0xfb: {  	v10 =	vld.idx.msk [tilespmem:v3+s1+$0x70 ss:$0x1], $0xffff  }
0xfc: {  	[tilespmem:v8+s18+$0x0] =	vst.idx.add.f32.msk $0xffff, v1  }
0xfd: {  	[tilespmem:v5+s18+$0x0] =	vst.idx.add.f32.msk $0xffff, v1;
	v5 =	vand.u32 $0xFFFF, v9  }
0xfe: {  	v50 =	vld.idx.msk [tilespmem:v3+s1+$0x400 ss:$0x1], $0xffff  }
0xff: {  	[tilespmem:v4+s18+$0x0] =	vst.idx.add.f32.msk $0xffff, v1;
	v4 =	vshrl.u32 v9, $0x10  }
0x100: {  	v52 =	vld.idx.msk [tilespmem:v3+s1+$0x410 ss:$0x1], $0xffff  }
0x101: {  	v54 =	vld.idx.msk [tilespmem:v3+s1+$0x420 ss:$0x1], $0xffff;
	v46 =	vand.u32 $0xFFFF, v44  }
0x102: {  	[tilespmem:v5+s18+$0x0] =	vst.idx.add.f32.msk $0xffff, v1;
	v5 =	vshrl.u32 v44, $0x10  }
0x103: {  	v56 =	vld.idx.msk [tilespmem:v3+s1+$0x430 ss:$0x1], $0xffff;
	v48 =	vand.u32 $0xFFFF, v45  }
0x104: {  	[tilespmem:v4+s18+$0x0] =	vst.idx.add.f32.msk $0xffff, v1;
	v4 =	vshrl.u32 v45, $0x10  }
0x105: {  	v57 =	vld.idx.msk [tilespmem:v3+s1+$0x440 ss:$0x1], $0xffff  }
0x106: {  	v49 =	vand.u32 $0xFFFF, v47;
	[tilespmem:v46+s18+$0x0] =	vst.idx.add.f32.msk $0xffff, v1  }
0x107: {  	[tilespmem:v5+s18+$0x0] =	vst.idx.add.f32.msk $0xffff, v1;
	v5 =	vshrl.u32 v47, $0x10  }
0x108: {  	v51 =	vand.u32 $0xFFFF, v10;
	[tilespmem:v48+s18+$0x0] =	vst.idx.add.f32.msk $0xffff, v1  }
0x109: {  	[tilespmem:v4+s18+$0x0] =	vst.idx.add.f32.msk $0xffff, v1;
	v4 =	vshrl.u32 v10, $0x10  }
0x10a: {  	v60 =	vld.idx.msk [tilespmem:v3+s1+$0x460 ss:$0x1], $0xffff  }
0x10b: {  	v53 =	vand.u32 $0xFFFF, v50;
	[tilespmem:v49+s18+$0x0] =	vst.idx.add.f32.msk $0xffff, v1  }
0x10c: {  	[tilespmem:v5+s18+$0x0] =	vst.idx.add.f32.msk $0xffff, v1;
	v5 =	vshrl.u32 v50, $0x10  }
0x10d: {  	[tilespmem:v51+s18+$0x0] =	vst.idx.add.f32.msk $0xffff, v1  }
0x10e: {  	[tilespmem:v4+s18+$0x0] =	vst.idx.add.f32.msk $0xffff, v1;
	v4 =	vand.u32 $0xFFFF, v52  }
0x10f: {  	v11 =	vld.idx.msk [tilespmem:v3+s1+$0x470 ss:$0x1], $0xffff  }
0x110: {  	v59 =	vand.u32 $0xFFFF, v56;
	[tilespmem:v53+s18+$0x0] =	vst.idx.add.f32.msk $0xffff, v1  }
0x111: {  	[tilespmem:v5+s18+$0x0] =	vst.idx.add.f32.msk $0xffff, v1;
	v5 =	vand.u32 $0xFFFF, v54  }
0x112: {  	v58 =	vld.idx.msk [tilespmem:v3+s1+$0x450 ss:$0x1], $0xffff;
	v62 =	vand.u32 $0xFFFF, v60  }
0x113: {  	[tilespmem:v4+s18+$0x0] =	vst.idx.add.f32.msk $0xffff, v1;
	v4 =	vshrl.u32 v54, $0x10  }
0x114: {  	v63 =	vand.u32 $0xFFFF, v11  }
0x115: {  	v8 =	vshrl.u32 v56, $0x10;
	[tilespmem:v59+s18+$0x0] =	vst.idx.add.f32.msk $0xffff, v1  }
0x116: {  	[tilespmem:v5+s18+$0x0] =	vst.idx.add.f32.msk $0xffff, v1;
	v5 =	vand.u32 $0xFFFF, v57  }
0x117: {  	v43 =	vshrl.u32 v7, $0x10;
	[tilespmem:v62+s18+$0x0] =	vst.idx.add.f32.msk $0xffff, v1  }
0x118: {  	[tilespmem:v4+s18+$0x0] =	vst.idx.add.f32.msk $0xffff, v1;
	v4 =	vand.u32 $0xFFFF, v58  }
0x119: {  	v55 =	vshrl.u32 v52, $0x10;
	[tilespmem:v63+s18+$0x0] =	vst.idx.add.f32.msk $0xffff, v1  }
0x11a: {  	[tilespmem:v8+s18+$0x0] =	vst.idx.add.f32.msk $0xffff, v1;
	v9 =	vshrl.u32 v57, $0x10  }
0x11b: {  	[tilespmem:v5+s18+$0x0] =	vst.idx.add.f32.msk $0xffff, v1;
	v5 =	vshrl.u32 v60, $0x10  }
0x11c: {  	v61 =	vshrl.u32 v58, $0x10;
	[tilespmem:v43+s18+$0x0] =	vst.idx.add.f32.msk $0xffff, v1  }
0x11d: {  	p2 =	por p1, p1;
	[tilespmem:v4+s18+$0x0] =	vst.idx.add.f32.msk $0xffff, v1;
	v4 =	vshrl.u32 v11, $0x10  }
.Ltmp7:
0x11e: {  	[tilespmem:v55+s18+$0x0] =	vst.idx.add.f32.msk $0xffff, v1;
	(pc) =	sbr.rel @p2 .LBB2_18-.Ltmp7, $4  }
0x11f: {  	[tilespmem:v9+s18+$0x0] =	vst.idx.add.f32.msk $0xffff, v1  }
0x120: {  	[tilespmem:v5+s18+$0x0] =	vst.idx.add.f32.msk $0xffff, v1  }
0x121: {  	[tilespmem:v61+s18+$0x0] =	vst.idx.add.f32.msk $0xffff, v1  }
0x122: {  	p1 =	por $0x0, $0x0;
	s1 =	simm.s32 $0x2000;
	[tilespmem:v4+s18+$0x0] =	vst.idx.add.f32.msk $0xffff, v1  }
0x123: {  	s31 =	sadd.s32 $0x1, s31  }
0x124: {  	p1 =	sne.s32 s31, $0x10  }
.Ltmp8:
0x125: {  	_ = 	snop;
	(pc) =	sbr.rel @p1 .LBB2_17-.Ltmp8, $1  }
0x126: {  	_ =	sdelay $0x3  }
.Ltmp9:
0x127: {  	(pc) =	sbr.rel @p0 .LBB2_22-.Ltmp9, $2  }
0x128: {  	_ =	sdelay $0x2  }
0x129: {  	s31 =	simm.s32 $0x80  }
.Ltmp10:
0x12a: {  	s0 =	sadd.s32 s30, s11;
	(pc) =	sbr.rel .LBB2_4-.Ltmp10, $4  }
0x12b: {  	s0 =	sshll.u32 s0, $0xA  }
0x12c: {  	s0 =	sand.u32 $0xFFFFC00, s0  }
0x12d: {  	s29 =	sadd.s32 $0x1, s29;
	s0 =	sadd.s32 s3, s0  }
0x12e: {  	[tilespmem:s16], [sflag:$0x4] =	stream.linear.gather [hbm4b:s0+s2], $0x2000, $0x38;
	[tilespmem:$0x1D000] =	vst v63  }
.LBB2_22:
0x12f: {  	v3 =	vor.u32 $0x1, v2;
	v24 =	vor.u32 s31, v2  }
0x130: {  	s0 =	simm.s32 $0xC0;
	v14 =	vor.u32 s31, v3  }
0x131: {  	v4 =	vor.u32 $0x41, v2;
	v15 =	vor.u32 s0, v2  }
0x132: {  	s1 =	simm.s32 $0x0;
	v17 =	vor.u32 s0, v4  }
0x133: {  	v5 =	vor.u32 $0x42, v2;
	v16 =	vor.u32 s1, v2  }
0x134: {  	v19 =	vor.u32 s0, v5;
	v34 =	vld.idx.msk [tilespmem:v24+s18+$0x0], $0xffff  }
0x135: {  	v6 =	vor.u32 $0x43, v2;
	v18 =	vor.u32 s1, v3;
	v27 =	vld.idx.msk [tilespmem:v14+s18+$0x0], $0xffff  }
0x136: {  	s14 =	simm.s32 $0x40;
	v21 =	vor.u32 s0, v6;
	v25 =	vld.idx.msk [tilespmem:v15+s18+$0x0], $0xffff  }
0x137: {  	v20 =	vor.u32 s14, v2;
	v26 =	vld.idx.msk [tilespmem:v17+s18+$0x0], $0xffff  }
0x138: {  	v7 =	vor.u32 $0x2, v2;
	v22 =	vor.u32 s14, v4;
	v28 =	vld.idx.msk [tilespmem:v16+s18+$0x0], $0xffff  }
0x139: {  	v23 =	vor.u32 s1, v7;
	v29 =	vld.idx.msk [tilespmem:v19+s18+$0x0], $0xffff  }
0x13a: {  	v13 =	vor.u32 s14, v5;
	v30 =	vld.idx.msk [tilespmem:v18+s18+$0x0], $0xffff  }
0x13b: {  	v8 =	vor.u32 $0x3, v2;
	v9 =	vor.u32 s31, v7;
	v31 =	vld.idx.msk [tilespmem:v21+s18+$0x0], $0xffff  }
0x13c: {  	v12 =	vor.u32 s1, v8;
	v32 =	vld.idx.msk [tilespmem:v20+s18+$0x0], $0xffff  }
0x13d: {  	v11 =	vor.u32 s14, v6;
	v33 =	vld.idx.msk [tilespmem:v22+s18+$0x0], $0xffff  }
0x13e: {  	s23 =	simm.s32 $0x1C0;
	v10 =	vor.u32 s31, v8;
	v35 =	vld.idx.msk [tilespmem:v23+s18+$0x0], $0xffff  }
0x13f: {  	v38 =	vor.u32 s23, v2;
	v37 =	vld.idx.msk [tilespmem:v13+s18+$0x0], $0xffff  }
0x140: {  	v40 =	vor.u32 s23, v4;
	v39 =	vld.idx.msk [tilespmem:v9+s18+$0x0], $0xffff  }
0x141: {  	s30 =	simm.s32 $0x180;
	v44 =	vor.u32 s23, v5;
	v41 =	vld.idx.msk [tilespmem:v12+s18+$0x0], $0xffff  }
0x142: {  	s24 =	simm.s32 $0x100;
	v36 =	vor.u32 s30, v3;
	v43 =	vld.idx.msk [tilespmem:v11+s18+$0x0], $0xffff  }
0x143: {  	s15 =	simm.s32 $0x140;
	v46 =	vor.u32 s24, v3;
	v45 =	vld.idx.msk [tilespmem:v10+s18+$0x0], $0xffff  }
0x144: {  	v48 =	vor.u32 s15, v2;
	v47 =	vld.idx.msk [tilespmem:v38+s18+$0x0], $0xffff;
	v26 =	vadd.f32 v26, v25  }
0x145: {  	v42 =	vor.u32 s24, v2;
	v40 =	vld.idx.msk [tilespmem:v40+s18+$0x0], $0xffff;
	v28 =	vadd.f32 v30, v28  }
0x146: {  	v61 =	vor.u32 s23, v6;
	v38 =	vld.idx.msk [tilespmem:v44+s18+$0x0], $0xffff;
	v26 =	vadd.f32 v29, v26;
	v29 =	vadd.f32 v33, v32  }
0x147: {  	v49 =	vor.u32 s15, v4;
	v25 =	vld.idx.msk [tilespmem:v36+s18+$0x0], $0xffff;
	v62 =	vadd.f32 v27, v34;
	v28 =	vadd.f32 v35, v28  }
0x148: {  	v30 =	vld.idx.msk [tilespmem:v46+s18+$0x0], $0xffff;
	v31 =	vadd.f32 v31, v26;
	v33 =	vadd.f32 v37, v29;
	v29 =	vor.u32 s30, v2  }
0x149: {  	s1 =	simm.s32 $0x20;
	v36 =	vor.u32 s24, v7;
	v39 =	vadd.f32 v39, v62;
	v32 =	vld.idx.msk [tilespmem:v48+s18+$0x0], $0xffff;
	v35 =	vadd.f32 v41, v28  }
0x14a: {  	v34 =	vor.u32 s15, v5;
	v26 =	vld.idx.msk [tilespmem:v42+s18+$0x0], $0xffff;
	[tilespmem:s1+$0x18010] =	vst v31;
	v63 =	vadd.f32 v43, v33  }
0x14b: {  	v27 =	vor.u32 s30, v7;
	v37 =	vld.idx.msk [tilespmem:v61+s18+$0x0], $0xffff;
	v28 =	vor.u32 s30, v8;
	v39 =	vadd.f32 v45, v39;
	[tilespmem:s1+$0x17FE0] =	vst v35  }
0x14c: {  	s29 =	simm.s32 $0x0;
	s14 =	simm.s32 $0x4;
	s0 =	simm.s32 $0x180;
	v40 =	vadd.f32 v40, v47;
	v31 =	vor.u32 s24, v8;
	v33 =	vor.u32 s15, v6;
	v35 =	vld.idx.msk [tilespmem:v49+s18+$0x0], $0xffff;
	[tilespmem:s1+$0x17FF0] =	vst v63  }
.LBB2_23:
0x14d: {  	v41 =	vld.idx.msk [tilespmem:v29+s18+$0x0], $0xffff;
	[tilespmem:s1+$0x18000] =	vst v39  }
0x14e: {  	s30 =	sadd.s32 $0x100, s30;
	v39 =	vld.idx.msk [tilespmem:v36+s18+$0x0], $0xffff;
	v36 =	vadd.f32 v38, v40  }
0x14f: {  	s15 =	sadd.s32 $0xFFFFFF80, s30;
	s23 =	sadd.s32 $0xFFFFFFC0, s30;
	v29 =	vor.u32 s30, v2;
	v38 =	vor.u32 s30, v3;
	v40 =	vor.u32 s30, v7;
	s24 =	sadd.s32 $0x40, s30;
	v42 =	vld.idx.msk [tilespmem:v34+s18+$0x0], $0xffff  }
0x150: {  	s14 =	sadd.s32 $0x4, s14;
	v43 =	vor.u32 s24, v2;
	v44 =	vld.idx.msk [tilespmem:v27+s18+$0x0], $0xffff;
	v34 =	vadd.f32 v37, v36;
	v27 =	vmov v40  }
0x151: {  	s1 =	sshra.s32 s0, $0x2;
	p0 =	slt.u32 s14, $0x3FC;
	s0 =	smov.u32 s30;
	v45 =	vor.u32 s24, v4;
	v37 =	vor.u32 s15, v2;
	v40 =	vor.u32 s15, v3;
	v46 =	vld.idx.msk [tilespmem:v31+s18+$0x0], $0xffff  }
0x152: {  	v47 =	vor.u32 s23, v2;
	v48 =	vor.u32 s23, v4;
	v49 =	vld.idx.msk [tilespmem:v33+s18+$0x0], $0xffff;
	[tilespmem:s1+$0x18010] =	vst v34  }
0x153: {  	v50 =	vor.u32 s24, v5;
	v36 =	vor.u32 s15, v7;
	v34 =	vor.u32 s23, v5;
	v51 =	vld.idx.msk [tilespmem:v28+s18+$0x0], $0xffff  }
0x154: {  	v31 =	vor.u32 s15, v8;
	v28 =	vor.u32 s30, v8;
	v52 =	vld.idx.msk [tilespmem:v38+s18+$0x0], $0xffff  }
0x155: {  	v30 =	vadd.f32 v30, v26;
	v53 =	vor.u32 s24, v6;
	v33 =	vor.u32 s23, v6;
	v43 =	vld.idx.msk [tilespmem:v43+s18+$0x0], $0xffff  }
0x156: {  	v32 =	vadd.f32 v35, v32;
	v25 =	vadd.f32 v25, v41;
	v45 =	vld.idx.msk [tilespmem:v45+s18+$0x0], $0xffff  }
0x157: {  	v35 =	vadd.f32 v39, v30;
	v26 =	vld.idx.msk [tilespmem:v37+s18+$0x0], $0xffff  }
.Ltmp11:
0x158: {  	v32 =	vadd.f32 v42, v32;
	v42 =	vadd.f32 v44, v25;
	v38 =	vld.idx.msk [tilespmem:v50+s18+$0x0], $0xffff;
	(pc) =	sbr.rel @p0 .LBB2_23-.Ltmp11, $4  }
0x159: {  	v35 =	vadd.f32 v46, v35;
	v30 =	vld.idx.msk [tilespmem:v40+s18+$0x0], $0xffff  }
0x15a: {  	v41 =	vadd.f32 v49, v32;
	v39 =	vadd.f32 v51, v42;
	v25 =	vmov v52;
	v37 =	vld.idx.msk [tilespmem:v53+s18+$0x0], $0xffff  }
0x15b: {  	v32 =	vld.idx.msk [tilespmem:v47+s18+$0x0], $0xffff;
	[tilespmem:s1+$0x17FE0] =	vst v35  }
0x15c: {  	v40 =	vadd.f32 v45, v43;
	v35 =	vld.idx.msk [tilespmem:v48+s18+$0x0], $0xffff;
	[tilespmem:s1+$0x17FF0] =	vst v41  }
0x15d: {  	_ =	sdelay $0x3  }
0x15e: {  	v29 =	vld.idx.msk [tilespmem:v29+s18+$0x0], $0xffff  }
0x15f: {  	v36 =	vld.idx.msk [tilespmem:v36+s18+$0x0], $0xffff  }
0x160: {  	v34 =	vld.idx.msk [tilespmem:v34+s18+$0x0], $0xffff  }
0x161: {  	v27 =	vld.idx.msk [tilespmem:v27+s18+$0x0], $0xffff  }
0x162: {  	v31 =	vld.idx.msk [tilespmem:v31+s18+$0x0], $0xffff  }
0x163: {  	v33 =	vld.idx.msk [tilespmem:v33+s18+$0x0], $0xffff;
	v26 =	vadd.f32 v30, v26  }
0x164: {  	v28 =	vld.idx.msk [tilespmem:v28+s18+$0x0], $0xffff;
	v61 =	vadd.f32 v38, v40;
	v32 =	vadd.f32 v35, v32  }
0x165: {  	v25 =	vadd.f32 v25, v29;
	v26 =	vadd.f32 v36, v26  }
0x166: {  	v62 =	vadd.f32 v37, v61;
	v63 =	vadd.f32 v34, v32  }
0x167: {  	[tilespmem:s1+$0x18000] =	vst v39;
	s0 =	sshra.s32 s0, $0x2;
	v25 =	vadd.f32 v27, v25;
	v26 =	vadd.f32 v31, v26  }
0x168: {  	[tilespmem:s0+$0x18010] =	vst v62;
	v27 =	vadd.f32 v33, v63  }
0x169: {  	v25 =	vadd.f32 v28, v25;
	[tilespmem:s0+$0x17FE0] =	vst v26  }
0x16a: {  	[tilespmem:s0+$0x17FF0] =	vst v27  }
0x16b: {  	[tilespmem:s0+$0x18000] =	vst v25  }
0x16c: {  	v24 =	vld.idx.msk [tilespmem:v24+s22+$0x0], $0xffff  }
0x16d: {  	v25 =	vld.idx.msk [tilespmem:v15+s22+$0x0], $0xffff  }
0x16e: {  	v26 =	vld.idx.msk [tilespmem:v17+s22+$0x0], $0xffff  }
0x16f: {  	v15 =	vld.idx.msk [tilespmem:v16+s22+$0x0], $0xffff  }
0x170: {  	v27 =	vld.idx.msk [tilespmem:v19+s22+$0x0], $0xffff  }
0x171: {  	v16 =	vld.idx.msk [tilespmem:v18+s22+$0x0], $0xffff  }
0x172: {  	v21 =	vld.idx.msk [tilespmem:v21+s22+$0x0], $0xffff  }
0x173: {  	v17 =	vld.idx.msk [tilespmem:v20+s22+$0x0], $0xffff  }
0x174: {  	v18 =	vld.idx.msk [tilespmem:v22+s22+$0x0], $0xffff;
	v20 =	vadd.f32 v26, v25  }
0x175: {  	v19 =	vld.idx.msk [tilespmem:v14+s22+$0x0], $0xffff  }
0x176: {  	s0 =	simm.s32 $0x180;
	v14 =	vld.idx.msk [tilespmem:v23+s22+$0x0], $0xffff;
	v20 =	vadd.f32 v27, v20  }
.LBB2_25:
0x177: {  	s1 =	sadd.s32 $0xFFFFFF80, s0;
	s14 =	sadd.s32 $0xFFFFFFC0, s0;
	v22 =	vor.u32 s0, v2;
	v23 =	vor.u32 s0, v3;
	v25 =	vor.u32 s0, v7;
	s15 =	sadd.s32 $0x40, s0;
	v26 =	vld.idx.msk [tilespmem:v13+s22+$0x0], $0xffff  }
0x178: {  	s29 =	sadd.s32 $0x4, s29;
	v27 =	vor.u32 s1, v2;
	v28 =	vor.u32 s15, v2;
	v29 =	vld.idx.msk [tilespmem:v9+s22+$0x0], $0xffff;
	v20 =	vadd.f32 v21, v20;
	v9 =	vmovc v25  }
0x179: {  	s23 =	sshra.s32 s31, $0x2;
	s31 =	smov.u32 s0;
	v21 =	vor.u32 s1, v3;
	v25 =	vor.u32 s14, v2;
	v30 =	vor.u32 s15, v4;
	p0 =	slt.u32 s29, $0xFC;
	v31 =	vld.idx.msk [tilespmem:v12+s22+$0x0], $0xffff  }
0x17a: {  	v32 =	vor.u32 s1, v7;
	v33 =	vor.u32 s14, v4;
	v13 =	vor.u32 s14, v5;
	v34 =	vld.idx.msk [tilespmem:v11+s22+$0x0], $0xffff;
	[tilespmem:s23+$0x1C010] =	vst v20  }
0x17b: {  	v12 =	vor.u32 s1, v8;
	v11 =	vor.u32 s14, v6;
	v20 =	vor.u32 s15, v5;
	v35 =	vld.idx.msk [tilespmem:v10+s22+$0x0], $0xffff  }
0x17c: {  	v15 =	vadd.f32 v16, v15;
	v16 =	vadd.f32 v18, v17;
	v10 =	vor.u32 s0, v8;
	v22 =	vld.idx.msk [tilespmem:v22+s22+$0x0], $0xffff  }
0x17d: {  	v17 =	vor.u32 s15, v6;
	v18 =	vadd.f32 v19, v24;
	v28 =	vld.idx.msk [tilespmem:v28+s22+$0x0], $0xffff  }
0x17e: {  	v14 =	vadd.f32 v14, v15;
	v16 =	vadd.f32 v26, v16;
	v19 =	vld.idx.msk [tilespmem:v30+s22+$0x0], $0xffff  }
0x17f: {  	v18 =	vadd.f32 v29, v18;
	v15 =	vld.idx.msk [tilespmem:v27+s22+$0x0], $0xffff  }
0x180: {  	v14 =	vadd.f32 v31, v14;
	v26 =	vadd.f32 v34, v16;
	v20 =	vld.idx.msk [tilespmem:v20+s22+$0x0], $0xffff  }
0x181: {  	v27 =	vadd.f32 v35, v18;
	v16 =	vld.idx.msk [tilespmem:v21+s22+$0x0], $0xffff  }
.Ltmp12:
0x182: {  	v24 =	vmov v22;
	v21 =	vld.idx.msk [tilespmem:v17+s22+$0x0], $0xffff;
	[tilespmem:s23+$0x1BFE0] =	vst v14;
	(pc) =	sbr.rel @p0 .LBB2_25-.Ltmp12, $4  }
0x183: {  	v17 =	vld.idx.msk [tilespmem:v25+s22+$0x0], $0xffff;
	[tilespmem:s23+$0x1BFF0] =	vst v26  }
0x184: {  	v22 =	vadd.f32 v19, v28;
	v18 =	vld.idx.msk [tilespmem:v33+s22+$0x0], $0xffff;
	[tilespmem:s23+$0x1C000] =	vst v27  }
0x185: {  	v19 =	vld.idx.msk [tilespmem:v23+s22+$0x0], $0xffff  }
0x186: {  	s0 =	sadd.s32 $0x100, s0;
	v20 =	vadd.f32 v20, v22;
	v14 =	vld.idx.msk [tilespmem:v32+s22+$0x0], $0xffff  }
0x187: {  	_ =	sdelay $0x3  }
0x188: {  	v3 =	vld.idx.msk [tilespmem:v13+s22+$0x0], $0xffff  }
0x189: {  	v4 =	vld.idx.msk [tilespmem:v9+s22+$0x0], $0xffff  }
0x18a: {  	v5 =	vld.idx.msk [tilespmem:v12+s22+$0x0], $0xffff  }
0x18b: {  	v6 =	vld.idx.msk [tilespmem:v11+s22+$0x0], $0xffff;
	v7 =	vadd.f32 v16, v15  }
0x18c: {  	v8 =	vld.idx.msk [tilespmem:v10+s22+$0x0], $0xffff;
	v61 =	vadd.f32 v18, v17  }
0x18d: {  	v62 =	vadd.f32 v19, v24;
	v7 =	vadd.f32 v14, v7  }
0x18e: {  	v63 =	vadd.f32 v21, v20;
	v3 =	vadd.f32 v3, v61  }
0x18f: {  	s0 =	sshra.s32 s31, $0x2;
	v4 =	vadd.f32 v4, v62;
	v5 =	vadd.f32 v5, v7  }
0x190: {  	[tilespmem:s0+$0x1C010] =	vst v63;
	v3 =	vadd.f32 v6, v3  }
0x191: {  	s28 =	sadd.s32 $0x1, s28;
	v4 =	vadd.f32 v8, v4;
	[tilespmem:s0+$0x1BFE0] =	vst v5  }
0x192: {  	p0 =	sne.s32 s28, s13;
	[tilespmem:s0+$0x1BFF0] =	vst v3  }
.Ltmp13:
0x193: {  	s31 =	simm.s32 $0x80;
	s1 =	simm.s32 $0x400;
	[tilespmem:s0+$0x1C000] =	vst v4;
	(pc) =	sbr.rel @p0 .LBB2_1-.Ltmp13, $4  }
0x194: {  	[hbm4b:s12+s31] =	stream.strided.scatter [tilespmem:s25], [sflag:$0x5], $0x1000, s1, s31, $0x38;
	[tilespmem:$0x1D000] =	vst v63  }
0x195: {  	_ =	swait.ge [sflag:s26], $0x1000  }
0x196: {  	[sflag:s26] =	ssyncset.done $0x0  }
0x197: {  	[sflag:s26] =	ssyncadd.s32 $0xFFFFF000  }
0x198: {  	_ =	sfence.sel $0x180000  }
0x199: {  	[bflag:$0x0] =	sbarrier.arrive $0xFFFF  }
0x19a: {  	_ =	strace $0x9000004A  }
0x19b: {  	s0 =	stileid.u32;
	[bflag:$0x2] =	sbarrier.arrive $0xFFFF  }
0x19c: {  	p0 =	sne.s32 s0, $0x0;
	s0 =	rddreg [dreg:$0x1]  }
0x19d: {  	s0 =	sadd.s32 @!p0 $0x100000, s0  }
0x19e: {  	[sflag:s0] =	ssyncadd.tile.s32 @!p0 $0x1;
	_ =	shalt  }
.Lfunc_end2:
_tile_overlayer_lowered:
.L_overlay_start_2:
0x19f: {  	(tag) =	ssettag $0x2  }
0x1a0: {  	s0 =	rddreg [dreg:$0x0];
	s2 =	stileid.u32  }
0x1a1: {  	s1 =	rddreg [dreg:$0x1];
	p0 =	sne.s32 s2, $0x0  }
0x1a2: {  	s3 =	rddreg [dreg:$0x2];
	[bflag:$0x3] =	sbarrier.arrive $0xFFFF;
	s2 =	simm.s32 @!p0 $0x1C05  }
0x1a3: {  	[timem:s3], [sflag:s2] =	dma.local @!p0 [hbm:s0], s1  }
0x1a4: {  	s0 =	simm.s32 @!p0 $0x5  }
0x1a5: {  	_ =	swait.ge @!p0 [sflag:s0], s1  }
0x1a6: {  	s1 =	ssub.s32 @!p0 $0x0, s1;
	[sflag:s0] =	ssyncset.done @!p0 $0x0  }
0x1a7: {  	[sflag:s0] =	ssyncadd.s32 @!p0 s1  }
0x1a8: {  	[bflag:$0x3] =	sbarrier.arrive $0xFFFF  }
0x1a9: {  	_ =	shalt  }

</sc_bundles>
